<compile_context>
chip_gen: v7x
topology: tpu7x:2x2x1
jax: 0.10.2.dev20260603
libtpu: 0.0.44.dev20260713+nightly
codegen_flags: <defaults>
</compile_context>

<pallas_src>
import functools

import jax
import jax.numpy as jnp
from jax import lax
from jax.experimental import pallas as pl
from jax.experimental.pallas import tpu as pltpu
from jax.experimental.pallas import tpu_sc as plsc


def kernel(seq_in, pos_emb_table):
    N, L, D = seq_in.shape
    P = pos_emb_table.shape[1]
    info = plsc.get_sparse_core_info()
    NC, NS = info.num_cores, info.num_subcores
    NW = NC * NS
    n_per_w = N // NW
    mesh = plsc.VectorSubcoreMesh(core_axis_name="c", subcore_axis_name="s")

    @functools.partial(
        pl.kernel,
        out_type=jax.ShapeDtypeStruct((N, L, D + P), seq_in.dtype),
        mesh=mesh,
        scratch_types=[
            pltpu.VMEM((L, 128), seq_in.dtype),
            pltpu.SemaphoreType.DMA,
        ],
        compiler_params=pltpu.CompilerParams(use_tc_tiling_on_sc=False),
    )
    def _sc(seq_hbm, tab_hbm, out_hbm, out_v, sem):
        wid = lax.axis_index("s") * NC + lax.axis_index("c")
        base = wid * n_per_w
        cp = pltpu.make_async_copy(
            tab_hbm.at[pl.ds(0, L)], out_v.at[:, pl.ds(D, P)], sem)
        cp.start()
        cp.wait()
        for j in range(n_per_w):
            n = base + j
            cp_in = pltpu.make_async_copy(
                seq_hbm.at[n], out_v.at[:, pl.ds(0, D)], sem)
            cp_in.start()
            cp_in.wait()
            cp_out = pltpu.make_async_copy(
                out_v.at[:, pl.ds(0, D + P)], out_hbm.at[n], sem)
            cp_out.start()
            cp_out.wait()

    return _sc(seq_in, pos_emb_table)

# --- scband reference (transcript-rebuilt; emitter-appended) ---
"""Pipeline reference for scband-pos-emb-layer-65060164600027 (READ-ONLY COPY).

The authoritative reference and input builder live on the scoring server;
editing this copy changes nothing except your own understanding.
"""

import jax, jax.numpy as jnp
import numpy as np

MAX_LENGTH = 2000
POS_EMB_DIM = 32


def setup_inputs(seed: int = 0) -> dict:
    key = jax.random.key(seed)
    k1, k2 = jax.random.split(key)
    seq_in = jax.random.normal(k1, (1024, 200, 64), dtype=jnp.float32)
    # learned positional embedding table (nn.Embedding(max_length, pos_embedding_dim, padding_idx=0))
    pos_emb_table = jax.random.normal(k2, (MAX_LENGTH, POS_EMB_DIM), dtype=jnp.float32)
    # padding_idx=0 -> row 0 initialized to zeros in torch
    pos_emb_table = pos_emb_table.at[0].set(0.0)
    return {"seq_in": seq_in, "pos_emb_table": pos_emb_table}


def reference(seq_in, pos_emb_table):
    N, L, D = seq_in.shape
    pos_idx = jnp.arange(L, dtype=jnp.int32)            # torch.arange(0, L)
    pos_idx = jnp.broadcast_to(pos_idx[None, :], (N, L))  # unsqueeze(0).repeat(N, 1)
    pos_emb = jnp.take(pos_emb_table, pos_idx, axis=0).astype(seq_in.dtype)  # embedding lookup
    seq_out = jnp.concatenate([seq_in, pos_emb], axis=2)
    return seq_out

if __name__ == "__main__":
    import jax
    _d = setup_inputs()
    print(jax.jit(kernel)(*tuple(_d.values())))

</pallas_src>

<mosaic_0001>
#map = affine_map<(d0, d1) -> (0, 0, 0)>
#map1 = affine_map<(d0, d1) -> (0, 0)>
module attributes {stable_mosaic.version = 14 : i64} {
  func.func @_sc(%arg0: i32, %arg1: i32, %arg2: memref<1024x200x64xf32, #tpu.memory_space<hbm>>, %arg3: memref<2000x32xf32, #tpu.memory_space<hbm>>, %arg4: memref<1024x200x96xf32, #tpu.memory_space<hbm>>, %arg5: memref<200x128xf32, #tpu.memory_space<vmem>>, %arg6: memref<!tpu.dma_semaphore, #tpu.memory_space<semaphore_mem>>) attributes {dimension_semantics = [#tpu.dimension_semantics<core_parallel>, #tpu.dimension_semantics<subcore_parallel>], iteration_bounds = array<i64: 2, 16>, scalar_prefetch = 0 : i64, scratch_operands = 2 : i64, tpu.core_type = #tpu.core_type<sc_vector_subcore>, window_params = [{transform_indices = #map}, {transform_indices = #map1}, {transform_indices = #map}]} {
    %mul3A = arith.constant 2 : i32
    %mul3A_0 = arith.muli %arg1, %mul3A : i32
    %add3A = arith.addi %mul3A_0, %arg0 : i32
    %mul3A_1 = arith.constant 32 : i32
    %mul3A_2 = arith.muli %add3A, %mul3A_1 : i32
    %dma_start3A = arith.constant 0 : i32
    %dma_start3A_3 = arith.constant 64 : i32
    %dma_start3A_4 = tpu.memref_slice %arg5[%dma_start3A, %dma_start3A_3] : memref<200x128xf32, #tpu.memory_space<vmem>> -> memref<200x32xf32, #tpu.memory_space<vmem>>
    %dma_start3A_5 = arith.constant 0 : i32
    %dma_start3A_6 = arith.constant 0 : i32
    %dma_start3A_7 = tpu.memref_slice %arg3[%dma_start3A_5, %dma_start3A_6] : memref<2000x32xf32, #tpu.memory_space<hbm>> -> memref<200x32xf32, #tpu.memory_space<hbm>>
    %dma_start3A_8 = arith.constant 0 : i32
    %dma_start3A_9 = arith.constant 64 : i32
    %dma_start3A_10 = tpu.memref_slice %arg5[%dma_start3A_8, %dma_start3A_9] : memref<200x128xf32, #tpu.memory_space<vmem>> -> memref<200x32xf32, #tpu.memory_space<vmem>>
    %dma_start3A_11 = arith.constant 0 : i32
    %dma_start3A_12 = arith.constant 0 : i32
    %dma_start3A_13 = tpu.memref_slice %arg3[%dma_start3A_11, %dma_start3A_12] : memref<2000x32xf32, #tpu.memory_space<hbm>> -> memref<200x32xf32, #tpu.memory_space<hbm>>
    tpu.enqueue_dma source(%dma_start3A_13 : memref<200x32xf32, #tpu.memory_space<hbm>>) target(%dma_start3A_10 : memref<200x32xf32, #tpu.memory_space<vmem>>) target_semaphore(%arg6 : memref<!tpu.dma_semaphore, #tpu.memory_space<semaphore_mem>>)
    %dma_wait3A = arith.constant 0 : i32
    %dma_wait3A_14 = arith.constant 64 : i32
    %dma_wait3A_15 = tpu.memref_slice %arg5[%dma_wait3A, %dma_wait3A_14] : memref<200x128xf32, #tpu.memory_space<vmem>> -> memref<200x32xf32, #tpu.memory_space<vmem>>
    %dma_wait3A_16 = arith.constant 0 : i32
    %dma_wait3A_17 = arith.constant 0 : i32
    %dma_wait3A_18 = tpu.memref_slice %arg3[%dma_wait3A_16, %dma_wait3A_17] : memref<2000x32xf32, #tpu.memory_space<hbm>> -> memref<200x32xf32, #tpu.memory_space<hbm>>
    %dma_wait3A_19 = arith.constant 0 : i32
    %dma_wait3A_20 = arith.constant 64 : i32
    %dma_wait3A_21 = tpu.memref_slice %arg5[%dma_wait3A_19, %dma_wait3A_20] : memref<200x128xf32, #tpu.memory_space<vmem>> -> memref<200x32xf32, #tpu.memory_space<vmem>>
    %dma_wait3A_22 = arith.constant 0 : i32
    %dma_wait3A_23 = arith.constant 0 : i32
    %dma_wait3A_24 = tpu.memref_slice %arg3[%dma_wait3A_22, %dma_wait3A_23] : memref<2000x32xf32, #tpu.memory_space<hbm>> -> memref<200x32xf32, #tpu.memory_space<hbm>>
    tpu.wait_dma2 semaphore(%arg6 : memref<!tpu.dma_semaphore, #tpu.memory_space<semaphore_mem>>) src(%dma_wait3A_24 : memref<200x32xf32, #tpu.memory_space<hbm>>) dst(%dma_wait3A_21 : memref<200x32xf32, #tpu.memory_space<vmem>>)
    %add3A_25 = arith.constant 0 : i32
    %add3A_26 = arith.addi %mul3A_2, %add3A_25 : i32
    %dma_start3A_27 = arith.constant 0 : i32
    %dma_start3A_28 = arith.constant 0 : i32
    %dma_start3A_29 = tpu.memref_slice %arg5[%dma_start3A_27, %dma_start3A_28] : memref<200x128xf32, #tpu.memory_space<vmem>> -> memref<200x64xf32, #tpu.memory_space<vmem>>
    %dma_start3A_30 = arith.constant 0 : i32
    %dma_start3A_31 = arith.constant 0 : i32
    %dma_start3A_32 = tpu.memref_slice %arg2[%add3A_26, %dma_start3A_30, %dma_start3A_31] : memref<1024x200x64xf32, #tpu.memory_space<hbm>> -> memref<1x200x64xf32, #tpu.memory_space<hbm>>
    %dma_start3A_33 = tpu.memref_squeeze %dma_start3A_32 : memref<1x200x64xf32, #tpu.memory_space<hbm>> -> memref<200x64xf32, #tpu.memory_space<hbm>>
    %dma_start3A_34 = arith.constant 0 : i32
    %dma_start3A_35 = arith.constant 0 : i32
    %dma_start3A_36 = tpu.memref_slice %arg5[%dma_start3A_34, %dma_start3A_35] : memref<200x128xf32, #tpu.memory_space<vmem>> -> memref<200x64xf32, #tpu.memory_space<vmem>>
    %dma_start3A_37 = arith.constant 0 : i32
    %dma_start3A_38 = arith.constant 0 : i32
    %dma_start3A_39 = tpu.memref_slice %arg2[%add3A_26, %dma_start3A_37, %dma_start3A_38] : memref<1024x200x64xf32, #tpu.memory_space<hbm>> -> memref<1x200x64xf32, #tpu.memory_space<hbm>>
    %dma_start3A_40 = tpu.memref_squeeze %dma_start3A_39 : memref<1x200x64xf32, #tpu.memory_space<hbm>> -> memref<200x64xf32, #tpu.memory_space<hbm>>
    tpu.enqueue_dma source(%dma_start3A_40 : memref<200x64xf32, #tpu.memory_space<hbm>>) target(%dma_start3A_36 : memref<200x64xf32, #tpu.memory_space<vmem>>) target_semaphore(%arg6 : memref<!tpu.dma_semaphore, #tpu.memory_space<semaphore_mem>>)
    %dma_wait3A_41 = arith.constant 0 : i32
    %dma_wait3A_42 = arith.constant 0 : i32
    %dma_wait3A_43 = tpu.memref_slice %arg5[%dma_wait3A_41, %dma_wait3A_42] : memref<200x128xf32, #tpu.memory_space<vmem>> -> memref<200x64xf32, #tpu.memory_space<vmem>>
    %dma_wait3A_44 = arith.constant 0 : i32
    %dma_wait3A_45 = arith.constant 0 : i32
    %dma_wait3A_46 = tpu.memref_slice %arg2[%add3A_26, %dma_wait3A_44, %dma_wait3A_45] : memref<1024x200x64xf32, #tpu.memory_space<hbm>> -> memref<1x200x64xf32, #tpu.memory_space<hbm>>
    %dma_wait3A_47 = tpu.memref_squeeze %dma_wait3A_46 : memref<1x200x64xf32, #tpu.memory_space<hbm>> -> memref<200x64xf32, #tpu.memory_space<hbm>>
    %dma_wait3A_48 = arith.constant 0 : i32
    %dma_wait3A_49 = arith.constant 0 : i32
    %dma_wait3A_50 = tpu.memref_slice %arg5[%dma_wait3A_48, %dma_wait3A_49] : memref<200x128xf32, #tpu.memory_space<vmem>> -> memref<200x64xf32, #tpu.memory_space<vmem>>
    %dma_wait3A_51 = arith.constant 0 : i32
    %dma_wait3A_52 = arith.constant 0 : i32
    %dma_wait3A_53 = tpu.memref_slice %arg2[%add3A_26, %dma_wait3A_51, %dma_wait3A_52] : memref<1024x200x64xf32, #tpu.memory_space<hbm>> -> memref<1x200x64xf32, #tpu.memory_space<hbm>>
    %dma_wait3A_54 = tpu.memref_squeeze %dma_wait3A_53 : memref<1x200x64xf32, #tpu.memory_space<hbm>> -> memref<200x64xf32, #tpu.memory_space<hbm>>
    tpu.wait_dma2 semaphore(%arg6 : memref<!tpu.dma_semaphore, #tpu.memory_space<semaphore_mem>>) src(%dma_wait3A_54 : memref<200x64xf32, #tpu.memory_space<hbm>>) dst(%dma_wait3A_50 : memref<200x64xf32, #tpu.memory_space<vmem>>)
    %dma_start3A_55 = arith.constant 0 : i32
    %dma_start3A_56 = arith.constant 0 : i32
    %dma_start3A_57 = tpu.memref_slice %arg5[%dma_start3A_55, %dma_start3A_56] : memref<200x128xf32, #tpu.memory_space<vmem>> -> memref<200x96xf32, #tpu.memory_space<vmem>>
    %dma_start3A_58 = arith.constant 0 : i32
    %dma_start3A_59 = arith.constant 0 : i32
    %dma_start3A_60 = tpu.memref_slice %arg4[%add3A_26, %dma_start3A_58, %dma_start3A_59] : memref<1024x200x96xf32, #tpu.memory_space<hbm>> -> memref<1x200x96xf32, #tpu.memory_space<hbm>>
    %dma_start3A_61 = tpu.memref_squeeze %dma_start3A_60 : memref<1x200x96xf32, #tpu.memory_space<hbm>> -> memref<200x96xf32, #tpu.memory_space<hbm>>
    %dma_start3A_62 = arith.constant 0 : i32
    %dma_start3A_63 = arith.constant 0 : i32
    %dma_start3A_64 = tpu.memref_slice %arg4[%add3A_26, %dma_start3A_62, %dma_start3A_63] : memref<1024x200x96xf32, #tpu.memory_space<hbm>> -> memref<1x200x96xf32, #tpu.memory_space<hbm>>
    %dma_start3A_65 = tpu.memref_squeeze %dma_start3A_64 : memref<1x200x96xf32, #tpu.memory_space<hbm>> -> memref<200x96xf32, #tpu.memory_space<hbm>>
    %dma_start3A_66 = arith.constant 0 : i32
    %dma_start3A_67 = arith.constant 0 : i32
    %dma_start3A_68 = tpu.memref_slice %arg5[%dma_start3A_66, %dma_start3A_67] : memref<200x128xf32, #tpu.memory_space<vmem>> -> memref<200x96xf32, #tpu.memory_space<vmem>>
    tpu.enqueue_dma source(%dma_start3A_68 : memref<200x96xf32, #tpu.memory_space<vmem>>) target(%dma_start3A_65 : memref<200x96xf32, #tpu.memory_space<hbm>>) target_semaphore(%arg6 : memref<!tpu.dma_semaphore, #tpu.memory_space<semaphore_mem>>)
    %dma_wait3A_69 = arith.constant 0 : i32
    %dma_wait3A_70 = arith.constant 0 : i32
    %dma_wait3A_71 = tpu.memref_slice %arg5[%dma_wait3A_69, %dma_wait3A_70] : memref<200x128xf32, #tpu.memory_space<vmem>> -> memref<200x96xf32, #tpu.memory_space<vmem>>
    %dma_wait3A_72 = arith.constant 0 : i32
    %dma_wait3A_73 = arith.constant 0 : i32
    %dma_wait3A_74 = tpu.memref_slice %arg4[%add3A_26, %dma_wait3A_72, %dma_wait3A_73] : memref<1024x200x96xf32, #tpu.memory_space<hbm>> -> memref<1x200x96xf32, #tpu.memory_space<hbm>>
    %dma_wait3A_75 = tpu.memref_squeeze %dma_wait3A_74 : memref<1x200x96xf32, #tpu.memory_space<hbm>> -> memref<200x96xf32, #tpu.memory_space<hbm>>
    %dma_wait3A_76 = arith.constant 0 : i32
    %dma_wait3A_77 = arith.constant 0 : i32
    %dma_wait3A_78 = tpu.memref_slice %arg4[%add3A_26, %dma_wait3A_76, %dma_wait3A_77] : memref<1024x200x96xf32, #tpu.memory_space<hbm>> -> memref<1x200x96xf32, #tpu.memory_space<hbm>>
    %dma_wait3A_79 = tpu.memref_squeeze %dma_wait3A_78 : memref<1x200x96xf32, #tpu.memory_space<hbm>> -> memref<200x96xf32, #tpu.memory_space<hbm>>
    %dma_wait3A_80 = arith.constant 0 : i32
    %dma_wait3A_81 = arith.constant 0 : i32
    %dma_wait3A_82 = tpu.memref_slice %arg5[%dma_wait3A_80, %dma_wait3A_81] : memref<200x128xf32, #tpu.memory_space<vmem>> -> memref<200x96xf32, #tpu.memory_space<vmem>>
    tpu.wait_dma2 semaphore(%arg6 : memref<!tpu.dma_semaphore, #tpu.memory_space<semaphore_mem>>) src(%dma_wait3A_82 : memref<200x96xf32, #tpu.memory_space<vmem>>) dst(%dma_wait3A_79 : memref<200x96xf32, #tpu.memory_space<hbm>>)
    %add3A_83 = arith.constant 1 : i32
    %add3A_84 = arith.addi %mul3A_2, %add3A_83 : i32
    %dma_start3A_85 = arith.constant 0 : i32
    %dma_start3A_86 = arith.constant 0 : i32
    %dma_start3A_87 = tpu.memref_slice %arg5[%dma_start3A_85, %dma_start3A_86] : memref<200x128xf32, #tpu.memory_space<vmem>> -> memref<200x64xf32, #tpu.memory_space<vmem>>
    %dma_start3A_88 = arith.constant 0 : i32
    %dma_start3A_89 = arith.constant 0 : i32
    %dma_start3A_90 = tpu.memref_slice %arg2[%add3A_84, %dma_start3A_88, %dma_start3A_89] : memref<1024x200x64xf32, #tpu.memory_space<hbm>> -> memref<1x200x64xf32, #tpu.memory_space<hbm>>
    %dma_start3A_91 = tpu.memref_squeeze %dma_start3A_90 : memref<1x200x64xf32, #tpu.memory_space<hbm>> -> memref<200x64xf32, #tpu.memory_space<hbm>>
    %dma_start3A_92 = arith.constant 0 : i32
    %dma_start3A_93 = arith.constant 0 : i32
    %dma_start3A_94 = tpu.memref_slice %arg5[%dma_start3A_92, %dma_start3A_93] : memref<200x128xf32, #tpu.memory_space<vmem>> -> memref<200x64xf32, #tpu.memory_space<vmem>>
    %dma_start3A_95 = arith.constant 0 : i32
    %dma_start3A_96 = arith.constant 0 : i32
    %dma_start3A_97 = tpu.memref_slice %arg2[%add3A_84, %dma_start3A_95, %dma_start3A_96] : memref<1024x200x64xf32, #tpu.memory_space<hbm>> -> memref<1x200x64xf32, #tpu.memory_space<hbm>>
    %dma_start3A_98 = tpu.memref_squeeze %dma_start3A_97 : memref<1x200x64xf32, #tpu.memory_space<hbm>> -> memref<200x64xf32, #tpu.memory_space<hbm>>
    tpu.enqueue_dma source(%dma_start3A_98 : memref<200x64xf32, #tpu.memory_space<hbm>>) target(%dma_start3A_94 : memref<200x64xf32, #tpu.memory_space<vmem>>) target_semaphore(%arg6 : memref<!tpu.dma_semaphore, #tpu.memory_space<semaphore_mem>>)
    %dma_wait3A_99 = arith.constant 0 : i32
    %dma_wait3A_100 = arith.constant 0 : i32
    %dma_wait3A_101 = tpu.memref_slice %arg5[%dma_wait3A_99, %dma_wait3A_100] : memref<200x128xf32, #tpu.memory_space<vmem>> -> memref<200x64xf32, #tpu.memory_space<vmem>>
    %dma_wait3A_102 = arith.constant 0 : i32
    %dma_wait3A_103 = arith.constant 0 : i32
    %dma_wait3A_104 = tpu.memref_slice %arg2[%add3A_84, %dma_wait3A_102, %dma_wait3A_103] : memref<1024x200x64xf32, #tpu.memory_space<hbm>> -> memref<1x200x64xf32, #tpu.memory_space<hbm>>
    %dma_wait3A_105 = tpu.memref_squeeze %dma_wait3A_104 : memref<1x200x64xf32, #tpu.memory_space<hbm>> -> memref<200x64xf32, #tpu.memory_space<hbm>>
    %dma_wait3A_106 = arith.constant 0 : i32
    %dma_wait3A_107 = arith.constant 0 : i32
    %dma_wait3A_108 = tpu.memref_slice %arg5[%dma_wait3A_106, %dma_wait3A_107] : memref<200x128xf32, #tpu.memory_space<vmem>> -> memref<200x64xf32, #tpu.memory_space<vmem>>
    %dma_wait3A_109 = arith.constant 0 : i32
    %dma_wait3A_110 = arith.constant 0 : i32
    %dma_wait3A_111 = tpu.memref_slice %arg2[%add3A_84, %dma_wait3A_109, %dma_wait3A_110] : memref<1024x200x64xf32, #tpu.memory_space<hbm>> -> memref<1x200x64xf32, #tpu.memory_space<hbm>>
    %dma_wait3A_112 = tpu.memref_squeeze %dma_wait3A_111 : memref<1x200x64xf32, #tpu.memory_space<hbm>> -> memref<200x64xf32, #tpu.memory_space<hbm>>
    tpu.wait_dma2 semaphore(%arg6 : memref<!tpu.dma_semaphore, #tpu.memory_space<semaphore_mem>>) src(%dma_wait3A_112 : memref<200x64xf32, #tpu.memory_space<hbm>>) dst(%dma_wait3A_108 : memref<200x64xf32, #tpu.memory_space<vmem>>)
    %dma_start3A_113 = arith.constant 0 : i32
    %dma_start3A_114 = arith.constant 0 : i32
    %dma_start3A_115 = tpu.memref_slice %arg5[%dma_start3A_113, %dma_start3A_114] : memref<200x128xf32, #tpu.memory_space<vmem>> -> memref<200x96xf32, #tpu.memory_space<vmem>>
    %dma_start3A_116 = arith.constant 0 : i32
    %dma_start3A_117 = arith.constant 0 : i32
    %dma_start3A_118 = tpu.memref_slice %arg4[%add3A_84, %dma_start3A_116, %dma_start3A_117] : memref<1024x200x96xf32, #tpu.memory_space<hbm>> -> memref<1x200x96xf32, #tpu.memory_space<hbm>>
    %dma_start3A_119 = tpu.memref_squeeze %dma_start3A_118 : memref<1x200x96xf32, #tpu.memory_space<hbm>> -> memref<200x96xf32, #tpu.memory_space<hbm>>
    %dma_start3A_120 = arith.constant 0 : i32
    %dma_start3A_121 = arith.constant 0 : i32
    %dma_start3A_122 = tpu.memref_slice %arg4[%add3A_84, %dma_start3A_120, %dma_start3A_121] : memref<1024x200x96xf32, #tpu.memory_space<hbm>> -> memref<1x200x96xf32, #tpu.memory_space<hbm>>
    %dma_start3A_123 = tpu.memref_squeeze %dma_start3A_122 : memref<1x200x96xf32, #tpu.memory_space<hbm>> -> memref<200x96xf32, #tpu.memory_space<hbm>>
    %dma_start3A_124 = arith.constant 0 : i32
    %dma_start3A_125 = arith.constant 0 : i32
    %dma_start3A_126 = tpu.memref_slice %arg5[%dma_start3A_124, %dma_start3A_125] : memref<200x128xf32, #tpu.memory_space<vmem>> -> memref<200x96xf32, #tpu.memory_space<vmem>>
    tpu.enqueue_dma source(%dma_start3A_126 : memref<200x96xf32, #tpu.memory_space<vmem>>) target(%dma_start3A_123 : memref<200x96xf32, #tpu.memory_space<hbm>>) target_semaphore(%arg6 : memref<!tpu.dma_semaphore, #tpu.memory_space<semaphore_mem>>)
    %dma_wait3A_127 = arith.constant 0 : i32
    %dma_wait3A_128 = arith.constant 0 : i32
    %dma_wait3A_129 = tpu.memref_slice %arg5[%dma_wait3A_127, %dma_wait3A_128] : memref<200x128xf32, #tpu.memory_space<vmem>> -> memref<200x96xf32, #tpu.memory_space<vmem>>
    %dma_wait3A_130 = arith.constant 0 : i32
    %dma_wait3A_131 = arith.constant 0 : i32
    %dma_wait3A_132 = tpu.memref_slice %arg4[%add3A_84, %dma_wait3A_130, %dma_wait3A_131] : memref<1024x200x96xf32, #tpu.memory_space<hbm>> -> memref<1x200x96xf32, #tpu.memory_space<hbm>>
    %dma_wait3A_133 = tpu.memref_squeeze %dma_wait3A_132 : memref<1x200x96xf32, #tpu.memory_space<hbm>> -> memref<200x96xf32, #tpu.memory_space<hbm>>
    %dma_wait3A_134 = arith.constant 0 : i32
    %dma_wait3A_135 = arith.constant 0 : i32
    %dma_wait3A_136 = tpu.memref_slice %arg4[%add3A_84, %dma_wait3A_134, %dma_wait3A_135] : memref<1024x200x96xf32, #tpu.memory_space<hbm>> -> memref<1x200x96xf32, #tpu.memory_space<hbm>>
    %dma_wait3A_137 = tpu.memref_squeeze %dma_wait3A_136 : memref<1x200x96xf32, #tpu.memory_space<hbm>> -> memref<200x96xf32, #tpu.memory_space<hbm>>
    %dma_wait3A_138 = arith.constant 0 : i32
    %dma_wait3A_139 = arith.constant 0 : i32
    %dma_wait3A_140 = tpu.memref_slice %arg5[%dma_wait3A_138, %dma_wait3A_139] : memref<200x128xf32, #tpu.memory_space<vmem>> -> memref<200x96xf32, #tpu.memory_space<vmem>>
    tpu.wait_dma2 semaphore(%arg6 : memref<!tpu.dma_semaphore, #tpu.memory_space<semaphore_mem>>) src(%dma_wait3A_140 : memref<200x96xf32, #tpu.memory_space<vmem>>) dst(%dma_wait3A_137 : memref<200x96xf32, #tpu.memory_space<hbm>>)
    %add3A_141 = arith.constant 2 : i32
    %add3A_142 = arith.addi %mul3A_2, %add3A_141 : i32
    %dma_start3A_143 = arith.constant 0 : i32
    %dma_start3A_144 = arith.constant 0 : i32
    %dma_start3A_145 = tpu.memref_slice %arg5[%dma_start3A_143, %dma_start3A_144] : memref<200x128xf32, #tpu.memory_space<vmem>> -> memref<200x64xf32, #tpu.memory_space<vmem>>
    %dma_start3A_146 = arith.constant 0 : i32
    %dma_start3A_147 = arith.constant 0 : i32
    %dma_start3A_148 = tpu.memref_slice %arg2[%add3A_142, %dma_start3A_146, %dma_start3A_147] : memref<1024x200x64xf32, #tpu.memory_space<hbm>> -> memref<1x200x64xf32, #tpu.memory_space<hbm>>
    %dma_start3A_149 = tpu.memref_squeeze %dma_start3A_148 : memref<1x200x64xf32, #tpu.memory_space<hbm>> -> memref<200x64xf32, #tpu.memory_space<hbm>>
    %dma_start3A_150 = arith.constant 0 : i32
    %dma_start3A_151 = arith.constant 0 : i32
    %dma_start3A_152 = tpu.memref_slice %arg5[%dma_start3A_150, %dma_start3A_151] : memref<200x128xf32, #tpu.memory_space<vmem>> -> memref<200x64xf32, #tpu.memory_space<vmem>>
    %dma_start3A_153 = arith.constant 0 : i32
    %dma_start3A_154 = arith.constant 0 : i32
    %dma_start3A_155 = tpu.memref_slice %arg2[%add3A_142, %dma_start3A_153, %dma_start3A_154] : memref<1024x200x64xf32, #tpu.memory_space<hbm>> -> memref<1x200x64xf32, #tpu.memory_space<hbm>>
    %dma_start3A_156 = tpu.memref_squeeze %dma_start3A_155 : memref<1x200x64xf32, #tpu.memory_space<hbm>> -> memref<200x64xf32, #tpu.memory_space<hbm>>
    tpu.enqueue_dma source(%dma_start3A_156 : memref<200x64xf32, #tpu.memory_space<hbm>>) target(%dma_start3A_152 : memref<200x64xf32, #tpu.memory_space<vmem>>) target_semaphore(%arg6 : memref<!tpu.dma_semaphore, #tpu.memory_space<semaphore_mem>>)
    %dma_wait3A_157 = arith.constant 0 : i32
    %dma_wait3A_158 = arith.constant 0 : i32
    %dma_wait3A_159 = tpu.memref_slice %arg5[%dma_wait3A_157, %dma_wait3A_158] : memref<200x128xf32, #tpu.memory_space<vmem>> -> memref<200x64xf32, #tpu.memory_space<vmem>>
    %dma_wait3A_160 = arith.constant 0 : i32
    %dma_wait3A_161 = arith.constant 0 : i32
    %dma_wait3A_162 = tpu.memref_slice %arg2[%add3A_142, %dma_wait3A_160, %dma_wait3A_161] : memref<1024x200x64xf32, #tpu.memory_space<hbm>> -> memref<1x200x64xf32, #tpu.memory_space<hbm>>
    %dma_wait3A_163 = tpu.memref_squeeze %dma_wait3A_162 : memref<1x200x64xf32, #tpu.memory_space<hbm>> -> memref<200x64xf32, #tpu.memory_space<hbm>>
    %dma_wait3A_164 = arith.constant 0 : i32
    %dma_wait3A_165 = arith.constant 0 : i32
    %dma_wait3A_166 = tpu.memref_slice %arg5[%dma_wait3A_164, %dma_wait3A_165] : memref<200x128xf32, #tpu.memory_space<vmem>> -> memref<200x64xf32, #tpu.memory_space<vmem>>
    %dma_wait3A_167 = arith.constant 0 : i32
    %dma_wait3A_168 = arith.constant 0 : i32
    %dma_wait3A_169 = tpu.memref_slice %arg2[%add3A_142, %dma_wait3A_167, %dma_wait3A_168] : memref<1024x200x64xf32, #tpu.memory_space<hbm>> -> memref<1x200x64xf32, #tpu.memory_space<hbm>>
    %dma_wait3A_170 = tpu.memref_squeeze %dma_wait3A_169 : memref<1x200x64xf32, #tpu.memory_space<hbm>> -> memref<200x64xf32, #tpu.memory_space<hbm>>
    tpu.wait_dma2 semaphore(%arg6 : memref<!tpu.dma_semaphore, #tpu.memory_space<semaphore_mem>>) src(%dma_wait3A_170 : memref<200x64xf32, #tpu.memory_space<hbm>>) dst(%dma_wait3A_166 : memref<200x64xf32, #tpu.memory_space<vmem>>)
    %dma_start3A_171 = arith.constant 0 : i32
    %dma_start3A_172 = arith.constant 0 : i32
    %dma_start3A_173 = tpu.memref_slice %arg5[%dma_start3A_171, %dma_start3A_172] : memref<200x128xf32, #tpu.memory_space<vmem>> -> memref<200x96xf32, #tpu.memory_space<vmem>>
    %dma_start3A_174 = arith.constant 0 : i32
    %dma_start3A_175 = arith.constant 0 : i32
    %dma_start3A_176 = tpu.memref_slice %arg4[%add3A_142, %dma_start3A_174, %dma_start3A_175] : memref<1024x200x96xf32, #tpu.memory_space<hbm>> -> memref<1x200x96xf32, #tpu.memory_space<hbm>>
    %dma_start3A_177 = tpu.memref_squeeze %dma_start3A_176 : memref<1x200x96xf32, #tpu.memory_space<hbm>> -> memref<200x96xf32, #tpu.memory_space<hbm>>
    %dma_start3A_178 = arith.constant 0 : i32
    %dma_start3A_179 = arith.constant 0 : i32
    %dma_start3A_180 = tpu.memref_slice %arg4[%add3A_142, %dma_start3A_178, %dma_start3A_179] : memref<1024x200x96xf32, #tpu.memory_space<hbm>> -> memref<1x200x96xf32, #tpu.memory_space<hbm>>
    %dma_start3A_181 = tpu.memref_squeeze %dma_start3A_180 : memref<1x200x96xf32, #tpu.memory_space<hbm>> -> memref<200x96xf32, #tpu.memory_space<hbm>>
    %dma_start3A_182 = arith.constant 0 : i32
    %dma_start3A_183 = arith.constant 0 : i32
    %dma_start3A_184 = tpu.memref_slice %arg5[%dma_start3A_182, %dma_start3A_183] : memref<200x128xf32, #tpu.memory_space<vmem>> -> memref<200x96xf32, #tpu.memory_space<vmem>>
    tpu.enqueue_dma source(%dma_start3A_184 : memref<200x96xf32, #tpu.memory_space<vmem>>) target(%dma_start3A_181 : memref<200x96xf32, #tpu.memory_space<hbm>>) target_semaphore(%arg6 : memref<!tpu.dma_semaphore, #tpu.memory_space<semaphore_mem>>)
    %dma_wait3A_185 = arith.constant 0 : i32
    %dma_wait3A_186 = arith.constant 0 : i32
    %dma_wait3A_187 = tpu.memref_slice %arg5[%dma_wait3A_185, %dma_wait3A_186] : memref<200x128xf32, #tpu.memory_space<vmem>> -> memref<200x96xf32, #tpu.memory_space<vmem>>
    %dma_wait3A_188 = arith.constant 0 : i32
    %dma_wait3A_189 = arith.constant 0 : i32
    %dma_wait3A_190 = tpu.memref_slice %arg4[%add3A_142, %dma_wait3A_188, %dma_wait3A_189] : memref<1024x200x96xf32, #tpu.memory_space<hbm>> -> memref<1x200x96xf32, #tpu.memory_space<hbm>>
    %dma_wait3A_191 = tpu.memref_squeeze %dma_wait3A_190 : memref<1x200x96xf32, #tpu.memory_space<hbm>> -> memref<200x96xf32, #tpu.memory_space<hbm>>
    %dma_wait3A_192 = arith.constant 0 : i32
    %dma_wait3A_193 = arith.constant 0 : i32
    %dma_wait3A_194 = tpu.memref_slice %arg4[%add3A_142, %dma_wait3A_192, %dma_wait3A_193] : memref<1024x200x96xf32, #tpu.memory_space<hbm>> -> memref<1x200x96xf32, #tpu.memory_space<hbm>>
    %dma_wait3A_195 = tpu.memref_squeeze %dma_wait3A_194 : memref<1x200x96xf32, #tpu.memory_space<hbm>> -> memref<200x96xf32, #tpu.memory_space<hbm>>
    %dma_wait3A_196 = arith.constant 0 : i32
    %dma_wait3A_197 = arith.constant 0 : i32
    %dma_wait3A_198 = tpu.memref_slice %arg5[%dma_wait3A_196, %dma_wait3A_197] : memref<200x128xf32, #tpu.memory_space<vmem>> -> memref<200x96xf32, #tpu.memory_space<vmem>>
    tpu.wait_dma2 semaphore(%arg6 : memref<!tpu.dma_semaphore, #tpu.memory_space<semaphore_mem>>) src(%dma_wait3A_198 : memref<200x96xf32, #tpu.memory_space<vmem>>) dst(%dma_wait3A_195 : memref<200x96xf32, #tpu.memory_space<hbm>>)
    %add3A_199 = arith.constant 3 : i32
    %add3A_200 = arith.addi %mul3A_2, %add3A_199 : i32
    %dma_start3A_201 = arith.constant 0 : i32
    %dma_start3A_202 = arith.constant 0 : i32
    %dma_start3A_203 = tpu.memref_slice %arg5[%dma_start3A_201, %dma_start3A_202] : memref<200x128xf32, #tpu.memory_space<vmem>> -> memref<200x64xf32, #tpu.memory_space<vmem>>
    %dma_start3A_204 = arith.constant 0 : i32
    %dma_start3A_205 = arith.constant 0 : i32
    %dma_start3A_206 = tpu.memref_slice %arg2[%add3A_200, %dma_start3A_204, %dma_start3A_205] : memref<1024x200x64xf32, #tpu.memory_space<hbm>> -> memref<1x200x64xf32, #tpu.memory_space<hbm>>
    %dma_start3A_207 = tpu.memref_squeeze %dma_start3A_206 : memref<1x200x64xf32, #tpu.memory_space<hbm>> -> memref<200x64xf32, #tpu.memory_space<hbm>>
    %dma_start3A_208 = arith.constant 0 : i32
    %dma_start3A_209 = arith.constant 0 : i32
    %dma_start3A_210 = tpu.memref_slice %arg5[%dma_start3A_208, %dma_start3A_209] : memref<200x128xf32, #tpu.memory_space<vmem>> -> memref<200x64xf32, #tpu.memory_space<vmem>>
    %dma_start3A_211 = arith.constant 0 : i32
    %dma_start3A_212 = arith.constant 0 : i32
    %dma_start3A_213 = tpu.memref_slice %arg2[%add3A_200, %dma_start3A_211, %dma_start3A_212] : memref<1024x200x64xf32, #tpu.memory_space<hbm>> -> memref<1x200x64xf32, #tpu.memory_space<hbm>>
    %dma_start3A_214 = tpu.memref_squeeze %dma_start3A_213 : memref<1x200x64xf32, #tpu.memory_space<hbm>> -> memref<200x64xf32, #tpu.memory_space<hbm>>
    tpu.enqueue_dma source(%dma_start3A_214 : memref<200x64xf32, #tpu.memory_space<hbm>>) target(%dma_start3A_210 : memref<200x64xf32, #tpu.memory_space<vmem>>) target_semaphore(%arg6 : memref<!tpu.dma_semaphore, #tpu.memory_space<semaphore_mem>>)
    %dma_wait3A_215 = arith.constant 0 : i32
    %dma_wait3A_216 = arith.constant 0 : i32
    %dma_wait3A_217 = tpu.memref_slice %arg5[%dma_wait3A_215, %dma_wait3A_216] : memref<200x128xf32, #tpu.memory_space<vmem>> -> memref<200x64xf32, #tpu.memory_space<vmem>>
    %dma_wait3A_218 = arith.constant 0 : i32
    %dma_wait3A_219 = arith.constant 0 : i32
    %dma_wait3A_220 = tpu.memref_slice %arg2[%add3A_200, %dma_wait3A_218, %dma_wait3A_219] : memref<1024x200x64xf32, #tpu.memory_space<hbm>> -> memref<1x200x64xf32, #tpu.memory_space<hbm>>
    %dma_wait3A_221 = tpu.memref_squeeze %dma_wait3A_220 : memref<1x200x64xf32, #tpu.memory_space<hbm>> -> memref<200x64xf32, #tpu.memory_space<hbm>>
    %dma_wait3A_222 = arith.constant 0 : i32
    %dma_wait3A_223 = arith.constant 0 : i32
    %dma_wait3A_224 = tpu.memref_slice %arg5[%dma_wait3A_222, %dma_wait3A_223] : memref<200x128xf32, #tpu.memory_space<vmem>> -> memref<200x64xf32, #tpu.memory_space<vmem>>
    %dma_wait3A_225 = arith.constant 0 : i32
    %dma_wait3A_226 = arith.constant 0 : i32
    %dma_wait3A_227 = tpu.memref_slice %arg2[%add3A_200, %dma_wait3A_225, %dma_wait3A_226] : memref<1024x200x64xf32, #tpu.memory_space<hbm>> -> memref<1x200x64xf32, #tpu.memory_space<hbm>>
    %dma_wait3A_228 = tpu.memref_squeeze %dma_wait3A_227 : memref<1x200x64xf32, #tpu.memory_space<hbm>> -> memref<200x64xf32, #tpu.memory_space<hbm>>
    tpu.wait_dma2 semaphore(%arg6 : memref<!tpu.dma_semaphore, #tpu.memory_space<semaphore_mem>>) src(%dma_wait3A_228 : memref<200x64xf32, #tpu.memory_space<hbm>>) dst(%dma_wait3A_224 : memref<200x64xf32, #tpu.memory_space<vmem>>)
    %dma_start3A_229 = arith.constant 0 : i32
    %dma_start3A_230 = arith.constant 0 : i32
    %dma_start3A_231 = tpu.memref_slice %arg5[%dma_start3A_229, %dma_start3A_230] : memref<200x128xf32, #tpu.memory_space<vmem>> -> memref<200x96xf32, #tpu.memory_space<vmem>>
    %dma_start3A_232 = arith.constant 0 : i32
    %dma_start3A_233 = arith.constant 0 : i32
    %dma_start3A_234 = tpu.memref_slice %arg4[%add3A_200, %dma_start3A_232, %dma_start3A_233] : memref<1024x200x96xf32, #tpu.memory_space<hbm>> -> memref<1x200x96xf32, #tpu.memory_space<hbm>>
    %dma_start3A_235 = tpu.memref_squeeze %dma_start3A_234 : memref<1x200x96xf32, #tpu.memory_space<hbm>> -> memref<200x96xf32, #tpu.memory_space<hbm>>
    %dma_start3A_236 = arith.constant 0 : i32
    %dma_start3A_237 = arith.constant 0 : i32
    %dma_start3A_238 = tpu.memref_slice %arg4[%add3A_200, %dma_start3A_236, %dma_start3A_237] : memref<1024x200x96xf32, #tpu.memory_space<hbm>> -> memref<1x200x96xf32, #tpu.memory_space<hbm>>
    %dma_start3A_239 = tpu.memref_squeeze %dma_start3A_238 : memref<1x200x96xf32, #tpu.memory_space<hbm>> -> memref<200x96xf32, #tpu.memory_space<hbm>>
    %dma_start3A_240 = arith.constant 0 : i32
    %dma_start3A_241 = arith.constant 0 : i32
    %dma_start3A_242 = tpu.memref_slice %arg5[%dma_start3A_240, %dma_start3A_241] : memref<200x128xf32, #tpu.memory_space<vmem>> -> memref<200x96xf32, #tpu.memory_space<vmem>>
    tpu.enqueue_dma source(%dma_start3A_242 : memref<200x96xf32, #tpu.memory_space<vmem>>) target(%dma_start3A_239 : memref<200x96xf32, #tpu.memory_space<hbm>>) target_semaphore(%arg6 : memref<!tpu.dma_semaphore, #tpu.memory_space<semaphore_mem>>)
    %dma_wait3A_243 = arith.constant 0 : i32
    %dma_wait3A_244 = arith.constant 0 : i32
    %dma_wait3A_245 = tpu.memref_slice %arg5[%dma_wait3A_243, %dma_wait3A_244] : memref<200x128xf32, #tpu.memory_space<vmem>> -> memref<200x96xf32, #tpu.memory_space<vmem>>
    %dma_wait3A_246 = arith.constant 0 : i32
    %dma_wait3A_247 = arith.constant 0 : i32
    %dma_wait3A_248 = tpu.memref_slice %arg4[%add3A_200, %dma_wait3A_246, %dma_wait3A_247] : memref<1024x200x96xf32, #tpu.memory_space<hbm>> -> memref<1x200x96xf32, #tpu.memory_space<hbm>>
    %dma_wait3A_249 = tpu.memref_squeeze %dma_wait3A_248 : memref<1x200x96xf32, #tpu.memory_space<hbm>> -> memref<200x96xf32, #tpu.memory_space<hbm>>
    %dma_wait3A_250 = arith.constant 0 : i32
    %dma_wait3A_251 = arith.constant 0 : i32
    %dma_wait3A_252 = tpu.memref_slice %arg4[%add3A_200, %dma_wait3A_250, %dma_wait3A_251] : memref<1024x200x96xf32, #tpu.memory_space<hbm>> -> memref<1x200x96xf32, #tpu.memory_space<hbm>>
    %dma_wait3A_253 = tpu.memref_squeeze %dma_wait3A_252 : memref<1x200x96xf32, #tpu.memory_space<hbm>> -> memref<200x96xf32, #tpu.memory_space<hbm>>
    %dma_wait3A_254 = arith.constant 0 : i32
    %dma_wait3A_255 = arith.constant 0 : i32
    %dma_wait3A_256 = tpu.memref_slice %arg5[%dma_wait3A_254, %dma_wait3A_255] : memref<200x128xf32, #tpu.memory_space<vmem>> -> memref<200x96xf32, #tpu.memory_space<vmem>>
    tpu.wait_dma2 semaphore(%arg6 : memref<!tpu.dma_semaphore, #tpu.memory_space<semaphore_mem>>) src(%dma_wait3A_256 : memref<200x96xf32, #tpu.memory_space<vmem>>) dst(%dma_wait3A_253 : memref<200x96xf32, #tpu.memory_space<hbm>>)
    %add3A_257 = arith.constant 4 : i32
    %add3A_258 = arith.addi %mul3A_2, %add3A_257 : i32
    %dma_start3A_259 = arith.constant 0 : i32
    %dma_start3A_260 = arith.constant 0 : i32
    %dma_start3A_261 = tpu.memref_slice %arg5[%dma_start3A_259, %dma_start3A_260] : memref<200x128xf32, #tpu.memory_space<vmem>> -> memref<200x64xf32, #tpu.memory_space<vmem>>
    %dma_start3A_262 = arith.constant 0 : i32
    %dma_start3A_263 = arith.constant 0 : i32
    %dma_start3A_264 = tpu.memref_slice %arg2[%add3A_258, %dma_start3A_262, %dma_start3A_263] : memref<1024x200x64xf32, #tpu.memory_space<hbm>> -> memref<1x200x64xf32, #tpu.memory_space<hbm>>
    %dma_start3A_265 = tpu.memref_squeeze %dma_start3A_264 : memref<1x200x64xf32, #tpu.memory_space<hbm>> -> memref<200x64xf32, #tpu.memory_space<hbm>>
    %dma_start3A_266 = arith.constant 0 : i32
    %dma_start3A_267 = arith.constant 0 : i32
    %dma_start3A_268 = tpu.memref_slice %arg5[%dma_start3A_266, %dma_start3A_267] : memref<200x128xf32, #tpu.memory_space<vmem>> -> memref<200x64xf32, #tpu.memory_space<vmem>>
    %dma_start3A_269 = arith.constant 0 : i32
    %dma_start3A_270 = arith.constant 0 : i32
    %dma_start3A_271 = tpu.memref_slice %arg2[%add3A_258, %dma_start3A_269, %dma_start3A_270] : memref<1024x200x64xf32, #tpu.memory_space<hbm>> -> memref<1x200x64xf32, #tpu.memory_space<hbm>>
    %dma_start3A_272 = tpu.memref_squeeze %dma_start3A_271 : memref<1x200x64xf32, #tpu.memory_space<hbm>> -> memref<200x64xf32, #tpu.memory_space<hbm>>
    tpu.enqueue_dma source(%dma_start3A_272 : memref<200x64xf32, #tpu.memory_space<hbm>>) target(%dma_start3A_268 : memref<200x64xf32, #tpu.memory_space<vmem>>) target_semaphore(%arg6 : memref<!tpu.dma_semaphore, #tpu.memory_space<semaphore_mem>>)
    %dma_wait3A_273 = arith.constant 0 : i32
    %dma_wait3A_274 = arith.constant 0 : i32
    %dma_wait3A_275 = tpu.memref_slice %arg5[%dma_wait3A_273, %dma_wait3A_274] : memref<200x128xf32, #tpu.memory_space<vmem>> -> memref<200x64xf32, #tpu.memory_space<vmem>>
    %dma_wait3A_276 = arith.constant 0 : i32
    %dma_wait3A_277 = arith.constant 0 : i32
    %dma_wait3A_278 = tpu.memref_slice %arg2[%add3A_258, %dma_wait3A_276, %dma_wait3A_277] : memref<1024x200x64xf32, #tpu.memory_space<hbm>> -> memref<1x200x64xf32, #tpu.memory_space<hbm>>
    %dma_wait3A_279 = tpu.memref_squeeze %dma_wait3A_278 : memref<1x200x64xf32, #tpu.memory_space<hbm>> -> memref<200x64xf32, #tpu.memory_space<hbm>>
    %dma_wait3A_280 = arith.constant 0 : i32
    %dma_wait3A_281 = arith.constant 0 : i32
    %dma_wait3A_282 = tpu.memref_slice %arg5[%dma_wait3A_280, %dma_wait3A_281] : memref<200x128xf32, #tpu.memory_space<vmem>> -> memref<200x64xf32, #tpu.memory_space<vmem>>
    %dma_wait3A_283 = arith.constant 0 : i32
    %dma_wait3A_284 = arith.constant 0 : i32
    %dma_wait3A_285 = tpu.memref_slice %arg2[%add3A_258, %dma_wait3A_283, %dma_wait3A_284] : memref<1024x200x64xf32, #tpu.memory_space<hbm>> -> memref<1x200x64xf32, #tpu.memory_space<hbm>>
    %dma_wait3A_286 = tpu.memref_squeeze %dma_wait3A_285 : memref<1x200x64xf32, #tpu.memory_space<hbm>> -> memref<200x64xf32, #tpu.memory_space<hbm>>
    tpu.wait_dma2 semaphore(%arg6 : memref<!tpu.dma_semaphore, #tpu.memory_space<semaphore_mem>>) src(%dma_wait3A_286 : memref<200x64xf32, #tpu.memory_space<hbm>>) dst(%dma_wait3A_282 : memref<200x64xf32, #tpu.memory_space<vmem>>)
    %dma_start3A_287 = arith.constant 0 : i32
    %dma_start3A_288 = arith.constant 0 : i32
    %dma_start3A_289 = tpu.memref_slice %arg5[%dma_start3A_287, %dma_start3A_288] : memref<200x128xf32, #tpu.memory_space<vmem>> -> memref<200x96xf32, #tpu.memory_space<vmem>>
    %dma_start3A_290 = arith.constant 0 : i32
    %dma_start3A_291 = arith.constant 0 : i32
    %dma_start3A_292 = tpu.memref_slice %arg4[%add3A_258, %dma_start3A_290, %dma_start3A_291] : memref<1024x200x96xf32, #tpu.memory_space<hbm>> -> memref<1x200x96xf32, #tpu.memory_space<hbm>>
    %dma_start3A_293 = tpu.memref_squeeze %dma_start3A_292 : memref<1x200x96xf32, #tpu.memory_space<hbm>> -> memref<200x96xf32, #tpu.memory_space<hbm>>
    %dma_start3A_294 = arith.constant 0 : i32
    %dma_start3A_295 = arith.constant 0 : i32
    %dma_start3A_296 = tpu.memref_slice %arg4[%add3A_258, %dma_start3A_294, %dma_start3A_295] : memref<1024x200x96xf32, #tpu.memory_space<hbm>> -> memref<1x200x96xf32, #tpu.memory_space<hbm>>
    %dma_start3A_297 = tpu.memref_squeeze %dma_start3A_296 : memref<1x200x96xf32, #tpu.memory_space<hbm>> -> memref<200x96xf32, #tpu.memory_space<hbm>>
    %dma_start3A_298 = arith.constant 0 : i32
    %dma_start3A_299 = arith.constant 0 : i32
    %dma_start3A_300 = tpu.memref_slice %arg5[%dma_start3A_298, %dma_start3A_299] : memref<200x128xf32, #tpu.memory_space<vmem>> -> memref<200x96xf32, #tpu.memory_space<vmem>>
    tpu.enqueue_dma source(%dma_start3A_300 : memref<200x96xf32, #tpu.memory_space<vmem>>) target(%dma_start3A_297 : memref<200x96xf32, #tpu.memory_space<hbm>>) target_semaphore(%arg6 : memref<!tpu.dma_semaphore, #tpu.memory_space<semaphore_mem>>)
    %dma_wait3A_301 = arith.constant 0 : i32
    %dma_wait3A_302 = arith.constant 0 : i32
    %dma_wait3A_303 = tpu.memref_slice %arg5[%dma_wait3A_301, %dma_wait3A_302] : memref<200x128xf32, #tpu.memory_space<vmem>> -> memref<200x96xf32, #tpu.memory_space<vmem>>
    %dma_wait3A_304 = arith.constant 0 : i32
    %dma_wait3A_305 = arith.constant 0 : i32
    %dma_wait3A_306 = tpu.memref_slice %arg4[%add3A_258, %dma_wait3A_304, %dma_wait3A_305] : memref<1024x200x96xf32, #tpu.memory_space<hbm>> -> memref<1x200x96xf32, #tpu.memory_space<hbm>>
    %dma_wait3A_307 = tpu.memref_squeeze %dma_wait3A_306 : memref<1x200x96xf32, #tpu.memory_space<hbm>> -> memref<200x96xf32, #tpu.memory_space<hbm>>
    %dma_wait3A_308 = arith.constant 0 : i32
    %dma_wait3A_309 = arith.constant 0 : i32
    %dma_wait3A_310 = tpu.memref_slice %arg4[%add3A_258, %dma_wait3A_308, %dma_wait3A_309] : memref<1024x200x96xf32, #tpu.memory_space<hbm>> -> memref<1x200x96xf32, #tpu.memory_space<hbm>>
    %dma_wait3A_311 = tpu.memref_squeeze %dma_wait3A_310 : memref<1x200x96xf32, #tpu.memory_space<hbm>> -> memref<200x96xf32, #tpu.memory_space<hbm>>
    %dma_wait3A_312 = arith.constant 0 : i32
    %dma_wait3A_313 = arith.constant 0 : i32
    %dma_wait3A_314 = tpu.memref_slice %arg5[%dma_wait3A_312, %dma_wait3A_313] : memref<200x128xf32, #tpu.memory_space<vmem>> -> memref<200x96xf32, #tpu.memory_space<vmem>>
    tpu.wait_dma2 semaphore(%arg6 : memref<!tpu.dma_semaphore, #tpu.memory_space<semaphore_mem>>) src(%dma_wait3A_314 : memref<200x96xf32, #tpu.memory_space<vmem>>) dst(%dma_wait3A_311 : memref<200x96xf32, #tpu.memory_space<hbm>>)
    %add3A_315 = arith.constant 5 : i32
    %add3A_316 = arith.addi %mul3A_2, %add3A_315 : i32
    %dma_start3A_317 = arith.constant 0 : i32
    %dma_start3A_318 = arith.constant 0 : i32
    %dma_start3A_319 = tpu.memref_slice %arg5[%dma_start3A_317, %dma_start3A_318] : memref<200x128xf32, #tpu.memory_space<vmem>> -> memref<200x64xf32, #tpu.memory_space<vmem>>
    %dma_start3A_320 = arith.constant 0 : i32
    %dma_start3A_321 = arith.constant 0 : i32
    %dma_start3A_322 = tpu.memref_slice %arg2[%add3A_316, %dma_start3A_320, %dma_start3A_321] : memref<1024x200x64xf32, #tpu.memory_space<hbm>> -> memref<1x200x64xf32, #tpu.memory_space<hbm>>
    %dma_start3A_323 = tpu.memref_squeeze %dma_start3A_322 : memref<1x200x64xf32, #tpu.memory_space<hbm>> -> memref<200x64xf32, #tpu.memory_space<hbm>>
    %dma_start3A_324 = arith.constant 0 : i32
    %dma_start3A_325 = arith.constant 0 : i32
    %dma_start3A_326 = tpu.memref_slice %arg5[%dma_start3A_324, %dma_start3A_325] : memref<200x128xf32, #tpu.memory_space<vmem>> -> memref<200x64xf32, #tpu.memory_space<vmem>>
    %dma_start3A_327 = arith.constant 0 : i32
    %dma_start3A_328 = arith.constant 0 : i32
    %dma_start3A_329 = tpu.memref_slice %arg2[%add3A_316, %dma_start3A_327, %dma_start3A_328] : memref<1024x200x64xf32, #tpu.memory_space<hbm>> -> memref<1x200x64xf32, #tpu.memory_space<hbm>>
    %dma_start3A_330 = tpu.memref_squeeze %dma_start3A_329 : memref<1x200x64xf32, #tpu.memory_space<hbm>> -> memref<200x64xf32, #tpu.memory_space<hbm>>
    tpu.enqueue_dma source(%dma_start3A_330 : memref<200x64xf32, #tpu.memory_space<hbm>>) target(%dma_start3A_326 : memref<200x64xf32, #tpu.memory_space<vmem>>) target_semaphore(%arg6 : memref<!tpu.dma_semaphore, #tpu.memory_space<semaphore_mem>>)
    %dma_wait3A_331 = arith.constant 0 : i32
    %dma_wait3A_332 = arith.constant 0 : i32
    %dma_wait3A_333 = tpu.memref_slice %arg5[%dma_wait3A_331, %dma_wait3A_332] : memref<200x128xf32, #tpu.memory_space<vmem>> -> memref<200x64xf32, #tpu.memory_space<vmem>>
    %dma_wait3A_334 = arith.constant 0 : i32
    %dma_wait3A_335 = arith.constant 0 : i32
    %dma_wait3A_336 = tpu.memref_slice %arg2[%add3A_316, %dma_wait3A_334, %dma_wait3A_335] : memref<1024x200x64xf32, #tpu.memory_space<hbm>> -> memref<1x200x64xf32, #tpu.memory_space<hbm>>
    %dma_wait3A_337 = tpu.memref_squeeze %dma_wait3A_336 : memref<1x200x64xf32, #tpu.memory_space<hbm>> -> memref<200x64xf32, #tpu.memory_space<hbm>>
    %dma_wait3A_338 = arith.constant 0 : i32
    %dma_wait3A_339 = arith.constant 0 : i32
    %dma_wait3A_340 = tpu.memref_slice %arg5[%dma_wait3A_338, %dma_wait3A_339] : memref<200x128xf32, #tpu.memory_space<vmem>> -> memref<200x64xf32, #tpu.memory_space<vmem>>
    %dma_wait3A_341 = arith.constant 0 : i32
    %dma_wait3A_342 = arith.constant 0 : i32
    %dma_wait3A_343 = tpu.memref_slice %arg2[%add3A_316, %dma_wait3A_341, %dma_wait3A_342] : memref<1024x200x64xf32, #tpu.memory_space<hbm>> -> memref<1x200x64xf32, #tpu.memory_space<hbm>>
    %dma_wait3A_344 = tpu.memref_squeeze %dma_wait3A_343 : memref<1x200x64xf32, #tpu.memory_space<hbm>> -> memref<200x64xf32, #tpu.memory_space<hbm>>
    tpu.wait_dma2 semaphore(%arg6 : memref<!tpu.dma_semaphore, #tpu.memory_space<semaphore_mem>>) src(%dma_wait3A_344 : memref<200x64xf32, #tpu.memory_space<hbm>>) dst(%dma_wait3A_340 : memref<200x64xf32, #tpu.memory_space<vmem>>)
    %dma_start3A_345 = arith.constant 0 : i32
    %dma_start3A_346 = arith.constant 0 : i32
    %dma_start3A_347 = tpu.memref_slice %arg5[%dma_start3A_345, %dma_start3A_346] : memref<200x128xf32, #tpu.memory_space<vmem>> -> memref<200x96xf32, #tpu.memory_space<vmem>>
    %dma_start3A_348 = arith.constant 0 : i32
    %dma_start3A_349 = arith.constant 0 : i32
    %dma_start3A_350 = tpu.memref_slice %arg4[%add3A_316, %dma_start3A_348, %dma_start3A_349] : memref<1024x200x96xf32, #tpu.memory_space<hbm>> -> memref<1x200x96xf32, #tpu.memory_space<hbm>>
    %dma_start3A_351 = tpu.memref_squeeze %dma_start3A_350 : memref<1x200x96xf32, #tpu.memory_space<hbm>> -> memref<200x96xf32, #tpu.memory_space<hbm>>
    %dma_start3A_352 = arith.constant 0 : i32
    %dma_start3A_353 = arith.constant 0 : i32
    %dma_start3A_354 = tpu.memref_slice %arg4[%add3A_316, %dma_start3A_352, %dma_start3A_353] : memref<1024x200x96xf32, #tpu.memory_space<hbm>> -> memref<1x200x96xf32, #tpu.memory_space<hbm>>
    %dma_start3A_355 = tpu.memref_squeeze %dma_start3A_354 : memref<1x200x96xf32, #tpu.memory_space<hbm>> -> memref<200x96xf32, #tpu.memory_space<hbm>>
    %dma_start3A_356 = arith.constant 0 : i32
    %dma_start3A_357 = arith.constant 0 : i32
    %dma_start3A_358 = tpu.memref_slice %arg5[%dma_start3A_356, %dma_start3A_357] : memref<200x128xf32, #tpu.memory_space<vmem>> -> memref<200x96xf32, #tpu.memory_space<vmem>>
    tpu.enqueue_dma source(%dma_start3A_358 : memref<200x96xf32, #tpu.memory_space<vmem>>) target(%dma_start3A_355 : memref<200x96xf32, #tpu.memory_space<hbm>>) target_semaphore(%arg6 : memref<!tpu.dma_semaphore, #tpu.memory_space<semaphore_mem>>)
    %dma_wait3A_359 = arith.constant 0 : i32
    %dma_wait3A_360 = arith.constant 0 : i32
    %dma_wait3A_361 = tpu.memref_slice %arg5[%dma_wait3A_359, %dma_wait3A_360] : memref<200x128xf32, #tpu.memory_space<vmem>> -> memref<200x96xf32, #tpu.memory_space<vmem>>
    %dma_wait3A_362 = arith.constant 0 : i32
    %dma_wait3A_363 = arith.constant 0 : i32
    %dma_wait3A_364 = tpu.memref_slice %arg4[%add3A_316, %dma_wait3A_362, %dma_wait3A_363] : memref<1024x200x96xf32, #tpu.memory_space<hbm>> -> memref<1x200x96xf32, #tpu.memory_space<hbm>>
    %dma_wait3A_365 = tpu.memref_squeeze %dma_wait3A_364 : memref<1x200x96xf32, #tpu.memory_space<hbm>> -> memref<200x96xf32, #tpu.memory_space<hbm>>
    %dma_wait3A_366 = arith.constant 0 : i32
    %dma_wait3A_367 = arith.constant 0 : i32
    %dma_wait3A_368 = tpu.memref_slice %arg4[%add3A_316, %dma_wait3A_366, %dma_wait3A_367] : memref<1024x200x96xf32, #tpu.memory_space<hbm>> -> memref<1x200x96xf32, #tpu.memory_space<hbm>>
    %dma_wait3A_369 = tpu.memref_squeeze %dma_wait3A_368 : memref<1x200x96xf32, #tpu.memory_space<hbm>> -> memref<200x96xf32, #tpu.memory_space<hbm>>
    %dma_wait3A_370 = arith.constant 0 : i32
    %dma_wait3A_371 = arith.constant 0 : i32
    %dma_wait3A_372 = tpu.memref_slice %arg5[%dma_wait3A_370, %dma_wait3A_371] : memref<200x128xf32, #tpu.memory_space<vmem>> -> memref<200x96xf32, #tpu.memory_space<vmem>>
    tpu.wait_dma2 semaphore(%arg6 : memref<!tpu.dma_semaphore, #tpu.memory_space<semaphore_mem>>) src(%dma_wait3A_372 : memref<200x96xf32, #tpu.memory_space<vmem>>) dst(%dma_wait3A_369 : memref<200x96xf32, #tpu.memory_space<hbm>>)
    %add3A_373 = arith.constant 6 : i32
    %add3A_374 = arith.addi %mul3A_2, %add3A_373 : i32
    %dma_start3A_375 = arith.constant 0 : i32
    %dma_start3A_376 = arith.constant 0 : i32
    %dma_start3A_377 = tpu.memref_slice %arg5[%dma_start3A_375, %dma_start3A_376] : memref<200x128xf32, #tpu.memory_space<vmem>> -> memref<200x64xf32, #tpu.memory_space<vmem>>
    %dma_start3A_378 = arith.constant 0 : i32
    %dma_start3A_379 = arith.constant 0 : i32
    %dma_start3A_380 = tpu.memref_slice %arg2[%add3A_374, %dma_start3A_378, %dma_start3A_379] : memref<1024x200x64xf32, #tpu.memory_space<hbm>> -> memref<1x200x64xf32, #tpu.memory_space<hbm>>
    %dma_start3A_381 = tpu.memref_squeeze %dma_start3A_380 : memref<1x200x64xf32, #tpu.memory_space<hbm>> -> memref<200x64xf32, #tpu.memory_space<hbm>>
    %dma_start3A_382 = arith.constant 0 : i32
    %dma_start3A_383 = arith.constant 0 : i32
    %dma_start3A_384 = tpu.memref_slice %arg5[%dma_start3A_382, %dma_start3A_383] : memref<200x128xf32, #tpu.memory_space<vmem>> -> memref<200x64xf32, #tpu.memory_space<vmem>>
    %dma_start3A_385 = arith.constant 0 : i32
    %dma_start3A_386 = arith.constant 0 : i32
    %dma_start3A_387 = tpu.memref_slice %arg2[%add3A_374, %dma_start3A_385, %dma_start3A_386] : memref<1024x200x64xf32, #tpu.memory_space<hbm>> -> memref<1x200x64xf32, #tpu.memory_space<hbm>>
    %dma_start3A_388 = tpu.memref_squeeze %dma_start3A_387 : memref<1x200x64xf32, #tpu.memory_space<hbm>> -> memref<200x64xf32, #tpu.memory_space<hbm>>
    tpu.enqueue_dma source(%dma_start3A_388 : memref<200x64xf32, #tpu.memory_space<hbm>>) target(%dma_start3A_384 : memref<200x64xf32, #tpu.memory_space<vmem>>) target_semaphore(%arg6 : memref<!tpu.dma_semaphore, #tpu.memory_space<semaphore_mem>>)
    %dma_wait3A_389 = arith.constant 0 : i32
    %dma_wait3A_390 = arith.constant 0 : i32
    %dma_wait3A_391 = tpu.memref_slice %arg5[%dma_wait3A_389, %dma_wait3A_390] : memref<200x128xf32, #tpu.memory_space<vmem>> -> memref<200x64xf32, #tpu.memory_space<vmem>>
    %dma_wait3A_392 = arith.constant 0 : i32
    %dma_wait3A_393 = arith.constant 0 : i32
    %dma_wait3A_394 = tpu.memref_slice %arg2[%add3A_374, %dma_wait3A_392, %dma_wait3A_393] : memref<1024x200x64xf32, #tpu.memory_space<hbm>> -> memref<1x200x64xf32, #tpu.memory_space<hbm>>
    %dma_wait3A_395 = tpu.memref_squeeze %dma_wait3A_394 : memref<1x200x64xf32, #tpu.memory_space<hbm>> -> memref<200x64xf32, #tpu.memory_space<hbm>>
    %dma_wait3A_396 = arith.constant 0 : i32
    %dma_wait3A_397 = arith.constant 0 : i32
    %dma_wait3A_398 = tpu.memref_slice %arg5[%dma_wait3A_396, %dma_wait3A_397] : memref<200x128xf32, #tpu.memory_space<vmem>> -> memref<200x64xf32, #tpu.memory_space<vmem>>
    %dma_wait3A_399 = arith.constant 0 : i32
    %dma_wait3A_400 = arith.constant 0 : i32
    %dma_wait3A_401 = tpu.memref_slice %arg2[%add3A_374, %dma_wait3A_399, %dma_wait3A_400] : memref<1024x200x64xf32, #tpu.memory_space<hbm>> -> memref<1x200x64xf32, #tpu.memory_space<hbm>>
    %dma_wait3A_402 = tpu.memref_squeeze %dma_wait3A_401 : memref<1x200x64xf32, #tpu.memory_space<hbm>> -> memref<200x64xf32, #tpu.memory_space<hbm>>
    tpu.wait_dma2 semaphore(%arg6 : memref<!tpu.dma_semaphore, #tpu.memory_space<semaphore_mem>>) src(%dma_wait3A_402 : memref<200x64xf32, #tpu.memory_space<hbm>>) dst(%dma_wait3A_398 : memref<200x64xf32, #tpu.memory_space<vmem>>)
    %dma_start3A_403 = arith.constant 0 : i32
    %dma_start3A_404 = arith.constant 0 : i32
    %dma_start3A_405 = tpu.memref_slice %arg5[%dma_start3A_403, %dma_start3A_404] : memref<200x128xf32, #tpu.memory_space<vmem>> -> memref<200x96xf32, #tpu.memory_space<vmem>>
    %dma_start3A_406 = arith.constant 0 : i32
    %dma_start3A_407 = arith.constant 0 : i32
    %dma_start3A_408 = tpu.memref_slice %arg4[%add3A_374, %dma_start3A_406, %dma_start3A_407] : memref<1024x200x96xf32, #tpu.memory_space<hbm>> -> memref<1x200x96xf32, #tpu.memory_space<hbm>>
    %dma_start3A_409 = tpu.memref_squeeze %dma_start3A_408 : memref<1x200x96xf32, #tpu.memory_space<hbm>> -> memref<200x96xf32, #tpu.memory_space<hbm>>
    %dma_start3A_410 = arith.constant 0 : i32
    %dma_start3A_411 = arith.constant 0 : i32
    %dma_start3A_412 = tpu.memref_slice %arg4[%add3A_374, %dma_start3A_410, %dma_start3A_411] : memref<1024x200x96xf32, #tpu.memory_space<hbm>> -> memref<1x200x96xf32, #tpu.memory_space<hbm>>
    %dma_start3A_413 = tpu.memref_squeeze %dma_start3A_412 : memref<1x200x96xf32, #tpu.memory_space<hbm>> -> memref<200x96xf32, #tpu.memory_space<hbm>>
    %dma_start3A_414 = arith.constant 0 : i32
    %dma_start3A_415 = arith.constant 0 : i32
    %dma_start3A_416 = tpu.memref_slice %arg5[%dma_start3A_414, %dma_start3A_415] : memref<200x128xf32, #tpu.memory_space<vmem>> -> memref<200x96xf32, #tpu.memory_space<vmem>>
    tpu.enqueue_dma source(%dma_start3A_416 : memref<200x96xf32, #tpu.memory_space<vmem>>) target(%dma_start3A_413 : memref<200x96xf32, #tpu.memory_space<hbm>>) target_semaphore(%arg6 : memref<!tpu.dma_semaphore, #tpu.memory_space<semaphore_mem>>)
    %dma_wait3A_417 = arith.constant 0 : i32
    %dma_wait3A_418 = arith.constant 0 : i32
    %dma_wait3A_419 = tpu.memref_slice %arg5[%dma_wait3A_417, %dma_wait3A_418] : memref<200x128xf32, #tpu.memory_space<vmem>> -> memref<200x96xf32, #tpu.memory_space<vmem>>
    %dma_wait3A_420 = arith.constant 0 : i32
    %dma_wait3A_421 = arith.constant 0 : i32
    %dma_wait3A_422 = tpu.memref_slice %arg4[%add3A_374, %dma_wait3A_420, %dma_wait3A_421] : memref<1024x200x96xf32, #tpu.memory_space<hbm>> -> memref<1x200x96xf32, #tpu.memory_space<hbm>>
    %dma_wait3A_423 = tpu.memref_squeeze %dma_wait3A_422 : memref<1x200x96xf32, #tpu.memory_space<hbm>> -> memref<200x96xf32, #tpu.memory_space<hbm>>
    %dma_wait3A_424 = arith.constant 0 : i32
    %dma_wait3A_425 = arith.constant 0 : i32
    %dma_wait3A_426 = tpu.memref_slice %arg4[%add3A_374, %dma_wait3A_424, %dma_wait3A_425] : memref<1024x200x96xf32, #tpu.memory_space<hbm>> -> memref<1x200x96xf32, #tpu.memory_space<hbm>>
    %dma_wait3A_427 = tpu.memref_squeeze %dma_wait3A_426 : memref<1x200x96xf32, #tpu.memory_space<hbm>> -> memref<200x96xf32, #tpu.memory_space<hbm>>
    %dma_wait3A_428 = arith.constant 0 : i32
    %dma_wait3A_429 = arith.constant 0 : i32
    %dma_wait3A_430 = tpu.memref_slice %arg5[%dma_wait3A_428, %dma_wait3A_429] : memref<200x128xf32, #tpu.memory_space<vmem>> -> memref<200x96xf32, #tpu.memory_space<vmem>>
    tpu.wait_dma2 semaphore(%arg6 : memref<!tpu.dma_semaphore, #tpu.memory_space<semaphore_mem>>) src(%dma_wait3A_430 : memref<200x96xf32, #tpu.memory_space<vmem>>) dst(%dma_wait3A_427 : memref<200x96xf32, #tpu.memory_space<hbm>>)
    %add3A_431 = arith.constant 7 : i32
    %add3A_432 = arith.addi %mul3A_2, %add3A_431 : i32
    %dma_start3A_433 = arith.constant 0 : i32
    %dma_start3A_434 = arith.constant 0 : i32
    %dma_start3A_435 = tpu.memref_slice %arg5[%dma_start3A_433, %dma_start3A_434] : memref<200x128xf32, #tpu.memory_space<vmem>> -> memref<200x64xf32, #tpu.memory_space<vmem>>
    %dma_start3A_436 = arith.constant 0 : i32
    %dma_start3A_437 = arith.constant 0 : i32
    %dma_start3A_438 = tpu.memref_slice %arg2[%add3A_432, %dma_start3A_436, %dma_start3A_437] : memref<1024x200x64xf32, #tpu.memory_space<hbm>> -> memref<1x200x64xf32, #tpu.memory_space<hbm>>
    %dma_start3A_439 = tpu.memref_squeeze %dma_start3A_438 : memref<1x200x64xf32, #tpu.memory_space<hbm>> -> memref<200x64xf32, #tpu.memory_space<hbm>>
    %dma_start3A_440 = arith.constant 0 : i32
    %dma_start3A_441 = arith.constant 0 : i32
    %dma_start3A_442 = tpu.memref_slice %arg5[%dma_start3A_440, %dma_start3A_441] : memref<200x128xf32, #tpu.memory_space<vmem>> -> memref<200x64xf32, #tpu.memory_space<vmem>>
    %dma_start3A_443 = arith.constant 0 : i32
    %dma_start3A_444 = arith.constant 0 : i32
    %dma_start3A_445 = tpu.memref_slice %arg2[%add3A_432, %dma_start3A_443, %dma_start3A_444] : memref<1024x200x64xf32, #tpu.memory_space<hbm>> -> memref<1x200x64xf32, #tpu.memory_space<hbm>>
    %dma_start3A_446 = tpu.memref_squeeze %dma_start3A_445 : memref<1x200x64xf32, #tpu.memory_space<hbm>> -> memref<200x64xf32, #tpu.memory_space<hbm>>
    tpu.enqueue_dma source(%dma_start3A_446 : memref<200x64xf32, #tpu.memory_space<hbm>>) target(%dma_start3A_442 : memref<200x64xf32, #tpu.memory_space<vmem>>) target_semaphore(%arg6 : memref<!tpu.dma_semaphore, #tpu.memory_space<semaphore_mem>>)
    %dma_wait3A_447 = arith.constant 0 : i32
    %dma_wait3A_448 = arith.constant 0 : i32
    %dma_wait3A_449 = tpu.memref_slice %arg5[%dma_wait3A_447, %dma_wait3A_448] : memref<200x128xf32, #tpu.memory_space<vmem>> -> memref<200x64xf32, #tpu.memory_space<vmem>>
    %dma_wait3A_450 = arith.constant 0 : i32
    %dma_wait3A_451 = arith.constant 0 : i32
    %dma_wait3A_452 = tpu.memref_slice %arg2[%add3A_432, %dma_wait3A_450, %dma_wait3A_451] : memref<1024x200x64xf32, #tpu.memory_space<hbm>> -> memref<1x200x64xf32, #tpu.memory_space<hbm>>
    %dma_wait3A_453 = tpu.memref_squeeze %dma_wait3A_452 : memref<1x200x64xf32, #tpu.memory_space<hbm>> -> memref<200x64xf32, #tpu.memory_space<hbm>>
    %dma_wait3A_454 = arith.constant 0 : i32
    %dma_wait3A_455 = arith.constant 0 : i32
    %dma_wait3A_456 = tpu.memref_slice %arg5[%dma_wait3A_454, %dma_wait3A_455] : memref<200x128xf32, #tpu.memory_space<vmem>> -> memref<200x64xf32, #tpu.memory_space<vmem>>
    %dma_wait3A_457 = arith.constant 0 : i32
    %dma_wait3A_458 = arith.constant 0 : i32
    %dma_wait3A_459 = tpu.memref_slice %arg2[%add3A_432, %dma_wait3A_457, %dma_wait3A_458] : memref<1024x200x64xf32, #tpu.memory_space<hbm>> -> memref<1x200x64xf32, #tpu.memory_space<hbm>>
    %dma_wait3A_460 = tpu.memref_squeeze %dma_wait3A_459 : memref<1x200x64xf32, #tpu.memory_space<hbm>> -> memref<200x64xf32, #tpu.memory_space<hbm>>
    tpu.wait_dma2 semaphore(%arg6 : memref<!tpu.dma_semaphore, #tpu.memory_space<semaphore_mem>>) src(%dma_wait3A_460 : memref<200x64xf32, #tpu.memory_space<hbm>>) dst(%dma_wait3A_456 : memref<200x64xf32, #tpu.memory_space<vmem>>)
    %dma_start3A_461 = arith.constant 0 : i32
    %dma_start3A_462 = arith.constant 0 : i32
    %dma_start3A_463 = tpu.memref_slice %arg5[%dma_start3A_461, %dma_start3A_462] : memref<200x128xf32, #tpu.memory_space<vmem>> -> memref<200x96xf32, #tpu.memory_space<vmem>>
    %dma_start3A_464 = arith.constant 0 : i32
    %dma_start3A_465 = arith.constant 0 : i32
    %dma_start3A_466 = tpu.memref_slice %arg4[%add3A_432, %dma_start3A_464, %dma_start3A_465] : memref<1024x200x96xf32, #tpu.memory_space<hbm>> -> memref<1x200x96xf32, #tpu.memory_space<hbm>>
    %dma_start3A_467 = tpu.memref_squeeze %dma_start3A_466 : memref<1x200x96xf32, #tpu.memory_space<hbm>> -> memref<200x96xf32, #tpu.memory_space<hbm>>
    %dma_start3A_468 = arith.constant 0 : i32
    %dma_start3A_469 = arith.constant 0 : i32
    %dma_start3A_470 = tpu.memref_slice %arg4[%add3A_432, %dma_start3A_468, %dma_start3A_469] : memref<1024x200x96xf32, #tpu.memory_space<hbm>> -> memref<1x200x96xf32, #tpu.memory_space<hbm>>
    %dma_start3A_471 = tpu.memref_squeeze %dma_start3A_470 : memref<1x200x96xf32, #tpu.memory_space<hbm>> -> memref<200x96xf32, #tpu.memory_space<hbm>>
    %dma_start3A_472 = arith.constant 0 : i32
    %dma_start3A_473 = arith.constant 0 : i32
    %dma_start3A_474 = tpu.memref_slice %arg5[%dma_start3A_472, %dma_start3A_473] : memref<200x128xf32, #tpu.memory_space<vmem>> -> memref<200x96xf32, #tpu.memory_space<vmem>>
    tpu.enqueue_dma source(%dma_start3A_474 : memref<200x96xf32, #tpu.memory_space<vmem>>) target(%dma_start3A_471 : memref<200x96xf32, #tpu.memory_space<hbm>>) target_semaphore(%arg6 : memref<!tpu.dma_semaphore, #tpu.memory_space<semaphore_mem>>)
    %dma_wait3A_475 = arith.constant 0 : i32
    %dma_wait3A_476 = arith.constant 0 : i32
    %dma_wait3A_477 = tpu.memref_slice %arg5[%dma_wait3A_475, %dma_wait3A_476] : memref<200x128xf32, #tpu.memory_space<vmem>> -> memref<200x96xf32, #tpu.memory_space<vmem>>
    %dma_wait3A_478 = arith.constant 0 : i32
    %dma_wait3A_479 = arith.constant 0 : i32
    %dma_wait3A_480 = tpu.memref_slice %arg4[%add3A_432, %dma_wait3A_478, %dma_wait3A_479] : memref<1024x200x96xf32, #tpu.memory_space<hbm>> -> memref<1x200x96xf32, #tpu.memory_space<hbm>>
    %dma_wait3A_481 = tpu.memref_squeeze %dma_wait3A_480 : memref<1x200x96xf32, #tpu.memory_space<hbm>> -> memref<200x96xf32, #tpu.memory_space<hbm>>
    %dma_wait3A_482 = arith.constant 0 : i32
    %dma_wait3A_483 = arith.constant 0 : i32
    %dma_wait3A_484 = tpu.memref_slice %arg4[%add3A_432, %dma_wait3A_482, %dma_wait3A_483] : memref<1024x200x96xf32, #tpu.memory_space<hbm>> -> memref<1x200x96xf32, #tpu.memory_space<hbm>>
    %dma_wait3A_485 = tpu.memref_squeeze %dma_wait3A_484 : memref<1x200x96xf32, #tpu.memory_space<hbm>> -> memref<200x96xf32, #tpu.memory_space<hbm>>
    %dma_wait3A_486 = arith.constant 0 : i32
    %dma_wait3A_487 = arith.constant 0 : i32
    %dma_wait3A_488 = tpu.memref_slice %arg5[%dma_wait3A_486, %dma_wait3A_487] : memref<200x128xf32, #tpu.memory_space<vmem>> -> memref<200x96xf32, #tpu.memory_space<vmem>>
    tpu.wait_dma2 semaphore(%arg6 : memref<!tpu.dma_semaphore, #tpu.memory_space<semaphore_mem>>) src(%dma_wait3A_488 : memref<200x96xf32, #tpu.memory_space<vmem>>) dst(%dma_wait3A_485 : memref<200x96xf32, #tpu.memory_space<hbm>>)
    %add3A_489 = arith.constant 8 : i32
    %add3A_490 = arith.addi %mul3A_2, %add3A_489 : i32
    %dma_start3A_491 = arith.constant 0 : i32
    %dma_start3A_492 = arith.constant 0 : i32
    %dma_start3A_493 = tpu.memref_slice %arg5[%dma_start3A_491, %dma_start3A_492] : memref<200x128xf32, #tpu.memory_space<vmem>> -> memref<200x64xf32, #tpu.memory_space<vmem>>
    %dma_start3A_494 = arith.constant 0 : i32
    %dma_start3A_495 = arith.constant 0 : i32
    %dma_start3A_496 = tpu.memref_slice %arg2[%add3A_490, %dma_start3A_494, %dma_start3A_495] : memref<1024x200x64xf32, #tpu.memory_space<hbm>> -> memref<1x200x64xf32, #tpu.memory_space<hbm>>
    %dma_start3A_497 = tpu.memref_squeeze %dma_start3A_496 : memref<1x200x64xf32, #tpu.memory_space<hbm>> -> memref<200x64xf32, #tpu.memory_space<hbm>>
    %dma_start3A_498 = arith.constant 0 : i32
    %dma_start3A_499 = arith.constant 0 : i32
    %dma_start3A_500 = tpu.memref_slice %arg5[%dma_start3A_498, %dma_start3A_499] : memref<200x128xf32, #tpu.memory_space<vmem>> -> memref<200x64xf32, #tpu.memory_space<vmem>>
    %dma_start3A_501 = arith.constant 0 : i32
    %dma_start3A_502 = arith.constant 0 : i32
    %dma_start3A_503 = tpu.memref_slice %arg2[%add3A_490, %dma_start3A_501, %dma_start3A_502] : memref<1024x200x64xf32, #tpu.memory_space<hbm>> -> memref<1x200x64xf32, #tpu.memory_space<hbm>>
    %dma_start3A_504 = tpu.memref_squeeze %dma_start3A_503 : memref<1x200x64xf32, #tpu.memory_space<hbm>> -> memref<200x64xf32, #tpu.memory_space<hbm>>
    tpu.enqueue_dma source(%dma_start3A_504 : memref<200x64xf32, #tpu.memory_space<hbm>>) target(%dma_start3A_500 : memref<200x64xf32, #tpu.memory_space<vmem>>) target_semaphore(%arg6 : memref<!tpu.dma_semaphore, #tpu.memory_space<semaphore_mem>>)
    %dma_wait3A_505 = arith.constant 0 : i32
    %dma_wait3A_506 = arith.constant 0 : i32
    %dma_wait3A_507 = tpu.memref_slice %arg5[%dma_wait3A_505, %dma_wait3A_506] : memref<200x128xf32, #tpu.memory_space<vmem>> -> memref<200x64xf32, #tpu.memory_space<vmem>>
    %dma_wait3A_508 = arith.constant 0 : i32
    %dma_wait3A_509 = arith.constant 0 : i32
    %dma_wait3A_510 = tpu.memref_slice %arg2[%add3A_490, %dma_wait3A_508, %dma_wait3A_509] : memref<1024x200x64xf32, #tpu.memory_space<hbm>> -> memref<1x200x64xf32, #tpu.memory_space<hbm>>
    %dma_wait3A_511 = tpu.memref_squeeze %dma_wait3A_510 : memref<1x200x64xf32, #tpu.memory_space<hbm>> -> memref<200x64xf32, #tpu.memory_space<hbm>>
    %dma_wait3A_512 = arith.constant 0 : i32
    %dma_wait3A_513 = arith.constant 0 : i32
    %dma_wait3A_514 = tpu.memref_slice %arg5[%dma_wait3A_512, %dma_wait3A_513] : memref<200x128xf32, #tpu.memory_space<vmem>> -> memref<200x64xf32, #tpu.memory_space<vmem>>
    %dma_wait3A_515 = arith.constant 0 : i32
    %dma_wait3A_516 = arith.constant 0 : i32
    %dma_wait3A_517 = tpu.memref_slice %arg2[%add3A_490, %dma_wait3A_515, %dma_wait3A_516] : memref<1024x200x64xf32, #tpu.memory_space<hbm>> -> memref<1x200x64xf32, #tpu.memory_space<hbm>>
    %dma_wait3A_518 = tpu.memref_squeeze %dma_wait3A_517 : memref<1x200x64xf32, #tpu.memory_space<hbm>> -> memref<200x64xf32, #tpu.memory_space<hbm>>
    tpu.wait_dma2 semaphore(%arg6 : memref<!tpu.dma_semaphore, #tpu.memory_space<semaphore_mem>>) src(%dma_wait3A_518 : memref<200x64xf32, #tpu.memory_space<hbm>>) dst(%dma_wait3A_514 : memref<200x64xf32, #tpu.memory_space<vmem>>)
    %dma_start3A_519 = arith.constant 0 : i32
    %dma_start3A_520 = arith.constant 0 : i32
    %dma_start3A_521 = tpu.memref_slice %arg5[%dma_start3A_519, %dma_start3A_520] : memref<200x128xf32, #tpu.memory_space<vmem>> -> memref<200x96xf32, #tpu.memory_space<vmem>>
    %dma_start3A_522 = arith.constant 0 : i32
    %dma_start3A_523 = arith.constant 0 : i32
    %dma_start3A_524 = tpu.memref_slice %arg4[%add3A_490, %dma_start3A_522, %dma_start3A_523] : memref<1024x200x96xf32, #tpu.memory_space<hbm>> -> memref<1x200x96xf32, #tpu.memory_space<hbm>>
    %dma_start3A_525 = tpu.memref_squeeze %dma_start3A_524 : memref<1x200x96xf32, #tpu.memory_space<hbm>> -> memref<200x96xf32, #tpu.memory_space<hbm>>
    %dma_start3A_526 = arith.constant 0 : i32
    %dma_start3A_527 = arith.constant 0 : i32
    %dma_start3A_528 = tpu.memref_slice %arg4[%add3A_490, %dma_start3A_526, %dma_start3A_527] : memref<1024x200x96xf32, #tpu.memory_space<hbm>> -> memref<1x200x96xf32, #tpu.memory_space<hbm>>
    %dma_start3A_529 = tpu.memref_squeeze %dma_start3A_528 : memref<1x200x96xf32, #tpu.memory_space<hbm>> -> memref<200x96xf32, #tpu.memory_space<hbm>>
    %dma_start3A_530 = arith.constant 0 : i32
    %dma_start3A_531 = arith.constant 0 : i32
    %dma_start3A_532 = tpu.memref_slice %arg5[%dma_start3A_530, %dma_start3A_531] : memref<200x128xf32, #tpu.memory_space<vmem>> -> memref<200x96xf32, #tpu.memory_space<vmem>>
    tpu.enqueue_dma source(%dma_start3A_532 : memref<200x96xf32, #tpu.memory_space<vmem>>) target(%dma_start3A_529 : memref<200x96xf32, #tpu.memory_space<hbm>>) target_semaphore(%arg6 : memref<!tpu.dma_semaphore, #tpu.memory_space<semaphore_mem>>)
    %dma_wait3A_533 = arith.constant 0 : i32
    %dma_wait3A_534 = arith.constant 0 : i32
    %dma_wait3A_535 = tpu.memref_slice %arg5[%dma_wait3A_533, %dma_wait3A_534] : memref<200x128xf32, #tpu.memory_space<vmem>> -> memref<200x96xf32, #tpu.memory_space<vmem>>
    %dma_wait3A_536 = arith.constant 0 : i32
    %dma_wait3A_537 = arith.constant 0 : i32
    %dma_wait3A_538 = tpu.memref_slice %arg4[%add3A_490, %dma_wait3A_536, %dma_wait3A_537] : memref<1024x200x96xf32, #tpu.memory_space<hbm>> -> memref<1x200x96xf32, #tpu.memory_space<hbm>>
    %dma_wait3A_539 = tpu.memref_squeeze %dma_wait3A_538 : memref<1x200x96xf32, #tpu.memory_space<hbm>> -> memref<200x96xf32, #tpu.memory_space<hbm>>
    %dma_wait3A_540 = arith.constant 0 : i32
    %dma_wait3A_541 = arith.constant 0 : i32
    %dma_wait3A_542 = tpu.memref_slice %arg4[%add3A_490, %dma_wait3A_540, %dma_wait3A_541] : memref<1024x200x96xf32, #tpu.memory_space<hbm>> -> memref<1x200x96xf32, #tpu.memory_space<hbm>>
    %dma_wait3A_543 = tpu.memref_squeeze %dma_wait3A_542 : memref<1x200x96xf32, #tpu.memory_space<hbm>> -> memref<200x96xf32, #tpu.memory_space<hbm>>
    %dma_wait3A_544 = arith.constant 0 : i32
    %dma_wait3A_545 = arith.constant 0 : i32
    %dma_wait3A_546 = tpu.memref_slice %arg5[%dma_wait3A_544, %dma_wait3A_545] : memref<200x128xf32, #tpu.memory_space<vmem>> -> memref<200x96xf32, #tpu.memory_space<vmem>>
    tpu.wait_dma2 semaphore(%arg6 : memref<!tpu.dma_semaphore, #tpu.memory_space<semaphore_mem>>) src(%dma_wait3A_546 : memref<200x96xf32, #tpu.memory_space<vmem>>) dst(%dma_wait3A_543 : memref<200x96xf32, #tpu.memory_space<hbm>>)
    %add3A_547 = arith.constant 9 : i32
    %add3A_548 = arith.addi %mul3A_2, %add3A_547 : i32
    %dma_start3A_549 = arith.constant 0 : i32
    %dma_start3A_550 = arith.constant 0 : i32
    %dma_start3A_551 = tpu.memref_slice %arg5[%dma_start3A_549, %dma_start3A_550] : memref<200x128xf32, #tpu.memory_space<vmem>> -> memref<200x64xf32, #tpu.memory_space<vmem>>
    %dma_start3A_552 = arith.constant 0 : i32
    %dma_start3A_553 = arith.constant 0 : i32
    %dma_start3A_554 = tpu.memref_slice %arg2[%add3A_548, %dma_start3A_552, %dma_start3A_553] : memref<1024x200x64xf32, #tpu.memory_space<hbm>> -> memref<1x200x64xf32, #tpu.memory_space<hbm>>
    %dma_start3A_555 = tpu.memref_squeeze %dma_start3A_554 : memref<1x200x64xf32, #tpu.memory_space<hbm>> -> memref<200x64xf32, #tpu.memory_space<hbm>>
    %dma_start3A_556 = arith.constant 0 : i32
    %dma_start3A_557 = arith.constant 0 : i32
    %dma_start3A_558 = tpu.memref_slice %arg5[%dma_start3A_556, %dma_start3A_557] : memref<200x128xf32, #tpu.memory_space<vmem>> -> memref<200x64xf32, #tpu.memory_space<vmem>>
    %dma_start3A_559 = arith.constant 0 : i32
    %dma_start3A_560 = arith.constant 0 : i32
    %dma_start3A_561 = tpu.memref_slice %arg2[%add3A_548, %dma_start3A_559, %dma_start3A_560] : memref<1024x200x64xf32, #tpu.memory_space<hbm>> -> memref<1x200x64xf32, #tpu.memory_space<hbm>>
    %dma_start3A_562 = tpu.memref_squeeze %dma_start3A_561 : memref<1x200x64xf32, #tpu.memory_space<hbm>> -> memref<200x64xf32, #tpu.memory_space<hbm>>
    tpu.enqueue_dma source(%dma_start3A_562 : memref<200x64xf32, #tpu.memory_space<hbm>>) target(%dma_start3A_558 : memref<200x64xf32, #tpu.memory_space<vmem>>) target_semaphore(%arg6 : memref<!tpu.dma_semaphore, #tpu.memory_space<semaphore_mem>>)
    %dma_wait3A_563 = arith.constant 0 : i32
    %dma_wait3A_564 = arith.constant 0 : i32
    %dma_wait3A_565 = tpu.memref_slice %arg5[%dma_wait3A_563, %dma_wait3A_564] : memref<200x128xf32, #tpu.memory_space<vmem>> -> memref<200x64xf32, #tpu.memory_space<vmem>>
    %dma_wait3A_566 = arith.constant 0 : i32
    %dma_wait3A_567 = arith.constant 0 : i32
    %dma_wait3A_568 = tpu.memref_slice %arg2[%add3A_548, %dma_wait3A_566, %dma_wait3A_567] : memref<1024x200x64xf32, #tpu.memory_space<hbm>> -> memref<1x200x64xf32, #tpu.memory_space<hbm>>
    %dma_wait3A_569 = tpu.memref_squeeze %dma_wait3A_568 : memref<1x200x64xf32, #tpu.memory_space<hbm>> -> memref<200x64xf32, #tpu.memory_space<hbm>>
    %dma_wait3A_570 = arith.constant 0 : i32
    %dma_wait3A_571 = arith.constant 0 : i32
    %dma_wait3A_572 = tpu.memref_slice %arg5[%dma_wait3A_570, %dma_wait3A_571] : memref<200x128xf32, #tpu.memory_space<vmem>> -> memref<200x64xf32, #tpu.memory_space<vmem>>
    %dma_wait3A_573 = arith.constant 0 : i32
    %dma_wait3A_574 = arith.constant 0 : i32
    %dma_wait3A_575 = tpu.memref_slice %arg2[%add3A_548, %dma_wait3A_573, %dma_wait3A_574] : memref<1024x200x64xf32, #tpu.memory_space<hbm>> -> memref<1x200x64xf32, #tpu.memory_space<hbm>>
    %dma_wait3A_576 = tpu.memref_squeeze %dma_wait3A_575 : memref<1x200x64xf32, #tpu.memory_space<hbm>> -> memref<200x64xf32, #tpu.memory_space<hbm>>
    tpu.wait_dma2 semaphore(%arg6 : memref<!tpu.dma_semaphore, #tpu.memory_space<semaphore_mem>>) src(%dma_wait3A_576 : memref<200x64xf32, #tpu.memory_space<hbm>>) dst(%dma_wait3A_572 : memref<200x64xf32, #tpu.memory_space<vmem>>)
    %dma_start3A_577 = arith.constant 0 : i32
    %dma_start3A_578 = arith.constant 0 : i32
    %dma_start3A_579 = tpu.memref_slice %arg5[%dma_start3A_577, %dma_start3A_578] : memref<200x128xf32, #tpu.memory_space<vmem>> -> memref<200x96xf32, #tpu.memory_space<vmem>>
    %dma_start3A_580 = arith.constant 0 : i32
    %dma_start3A_581 = arith.constant 0 : i32
    %dma_start3A_582 = tpu.memref_slice %arg4[%add3A_548, %dma_start3A_580, %dma_start3A_581] : memref<1024x200x96xf32, #tpu.memory_space<hbm>> -> memref<1x200x96xf32, #tpu.memory_space<hbm>>
    %dma_start3A_583 = tpu.memref_squeeze %dma_start3A_582 : memref<1x200x96xf32, #tpu.memory_space<hbm>> -> memref<200x96xf32, #tpu.memory_space<hbm>>
    %dma_start3A_584 = arith.constant 0 : i32
    %dma_start3A_585 = arith.constant 0 : i32
    %dma_start3A_586 = tpu.memref_slice %arg4[%add3A_548, %dma_start3A_584, %dma_start3A_585] : memref<1024x200x96xf32, #tpu.memory_space<hbm>> -> memref<1x200x96xf32, #tpu.memory_space<hbm>>
    %dma_start3A_587 = tpu.memref_squeeze %dma_start3A_586 : memref<1x200x96xf32, #tpu.memory_space<hbm>> -> memref<200x96xf32, #tpu.memory_space<hbm>>
    %dma_start3A_588 = arith.constant 0 : i32
    %dma_start3A_589 = arith.constant 0 : i32
    %dma_start3A_590 = tpu.memref_slice %arg5[%dma_start3A_588, %dma_start3A_589] : memref<200x128xf32, #tpu.memory_space<vmem>> -> memref<200x96xf32, #tpu.memory_space<vmem>>
    tpu.enqueue_dma source(%dma_start3A_590 : memref<200x96xf32, #tpu.memory_space<vmem>>) target(%dma_start3A_587 : memref<200x96xf32, #tpu.memory_space<hbm>>) target_semaphore(%arg6 : memref<!tpu.dma_semaphore, #tpu.memory_space<semaphore_mem>>)
    %dma_wait3A_591 = arith.constant 0 : i32
    %dma_wait3A_592 = arith.constant 0 : i32
    %dma_wait3A_593 = tpu.memref_slice %arg5[%dma_wait3A_591, %dma_wait3A_592] : memref<200x128xf32, #tpu.memory_space<vmem>> -> memref<200x96xf32, #tpu.memory_space<vmem>>
    %dma_wait3A_594 = arith.constant 0 : i32
    %dma_wait3A_595 = arith.constant 0 : i32
    %dma_wait3A_596 = tpu.memref_slice %arg4[%add3A_548, %dma_wait3A_594, %dma_wait3A_595] : memref<1024x200x96xf32, #tpu.memory_space<hbm>> -> memref<1x200x96xf32, #tpu.memory_space<hbm>>
    %dma_wait3A_597 = tpu.memref_squeeze %dma_wait3A_596 : memref<1x200x96xf32, #tpu.memory_space<hbm>> -> memref<200x96xf32, #tpu.memory_space<hbm>>
    %dma_wait3A_598 = arith.constant 0 : i32
    %dma_wait3A_599 = arith.constant 0 : i32
    %dma_wait3A_600 = tpu.memref_slice %arg4[%add3A_548, %dma_wait3A_598, %dma_wait3A_599] : memref<1024x200x96xf32, #tpu.memory_space<hbm>> -> memref<1x200x96xf32, #tpu.memory_space<hbm>>
    %dma_wait3A_601 = tpu.memref_squeeze %dma_wait3A_600 : memref<1x200x96xf32, #tpu.memory_space<hbm>> -> memref<200x96xf32, #tpu.memory_space<hbm>>
    %dma_wait3A_602 = arith.constant 0 : i32
    %dma_wait3A_603 = arith.constant 0 : i32
    %dma_wait3A_604 = tpu.memref_slice %arg5[%dma_wait3A_602, %dma_wait3A_603] : memref<200x128xf32, #tpu.memory_space<vmem>> -> memref<200x96xf32, #tpu.memory_space<vmem>>
    tpu.wait_dma2 semaphore(%arg6 : memref<!tpu.dma_semaphore, #tpu.memory_space<semaphore_mem>>) src(%dma_wait3A_604 : memref<200x96xf32, #tpu.memory_space<vmem>>) dst(%dma_wait3A_601 : memref<200x96xf32, #tpu.memory_space<hbm>>)
    %add3A_605 = arith.constant 10 : i32
    %add3A_606 = arith.addi %mul3A_2, %add3A_605 : i32
    %dma_start3A_607 = arith.constant 0 : i32
    %dma_start3A_608 = arith.constant 0 : i32
    %dma_start3A_609 = tpu.memref_slice %arg5[%dma_start3A_607, %dma_start3A_608] : memref<200x128xf32, #tpu.memory_space<vmem>> -> memref<200x64xf32, #tpu.memory_space<vmem>>
    %dma_start3A_610 = arith.constant 0 : i32
    %dma_start3A_611 = arith.constant 0 : i32
    %dma_start3A_612 = tpu.memref_slice %arg2[%add3A_606, %dma_start3A_610, %dma_start3A_611] : memref<1024x200x64xf32, #tpu.memory_space<hbm>> -> memref<1x200x64xf32, #tpu.memory_space<hbm>>
    %dma_start3A_613 = tpu.memref_squeeze %dma_start3A_612 : memref<1x200x64xf32, #tpu.memory_space<hbm>> -> memref<200x64xf32, #tpu.memory_space<hbm>>
    %dma_start3A_614 = arith.constant 0 : i32
    %dma_start3A_615 = arith.constant 0 : i32
    %dma_start3A_616 = tpu.memref_slice %arg5[%dma_start3A_614, %dma_start3A_615] : memref<200x128xf32, #tpu.memory_space<vmem>> -> memref<200x64xf32, #tpu.memory_space<vmem>>
    %dma_start3A_617 = arith.constant 0 : i32
    %dma_start3A_618 = arith.constant 0 : i32
    %dma_start3A_619 = tpu.memref_slice %arg2[%add3A_606, %dma_start3A_617, %dma_start3A_618] : memref<1024x200x64xf32, #tpu.memory_space<hbm>> -> memref<1x200x64xf32, #tpu.memory_space<hbm>>
    %dma_start3A_620 = tpu.memref_squeeze %dma_start3A_619 : memref<1x200x64xf32, #tpu.memory_space<hbm>> -> memref<200x64xf32, #tpu.memory_space<hbm>>
    tpu.enqueue_dma source(%dma_start3A_620 : memref<200x64xf32, #tpu.memory_space<hbm>>) target(%dma_start3A_616 : memref<200x64xf32, #tpu.memory_space<vmem>>) target_semaphore(%arg6 : memref<!tpu.dma_semaphore, #tpu.memory_space<semaphore_mem>>)
    %dma_wait3A_621 = arith.constant 0 : i32
    %dma_wait3A_622 = arith.constant 0 : i32
    %dma_wait3A_623 = tpu.memref_slice %arg5[%dma_wait3A_621, %dma_wait3A_622] : memref<200x128xf32, #tpu.memory_space<vmem>> -> memref<200x64xf32, #tpu.memory_space<vmem>>
    %dma_wait3A_624 = arith.constant 0 : i32
    %dma_wait3A_625 = arith.constant 0 : i32
    %dma_wait3A_626 = tpu.memref_slice %arg2[%add3A_606, %dma_wait3A_624, %dma_wait3A_625] : memref<1024x200x64xf32, #tpu.memory_space<hbm>> -> memref<1x200x64xf32, #tpu.memory_space<hbm>>
    %dma_wait3A_627 = tpu.memref_squeeze %dma_wait3A_626 : memref<1x200x64xf32, #tpu.memory_space<hbm>> -> memref<200x64xf32, #tpu.memory_space<hbm>>
    %dma_wait3A_628 = arith.constant 0 : i32
    %dma_wait3A_629 = arith.constant 0 : i32
    %dma_wait3A_630 = tpu.memref_slice %arg5[%dma_wait3A_628, %dma_wait3A_629] : memref<200x128xf32, #tpu.memory_space<vmem>> -> memref<200x64xf32, #tpu.memory_space<vmem>>
    %dma_wait3A_631 = arith.constant 0 : i32
    %dma_wait3A_632 = arith.constant 0 : i32
    %dma_wait3A_633 = tpu.memref_slice %arg2[%add3A_606, %dma_wait3A_631, %dma_wait3A_632] : memref<1024x200x64xf32, #tpu.memory_space<hbm>> -> memref<1x200x64xf32, #tpu.memory_space<hbm>>
    %dma_wait3A_634 = tpu.memref_squeeze %dma_wait3A_633 : memref<1x200x64xf32, #tpu.memory_space<hbm>> -> memref<200x64xf32, #tpu.memory_space<hbm>>
    tpu.wait_dma2 semaphore(%arg6 : memref<!tpu.dma_semaphore, #tpu.memory_space<semaphore_mem>>) src(%dma_wait3A_634 : memref<200x64xf32, #tpu.memory_space<hbm>>) dst(%dma_wait3A_630 : memref<200x64xf32, #tpu.memory_space<vmem>>)
    %dma_start3A_635 = arith.constant 0 : i32
    %dma_start3A_636 = arith.constant 0 : i32
    %dma_start3A_637 = tpu.memref_slice %arg5[%dma_start3A_635, %dma_start3A_636] : memref<200x128xf32, #tpu.memory_space<vmem>> -> memref<200x96xf32, #tpu.memory_space<vmem>>
    %dma_start3A_638 = arith.constant 0 : i32
    %dma_start3A_639 = arith.constant 0 : i32
    %dma_start3A_640 = tpu.memref_slice %arg4[%add3A_606, %dma_start3A_638, %dma_start3A_639] : memref<1024x200x96xf32, #tpu.memory_space<hbm>> -> memref<1x200x96xf32, #tpu.memory_space<hbm>>
    %dma_start3A_641 = tpu.memref_squeeze %dma_start3A_640 : memref<1x200x96xf32, #tpu.memory_space<hbm>> -> memref<200x96xf32, #tpu.memory_space<hbm>>
    %dma_start3A_642 = arith.constant 0 : i32
    %dma_start3A_643 = arith.constant 0 : i32
    %dma_start3A_644 = tpu.memref_slice %arg4[%add3A_606, %dma_start3A_642, %dma_start3A_643] : memref<1024x200x96xf32, #tpu.memory_space<hbm>> -> memref<1x200x96xf32, #tpu.memory_space<hbm>>
    %dma_start3A_645 = tpu.memref_squeeze %dma_start3A_644 : memref<1x200x96xf32, #tpu.memory_space<hbm>> -> memref<200x96xf32, #tpu.memory_space<hbm>>
    %dma_start3A_646 = arith.constant 0 : i32
    %dma_start3A_647 = arith.constant 0 : i32
    %dma_start3A_648 = tpu.memref_slice %arg5[%dma_start3A_646, %dma_start3A_647] : memref<200x128xf32, #tpu.memory_space<vmem>> -> memref<200x96xf32, #tpu.memory_space<vmem>>
    tpu.enqueue_dma source(%dma_start3A_648 : memref<200x96xf32, #tpu.memory_space<vmem>>) target(%dma_start3A_645 : memref<200x96xf32, #tpu.memory_space<hbm>>) target_semaphore(%arg6 : memref<!tpu.dma_semaphore, #tpu.memory_space<semaphore_mem>>)
    %dma_wait3A_649 = arith.constant 0 : i32
    %dma_wait3A_650 = arith.constant 0 : i32
    %dma_wait3A_651 = tpu.memref_slice %arg5[%dma_wait3A_649, %dma_wait3A_650] : memref<200x128xf32, #tpu.memory_space<vmem>> -> memref<200x96xf32, #tpu.memory_space<vmem>>
    %dma_wait3A_652 = arith.constant 0 : i32
    %dma_wait3A_653 = arith.constant 0 : i32
    %dma_wait3A_654 = tpu.memref_slice %arg4[%add3A_606, %dma_wait3A_652, %dma_wait3A_653] : memref<1024x200x96xf32, #tpu.memory_space<hbm>> -> memref<1x200x96xf32, #tpu.memory_space<hbm>>
    %dma_wait3A_655 = tpu.memref_squeeze %dma_wait3A_654 : memref<1x200x96xf32, #tpu.memory_space<hbm>> -> memref<200x96xf32, #tpu.memory_space<hbm>>
    %dma_wait3A_656 = arith.constant 0 : i32
    %dma_wait3A_657 = arith.constant 0 : i32
    %dma_wait3A_658 = tpu.memref_slice %arg4[%add3A_606, %dma_wait3A_656, %dma_wait3A_657] : memref<1024x200x96xf32, #tpu.memory_space<hbm>> -> memref<1x200x96xf32, #tpu.memory_space<hbm>>
    %dma_wait3A_659 = tpu.memref_squeeze %dma_wait3A_658 : memref<1x200x96xf32, #tpu.memory_space<hbm>> -> memref<200x96xf32, #tpu.memory_space<hbm>>
    %dma_wait3A_660 = arith.constant 0 : i32
    %dma_wait3A_661 = arith.constant 0 : i32
    %dma_wait3A_662 = tpu.memref_slice %arg5[%dma_wait3A_660, %dma_wait3A_661] : memref<200x128xf32, #tpu.memory_space<vmem>> -> memref<200x96xf32, #tpu.memory_space<vmem>>
    tpu.wait_dma2 semaphore(%arg6 : memref<!tpu.dma_semaphore, #tpu.memory_space<semaphore_mem>>) src(%dma_wait3A_662 : memref<200x96xf32, #tpu.memory_space<vmem>>) dst(%dma_wait3A_659 : memref<200x96xf32, #tpu.memory_space<hbm>>)
    %add3A_663 = arith.constant 11 : i32
    %add3A_664 = arith.addi %mul3A_2, %add3A_663 : i32
    %dma_start3A_665 = arith.constant 0 : i32
    %dma_start3A_666 = arith.constant 0 : i32
    %dma_start3A_667 = tpu.memref_slice %arg5[%dma_start3A_665, %dma_start3A_666] : memref<200x128xf32, #tpu.memory_space<vmem>> -> memref<200x64xf32, #tpu.memory_space<vmem>>
    %dma_start3A_668 = arith.constant 0 : i32
    %dma_start3A_669 = arith.constant 0 : i32
    %dma_start3A_670 = tpu.memref_slice %arg2[%add3A_664, %dma_start3A_668, %dma_start3A_669] : memref<1024x200x64xf32, #tpu.memory_space<hbm>> -> memref<1x200x64xf32, #tpu.memory_space<hbm>>
    %dma_start3A_671 = tpu.memref_squeeze %dma_start3A_670 : memref<1x200x64xf32, #tpu.memory_space<hbm>> -> memref<200x64xf32, #tpu.memory_space<hbm>>
    %dma_start3A_672 = arith.constant 0 : i32
    %dma_start3A_673 = arith.constant 0 : i32
    %dma_start3A_674 = tpu.memref_slice %arg5[%dma_start3A_672, %dma_start3A_673] : memref<200x128xf32, #tpu.memory_space<vmem>> -> memref<200x64xf32, #tpu.memory_space<vmem>>
    %dma_start3A_675 = arith.constant 0 : i32
    %dma_start3A_676 = arith.constant 0 : i32
    %dma_start3A_677 = tpu.memref_slice %arg2[%add3A_664, %dma_start3A_675, %dma_start3A_676] : memref<1024x200x64xf32, #tpu.memory_space<hbm>> -> memref<1x200x64xf32, #tpu.memory_space<hbm>>
    %dma_start3A_678 = tpu.memref_squeeze %dma_start3A_677 : memref<1x200x64xf32, #tpu.memory_space<hbm>> -> memref<200x64xf32, #tpu.memory_space<hbm>>
    tpu.enqueue_dma source(%dma_start3A_678 : memref<200x64xf32, #tpu.memory_space<hbm>>) target(%dma_start3A_674 : memref<200x64xf32, #tpu.memory_space<vmem>>) target_semaphore(%arg6 : memref<!tpu.dma_semaphore, #tpu.memory_space<semaphore_mem>>)
    %dma_wait3A_679 = arith.constant 0 : i32
    %dma_wait3A_680 = arith.constant 0 : i32
    %dma_wait3A_681 = tpu.memref_slice %arg5[%dma_wait3A_679, %dma_wait3A_680] : memref<200x128xf32, #tpu.memory_space<vmem>> -> memref<200x64xf32, #tpu.memory_space<vmem>>
    %dma_wait3A_682 = arith.constant 0 : i32
    %dma_wait3A_683 = arith.constant 0 : i32
    %dma_wait3A_684 = tpu.memref_slice %arg2[%add3A_664, %dma_wait3A_682, %dma_wait3A_683] : memref<1024x200x64xf32, #tpu.memory_space<hbm>> -> memref<1x200x64xf32, #tpu.memory_space<hbm>>
    %dma_wait3A_685 = tpu.memref_squeeze %dma_wait3A_684 : memref<1x200x64xf32, #tpu.memory_space<hbm>> -> memref<200x64xf32, #tpu.memory_space<hbm>>
    %dma_wait3A_686 = arith.constant 0 : i32
    %dma_wait3A_687 = arith.constant 0 : i32
    %dma_wait3A_688 = tpu.memref_slice %arg5[%dma_wait3A_686, %dma_wait3A_687] : memref<200x128xf32, #tpu.memory_space<vmem>> -> memref<200x64xf32, #tpu.memory_space<vmem>>
    %dma_wait3A_689 = arith.constant 0 : i32
    %dma_wait3A_690 = arith.constant 0 : i32
    %dma_wait3A_691 = tpu.memref_slice %arg2[%add3A_664, %dma_wait3A_689, %dma_wait3A_690] : memref<1024x200x64xf32, #tpu.memory_space<hbm>> -> memref<1x200x64xf32, #tpu.memory_space<hbm>>
    %dma_wait3A_692 = tpu.memref_squeeze %dma_wait3A_691 : memref<1x200x64xf32, #tpu.memory_space<hbm>> -> memref<200x64xf32, #tpu.memory_space<hbm>>
    tpu.wait_dma2 semaphore(%arg6 : memref<!tpu.dma_semaphore, #tpu.memory_space<semaphore_mem>>) src(%dma_wait3A_692 : memref<200x64xf32, #tpu.memory_space<hbm>>) dst(%dma_wait3A_688 : memref<200x64xf32, #tpu.memory_space<vmem>>)
    %dma_start3A_693 = arith.constant 0 : i32
    %dma_start3A_694 = arith.constant 0 : i32
    %dma_start3A_695 = tpu.memref_slice %arg5[%dma_start3A_693, %dma_start3A_694] : memref<200x128xf32, #tpu.memory_space<vmem>> -> memref<200x96xf32, #tpu.memory_space<vmem>>
    %dma_start3A_696 = arith.constant 0 : i32
    %dma_start3A_697 = arith.constant 0 : i32
    %dma_start3A_698 = tpu.memref_slice %arg4[%add3A_664, %dma_start3A_696, %dma_start3A_697] : memref<1024x200x96xf32, #tpu.memory_space<hbm>> -> memref<1x200x96xf32, #tpu.memory_space<hbm>>
    %dma_start3A_699 = tpu.memref_squeeze %dma_start3A_698 : memref<1x200x96xf32, #tpu.memory_space<hbm>> -> memref<200x96xf32, #tpu.memory_space<hbm>>
    %dma_start3A_700 = arith.constant 0 : i32
    %dma_start3A_701 = arith.constant 0 : i32
    %dma_start3A_702 = tpu.memref_slice %arg4[%add3A_664, %dma_start3A_700, %dma_start3A_701] : memref<1024x200x96xf32, #tpu.memory_space<hbm>> -> memref<1x200x96xf32, #tpu.memory_space<hbm>>
    %dma_start3A_703 = tpu.memref_squeeze %dma_start3A_702 : memref<1x200x96xf32, #tpu.memory_space<hbm>> -> memref<200x96xf32, #tpu.memory_space<hbm>>
    %dma_start3A_704 = arith.constant 0 : i32
    %dma_start3A_705 = arith.constant 0 : i32
    %dma_start3A_706 = tpu.memref_slice %arg5[%dma_start3A_704, %dma_start3A_705] : memref<200x128xf32, #tpu.memory_space<vmem>> -> memref<200x96xf32, #tpu.memory_space<vmem>>
    tpu.enqueue_dma source(%dma_start3A_706 : memref<200x96xf32, #tpu.memory_space<vmem>>) target(%dma_start3A_703 : memref<200x96xf32, #tpu.memory_space<hbm>>) target_semaphore(%arg6 : memref<!tpu.dma_semaphore, #tpu.memory_space<semaphore_mem>>)
    %dma_wait3A_707 = arith.constant 0 : i32
    %dma_wait3A_708 = arith.constant 0 : i32
    %dma_wait3A_709 = tpu.memref_slice %arg5[%dma_wait3A_707, %dma_wait3A_708] : memref<200x128xf32, #tpu.memory_space<vmem>> -> memref<200x96xf32, #tpu.memory_space<vmem>>
    %dma_wait3A_710 = arith.constant 0 : i32
    %dma_wait3A_711 = arith.constant 0 : i32
    %dma_wait3A_712 = tpu.memref_slice %arg4[%add3A_664, %dma_wait3A_710, %dma_wait3A_711] : memref<1024x200x96xf32, #tpu.memory_space<hbm>> -> memref<1x200x96xf32, #tpu.memory_space<hbm>>
    %dma_wait3A_713 = tpu.memref_squeeze %dma_wait3A_712 : memref<1x200x96xf32, #tpu.memory_space<hbm>> -> memref<200x96xf32, #tpu.memory_space<hbm>>
    %dma_wait3A_714 = arith.constant 0 : i32
    %dma_wait3A_715 = arith.constant 0 : i32
    %dma_wait3A_716 = tpu.memref_slice %arg4[%add3A_664, %dma_wait3A_714, %dma_wait3A_715] : memref<1024x200x96xf32, #tpu.memory_space<hbm>> -> memref<1x200x96xf32, #tpu.memory_space<hbm>>
    %dma_wait3A_717 = tpu.memref_squeeze %dma_wait3A_716 : memref<1x200x96xf32, #tpu.memory_space<hbm>> -> memref<200x96xf32, #tpu.memory_space<hbm>>
    %dma_wait3A_718 = arith.constant 0 : i32
    %dma_wait3A_719 = arith.constant 0 : i32
    %dma_wait3A_720 = tpu.memref_slice %arg5[%dma_wait3A_718, %dma_wait3A_719] : memref<200x128xf32, #tpu.memory_space<vmem>> -> memref<200x96xf32, #tpu.memory_space<vmem>>
    tpu.wait_dma2 semaphore(%arg6 : memref<!tpu.dma_semaphore, #tpu.memory_space<semaphore_mem>>) src(%dma_wait3A_720 : memref<200x96xf32, #tpu.memory_space<vmem>>) dst(%dma_wait3A_717 : memref<200x96xf32, #tpu.memory_space<hbm>>)
    %add3A_721 = arith.constant 12 : i32
    %add3A_722 = arith.addi %mul3A_2, %add3A_721 : i32
    %dma_start3A_723 = arith.constant 0 : i32
    %dma_start3A_724 = arith.constant 0 : i32
    %dma_start3A_725 = tpu.memref_slice %arg5[%dma_start3A_723, %dma_start3A_724] : memref<200x128xf32, #tpu.memory_space<vmem>> -> memref<200x64xf32, #tpu.memory_space<vmem>>
    %dma_start3A_726 = arith.constant 0 : i32
    %dma_start3A_727 = arith.constant 0 : i32
    %dma_start3A_728 = tpu.memref_slice %arg2[%add3A_722, %dma_start3A_726, %dma_start3A_727] : memref<1024x200x64xf32, #tpu.memory_space<hbm>> -> memref<1x200x64xf32, #tpu.memory_space<hbm>>
    %dma_start3A_729 = tpu.memref_squeeze %dma_start3A_728 : memref<1x200x64xf32, #tpu.memory_space<hbm>> -> memref<200x64xf32, #tpu.memory_space<hbm>>
    %dma_start3A_730 = arith.constant 0 : i32
    %dma_start3A_731 = arith.constant 0 : i32
    %dma_start3A_732 = tpu.memref_slice %arg5[%dma_start3A_730, %dma_start3A_731] : memref<200x128xf32, #tpu.memory_space<vmem>> -> memref<200x64xf32, #tpu.memory_space<vmem>>
    %dma_start3A_733 = arith.constant 0 : i32
    %dma_start3A_734 = arith.constant 0 : i32
    %dma_start3A_735 = tpu.memref_slice %arg2[%add3A_722, %dma_start3A_733, %dma_start3A_734] : memref<1024x200x64xf32, #tpu.memory_space<hbm>> -> memref<1x200x64xf32, #tpu.memory_space<hbm>>
    %dma_start3A_736 = tpu.memref_squeeze %dma_start3A_735 : memref<1x200x64xf32, #tpu.memory_space<hbm>> -> memref<200x64xf32, #tpu.memory_space<hbm>>
    tpu.enqueue_dma source(%dma_start3A_736 : memref<200x64xf32, #tpu.memory_space<hbm>>) target(%dma_start3A_732 : memref<200x64xf32, #tpu.memory_space<vmem>>) target_semaphore(%arg6 : memref<!tpu.dma_semaphore, #tpu.memory_space<semaphore_mem>>)
    %dma_wait3A_737 = arith.constant 0 : i32
    %dma_wait3A_738 = arith.constant 0 : i32
    %dma_wait3A_739 = tpu.memref_slice %arg5[%dma_wait3A_737, %dma_wait3A_738] : memref<200x128xf32, #tpu.memory_space<vmem>> -> memref<200x64xf32, #tpu.memory_space<vmem>>
    %dma_wait3A_740 = arith.constant 0 : i32
    %dma_wait3A_741 = arith.constant 0 : i32
    %dma_wait3A_742 = tpu.memref_slice %arg2[%add3A_722, %dma_wait3A_740, %dma_wait3A_741] : memref<1024x200x64xf32, #tpu.memory_space<hbm>> -> memref<1x200x64xf32, #tpu.memory_space<hbm>>
    %dma_wait3A_743 = tpu.memref_squeeze %dma_wait3A_742 : memref<1x200x64xf32, #tpu.memory_space<hbm>> -> memref<200x64xf32, #tpu.memory_space<hbm>>
    %dma_wait3A_744 = arith.constant 0 : i32
    %dma_wait3A_745 = arith.constant 0 : i32
    %dma_wait3A_746 = tpu.memref_slice %arg5[%dma_wait3A_744, %dma_wait3A_745] : memref<200x128xf32, #tpu.memory_space<vmem>> -> memref<200x64xf32, #tpu.memory_space<vmem>>
    %dma_wait3A_747 = arith.constant 0 : i32
    %dma_wait3A_748 = arith.constant 0 : i32
    %dma_wait3A_749 = tpu.memref_slice %arg2[%add3A_722, %dma_wait3A_747, %dma_wait3A_748] : memref<1024x200x64xf32, #tpu.memory_space<hbm>> -> memref<1x200x64xf32, #tpu.memory_space<hbm>>
    %dma_wait3A_750 = tpu.memref_squeeze %dma_wait3A_749 : memref<1x200x64xf32, #tpu.memory_space<hbm>> -> memref<200x64xf32, #tpu.memory_space<hbm>>
    tpu.wait_dma2 semaphore(%arg6 : memref<!tpu.dma_semaphore, #tpu.memory_space<semaphore_mem>>) src(%dma_wait3A_750 : memref<200x64xf32, #tpu.memory_space<hbm>>) dst(%dma_wait3A_746 : memref<200x64xf32, #tpu.memory_space<vmem>>)
    %dma_start3A_751 = arith.constant 0 : i32
    %dma_start3A_752 = arith.constant 0 : i32
    %dma_start3A_753 = tpu.memref_slice %arg5[%dma_start3A_751, %dma_start3A_752] : memref<200x128xf32, #tpu.memory_space<vmem>> -> memref<200x96xf32, #tpu.memory_space<vmem>>
    %dma_start3A_754 = arith.constant 0 : i32
    %dma_start3A_755 = arith.constant 0 : i32
    %dma_start3A_756 = tpu.memref_slice %arg4[%add3A_722, %dma_start3A_754, %dma_start3A_755] : memref<1024x200x96xf32, #tpu.memory_space<hbm>> -> memref<1x200x96xf32, #tpu.memory_space<hbm>>
    %dma_start3A_757 = tpu.memref_squeeze %dma_start3A_756 : memref<1x200x96xf32, #tpu.memory_space<hbm>> -> memref<200x96xf32, #tpu.memory_space<hbm>>
    %dma_start3A_758 = arith.constant 0 : i32
    %dma_start3A_759 = arith.constant 0 : i32
    %dma_start3A_760 = tpu.memref_slice %arg4[%add3A_722, %dma_start3A_758, %dma_start3A_759] : memref<1024x200x96xf32, #tpu.memory_space<hbm>> -> memref<1x200x96xf32, #tpu.memory_space<hbm>>
    %dma_start3A_761 = tpu.memref_squeeze %dma_start3A_760 : memref<1x200x96xf32, #tpu.memory_space<hbm>> -> memref<200x96xf32, #tpu.memory_space<hbm>>
    %dma_start3A_762 = arith.constant 0 : i32
    %dma_start3A_763 = arith.constant 0 : i32
    %dma_start3A_764 = tpu.memref_slice %arg5[%dma_start3A_762, %dma_start3A_763] : memref<200x128xf32, #tpu.memory_space<vmem>> -> memref<200x96xf32, #tpu.memory_space<vmem>>
    tpu.enqueue_dma source(%dma_start3A_764 : memref<200x96xf32, #tpu.memory_space<vmem>>) target(%dma_start3A_761 : memref<200x96xf32, #tpu.memory_space<hbm>>) target_semaphore(%arg6 : memref<!tpu.dma_semaphore, #tpu.memory_space<semaphore_mem>>)
    %dma_wait3A_765 = arith.constant 0 : i32
    %dma_wait3A_766 = arith.constant 0 : i32
    %dma_wait3A_767 = tpu.memref_slice %arg5[%dma_wait3A_765, %dma_wait3A_766] : memref<200x128xf32, #tpu.memory_space<vmem>> -> memref<200x96xf32, #tpu.memory_space<vmem>>
    %dma_wait3A_768 = arith.constant 0 : i32
    %dma_wait3A_769 = arith.constant 0 : i32
    %dma_wait3A_770 = tpu.memref_slice %arg4[%add3A_722, %dma_wait3A_768, %dma_wait3A_769] : memref<1024x200x96xf32, #tpu.memory_space<hbm>> -> memref<1x200x96xf32, #tpu.memory_space<hbm>>
    %dma_wait3A_771 = tpu.memref_squeeze %dma_wait3A_770 : memref<1x200x96xf32, #tpu.memory_space<hbm>> -> memref<200x96xf32, #tpu.memory_space<hbm>>
    %dma_wait3A_772 = arith.constant 0 : i32
    %dma_wait3A_773 = arith.constant 0 : i32
    %dma_wait3A_774 = tpu.memref_slice %arg4[%add3A_722, %dma_wait3A_772, %dma_wait3A_773] : memref<1024x200x96xf32, #tpu.memory_space<hbm>> -> memref<1x200x96xf32, #tpu.memory_space<hbm>>
    %dma_wait3A_775 = tpu.memref_squeeze %dma_wait3A_774 : memref<1x200x96xf32, #tpu.memory_space<hbm>> -> memref<200x96xf32, #tpu.memory_space<hbm>>
    %dma_wait3A_776 = arith.constant 0 : i32
    %dma_wait3A_777 = arith.constant 0 : i32
    %dma_wait3A_778 = tpu.memref_slice %arg5[%dma_wait3A_776, %dma_wait3A_777] : memref<200x128xf32, #tpu.memory_space<vmem>> -> memref<200x96xf32, #tpu.memory_space<vmem>>
    tpu.wait_dma2 semaphore(%arg6 : memref<!tpu.dma_semaphore, #tpu.memory_space<semaphore_mem>>) src(%dma_wait3A_778 : memref<200x96xf32, #tpu.memory_space<vmem>>) dst(%dma_wait3A_775 : memref<200x96xf32, #tpu.memory_space<hbm>>)
    %add3A_779 = arith.constant 13 : i32
    %add3A_780 = arith.addi %mul3A_2, %add3A_779 : i32
    %dma_start3A_781 = arith.constant 0 : i32
    %dma_start3A_782 = arith.constant 0 : i32
    %dma_start3A_783 = tpu.memref_slice %arg5[%dma_start3A_781, %dma_start3A_782] : memref<200x128xf32, #tpu.memory_space<vmem>> -> memref<200x64xf32, #tpu.memory_space<vmem>>
    %dma_start3A_784 = arith.constant 0 : i32
    %dma_start3A_785 = arith.constant 0 : i32
    %dma_start3A_786 = tpu.memref_slice %arg2[%add3A_780, %dma_start3A_784, %dma_start3A_785] : memref<1024x200x64xf32, #tpu.memory_space<hbm>> -> memref<1x200x64xf32, #tpu.memory_space<hbm>>
    %dma_start3A_787 = tpu.memref_squeeze %dma_start3A_786 : memref<1x200x64xf32, #tpu.memory_space<hbm>> -> memref<200x64xf32, #tpu.memory_space<hbm>>
    %dma_start3A_788 = arith.constant 0 : i32
    %dma_start3A_789 = arith.constant 0 : i32
    %dma_start3A_790 = tpu.memref_slice %arg5[%dma_start3A_788, %dma_start3A_789] : memref<200x128xf32, #tpu.memory_space<vmem>> -> memref<200x64xf32, #tpu.memory_space<vmem>>
    %dma_start3A_791 = arith.constant 0 : i32
    %dma_start3A_792 = arith.constant 0 : i32
    %dma_start3A_793 = tpu.memref_slice %arg2[%add3A_780, %dma_start3A_791, %dma_start3A_792] : memref<1024x200x64xf32, #tpu.memory_space<hbm>> -> memref<1x200x64xf32, #tpu.memory_space<hbm>>
    %dma_start3A_794 = tpu.memref_squeeze %dma_start3A_793 : memref<1x200x64xf32, #tpu.memory_space<hbm>> -> memref<200x64xf32, #tpu.memory_space<hbm>>
    tpu.enqueue_dma source(%dma_start3A_794 : memref<200x64xf32, #tpu.memory_space<hbm>>) target(%dma_start3A_790 : memref<200x64xf32, #tpu.memory_space<vmem>>) target_semaphore(%arg6 : memref<!tpu.dma_semaphore, #tpu.memory_space<semaphore_mem>>)
    %dma_wait3A_795 = arith.constant 0 : i32
    %dma_wait3A_796 = arith.constant 0 : i32
    %dma_wait3A_797 = tpu.memref_slice %arg5[%dma_wait3A_795, %dma_wait3A_796] : memref<200x128xf32, #tpu.memory_space<vmem>> -> memref<200x64xf32, #tpu.memory_space<vmem>>
    %dma_wait3A_798 = arith.constant 0 : i32
    %dma_wait3A_799 = arith.constant 0 : i32
    %dma_wait3A_800 = tpu.memref_slice %arg2[%add3A_780, %dma_wait3A_798, %dma_wait3A_799] : memref<1024x200x64xf32, #tpu.memory_space<hbm>> -> memref<1x200x64xf32, #tpu.memory_space<hbm>>
    %dma_wait3A_801 = tpu.memref_squeeze %dma_wait3A_800 : memref<1x200x64xf32, #tpu.memory_space<hbm>> -> memref<200x64xf32, #tpu.memory_space<hbm>>
    %dma_wait3A_802 = arith.constant 0 : i32
    %dma_wait3A_803 = arith.constant 0 : i32
    %dma_wait3A_804 = tpu.memref_slice %arg5[%dma_wait3A_802, %dma_wait3A_803] : memref<200x128xf32, #tpu.memory_space<vmem>> -> memref<200x64xf32, #tpu.memory_space<vmem>>
    %dma_wait3A_805 = arith.constant 0 : i32
    %dma_wait3A_806 = arith.constant 0 : i32
    %dma_wait3A_807 = tpu.memref_slice %arg2[%add3A_780, %dma_wait3A_805, %dma_wait3A_806] : memref<1024x200x64xf32, #tpu.memory_space<hbm>> -> memref<1x200x64xf32, #tpu.memory_space<hbm>>
    %dma_wait3A_808 = tpu.memref_squeeze %dma_wait3A_807 : memref<1x200x64xf32, #tpu.memory_space<hbm>> -> memref<200x64xf32, #tpu.memory_space<hbm>>
    tpu.wait_dma2 semaphore(%arg6 : memref<!tpu.dma_semaphore, #tpu.memory_space<semaphore_mem>>) src(%dma_wait3A_808 : memref<200x64xf32, #tpu.memory_space<hbm>>) dst(%dma_wait3A_804 : memref<200x64xf32, #tpu.memory_space<vmem>>)
    %dma_start3A_809 = arith.constant 0 : i32
    %dma_start3A_810 = arith.constant 0 : i32
    %dma_start3A_811 = tpu.memref_slice %arg5[%dma_start3A_809, %dma_start3A_810] : memref<200x128xf32, #tpu.memory_space<vmem>> -> memref<200x96xf32, #tpu.memory_space<vmem>>
    %dma_start3A_812 = arith.constant 0 : i32
    %dma_start3A_813 = arith.constant 0 : i32
    %dma_start3A_814 = tpu.memref_slice %arg4[%add3A_780, %dma_start3A_812, %dma_start3A_813] : memref<1024x200x96xf32, #tpu.memory_space<hbm>> -> memref<1x200x96xf32, #tpu.memory_space<hbm>>
    %dma_start3A_815 = tpu.memref_squeeze %dma_start3A_814 : memref<1x200x96xf32, #tpu.memory_space<hbm>> -> memref<200x96xf32, #tpu.memory_space<hbm>>
    %dma_start3A_816 = arith.constant 0 : i32
    %dma_start3A_817 = arith.constant 0 : i32
    %dma_start3A_818 = tpu.memref_slice %arg4[%add3A_780, %dma_start3A_816, %dma_start3A_817] : memref<1024x200x96xf32, #tpu.memory_space<hbm>> -> memref<1x200x96xf32, #tpu.memory_space<hbm>>
    %dma_start3A_819 = tpu.memref_squeeze %dma_start3A_818 : memref<1x200x96xf32, #tpu.memory_space<hbm>> -> memref<200x96xf32, #tpu.memory_space<hbm>>
    %dma_start3A_820 = arith.constant 0 : i32
    %dma_start3A_821 = arith.constant 0 : i32
    %dma_start3A_822 = tpu.memref_slice %arg5[%dma_start3A_820, %dma_start3A_821] : memref<200x128xf32, #tpu.memory_space<vmem>> -> memref<200x96xf32, #tpu.memory_space<vmem>>
    tpu.enqueue_dma source(%dma_start3A_822 : memref<200x96xf32, #tpu.memory_space<vmem>>) target(%dma_start3A_819 : memref<200x96xf32, #tpu.memory_space<hbm>>) target_semaphore(%arg6 : memref<!tpu.dma_semaphore, #tpu.memory_space<semaphore_mem>>)
    %dma_wait3A_823 = arith.constant 0 : i32
    %dma_wait3A_824 = arith.constant 0 : i32
    %dma_wait3A_825 = tpu.memref_slice %arg5[%dma_wait3A_823, %dma_wait3A_824] : memref<200x128xf32, #tpu.memory_space<vmem>> -> memref<200x96xf32, #tpu.memory_space<vmem>>
    %dma_wait3A_826 = arith.constant 0 : i32
    %dma_wait3A_827 = arith.constant 0 : i32
    %dma_wait3A_828 = tpu.memref_slice %arg4[%add3A_780, %dma_wait3A_826, %dma_wait3A_827] : memref<1024x200x96xf32, #tpu.memory_space<hbm>> -> memref<1x200x96xf32, #tpu.memory_space<hbm>>
    %dma_wait3A_829 = tpu.memref_squeeze %dma_wait3A_828 : memref<1x200x96xf32, #tpu.memory_space<hbm>> -> memref<200x96xf32, #tpu.memory_space<hbm>>
    %dma_wait3A_830 = arith.constant 0 : i32
    %dma_wait3A_831 = arith.constant 0 : i32
    %dma_wait3A_832 = tpu.memref_slice %arg4[%add3A_780, %dma_wait3A_830, %dma_wait3A_831] : memref<1024x200x96xf32, #tpu.memory_space<hbm>> -> memref<1x200x96xf32, #tpu.memory_space<hbm>>
    %dma_wait3A_833 = tpu.memref_squeeze %dma_wait3A_832 : memref<1x200x96xf32, #tpu.memory_space<hbm>> -> memref<200x96xf32, #tpu.memory_space<hbm>>
    %dma_wait3A_834 = arith.constant 0 : i32
    %dma_wait3A_835 = arith.constant 0 : i32
    %dma_wait3A_836 = tpu.memref_slice %arg5[%dma_wait3A_834, %dma_wait3A_835] : memref<200x128xf32, #tpu.memory_space<vmem>> -> memref<200x96xf32, #tpu.memory_space<vmem>>
    tpu.wait_dma2 semaphore(%arg6 : memref<!tpu.dma_semaphore, #tpu.memory_space<semaphore_mem>>) src(%dma_wait3A_836 : memref<200x96xf32, #tpu.memory_space<vmem>>) dst(%dma_wait3A_833 : memref<200x96xf32, #tpu.memory_space<hbm>>)
    %add3A_837 = arith.constant 14 : i32
    %add3A_838 = arith.addi %mul3A_2, %add3A_837 : i32
    %dma_start3A_839 = arith.constant 0 : i32
    %dma_start3A_840 = arith.constant 0 : i32
    %dma_start3A_841 = tpu.memref_slice %arg5[%dma_start3A_839, %dma_start3A_840] : memref<200x128xf32, #tpu.memory_space<vmem>> -> memref<200x64xf32, #tpu.memory_space<vmem>>
    %dma_start3A_842 = arith.constant 0 : i32
    %dma_start3A_843 = arith.constant 0 : i32
    %dma_start3A_844 = tpu.memref_slice %arg2[%add3A_838, %dma_start3A_842, %dma_start3A_843] : memref<1024x200x64xf32, #tpu.memory_space<hbm>> -> memref<1x200x64xf32, #tpu.memory_space<hbm>>
    %dma_start3A_845 = tpu.memref_squeeze %dma_start3A_844 : memref<1x200x64xf32, #tpu.memory_space<hbm>> -> memref<200x64xf32, #tpu.memory_space<hbm>>
    %dma_start3A_846 = arith.constant 0 : i32
    %dma_start3A_847 = arith.constant 0 : i32
    %dma_start3A_848 = tpu.memref_slice %arg5[%dma_start3A_846, %dma_start3A_847] : memref<200x128xf32, #tpu.memory_space<vmem>> -> memref<200x64xf32, #tpu.memory_space<vmem>>
    %dma_start3A_849 = arith.constant 0 : i32
    %dma_start3A_850 = arith.constant 0 : i32
    %dma_start3A_851 = tpu.memref_slice %arg2[%add3A_838, %dma_start3A_849, %dma_start3A_850] : memref<1024x200x64xf32, #tpu.memory_space<hbm>> -> memref<1x200x64xf32, #tpu.memory_space<hbm>>
    %dma_start3A_852 = tpu.memref_squeeze %dma_start3A_851 : memref<1x200x64xf32, #tpu.memory_space<hbm>> -> memref<200x64xf32, #tpu.memory_space<hbm>>
    tpu.enqueue_dma source(%dma_start3A_852 : memref<200x64xf32, #tpu.memory_space<hbm>>) target(%dma_start3A_848 : memref<200x64xf32, #tpu.memory_space<vmem>>) target_semaphore(%arg6 : memref<!tpu.dma_semaphore, #tpu.memory_space<semaphore_mem>>)
    %dma_wait3A_853 = arith.constant 0 : i32
    %dma_wait3A_854 = arith.constant 0 : i32
    %dma_wait3A_855 = tpu.memref_slice %arg5[%dma_wait3A_853, %dma_wait3A_854] : memref<200x128xf32, #tpu.memory_space<vmem>> -> memref<200x64xf32, #tpu.memory_space<vmem>>
    %dma_wait3A_856 = arith.constant 0 : i32
    %dma_wait3A_857 = arith.constant 0 : i32
    %dma_wait3A_858 = tpu.memref_slice %arg2[%add3A_838, %dma_wait3A_856, %dma_wait3A_857] : memref<1024x200x64xf32, #tpu.memory_space<hbm>> -> memref<1x200x64xf32, #tpu.memory_space<hbm>>
    %dma_wait3A_859 = tpu.memref_squeeze %dma_wait3A_858 : memref<1x200x64xf32, #tpu.memory_space<hbm>> -> memref<200x64xf32, #tpu.memory_space<hbm>>
    %dma_wait3A_860 = arith.constant 0 : i32
    %dma_wait3A_861 = arith.constant 0 : i32
    %dma_wait3A_862 = tpu.memref_slice %arg5[%dma_wait3A_860, %dma_wait3A_861] : memref<200x128xf32, #tpu.memory_space<vmem>> -> memref<200x64xf32, #tpu.memory_space<vmem>>
    %dma_wait3A_863 = arith.constant 0 : i32
    %dma_wait3A_864 = arith.constant 0 : i32
    %dma_wait3A_865 = tpu.memref_slice %arg2[%add3A_838, %dma_wait3A_863, %dma_wait3A_864] : memref<1024x200x64xf32, #tpu.memory_space<hbm>> -> memref<1x200x64xf32, #tpu.memory_space<hbm>>
    %dma_wait3A_866 = tpu.memref_squeeze %dma_wait3A_865 : memref<1x200x64xf32, #tpu.memory_space<hbm>> -> memref<200x64xf32, #tpu.memory_space<hbm>>
    tpu.wait_dma2 semaphore(%arg6 : memref<!tpu.dma_semaphore, #tpu.memory_space<semaphore_mem>>) src(%dma_wait3A_866 : memref<200x64xf32, #tpu.memory_space<hbm>>) dst(%dma_wait3A_862 : memref<200x64xf32, #tpu.memory_space<vmem>>)
    %dma_start3A_867 = arith.constant 0 : i32
    %dma_start3A_868 = arith.constant 0 : i32
    %dma_start3A_869 = tpu.memref_slice %arg5[%dma_start3A_867, %dma_start3A_868] : memref<200x128xf32, #tpu.memory_space<vmem>> -> memref<200x96xf32, #tpu.memory_space<vmem>>
    %dma_start3A_870 = arith.constant 0 : i32
    %dma_start3A_871 = arith.constant 0 : i32
    %dma_start3A_872 = tpu.memref_slice %arg4[%add3A_838, %dma_start3A_870, %dma_start3A_871] : memref<1024x200x96xf32, #tpu.memory_space<hbm>> -> memref<1x200x96xf32, #tpu.memory_space<hbm>>
    %dma_start3A_873 = tpu.memref_squeeze %dma_start3A_872 : memref<1x200x96xf32, #tpu.memory_space<hbm>> -> memref<200x96xf32, #tpu.memory_space<hbm>>
    %dma_start3A_874 = arith.constant 0 : i32
    %dma_start3A_875 = arith.constant 0 : i32
    %dma_start3A_876 = tpu.memref_slice %arg4[%add3A_838, %dma_start3A_874, %dma_start3A_875] : memref<1024x200x96xf32, #tpu.memory_space<hbm>> -> memref<1x200x96xf32, #tpu.memory_space<hbm>>
    %dma_start3A_877 = tpu.memref_squeeze %dma_start3A_876 : memref<1x200x96xf32, #tpu.memory_space<hbm>> -> memref<200x96xf32, #tpu.memory_space<hbm>>
    %dma_start3A_878 = arith.constant 0 : i32
    %dma_start3A_879 = arith.constant 0 : i32
    %dma_start3A_880 = tpu.memref_slice %arg5[%dma_start3A_878, %dma_start3A_879] : memref<200x128xf32, #tpu.memory_space<vmem>> -> memref<200x96xf32, #tpu.memory_space<vmem>>
    tpu.enqueue_dma source(%dma_start3A_880 : memref<200x96xf32, #tpu.memory_space<vmem>>) target(%dma_start3A_877 : memref<200x96xf32, #tpu.memory_space<hbm>>) target_semaphore(%arg6 : memref<!tpu.dma_semaphore, #tpu.memory_space<semaphore_mem>>)
    %dma_wait3A_881 = arith.constant 0 : i32
    %dma_wait3A_882 = arith.constant 0 : i32
    %dma_wait3A_883 = tpu.memref_slice %arg5[%dma_wait3A_881, %dma_wait3A_882] : memref<200x128xf32, #tpu.memory_space<vmem>> -> memref<200x96xf32, #tpu.memory_space<vmem>>
    %dma_wait3A_884 = arith.constant 0 : i32
    %dma_wait3A_885 = arith.constant 0 : i32
    %dma_wait3A_886 = tpu.memref_slice %arg4[%add3A_838, %dma_wait3A_884, %dma_wait3A_885] : memref<1024x200x96xf32, #tpu.memory_space<hbm>> -> memref<1x200x96xf32, #tpu.memory_space<hbm>>
    %dma_wait3A_887 = tpu.memref_squeeze %dma_wait3A_886 : memref<1x200x96xf32, #tpu.memory_space<hbm>> -> memref<200x96xf32, #tpu.memory_space<hbm>>
    %dma_wait3A_888 = arith.constant 0 : i32
    %dma_wait3A_889 = arith.constant 0 : i32
    %dma_wait3A_890 = tpu.memref_slice %arg4[%add3A_838, %dma_wait3A_888, %dma_wait3A_889] : memref<1024x200x96xf32, #tpu.memory_space<hbm>> -> memref<1x200x96xf32, #tpu.memory_space<hbm>>
    %dma_wait3A_891 = tpu.memref_squeeze %dma_wait3A_890 : memref<1x200x96xf32, #tpu.memory_space<hbm>> -> memref<200x96xf32, #tpu.memory_space<hbm>>
    %dma_wait3A_892 = arith.constant 0 : i32
    %dma_wait3A_893 = arith.constant 0 : i32
    %dma_wait3A_894 = tpu.memref_slice %arg5[%dma_wait3A_892, %dma_wait3A_893] : memref<200x128xf32, #tpu.memory_space<vmem>> -> memref<200x96xf32, #tpu.memory_space<vmem>>
    tpu.wait_dma2 semaphore(%arg6 : memref<!tpu.dma_semaphore, #tpu.memory_space<semaphore_mem>>) src(%dma_wait3A_894 : memref<200x96xf32, #tpu.memory_space<vmem>>) dst(%dma_wait3A_891 : memref<200x96xf32, #tpu.memory_space<hbm>>)
    %add3A_895 = arith.constant 15 : i32
    %add3A_896 = arith.addi %mul3A_2, %add3A_895 : i32
    %dma_start3A_897 = arith.constant 0 : i32
    %dma_start3A_898 = arith.constant 0 : i32
    %dma_start3A_899 = tpu.memref_slice %arg5[%dma_start3A_897, %dma_start3A_898] : memref<200x128xf32, #tpu.memory_space<vmem>> -> memref<200x64xf32, #tpu.memory_space<vmem>>
    %dma_start3A_900 = arith.constant 0 : i32
    %dma_start3A_901 = arith.constant 0 : i32
    %dma_start3A_902 = tpu.memref_slice %arg2[%add3A_896, %dma_start3A_900, %dma_start3A_901] : memref<1024x200x64xf32, #tpu.memory_space<hbm>> -> memref<1x200x64xf32, #tpu.memory_space<hbm>>
    %dma_start3A_903 = tpu.memref_squeeze %dma_start3A_902 : memref<1x200x64xf32, #tpu.memory_space<hbm>> -> memref<200x64xf32, #tpu.memory_space<hbm>>
    %dma_start3A_904 = arith.constant 0 : i32
    %dma_start3A_905 = arith.constant 0 : i32
    %dma_start3A_906 = tpu.memref_slice %arg5[%dma_start3A_904, %dma_start3A_905] : memref<200x128xf32, #tpu.memory_space<vmem>> -> memref<200x64xf32, #tpu.memory_space<vmem>>
    %dma_start3A_907 = arith.constant 0 : i32
    %dma_start3A_908 = arith.constant 0 : i32
    %dma_start3A_909 = tpu.memref_slice %arg2[%add3A_896, %dma_start3A_907, %dma_start3A_908] : memref<1024x200x64xf32, #tpu.memory_space<hbm>> -> memref<1x200x64xf32, #tpu.memory_space<hbm>>
    %dma_start3A_910 = tpu.memref_squeeze %dma_start3A_909 : memref<1x200x64xf32, #tpu.memory_space<hbm>> -> memref<200x64xf32, #tpu.memory_space<hbm>>
    tpu.enqueue_dma source(%dma_start3A_910 : memref<200x64xf32, #tpu.memory_space<hbm>>) target(%dma_start3A_906 : memref<200x64xf32, #tpu.memory_space<vmem>>) target_semaphore(%arg6 : memref<!tpu.dma_semaphore, #tpu.memory_space<semaphore_mem>>)
    %dma_wait3A_911 = arith.constant 0 : i32
    %dma_wait3A_912 = arith.constant 0 : i32
    %dma_wait3A_913 = tpu.memref_slice %arg5[%dma_wait3A_911, %dma_wait3A_912] : memref<200x128xf32, #tpu.memory_space<vmem>> -> memref<200x64xf32, #tpu.memory_space<vmem>>
    %dma_wait3A_914 = arith.constant 0 : i32
    %dma_wait3A_915 = arith.constant 0 : i32
    %dma_wait3A_916 = tpu.memref_slice %arg2[%add3A_896, %dma_wait3A_914, %dma_wait3A_915] : memref<1024x200x64xf32, #tpu.memory_space<hbm>> -> memref<1x200x64xf32, #tpu.memory_space<hbm>>
    %dma_wait3A_917 = tpu.memref_squeeze %dma_wait3A_916 : memref<1x200x64xf32, #tpu.memory_space<hbm>> -> memref<200x64xf32, #tpu.memory_space<hbm>>
    %dma_wait3A_918 = arith.constant 0 : i32
    %dma_wait3A_919 = arith.constant 0 : i32
    %dma_wait3A_920 = tpu.memref_slice %arg5[%dma_wait3A_918, %dma_wait3A_919] : memref<200x128xf32, #tpu.memory_space<vmem>> -> memref<200x64xf32, #tpu.memory_space<vmem>>
    %dma_wait3A_921 = arith.constant 0 : i32
    %dma_wait3A_922 = arith.constant 0 : i32
    %dma_wait3A_923 = tpu.memref_slice %arg2[%add3A_896, %dma_wait3A_921, %dma_wait3A_922] : memref<1024x200x64xf32, #tpu.memory_space<hbm>> -> memref<1x200x64xf32, #tpu.memory_space<hbm>>
    %dma_wait3A_924 = tpu.memref_squeeze %dma_wait3A_923 : memref<1x200x64xf32, #tpu.memory_space<hbm>> -> memref<200x64xf32, #tpu.memory_space<hbm>>
    tpu.wait_dma2 semaphore(%arg6 : memref<!tpu.dma_semaphore, #tpu.memory_space<semaphore_mem>>) src(%dma_wait3A_924 : memref<200x64xf32, #tpu.memory_space<hbm>>) dst(%dma_wait3A_920 : memref<200x64xf32, #tpu.memory_space<vmem>>)
    %dma_start3A_925 = arith.constant 0 : i32
    %dma_start3A_926 = arith.constant 0 : i32
    %dma_start3A_927 = tpu.memref_slice %arg5[%dma_start3A_925, %dma_start3A_926] : memref<200x128xf32, #tpu.memory_space<vmem>> -> memref<200x96xf32, #tpu.memory_space<vmem>>
    %dma_start3A_928 = arith.constant 0 : i32
    %dma_start3A_929 = arith.constant 0 : i32
    %dma_start3A_930 = tpu.memref_slice %arg4[%add3A_896, %dma_start3A_928, %dma_start3A_929] : memref<1024x200x96xf32, #tpu.memory_space<hbm>> -> memref<1x200x96xf32, #tpu.memory_space<hbm>>
    %dma_start3A_931 = tpu.memref_squeeze %dma_start3A_930 : memref<1x200x96xf32, #tpu.memory_space<hbm>> -> memref<200x96xf32, #tpu.memory_space<hbm>>
    %dma_start3A_932 = arith.constant 0 : i32
    %dma_start3A_933 = arith.constant 0 : i32
    %dma_start3A_934 = tpu.memref_slice %arg4[%add3A_896, %dma_start3A_932, %dma_start3A_933] : memref<1024x200x96xf32, #tpu.memory_space<hbm>> -> memref<1x200x96xf32, #tpu.memory_space<hbm>>
    %dma_start3A_935 = tpu.memref_squeeze %dma_start3A_934 : memref<1x200x96xf32, #tpu.memory_space<hbm>> -> memref<200x96xf32, #tpu.memory_space<hbm>>
    %dma_start3A_936 = arith.constant 0 : i32
    %dma_start3A_937 = arith.constant 0 : i32
    %dma_start3A_938 = tpu.memref_slice %arg5[%dma_start3A_936, %dma_start3A_937] : memref<200x128xf32, #tpu.memory_space<vmem>> -> memref<200x96xf32, #tpu.memory_space<vmem>>
    tpu.enqueue_dma source(%dma_start3A_938 : memref<200x96xf32, #tpu.memory_space<vmem>>) target(%dma_start3A_935 : memref<200x96xf32, #tpu.memory_space<hbm>>) target_semaphore(%arg6 : memref<!tpu.dma_semaphore, #tpu.memory_space<semaphore_mem>>)
    %dma_wait3A_939 = arith.constant 0 : i32
    %dma_wait3A_940 = arith.constant 0 : i32
    %dma_wait3A_941 = tpu.memref_slice %arg5[%dma_wait3A_939, %dma_wait3A_940] : memref<200x128xf32, #tpu.memory_space<vmem>> -> memref<200x96xf32, #tpu.memory_space<vmem>>
    %dma_wait3A_942 = arith.constant 0 : i32
    %dma_wait3A_943 = arith.constant 0 : i32
    %dma_wait3A_944 = tpu.memref_slice %arg4[%add3A_896, %dma_wait3A_942, %dma_wait3A_943] : memref<1024x200x96xf32, #tpu.memory_space<hbm>> -> memref<1x200x96xf32, #tpu.memory_space<hbm>>
    %dma_wait3A_945 = tpu.memref_squeeze %dma_wait3A_944 : memref<1x200x96xf32, #tpu.memory_space<hbm>> -> memref<200x96xf32, #tpu.memory_space<hbm>>
    %dma_wait3A_946 = arith.constant 0 : i32
    %dma_wait3A_947 = arith.constant 0 : i32
    %dma_wait3A_948 = tpu.memref_slice %arg4[%add3A_896, %dma_wait3A_946, %dma_wait3A_947] : memref<1024x200x96xf32, #tpu.memory_space<hbm>> -> memref<1x200x96xf32, #tpu.memory_space<hbm>>
    %dma_wait3A_949 = tpu.memref_squeeze %dma_wait3A_948 : memref<1x200x96xf32, #tpu.memory_space<hbm>> -> memref<200x96xf32, #tpu.memory_space<hbm>>
    %dma_wait3A_950 = arith.constant 0 : i32
    %dma_wait3A_951 = arith.constant 0 : i32
    %dma_wait3A_952 = tpu.memref_slice %arg5[%dma_wait3A_950, %dma_wait3A_951] : memref<200x128xf32, #tpu.memory_space<vmem>> -> memref<200x96xf32, #tpu.memory_space<vmem>>
    tpu.wait_dma2 semaphore(%arg6 : memref<!tpu.dma_semaphore, #tpu.memory_space<semaphore_mem>>) src(%dma_wait3A_952 : memref<200x96xf32, #tpu.memory_space<vmem>>) dst(%dma_wait3A_949 : memref<200x96xf32, #tpu.memory_space<hbm>>)
    %add3A_953 = arith.constant 16 : i32
    %add3A_954 = arith.addi %mul3A_2, %add3A_953 : i32
    %dma_start3A_955 = arith.constant 0 : i32
    %dma_start3A_956 = arith.constant 0 : i32
    %dma_start3A_957 = tpu.memref_slice %arg5[%dma_start3A_955, %dma_start3A_956] : memref<200x128xf32, #tpu.memory_space<vmem>> -> memref<200x64xf32, #tpu.memory_space<vmem>>
    %dma_start3A_958 = arith.constant 0 : i32
    %dma_start3A_959 = arith.constant 0 : i32
    %dma_start3A_960 = tpu.memref_slice %arg2[%add3A_954, %dma_start3A_958, %dma_start3A_959] : memref<1024x200x64xf32, #tpu.memory_space<hbm>> -> memref<1x200x64xf32, #tpu.memory_space<hbm>>
    %dma_start3A_961 = tpu.memref_squeeze %dma_start3A_960 : memref<1x200x64xf32, #tpu.memory_space<hbm>> -> memref<200x64xf32, #tpu.memory_space<hbm>>
    %dma_start3A_962 = arith.constant 0 : i32
    %dma_start3A_963 = arith.constant 0 : i32
    %dma_start3A_964 = tpu.memref_slice %arg5[%dma_start3A_962, %dma_start3A_963] : memref<200x128xf32, #tpu.memory_space<vmem>> -> memref<200x64xf32, #tpu.memory_space<vmem>>
    %dma_start3A_965 = arith.constant 0 : i32
    %dma_start3A_966 = arith.constant 0 : i32
    %dma_start3A_967 = tpu.memref_slice %arg2[%add3A_954, %dma_start3A_965, %dma_start3A_966] : memref<1024x200x64xf32, #tpu.memory_space<hbm>> -> memref<1x200x64xf32, #tpu.memory_space<hbm>>
    %dma_start3A_968 = tpu.memref_squeeze %dma_start3A_967 : memref<1x200x64xf32, #tpu.memory_space<hbm>> -> memref<200x64xf32, #tpu.memory_space<hbm>>
    tpu.enqueue_dma source(%dma_start3A_968 : memref<200x64xf32, #tpu.memory_space<hbm>>) target(%dma_start3A_964 : memref<200x64xf32, #tpu.memory_space<vmem>>) target_semaphore(%arg6 : memref<!tpu.dma_semaphore, #tpu.memory_space<semaphore_mem>>)
    %dma_wait3A_969 = arith.constant 0 : i32
    %dma_wait3A_970 = arith.constant 0 : i32
    %dma_wait3A_971 = tpu.memref_slice %arg5[%dma_wait3A_969, %dma_wait3A_970] : memref<200x128xf32, #tpu.memory_space<vmem>> -> memref<200x64xf32, #tpu.memory_space<vmem>>
    %dma_wait3A_972 = arith.constant 0 : i32
    %dma_wait3A_973 = arith.constant 0 : i32
    %dma_wait3A_974 = tpu.memref_slice %arg2[%add3A_954, %dma_wait3A_972, %dma_wait3A_973] : memref<1024x200x64xf32, #tpu.memory_space<hbm>> -> memref<1x200x64xf32, #tpu.memory_space<hbm>>
    %dma_wait3A_975 = tpu.memref_squeeze %dma_wait3A_974 : memref<1x200x64xf32, #tpu.memory_space<hbm>> -> memref<200x64xf32, #tpu.memory_space<hbm>>
    %dma_wait3A_976 = arith.constant 0 : i32
    %dma_wait3A_977 = arith.constant 0 : i32
    %dma_wait3A_978 = tpu.memref_slice %arg5[%dma_wait3A_976, %dma_wait3A_977] : memref<200x128xf32, #tpu.memory_space<vmem>> -> memref<200x64xf32, #tpu.memory_space<vmem>>
    %dma_wait3A_979 = arith.constant 0 : i32
    %dma_wait3A_980 = arith.constant 0 : i32
    %dma_wait3A_981 = tpu.memref_slice %arg2[%add3A_954, %dma_wait3A_979, %dma_wait3A_980] : memref<1024x200x64xf32, #tpu.memory_space<hbm>> -> memref<1x200x64xf32, #tpu.memory_space<hbm>>
    %dma_wait3A_982 = tpu.memref_squeeze %dma_wait3A_981 : memref<1x200x64xf32, #tpu.memory_space<hbm>> -> memref<200x64xf32, #tpu.memory_space<hbm>>
    tpu.wait_dma2 semaphore(%arg6 : memref<!tpu.dma_semaphore, #tpu.memory_space<semaphore_mem>>) src(%dma_wait3A_982 : memref<200x64xf32, #tpu.memory_space<hbm>>) dst(%dma_wait3A_978 : memref<200x64xf32, #tpu.memory_space<vmem>>)
    %dma_start3A_983 = arith.constant 0 : i32
    %dma_start3A_984 = arith.constant 0 : i32
    %dma_start3A_985 = tpu.memref_slice %arg5[%dma_start3A_983, %dma_start3A_984] : memref<200x128xf32, #tpu.memory_space<vmem>> -> memref<200x96xf32, #tpu.memory_space<vmem>>
    %dma_start3A_986 = arith.constant 0 : i32
    %dma_start3A_987 = arith.constant 0 : i32
    %dma_start3A_988 = tpu.memref_slice %arg4[%add3A_954, %dma_start3A_986, %dma_start3A_987] : memref<1024x200x96xf32, #tpu.memory_space<hbm>> -> memref<1x200x96xf32, #tpu.memory_space<hbm>>
    %dma_start3A_989 = tpu.memref_squeeze %dma_start3A_988 : memref<1x200x96xf32, #tpu.memory_space<hbm>> -> memref<200x96xf32, #tpu.memory_space<hbm>>
    %dma_start3A_990 = arith.constant 0 : i32
    %dma_start3A_991 = arith.constant 0 : i32
    %dma_start3A_992 = tpu.memref_slice %arg4[%add3A_954, %dma_start3A_990, %dma_start3A_991] : memref<1024x200x96xf32, #tpu.memory_space<hbm>> -> memref<1x200x96xf32, #tpu.memory_space<hbm>>
    %dma_start3A_993 = tpu.memref_squeeze %dma_start3A_992 : memref<1x200x96xf32, #tpu.memory_space<hbm>> -> memref<200x96xf32, #tpu.memory_space<hbm>>
    %dma_start3A_994 = arith.constant 0 : i32
    %dma_start3A_995 = arith.constant 0 : i32
    %dma_start3A_996 = tpu.memref_slice %arg5[%dma_start3A_994, %dma_start3A_995] : memref<200x128xf32, #tpu.memory_space<vmem>> -> memref<200x96xf32, #tpu.memory_space<vmem>>
    tpu.enqueue_dma source(%dma_start3A_996 : memref<200x96xf32, #tpu.memory_space<vmem>>) target(%dma_start3A_993 : memref<200x96xf32, #tpu.memory_space<hbm>>) target_semaphore(%arg6 : memref<!tpu.dma_semaphore, #tpu.memory_space<semaphore_mem>>)
    %dma_wait3A_997 = arith.constant 0 : i32
    %dma_wait3A_998 = arith.constant 0 : i32
    %dma_wait3A_999 = tpu.memref_slice %arg5[%dma_wait3A_997, %dma_wait3A_998] : memref<200x128xf32, #tpu.memory_space<vmem>> -> memref<200x96xf32, #tpu.memory_space<vmem>>
    %dma_wait3A_1000 = arith.constant 0 : i32
    %dma_wait3A_1001 = arith.constant 0 : i32
    %dma_wait3A_1002 = tpu.memref_slice %arg4[%add3A_954, %dma_wait3A_1000, %dma_wait3A_1001] : memref<1024x200x96xf32, #tpu.memory_space<hbm>> -> memref<1x200x96xf32, #tpu.memory_space<hbm>>
    %dma_wait3A_1003 = tpu.memref_squeeze %dma_wait3A_1002 : memref<1x200x96xf32, #tpu.memory_space<hbm>> -> memref<200x96xf32, #tpu.memory_space<hbm>>
    %dma_wait3A_1004 = arith.constant 0 : i32
    %dma_wait3A_1005 = arith.constant 0 : i32
    %dma_wait3A_1006 = tpu.memref_slice %arg4[%add3A_954, %dma_wait3A_1004, %dma_wait3A_1005] : memref<1024x200x96xf32, #tpu.memory_space<hbm>> -> memref<1x200x96xf32, #tpu.memory_space<hbm>>
    %dma_wait3A_1007 = tpu.memref_squeeze %dma_wait3A_1006 : memref<1x200x96xf32, #tpu.memory_space<hbm>> -> memref<200x96xf32, #tpu.memory_space<hbm>>
    %dma_wait3A_1008 = arith.constant 0 : i32
    %dma_wait3A_1009 = arith.constant 0 : i32
    %dma_wait3A_1010 = tpu.memref_slice %arg5[%dma_wait3A_1008, %dma_wait3A_1009] : memref<200x128xf32, #tpu.memory_space<vmem>> -> memref<200x96xf32, #tpu.memory_space<vmem>>
    tpu.wait_dma2 semaphore(%arg6 : memref<!tpu.dma_semaphore, #tpu.memory_space<semaphore_mem>>) src(%dma_wait3A_1010 : memref<200x96xf32, #tpu.memory_space<vmem>>) dst(%dma_wait3A_1007 : memref<200x96xf32, #tpu.memory_space<hbm>>)
    %add3A_1011 = arith.constant 17 : i32
    %add3A_1012 = arith.addi %mul3A_2, %add3A_1011 : i32
    %dma_start3A_1013 = arith.constant 0 : i32
    %dma_start3A_1014 = arith.constant 0 : i32
    %dma_start3A_1015 = tpu.memref_slice %arg5[%dma_start3A_1013, %dma_start3A_1014] : memref<200x128xf32, #tpu.memory_space<vmem>> -> memref<200x64xf32, #tpu.memory_space<vmem>>
    %dma_start3A_1016 = arith.constant 0 : i32
    %dma_start3A_1017 = arith.constant 0 : i32
    %dma_start3A_1018 = tpu.memref_slice %arg2[%add3A_1012, %dma_start3A_1016, %dma_start3A_1017] : memref<1024x200x64xf32, #tpu.memory_space<hbm>> -> memref<1x200x64xf32, #tpu.memory_space<hbm>>
    %dma_start3A_1019 = tpu.memref_squeeze %dma_start3A_1018 : memref<1x200x64xf32, #tpu.memory_space<hbm>> -> memref<200x64xf32, #tpu.memory_space<hbm>>
    %dma_start3A_1020 = arith.constant 0 : i32
    %dma_start3A_1021 = arith.constant 0 : i32
    %dma_start3A_1022 = tpu.memref_slice %arg5[%dma_start3A_1020, %dma_start3A_1021] : memref<200x128xf32, #tpu.memory_space<vmem>> -> memref<200x64xf32, #tpu.memory_space<vmem>>
    %dma_start3A_1023 = arith.constant 0 : i32
    %dma_start3A_1024 = arith.constant 0 : i32
    %dma_start3A_1025 = tpu.memref_slice %arg2[%add3A_1012, %dma_start3A_1023, %dma_start3A_1024] : memref<1024x200x64xf32, #tpu.memory_space<hbm>> -> memref<1x200x64xf32, #tpu.memory_space<hbm>>
    %dma_start3A_1026 = tpu.memref_squeeze %dma_start3A_1025 : memref<1x200x64xf32, #tpu.memory_space<hbm>> -> memref<200x64xf32, #tpu.memory_space<hbm>>
    tpu.enqueue_dma source(%dma_start3A_1026 : memref<200x64xf32, #tpu.memory_space<hbm>>) target(%dma_start3A_1022 : memref<200x64xf32, #tpu.memory_space<vmem>>) target_semaphore(%arg6 : memref<!tpu.dma_semaphore, #tpu.memory_space<semaphore_mem>>)
    %dma_wait3A_1027 = arith.constant 0 : i32
    %dma_wait3A_1028 = arith.constant 0 : i32
    %dma_wait3A_1029 = tpu.memref_slice %arg5[%dma_wait3A_1027, %dma_wait3A_1028] : memref<200x128xf32, #tpu.memory_space<vmem>> -> memref<200x64xf32, #tpu.memory_space<vmem>>
    %dma_wait3A_1030 = arith.constant 0 : i32
    %dma_wait3A_1031 = arith.constant 0 : i32
    %dma_wait3A_1032 = tpu.memref_slice %arg2[%add3A_1012, %dma_wait3A_1030, %dma_wait3A_1031] : memref<1024x200x64xf32, #tpu.memory_space<hbm>> -> memref<1x200x64xf32, #tpu.memory_space<hbm>>
    %dma_wait3A_1033 = tpu.memref_squeeze %dma_wait3A_1032 : memref<1x200x64xf32, #tpu.memory_space<hbm>> -> memref<200x64xf32, #tpu.memory_space<hbm>>
    %dma_wait3A_1034 = arith.constant 0 : i32
    %dma_wait3A_1035 = arith.constant 0 : i32
    %dma_wait3A_1036 = tpu.memref_slice %arg5[%dma_wait3A_1034, %dma_wait3A_1035] : memref<200x128xf32, #tpu.memory_space<vmem>> -> memref<200x64xf32, #tpu.memory_space<vmem>>
    %dma_wait3A_1037 = arith.constant 0 : i32
    %dma_wait3A_1038 = arith.constant 0 : i32
    %dma_wait3A_1039 = tpu.memref_slice %arg2[%add3A_1012, %dma_wait3A_1037, %dma_wait3A_1038] : memref<1024x200x64xf32, #tpu.memory_space<hbm>> -> memref<1x200x64xf32, #tpu.memory_space<hbm>>
    %dma_wait3A_1040 = tpu.memref_squeeze %dma_wait3A_1039 : memref<1x200x64xf32, #tpu.memory_space<hbm>> -> memref<200x64xf32, #tpu.memory_space<hbm>>
    tpu.wait_dma2 semaphore(%arg6 : memref<!tpu.dma_semaphore, #tpu.memory_space<semaphore_mem>>) src(%dma_wait3A_1040 : memref<200x64xf32, #tpu.memory_space<hbm>>) dst(%dma_wait3A_1036 : memref<200x64xf32, #tpu.memory_space<vmem>>)
    %dma_start3A_1041 = arith.constant 0 : i32
    %dma_start3A_1042 = arith.constant 0 : i32
    %dma_start3A_1043 = tpu.memref_slice %arg5[%dma_start3A_1041, %dma_start3A_1042] : memref<200x128xf32, #tpu.memory_space<vmem>> -> memref<200x96xf32, #tpu.memory_space<vmem>>
    %dma_start3A_1044 = arith.constant 0 : i32
    %dma_start3A_1045 = arith.constant 0 : i32
    %dma_start3A_1046 = tpu.memref_slice %arg4[%add3A_1012, %dma_start3A_1044, %dma_start3A_1045] : memref<1024x200x96xf32, #tpu.memory_space<hbm>> -> memref<1x200x96xf32, #tpu.memory_space<hbm>>
    %dma_start3A_1047 = tpu.memref_squeeze %dma_start3A_1046 : memref<1x200x96xf32, #tpu.memory_space<hbm>> -> memref<200x96xf32, #tpu.memory_space<hbm>>
    %dma_start3A_1048 = arith.constant 0 : i32
    %dma_start3A_1049 = arith.constant 0 : i32
    %dma_start3A_1050 = tpu.memref_slice %arg4[%add3A_1012, %dma_start3A_1048, %dma_start3A_1049] : memref<1024x200x96xf32, #tpu.memory_space<hbm>> -> memref<1x200x96xf32, #tpu.memory_space<hbm>>
    %dma_start3A_1051 = tpu.memref_squeeze %dma_start3A_1050 : memref<1x200x96xf32, #tpu.memory_space<hbm>> -> memref<200x96xf32, #tpu.memory_space<hbm>>
    %dma_start3A_1052 = arith.constant 0 : i32
    %dma_start3A_1053 = arith.constant 0 : i32
    %dma_start3A_1054 = tpu.memref_slice %arg5[%dma_start3A_1052, %dma_start3A_1053] : memref<200x128xf32, #tpu.memory_space<vmem>> -> memref<200x96xf32, #tpu.memory_space<vmem>>
    tpu.enqueue_dma source(%dma_start3A_1054 : memref<200x96xf32, #tpu.memory_space<vmem>>) target(%dma_start3A_1051 : memref<200x96xf32, #tpu.memory_space<hbm>>) target_semaphore(%arg6 : memref<!tpu.dma_semaphore, #tpu.memory_space<semaphore_mem>>)
    %dma_wait3A_1055 = arith.constant 0 : i32
    %dma_wait3A_1056 = arith.constant 0 : i32
    %dma_wait3A_1057 = tpu.memref_slice %arg5[%dma_wait3A_1055, %dma_wait3A_1056] : memref<200x128xf32, #tpu.memory_space<vmem>> -> memref<200x96xf32, #tpu.memory_space<vmem>>
    %dma_wait3A_1058 = arith.constant 0 : i32
    %dma_wait3A_1059 = arith.constant 0 : i32
    %dma_wait3A_1060 = tpu.memref_slice %arg4[%add3A_1012, %dma_wait3A_1058, %dma_wait3A_1059] : memref<1024x200x96xf32, #tpu.memory_space<hbm>> -> memref<1x200x96xf32, #tpu.memory_space<hbm>>
    %dma_wait3A_1061 = tpu.memref_squeeze %dma_wait3A_1060 : memref<1x200x96xf32, #tpu.memory_space<hbm>> -> memref<200x96xf32, #tpu.memory_space<hbm>>
    %dma_wait3A_1062 = arith.constant 0 : i32
    %dma_wait3A_1063 = arith.constant 0 : i32
    %dma_wait3A_1064 = tpu.memref_slice %arg4[%add3A_1012, %dma_wait3A_1062, %dma_wait3A_1063] : memref<1024x200x96xf32, #tpu.memory_space<hbm>> -> memref<1x200x96xf32, #tpu.memory_space<hbm>>
    %dma_wait3A_1065 = tpu.memref_squeeze %dma_wait3A_1064 : memref<1x200x96xf32, #tpu.memory_space<hbm>> -> memref<200x96xf32, #tpu.memory_space<hbm>>
    %dma_wait3A_1066 = arith.constant 0 : i32
    %dma_wait3A_1067 = arith.constant 0 : i32
    %dma_wait3A_1068 = tpu.memref_slice %arg5[%dma_wait3A_1066, %dma_wait3A_1067] : memref<200x128xf32, #tpu.memory_space<vmem>> -> memref<200x96xf32, #tpu.memory_space<vmem>>
    tpu.wait_dma2 semaphore(%arg6 : memref<!tpu.dma_semaphore, #tpu.memory_space<semaphore_mem>>) src(%dma_wait3A_1068 : memref<200x96xf32, #tpu.memory_space<vmem>>) dst(%dma_wait3A_1065 : memref<200x96xf32, #tpu.memory_space<hbm>>)
    %add3A_1069 = arith.constant 18 : i32
    %add3A_1070 = arith.addi %mul3A_2, %add3A_1069 : i32
    %dma_start3A_1071 = arith.constant 0 : i32
    %dma_start3A_1072 = arith.constant 0 : i32
    %dma_start3A_1073 = tpu.memref_slice %arg5[%dma_start3A_1071, %dma_start3A_1072] : memref<200x128xf32, #tpu.memory_space<vmem>> -> memref<200x64xf32, #tpu.memory_space<vmem>>
    %dma_start3A_1074 = arith.constant 0 : i32
    %dma_start3A_1075 = arith.constant 0 : i32
    %dma_start3A_1076 = tpu.memref_slice %arg2[%add3A_1070, %dma_start3A_1074, %dma_start3A_1075] : memref<1024x200x64xf32, #tpu.memory_space<hbm>> -> memref<1x200x64xf32, #tpu.memory_space<hbm>>
    %dma_start3A_1077 = tpu.memref_squeeze %dma_start3A_1076 : memref<1x200x64xf32, #tpu.memory_space<hbm>> -> memref<200x64xf32, #tpu.memory_space<hbm>>
    %dma_start3A_1078 = arith.constant 0 : i32
    %dma_start3A_1079 = arith.constant 0 : i32
    %dma_start3A_1080 = tpu.memref_slice %arg5[%dma_start3A_1078, %dma_start3A_1079] : memref<200x128xf32, #tpu.memory_space<vmem>> -> memref<200x64xf32, #tpu.memory_space<vmem>>
    %dma_start3A_1081 = arith.constant 0 : i32
    %dma_start3A_1082 = arith.constant 0 : i32
    %dma_start3A_1083 = tpu.memref_slice %arg2[%add3A_1070, %dma_start3A_1081, %dma_start3A_1082] : memref<1024x200x64xf32, #tpu.memory_space<hbm>> -> memref<1x200x64xf32, #tpu.memory_space<hbm>>
    %dma_start3A_1084 = tpu.memref_squeeze %dma_start3A_1083 : memref<1x200x64xf32, #tpu.memory_space<hbm>> -> memref<200x64xf32, #tpu.memory_space<hbm>>
    tpu.enqueue_dma source(%dma_start3A_1084 : memref<200x64xf32, #tpu.memory_space<hbm>>) target(%dma_start3A_1080 : memref<200x64xf32, #tpu.memory_space<vmem>>) target_semaphore(%arg6 : memref<!tpu.dma_semaphore, #tpu.memory_space<semaphore_mem>>)
    %dma_wait3A_1085 = arith.constant 0 : i32
    %dma_wait3A_1086 = arith.constant 0 : i32
    %dma_wait3A_1087 = tpu.memref_slice %arg5[%dma_wait3A_1085, %dma_wait3A_1086] : memref<200x128xf32, #tpu.memory_space<vmem>> -> memref<200x64xf32, #tpu.memory_space<vmem>>
    %dma_wait3A_1088 = arith.constant 0 : i32
    %dma_wait3A_1089 = arith.constant 0 : i32
    %dma_wait3A_1090 = tpu.memref_slice %arg2[%add3A_1070, %dma_wait3A_1088, %dma_wait3A_1089] : memref<1024x200x64xf32, #tpu.memory_space<hbm>> -> memref<1x200x64xf32, #tpu.memory_space<hbm>>
    %dma_wait3A_1091 = tpu.memref_squeeze %dma_wait3A_1090 : memref<1x200x64xf32, #tpu.memory_space<hbm>> -> memref<200x64xf32, #tpu.memory_space<hbm>>
    %dma_wait3A_1092 = arith.constant 0 : i32
    %dma_wait3A_1093 = arith.constant 0 : i32
    %dma_wait3A_1094 = tpu.memref_slice %arg5[%dma_wait3A_1092, %dma_wait3A_1093] : memref<200x128xf32, #tpu.memory_space<vmem>> -> memref<200x64xf32, #tpu.memory_space<vmem>>
    %dma_wait3A_1095 = arith.constant 0 : i32
    %dma_wait3A_1096 = arith.constant 0 : i32
    %dma_wait3A_1097 = tpu.memref_slice %arg2[%add3A_1070, %dma_wait3A_1095, %dma_wait3A_1096] : memref<1024x200x64xf32, #tpu.memory_space<hbm>> -> memref<1x200x64xf32, #tpu.memory_space<hbm>>
    %dma_wait3A_1098 = tpu.memref_squeeze %dma_wait3A_1097 : memref<1x200x64xf32, #tpu.memory_space<hbm>> -> memref<200x64xf32, #tpu.memory_space<hbm>>
    tpu.wait_dma2 semaphore(%arg6 : memref<!tpu.dma_semaphore, #tpu.memory_space<semaphore_mem>>) src(%dma_wait3A_1098 : memref<200x64xf32, #tpu.memory_space<hbm>>) dst(%dma_wait3A_1094 : memref<200x64xf32, #tpu.memory_space<vmem>>)
    %dma_start3A_1099 = arith.constant 0 : i32
    %dma_start3A_1100 = arith.constant 0 : i32
    %dma_start3A_1101 = tpu.memref_slice %arg5[%dma_start3A_1099, %dma_start3A_1100] : memref<200x128xf32, #tpu.memory_space<vmem>> -> memref<200x96xf32, #tpu.memory_space<vmem>>
    %dma_start3A_1102 = arith.constant 0 : i32
    %dma_start3A_1103 = arith.constant 0 : i32
    %dma_start3A_1104 = tpu.memref_slice %arg4[%add3A_1070, %dma_start3A_1102, %dma_start3A_1103] : memref<1024x200x96xf32, #tpu.memory_space<hbm>> -> memref<1x200x96xf32, #tpu.memory_space<hbm>>
    %dma_start3A_1105 = tpu.memref_squeeze %dma_start3A_1104 : memref<1x200x96xf32, #tpu.memory_space<hbm>> -> memref<200x96xf32, #tpu.memory_space<hbm>>
    %dma_start3A_1106 = arith.constant 0 : i32
    %dma_start3A_1107 = arith.constant 0 : i32
    %dma_start3A_1108 = tpu.memref_slice %arg4[%add3A_1070, %dma_start3A_1106, %dma_start3A_1107] : memref<1024x200x96xf32, #tpu.memory_space<hbm>> -> memref<1x200x96xf32, #tpu.memory_space<hbm>>
    %dma_start3A_1109 = tpu.memref_squeeze %dma_start3A_1108 : memref<1x200x96xf32, #tpu.memory_space<hbm>> -> memref<200x96xf32, #tpu.memory_space<hbm>>
    %dma_start3A_1110 = arith.constant 0 : i32
    %dma_start3A_1111 = arith.constant 0 : i32
    %dma_start3A_1112 = tpu.memref_slice %arg5[%dma_start3A_1110, %dma_start3A_1111] : memref<200x128xf32, #tpu.memory_space<vmem>> -> memref<200x96xf32, #tpu.memory_space<vmem>>
    tpu.enqueue_dma source(%dma_start3A_1112 : memref<200x96xf32, #tpu.memory_space<vmem>>) target(%dma_start3A_1109 : memref<200x96xf32, #tpu.memory_space<hbm>>) target_semaphore(%arg6 : memref<!tpu.dma_semaphore, #tpu.memory_space<semaphore_mem>>)
    %dma_wait3A_1113 = arith.constant 0 : i32
    %dma_wait3A_1114 = arith.constant 0 : i32
    %dma_wait3A_1115 = tpu.memref_slice %arg5[%dma_wait3A_1113, %dma_wait3A_1114] : memref<200x128xf32, #tpu.memory_space<vmem>> -> memref<200x96xf32, #tpu.memory_space<vmem>>
    %dma_wait3A_1116 = arith.constant 0 : i32
    %dma_wait3A_1117 = arith.constant 0 : i32
    %dma_wait3A_1118 = tpu.memref_slice %arg4[%add3A_1070, %dma_wait3A_1116, %dma_wait3A_1117] : memref<1024x200x96xf32, #tpu.memory_space<hbm>> -> memref<1x200x96xf32, #tpu.memory_space<hbm>>
    %dma_wait3A_1119 = tpu.memref_squeeze %dma_wait3A_1118 : memref<1x200x96xf32, #tpu.memory_space<hbm>> -> memref<200x96xf32, #tpu.memory_space<hbm>>
    %dma_wait3A_1120 = arith.constant 0 : i32
    %dma_wait3A_1121 = arith.constant 0 : i32
    %dma_wait3A_1122 = tpu.memref_slice %arg4[%add3A_1070, %dma_wait3A_1120, %dma_wait3A_1121] : memref<1024x200x96xf32, #tpu.memory_space<hbm>> -> memref<1x200x96xf32, #tpu.memory_space<hbm>>
    %dma_wait3A_1123 = tpu.memref_squeeze %dma_wait3A_1122 : memref<1x200x96xf32, #tpu.memory_space<hbm>> -> memref<200x96xf32, #tpu.memory_space<hbm>>
    %dma_wait3A_1124 = arith.constant 0 : i32
    %dma_wait3A_1125 = arith.constant 0 : i32
    %dma_wait3A_1126 = tpu.memref_slice %arg5[%dma_wait3A_1124, %dma_wait3A_1125] : memref<200x128xf32, #tpu.memory_space<vmem>> -> memref<200x96xf32, #tpu.memory_space<vmem>>
    tpu.wait_dma2 semaphore(%arg6 : memref<!tpu.dma_semaphore, #tpu.memory_space<semaphore_mem>>) src(%dma_wait3A_1126 : memref<200x96xf32, #tpu.memory_space<vmem>>) dst(%dma_wait3A_1123 : memref<200x96xf32, #tpu.memory_space<hbm>>)
    %add3A_1127 = arith.constant 19 : i32
    %add3A_1128 = arith.addi %mul3A_2, %add3A_1127 : i32
    %dma_start3A_1129 = arith.constant 0 : i32
    %dma_start3A_1130 = arith.constant 0 : i32
    %dma_start3A_1131 = tpu.memref_slice %arg5[%dma_start3A_1129, %dma_start3A_1130] : memref<200x128xf32, #tpu.memory_space<vmem>> -> memref<200x64xf32, #tpu.memory_space<vmem>>
    %dma_start3A_1132 = arith.constant 0 : i32
    %dma_start3A_1133 = arith.constant 0 : i32
    %dma_start3A_1134 = tpu.memref_slice %arg2[%add3A_1128, %dma_start3A_1132, %dma_start3A_1133] : memref<1024x200x64xf32, #tpu.memory_space<hbm>> -> memref<1x200x64xf32, #tpu.memory_space<hbm>>
    %dma_start3A_1135 = tpu.memref_squeeze %dma_start3A_1134 : memref<1x200x64xf32, #tpu.memory_space<hbm>> -> memref<200x64xf32, #tpu.memory_space<hbm>>
    %dma_start3A_1136 = arith.constant 0 : i32
    %dma_start3A_1137 = arith.constant 0 : i32
    %dma_start3A_1138 = tpu.memref_slice %arg5[%dma_start3A_1136, %dma_start3A_1137] : memref<200x128xf32, #tpu.memory_space<vmem>> -> memref<200x64xf32, #tpu.memory_space<vmem>>
    %dma_start3A_1139 = arith.constant 0 : i32
    %dma_start3A_1140 = arith.constant 0 : i32
    %dma_start3A_1141 = tpu.memref_slice %arg2[%add3A_1128, %dma_start3A_1139, %dma_start3A_1140] : memref<1024x200x64xf32, #tpu.memory_space<hbm>> -> memref<1x200x64xf32, #tpu.memory_space<hbm>>
    %dma_start3A_1142 = tpu.memref_squeeze %dma_start3A_1141 : memref<1x200x64xf32, #tpu.memory_space<hbm>> -> memref<200x64xf32, #tpu.memory_space<hbm>>
    tpu.enqueue_dma source(%dma_start3A_1142 : memref<200x64xf32, #tpu.memory_space<hbm>>) target(%dma_start3A_1138 : memref<200x64xf32, #tpu.memory_space<vmem>>) target_semaphore(%arg6 : memref<!tpu.dma_semaphore, #tpu.memory_space<semaphore_mem>>)
    %dma_wait3A_1143 = arith.constant 0 : i32
    %dma_wait3A_1144 = arith.constant 0 : i32
    %dma_wait3A_1145 = tpu.memref_slice %arg5[%dma_wait3A_1143, %dma_wait3A_1144] : memref<200x128xf32, #tpu.memory_space<vmem>> -> memref<200x64xf32, #tpu.memory_space<vmem>>
    %dma_wait3A_1146 = arith.constant 0 : i32
    %dma_wait3A_1147 = arith.constant 0 : i32
    %dma_wait3A_1148 = tpu.memref_slice %arg2[%add3A_1128, %dma_wait3A_1146, %dma_wait3A_1147] : memref<1024x200x64xf32, #tpu.memory_space<hbm>> -> memref<1x200x64xf32, #tpu.memory_space<hbm>>
    %dma_wait3A_1149 = tpu.memref_squeeze %dma_wait3A_1148 : memref<1x200x64xf32, #tpu.memory_space<hbm>> -> memref<200x64xf32, #tpu.memory_space<hbm>>
    %dma_wait3A_1150 = arith.constant 0 : i32
    %dma_wait3A_1151 = arith.constant 0 : i32
    %dma_wait3A_1152 = tpu.memref_slice %arg5[%dma_wait3A_1150, %dma_wait3A_1151] : memref<200x128xf32, #tpu.memory_space<vmem>> -> memref<200x64xf32, #tpu.memory_space<vmem>>
    %dma_wait3A_1153 = arith.constant 0 : i32
    %dma_wait3A_1154 = arith.constant 0 : i32
    %dma_wait3A_1155 = tpu.memref_slice %arg2[%add3A_1128, %dma_wait3A_1153, %dma_wait3A_1154] : memref<1024x200x64xf32, #tpu.memory_space<hbm>> -> memref<1x200x64xf32, #tpu.memory_space<hbm>>
    %dma_wait3A_1156 = tpu.memref_squeeze %dma_wait3A_1155 : memref<1x200x64xf32, #tpu.memory_space<hbm>> -> memref<200x64xf32, #tpu.memory_space<hbm>>
    tpu.wait_dma2 semaphore(%arg6 : memref<!tpu.dma_semaphore, #tpu.memory_space<semaphore_mem>>) src(%dma_wait3A_1156 : memref<200x64xf32, #tpu.memory_space<hbm>>) dst(%dma_wait3A_1152 : memref<200x64xf32, #tpu.memory_space<vmem>>)
    %dma_start3A_1157 = arith.constant 0 : i32
    %dma_start3A_1158 = arith.constant 0 : i32
    %dma_start3A_1159 = tpu.memref_slice %arg5[%dma_start3A_1157, %dma_start3A_1158] : memref<200x128xf32, #tpu.memory_space<vmem>> -> memref<200x96xf32, #tpu.memory_space<vmem>>
    %dma_start3A_1160 = arith.constant 0 : i32
    %dma_start3A_1161 = arith.constant 0 : i32
    %dma_start3A_1162 = tpu.memref_slice %arg4[%add3A_1128, %dma_start3A_1160, %dma_start3A_1161] : memref<1024x200x96xf32, #tpu.memory_space<hbm>> -> memref<1x200x96xf32, #tpu.memory_space<hbm>>
    %dma_start3A_1163 = tpu.memref_squeeze %dma_start3A_1162 : memref<1x200x96xf32, #tpu.memory_space<hbm>> -> memref<200x96xf32, #tpu.memory_space<hbm>>
    %dma_start3A_1164 = arith.constant 0 : i32
    %dma_start3A_1165 = arith.constant 0 : i32
    %dma_start3A_1166 = tpu.memref_slice %arg4[%add3A_1128, %dma_start3A_1164, %dma_start3A_1165] : memref<1024x200x96xf32, #tpu.memory_space<hbm>> -> memref<1x200x96xf32, #tpu.memory_space<hbm>>
    %dma_start3A_1167 = tpu.memref_squeeze %dma_start3A_1166 : memref<1x200x96xf32, #tpu.memory_space<hbm>> -> memref<200x96xf32, #tpu.memory_space<hbm>>
    %dma_start3A_1168 = arith.constant 0 : i32
    %dma_start3A_1169 = arith.constant 0 : i32
    %dma_start3A_1170 = tpu.memref_slice %arg5[%dma_start3A_1168, %dma_start3A_1169] : memref<200x128xf32, #tpu.memory_space<vmem>> -> memref<200x96xf32, #tpu.memory_space<vmem>>
    tpu.enqueue_dma source(%dma_start3A_1170 : memref<200x96xf32, #tpu.memory_space<vmem>>) target(%dma_start3A_1167 : memref<200x96xf32, #tpu.memory_space<hbm>>) target_semaphore(%arg6 : memref<!tpu.dma_semaphore, #tpu.memory_space<semaphore_mem>>)
    %dma_wait3A_1171 = arith.constant 0 : i32
    %dma_wait3A_1172 = arith.constant 0 : i32
    %dma_wait3A_1173 = tpu.memref_slice %arg5[%dma_wait3A_1171, %dma_wait3A_1172] : memref<200x128xf32, #tpu.memory_space<vmem>> -> memref<200x96xf32, #tpu.memory_space<vmem>>
    %dma_wait3A_1174 = arith.constant 0 : i32
    %dma_wait3A_1175 = arith.constant 0 : i32
    %dma_wait3A_1176 = tpu.memref_slice %arg4[%add3A_1128, %dma_wait3A_1174, %dma_wait3A_1175] : memref<1024x200x96xf32, #tpu.memory_space<hbm>> -> memref<1x200x96xf32, #tpu.memory_space<hbm>>
    %dma_wait3A_1177 = tpu.memref_squeeze %dma_wait3A_1176 : memref<1x200x96xf32, #tpu.memory_space<hbm>> -> memref<200x96xf32, #tpu.memory_space<hbm>>
    %dma_wait3A_1178 = arith.constant 0 : i32
    %dma_wait3A_1179 = arith.constant 0 : i32
    %dma_wait3A_1180 = tpu.memref_slice %arg4[%add3A_1128, %dma_wait3A_1178, %dma_wait3A_1179] : memref<1024x200x96xf32, #tpu.memory_space<hbm>> -> memref<1x200x96xf32, #tpu.memory_space<hbm>>
    %dma_wait3A_1181 = tpu.memref_squeeze %dma_wait3A_1180 : memref<1x200x96xf32, #tpu.memory_space<hbm>> -> memref<200x96xf32, #tpu.memory_space<hbm>>
    %dma_wait3A_1182 = arith.constant 0 : i32
    %dma_wait3A_1183 = arith.constant 0 : i32
    %dma_wait3A_1184 = tpu.memref_slice %arg5[%dma_wait3A_1182, %dma_wait3A_1183] : memref<200x128xf32, #tpu.memory_space<vmem>> -> memref<200x96xf32, #tpu.memory_space<vmem>>
    tpu.wait_dma2 semaphore(%arg6 : memref<!tpu.dma_semaphore, #tpu.memory_space<semaphore_mem>>) src(%dma_wait3A_1184 : memref<200x96xf32, #tpu.memory_space<vmem>>) dst(%dma_wait3A_1181 : memref<200x96xf32, #tpu.memory_space<hbm>>)
    %add3A_1185 = arith.constant 20 : i32
    %add3A_1186 = arith.addi %mul3A_2, %add3A_1185 : i32
    %dma_start3A_1187 = arith.constant 0 : i32
    %dma_start3A_1188 = arith.constant 0 : i32
    %dma_start3A_1189 = tpu.memref_slice %arg5[%dma_start3A_1187, %dma_start3A_1188] : memref<200x128xf32, #tpu.memory_space<vmem>> -> memref<200x64xf32, #tpu.memory_space<vmem>>
    %dma_start3A_1190 = arith.constant 0 : i32
    %dma_start3A_1191 = arith.constant 0 : i32
    %dma_start3A_1192 = tpu.memref_slice %arg2[%add3A_1186, %dma_start3A_1190, %dma_start3A_1191] : memref<1024x200x64xf32, #tpu.memory_space<hbm>> -> memref<1x200x64xf32, #tpu.memory_space<hbm>>
    %dma_start3A_1193 = tpu.memref_squeeze %dma_start3A_1192 : memref<1x200x64xf32, #tpu.memory_space<hbm>> -> memref<200x64xf32, #tpu.memory_space<hbm>>
    %dma_start3A_1194 = arith.constant 0 : i32
    %dma_start3A_1195 = arith.constant 0 : i32
    %dma_start3A_1196 = tpu.memref_slice %arg5[%dma_start3A_1194, %dma_start3A_1195] : memref<200x128xf32, #tpu.memory_space<vmem>> -> memref<200x64xf32, #tpu.memory_space<vmem>>
    %dma_start3A_1197 = arith.constant 0 : i32
    %dma_start3A_1198 = arith.constant 0 : i32
    %dma_start3A_1199 = tpu.memref_slice %arg2[%add3A_1186, %dma_start3A_1197, %dma_start3A_1198] : memref<1024x200x64xf32, #tpu.memory_space<hbm>> -> memref<1x200x64xf32, #tpu.memory_space<hbm>>
    %dma_start3A_1200 = tpu.memref_squeeze %dma_start3A_1199 : memref<1x200x64xf32, #tpu.memory_space<hbm>> -> memref<200x64xf32, #tpu.memory_space<hbm>>
    tpu.enqueue_dma source(%dma_start3A_1200 : memref<200x64xf32, #tpu.memory_space<hbm>>) target(%dma_start3A_1196 : memref<200x64xf32, #tpu.memory_space<vmem>>) target_semaphore(%arg6 : memref<!tpu.dma_semaphore, #tpu.memory_space<semaphore_mem>>)
    %dma_wait3A_1201 = arith.constant 0 : i32
    %dma_wait3A_1202 = arith.constant 0 : i32
    %dma_wait3A_1203 = tpu.memref_slice %arg5[%dma_wait3A_1201, %dma_wait3A_1202] : memref<200x128xf32, #tpu.memory_space<vmem>> -> memref<200x64xf32, #tpu.memory_space<vmem>>
    %dma_wait3A_1204 = arith.constant 0 : i32
    %dma_wait3A_1205 = arith.constant 0 : i32
    %dma_wait3A_1206 = tpu.memref_slice %arg2[%add3A_1186, %dma_wait3A_1204, %dma_wait3A_1205] : memref<1024x200x64xf32, #tpu.memory_space<hbm>> -> memref<1x200x64xf32, #tpu.memory_space<hbm>>
    %dma_wait3A_1207 = tpu.memref_squeeze %dma_wait3A_1206 : memref<1x200x64xf32, #tpu.memory_space<hbm>> -> memref<200x64xf32, #tpu.memory_space<hbm>>
    %dma_wait3A_1208 = arith.constant 0 : i32
    %dma_wait3A_1209 = arith.constant 0 : i32
    %dma_wait3A_1210 = tpu.memref_slice %arg5[%dma_wait3A_1208, %dma_wait3A_1209] : memref<200x128xf32, #tpu.memory_space<vmem>> -> memref<200x64xf32, #tpu.memory_space<vmem>>
    %dma_wait3A_1211 = arith.constant 0 : i32
    %dma_wait3A_1212 = arith.constant 0 : i32
    %dma_wait3A_1213 = tpu.memref_slice %arg2[%add3A_1186, %dma_wait3A_1211, %dma_wait3A_1212] : memref<1024x200x64xf32, #tpu.memory_space<hbm>> -> memref<1x200x64xf32, #tpu.memory_space<hbm>>
    %dma_wait3A_1214 = tpu.memref_squeeze %dma_wait3A_1213 : memref<1x200x64xf32, #tpu.memory_space<hbm>> -> memref<200x64xf32, #tpu.memory_space<hbm>>
    tpu.wait_dma2 semaphore(%arg6 : memref<!tpu.dma_semaphore, #tpu.memory_space<semaphore_mem>>) src(%dma_wait3A_1214 : memref<200x64xf32, #tpu.memory_space<hbm>>) dst(%dma_wait3A_1210 : memref<200x64xf32, #tpu.memory_space<vmem>>)
    %dma_start3A_1215 = arith.constant 0 : i32
    %dma_start3A_1216 = arith.constant 0 : i32
    %dma_start3A_1217 = tpu.memref_slice %arg5[%dma_start3A_1215, %dma_start3A_1216] : memref<200x128xf32, #tpu.memory_space<vmem>> -> memref<200x96xf32, #tpu.memory_space<vmem>>
    %dma_start3A_1218 = arith.constant 0 : i32
    %dma_start3A_1219 = arith.constant 0 : i32
    %dma_start3A_1220 = tpu.memref_slice %arg4[%add3A_1186, %dma_start3A_1218, %dma_start3A_1219] : memref<1024x200x96xf32, #tpu.memory_space<hbm>> -> memref<1x200x96xf32, #tpu.memory_space<hbm>>
    %dma_start3A_1221 = tpu.memref_squeeze %dma_start3A_1220 : memref<1x200x96xf32, #tpu.memory_space<hbm>> -> memref<200x96xf32, #tpu.memory_space<hbm>>
    %dma_start3A_1222 = arith.constant 0 : i32
    %dma_start3A_1223 = arith.constant 0 : i32
    %dma_start3A_1224 = tpu.memref_slice %arg4[%add3A_1186, %dma_start3A_1222, %dma_start3A_1223] : memref<1024x200x96xf32, #tpu.memory_space<hbm>> -> memref<1x200x96xf32, #tpu.memory_space<hbm>>
    %dma_start3A_1225 = tpu.memref_squeeze %dma_start3A_1224 : memref<1x200x96xf32, #tpu.memory_space<hbm>> -> memref<200x96xf32, #tpu.memory_space<hbm>>
    %dma_start3A_1226 = arith.constant 0 : i32
    %dma_start3A_1227 = arith.constant 0 : i32
    %dma_start3A_1228 = tpu.memref_slice %arg5[%dma_start3A_1226, %dma_start3A_1227] : memref<200x128xf32, #tpu.memory_space<vmem>> -> memref<200x96xf32, #tpu.memory_space<vmem>>
    tpu.enqueue_dma source(%dma_start3A_1228 : memref<200x96xf32, #tpu.memory_space<vmem>>) target(%dma_start3A_1225 : memref<200x96xf32, #tpu.memory_space<hbm>>) target_semaphore(%arg6 : memref<!tpu.dma_semaphore, #tpu.memory_space<semaphore_mem>>)
    %dma_wait3A_1229 = arith.constant 0 : i32
    %dma_wait3A_1230 = arith.constant 0 : i32
    %dma_wait3A_1231 = tpu.memref_slice %arg5[%dma_wait3A_1229, %dma_wait3A_1230] : memref<200x128xf32, #tpu.memory_space<vmem>> -> memref<200x96xf32, #tpu.memory_space<vmem>>
    %dma_wait3A_1232 = arith.constant 0 : i32
    %dma_wait3A_1233 = arith.constant 0 : i32
    %dma_wait3A_1234 = tpu.memref_slice %arg4[%add3A_1186, %dma_wait3A_1232, %dma_wait3A_1233] : memref<1024x200x96xf32, #tpu.memory_space<hbm>> -> memref<1x200x96xf32, #tpu.memory_space<hbm>>
    %dma_wait3A_1235 = tpu.memref_squeeze %dma_wait3A_1234 : memref<1x200x96xf32, #tpu.memory_space<hbm>> -> memref<200x96xf32, #tpu.memory_space<hbm>>
    %dma_wait3A_1236 = arith.constant 0 : i32
    %dma_wait3A_1237 = arith.constant 0 : i32
    %dma_wait3A_1238 = tpu.memref_slice %arg4[%add3A_1186, %dma_wait3A_1236, %dma_wait3A_1237] : memref<1024x200x96xf32, #tpu.memory_space<hbm>> -> memref<1x200x96xf32, #tpu.memory_space<hbm>>
    %dma_wait3A_1239 = tpu.memref_squeeze %dma_wait3A_1238 : memref<1x200x96xf32, #tpu.memory_space<hbm>> -> memref<200x96xf32, #tpu.memory_space<hbm>>
    %dma_wait3A_1240 = arith.constant 0 : i32
    %dma_wait3A_1241 = arith.constant 0 : i32
    %dma_wait3A_1242 = tpu.memref_slice %arg5[%dma_wait3A_1240, %dma_wait3A_1241] : memref<200x128xf32, #tpu.memory_space<vmem>> -> memref<200x96xf32, #tpu.memory_space<vmem>>
    tpu.wait_dma2 semaphore(%arg6 : memref<!tpu.dma_semaphore, #tpu.memory_space<semaphore_mem>>) src(%dma_wait3A_1242 : memref<200x96xf32, #tpu.memory_space<vmem>>) dst(%dma_wait3A_1239 : memref<200x96xf32, #tpu.memory_space<hbm>>)
    %add3A_1243 = arith.constant 21 : i32
    %add3A_1244 = arith.addi %mul3A_2, %add3A_1243 : i32
    %dma_start3A_1245 = arith.constant 0 : i32
    %dma_start3A_1246 = arith.constant 0 : i32
    %dma_start3A_1247 = tpu.memref_slice %arg5[%dma_start3A_1245, %dma_start3A_1246] : memref<200x128xf32, #tpu.memory_space<vmem>> -> memref<200x64xf32, #tpu.memory_space<vmem>>
    %dma_start3A_1248 = arith.constant 0 : i32
    %dma_start3A_1249 = arith.constant 0 : i32
    %dma_start3A_1250 = tpu.memref_slice %arg2[%add3A_1244, %dma_start3A_1248, %dma_start3A_1249] : memref<1024x200x64xf32, #tpu.memory_space<hbm>> -> memref<1x200x64xf32, #tpu.memory_space<hbm>>
    %dma_start3A_1251 = tpu.memref_squeeze %dma_start3A_1250 : memref<1x200x64xf32, #tpu.memory_space<hbm>> -> memref<200x64xf32, #tpu.memory_space<hbm>>
    %dma_start3A_1252 = arith.constant 0 : i32
    %dma_start3A_1253 = arith.constant 0 : i32
    %dma_start3A_1254 = tpu.memref_slice %arg5[%dma_start3A_1252, %dma_start3A_1253] : memref<200x128xf32, #tpu.memory_space<vmem>> -> memref<200x64xf32, #tpu.memory_space<vmem>>
    %dma_start3A_1255 = arith.constant 0 : i32
    %dma_start3A_1256 = arith.constant 0 : i32
    %dma_start3A_1257 = tpu.memref_slice %arg2[%add3A_1244, %dma_start3A_1255, %dma_start3A_1256] : memref<1024x200x64xf32, #tpu.memory_space<hbm>> -> memref<1x200x64xf32, #tpu.memory_space<hbm>>
    %dma_start3A_1258 = tpu.memref_squeeze %dma_start3A_1257 : memref<1x200x64xf32, #tpu.memory_space<hbm>> -> memref<200x64xf32, #tpu.memory_space<hbm>>
    tpu.enqueue_dma source(%dma_start3A_1258 : memref<200x64xf32, #tpu.memory_space<hbm>>) target(%dma_start3A_1254 : memref<200x64xf32, #tpu.memory_space<vmem>>) target_semaphore(%arg6 : memref<!tpu.dma_semaphore, #tpu.memory_space<semaphore_mem>>)
    %dma_wait3A_1259 = arith.constant 0 : i32
    %dma_wait3A_1260 = arith.constant 0 : i32
    %dma_wait3A_1261 = tpu.memref_slice %arg5[%dma_wait3A_1259, %dma_wait3A_1260] : memref<200x128xf32, #tpu.memory_space<vmem>> -> memref<200x64xf32, #tpu.memory_space<vmem>>
    %dma_wait3A_1262 = arith.constant 0 : i32
    %dma_wait3A_1263 = arith.constant 0 : i32
    %dma_wait3A_1264 = tpu.memref_slice %arg2[%add3A_1244, %dma_wait3A_1262, %dma_wait3A_1263] : memref<1024x200x64xf32, #tpu.memory_space<hbm>> -> memref<1x200x64xf32, #tpu.memory_space<hbm>>
    %dma_wait3A_1265 = tpu.memref_squeeze %dma_wait3A_1264 : memref<1x200x64xf32, #tpu.memory_space<hbm>> -> memref<200x64xf32, #tpu.memory_space<hbm>>
    %dma_wait3A_1266 = arith.constant 0 : i32
    %dma_wait3A_1267 = arith.constant 0 : i32
    %dma_wait3A_1268 = tpu.memref_slice %arg5[%dma_wait3A_1266, %dma_wait3A_1267] : memref<200x128xf32, #tpu.memory_space<vmem>> -> memref<200x64xf32, #tpu.memory_space<vmem>>
    %dma_wait3A_1269 = arith.constant 0 : i32
    %dma_wait3A_1270 = arith.constant 0 : i32
    %dma_wait3A_1271 = tpu.memref_slice %arg2[%add3A_1244, %dma_wait3A_1269, %dma_wait3A_1270] : memref<1024x200x64xf32, #tpu.memory_space<hbm>> -> memref<1x200x64xf32, #tpu.memory_space<hbm>>
    %dma_wait3A_1272 = tpu.memref_squeeze %dma_wait3A_1271 : memref<1x200x64xf32, #tpu.memory_space<hbm>> -> memref<200x64xf32, #tpu.memory_space<hbm>>
    tpu.wait_dma2 semaphore(%arg6 : memref<!tpu.dma_semaphore, #tpu.memory_space<semaphore_mem>>) src(%dma_wait3A_1272 : memref<200x64xf32, #tpu.memory_space<hbm>>) dst(%dma_wait3A_1268 : memref<200x64xf32, #tpu.memory_space<vmem>>)
    %dma_start3A_1273 = arith.constant 0 : i32
    %dma_start3A_1274 = arith.constant 0 : i32
    %dma_start3A_1275 = tpu.memref_slice %arg5[%dma_start3A_1273, %dma_start3A_1274] : memref<200x128xf32, #tpu.memory_space<vmem>> -> memref<200x96xf32, #tpu.memory_space<vmem>>
    %dma_start3A_1276 = arith.constant 0 : i32
    %dma_start3A_1277 = arith.constant 0 : i32
    %dma_start3A_1278 = tpu.memref_slice %arg4[%add3A_1244, %dma_start3A_1276, %dma_start3A_1277] : memref<1024x200x96xf32, #tpu.memory_space<hbm>> -> memref<1x200x96xf32, #tpu.memory_space<hbm>>
    %dma_start3A_1279 = tpu.memref_squeeze %dma_start3A_1278 : memref<1x200x96xf32, #tpu.memory_space<hbm>> -> memref<200x96xf32, #tpu.memory_space<hbm>>
    %dma_start3A_1280 = arith.constant 0 : i32
    %dma_start3A_1281 = arith.constant 0 : i32
    %dma_start3A_1282 = tpu.memref_slice %arg4[%add3A_1244, %dma_start3A_1280, %dma_start3A_1281] : memref<1024x200x96xf32, #tpu.memory_space<hbm>> -> memref<1x200x96xf32, #tpu.memory_space<hbm>>
    %dma_start3A_1283 = tpu.memref_squeeze %dma_start3A_1282 : memref<1x200x96xf32, #tpu.memory_space<hbm>> -> memref<200x96xf32, #tpu.memory_space<hbm>>
    %dma_start3A_1284 = arith.constant 0 : i32
    %dma_start3A_1285 = arith.constant 0 : i32
    %dma_start3A_1286 = tpu.memref_slice %arg5[%dma_start3A_1284, %dma_start3A_1285] : memref<200x128xf32, #tpu.memory_space<vmem>> -> memref<200x96xf32, #tpu.memory_space<vmem>>
    tpu.enqueue_dma source(%dma_start3A_1286 : memref<200x96xf32, #tpu.memory_space<vmem>>) target(%dma_start3A_1283 : memref<200x96xf32, #tpu.memory_space<hbm>>) target_semaphore(%arg6 : memref<!tpu.dma_semaphore, #tpu.memory_space<semaphore_mem>>)
    %dma_wait3A_1287 = arith.constant 0 : i32
    %dma_wait3A_1288 = arith.constant 0 : i32
    %dma_wait3A_1289 = tpu.memref_slice %arg5[%dma_wait3A_1287, %dma_wait3A_1288] : memref<200x128xf32, #tpu.memory_space<vmem>> -> memref<200x96xf32, #tpu.memory_space<vmem>>
    %dma_wait3A_1290 = arith.constant 0 : i32
    %dma_wait3A_1291 = arith.constant 0 : i32
    %dma_wait3A_1292 = tpu.memref_slice %arg4[%add3A_1244, %dma_wait3A_1290, %dma_wait3A_1291] : memref<1024x200x96xf32, #tpu.memory_space<hbm>> -> memref<1x200x96xf32, #tpu.memory_space<hbm>>
    %dma_wait3A_1293 = tpu.memref_squeeze %dma_wait3A_1292 : memref<1x200x96xf32, #tpu.memory_space<hbm>> -> memref<200x96xf32, #tpu.memory_space<hbm>>
    %dma_wait3A_1294 = arith.constant 0 : i32
    %dma_wait3A_1295 = arith.constant 0 : i32
    %dma_wait3A_1296 = tpu.memref_slice %arg4[%add3A_1244, %dma_wait3A_1294, %dma_wait3A_1295] : memref<1024x200x96xf32, #tpu.memory_space<hbm>> -> memref<1x200x96xf32, #tpu.memory_space<hbm>>
    %dma_wait3A_1297 = tpu.memref_squeeze %dma_wait3A_1296 : memref<1x200x96xf32, #tpu.memory_space<hbm>> -> memref<200x96xf32, #tpu.memory_space<hbm>>
    %dma_wait3A_1298 = arith.constant 0 : i32
    %dma_wait3A_1299 = arith.constant 0 : i32
    %dma_wait3A_1300 = tpu.memref_slice %arg5[%dma_wait3A_1298, %dma_wait3A_1299] : memref<200x128xf32, #tpu.memory_space<vmem>> -> memref<200x96xf32, #tpu.memory_space<vmem>>
    tpu.wait_dma2 semaphore(%arg6 : memref<!tpu.dma_semaphore, #tpu.memory_space<semaphore_mem>>) src(%dma_wait3A_1300 : memref<200x96xf32, #tpu.memory_space<vmem>>) dst(%dma_wait3A_1297 : memref<200x96xf32, #tpu.memory_space<hbm>>)
    %add3A_1301 = arith.constant 22 : i32
    %add3A_1302 = arith.addi %mul3A_2, %add3A_1301 : i32
    %dma_start3A_1303 = arith.constant 0 : i32
    %dma_start3A_1304 = arith.constant 0 : i32
    %dma_start3A_1305 = tpu.memref_slice %arg5[%dma_start3A_1303, %dma_start3A_1304] : memref<200x128xf32, #tpu.memory_space<vmem>> -> memref<200x64xf32, #tpu.memory_space<vmem>>
    %dma_start3A_1306 = arith.constant 0 : i32
    %dma_start3A_1307 = arith.constant 0 : i32
    %dma_start3A_1308 = tpu.memref_slice %arg2[%add3A_1302, %dma_start3A_1306, %dma_start3A_1307] : memref<1024x200x64xf32, #tpu.memory_space<hbm>> -> memref<1x200x64xf32, #tpu.memory_space<hbm>>
    %dma_start3A_1309 = tpu.memref_squeeze %dma_start3A_1308 : memref<1x200x64xf32, #tpu.memory_space<hbm>> -> memref<200x64xf32, #tpu.memory_space<hbm>>
    %dma_start3A_1310 = arith.constant 0 : i32
    %dma_start3A_1311 = arith.constant 0 : i32
    %dma_start3A_1312 = tpu.memref_slice %arg5[%dma_start3A_1310, %dma_start3A_1311] : memref<200x128xf32, #tpu.memory_space<vmem>> -> memref<200x64xf32, #tpu.memory_space<vmem>>
    %dma_start3A_1313 = arith.constant 0 : i32
    %dma_start3A_1314 = arith.constant 0 : i32
    %dma_start3A_1315 = tpu.memref_slice %arg2[%add3A_1302, %dma_start3A_1313, %dma_start3A_1314] : memref<1024x200x64xf32, #tpu.memory_space<hbm>> -> memref<1x200x64xf32, #tpu.memory_space<hbm>>
    %dma_start3A_1316 = tpu.memref_squeeze %dma_start3A_1315 : memref<1x200x64xf32, #tpu.memory_space<hbm>> -> memref<200x64xf32, #tpu.memory_space<hbm>>
    tpu.enqueue_dma source(%dma_start3A_1316 : memref<200x64xf32, #tpu.memory_space<hbm>>) target(%dma_start3A_1312 : memref<200x64xf32, #tpu.memory_space<vmem>>) target_semaphore(%arg6 : memref<!tpu.dma_semaphore, #tpu.memory_space<semaphore_mem>>)
    %dma_wait3A_1317 = arith.constant 0 : i32
    %dma_wait3A_1318 = arith.constant 0 : i32
    %dma_wait3A_1319 = tpu.memref_slice %arg5[%dma_wait3A_1317, %dma_wait3A_1318] : memref<200x128xf32, #tpu.memory_space<vmem>> -> memref<200x64xf32, #tpu.memory_space<vmem>>
    %dma_wait3A_1320 = arith.constant 0 : i32
    %dma_wait3A_1321 = arith.constant 0 : i32
    %dma_wait3A_1322 = tpu.memref_slice %arg2[%add3A_1302, %dma_wait3A_1320, %dma_wait3A_1321] : memref<1024x200x64xf32, #tpu.memory_space<hbm>> -> memref<1x200x64xf32, #tpu.memory_space<hbm>>
    %dma_wait3A_1323 = tpu.memref_squeeze %dma_wait3A_1322 : memref<1x200x64xf32, #tpu.memory_space<hbm>> -> memref<200x64xf32, #tpu.memory_space<hbm>>
    %dma_wait3A_1324 = arith.constant 0 : i32
    %dma_wait3A_1325 = arith.constant 0 : i32
    %dma_wait3A_1326 = tpu.memref_slice %arg5[%dma_wait3A_1324, %dma_wait3A_1325] : memref<200x128xf32, #tpu.memory_space<vmem>> -> memref<200x64xf32, #tpu.memory_space<vmem>>
    %dma_wait3A_1327 = arith.constant 0 : i32
    %dma_wait3A_1328 = arith.constant 0 : i32
    %dma_wait3A_1329 = tpu.memref_slice %arg2[%add3A_1302, %dma_wait3A_1327, %dma_wait3A_1328] : memref<1024x200x64xf32, #tpu.memory_space<hbm>> -> memref<1x200x64xf32, #tpu.memory_space<hbm>>
    %dma_wait3A_1330 = tpu.memref_squeeze %dma_wait3A_1329 : memref<1x200x64xf32, #tpu.memory_space<hbm>> -> memref<200x64xf32, #tpu.memory_space<hbm>>
    tpu.wait_dma2 semaphore(%arg6 : memref<!tpu.dma_semaphore, #tpu.memory_space<semaphore_mem>>) src(%dma_wait3A_1330 : memref<200x64xf32, #tpu.memory_space<hbm>>) dst(%dma_wait3A_1326 : memref<200x64xf32, #tpu.memory_space<vmem>>)
    %dma_start3A_1331 = arith.constant 0 : i32
    %dma_start3A_1332 = arith.constant 0 : i32
    %dma_start3A_1333 = tpu.memref_slice %arg5[%dma_start3A_1331, %dma_start3A_1332] : memref<200x128xf32, #tpu.memory_space<vmem>> -> memref<200x96xf32, #tpu.memory_space<vmem>>
    %dma_start3A_1334 = arith.constant 0 : i32
    %dma_start3A_1335 = arith.constant 0 : i32
    %dma_start3A_1336 = tpu.memref_slice %arg4[%add3A_1302, %dma_start3A_1334, %dma_start3A_1335] : memref<1024x200x96xf32, #tpu.memory_space<hbm>> -> memref<1x200x96xf32, #tpu.memory_space<hbm>>
    %dma_start3A_1337 = tpu.memref_squeeze %dma_start3A_1336 : memref<1x200x96xf32, #tpu.memory_space<hbm>> -> memref<200x96xf32, #tpu.memory_space<hbm>>
    %dma_start3A_1338 = arith.constant 0 : i32
    %dma_start3A_1339 = arith.constant 0 : i32
    %dma_start3A_1340 = tpu.memref_slice %arg4[%add3A_1302, %dma_start3A_1338, %dma_start3A_1339] : memref<1024x200x96xf32, #tpu.memory_space<hbm>> -> memref<1x200x96xf32, #tpu.memory_space<hbm>>
    %dma_start3A_1341 = tpu.memref_squeeze %dma_start3A_1340 : memref<1x200x96xf32, #tpu.memory_space<hbm>> -> memref<200x96xf32, #tpu.memory_space<hbm>>
    %dma_start3A_1342 = arith.constant 0 : i32
    %dma_start3A_1343 = arith.constant 0 : i32
    %dma_start3A_1344 = tpu.memref_slice %arg5[%dma_start3A_1342, %dma_start3A_1343] : memref<200x128xf32, #tpu.memory_space<vmem>> -> memref<200x96xf32, #tpu.memory_space<vmem>>
    tpu.enqueue_dma source(%dma_start3A_1344 : memref<200x96xf32, #tpu.memory_space<vmem>>) target(%dma_start3A_1341 : memref<200x96xf32, #tpu.memory_space<hbm>>) target_semaphore(%arg6 : memref<!tpu.dma_semaphore, #tpu.memory_space<semaphore_mem>>)
    %dma_wait3A_1345 = arith.constant 0 : i32
    %dma_wait3A_1346 = arith.constant 0 : i32
    %dma_wait3A_1347 = tpu.memref_slice %arg5[%dma_wait3A_1345, %dma_wait3A_1346] : memref<200x128xf32, #tpu.memory_space<vmem>> -> memref<200x96xf32, #tpu.memory_space<vmem>>
    %dma_wait3A_1348 = arith.constant 0 : i32
    %dma_wait3A_1349 = arith.constant 0 : i32
    %dma_wait3A_1350 = tpu.memref_slice %arg4[%add3A_1302, %dma_wait3A_1348, %dma_wait3A_1349] : memref<1024x200x96xf32, #tpu.memory_space<hbm>> -> memref<1x200x96xf32, #tpu.memory_space<hbm>>
    %dma_wait3A_1351 = tpu.memref_squeeze %dma_wait3A_1350 : memref<1x200x96xf32, #tpu.memory_space<hbm>> -> memref<200x96xf32, #tpu.memory_space<hbm>>
    %dma_wait3A_1352 = arith.constant 0 : i32
    %dma_wait3A_1353 = arith.constant 0 : i32
    %dma_wait3A_1354 = tpu.memref_slice %arg4[%add3A_1302, %dma_wait3A_1352, %dma_wait3A_1353] : memref<1024x200x96xf32, #tpu.memory_space<hbm>> -> memref<1x200x96xf32, #tpu.memory_space<hbm>>
    %dma_wait3A_1355 = tpu.memref_squeeze %dma_wait3A_1354 : memref<1x200x96xf32, #tpu.memory_space<hbm>> -> memref<200x96xf32, #tpu.memory_space<hbm>>
    %dma_wait3A_1356 = arith.constant 0 : i32
    %dma_wait3A_1357 = arith.constant 0 : i32
    %dma_wait3A_1358 = tpu.memref_slice %arg5[%dma_wait3A_1356, %dma_wait3A_1357] : memref<200x128xf32, #tpu.memory_space<vmem>> -> memref<200x96xf32, #tpu.memory_space<vmem>>
    tpu.wait_dma2 semaphore(%arg6 : memref<!tpu.dma_semaphore, #tpu.memory_space<semaphore_mem>>) src(%dma_wait3A_1358 : memref<200x96xf32, #tpu.memory_space<vmem>>) dst(%dma_wait3A_1355 : memref<200x96xf32, #tpu.memory_space<hbm>>)
    %add3A_1359 = arith.constant 23 : i32
    %add3A_1360 = arith.addi %mul3A_2, %add3A_1359 : i32
    %dma_start3A_1361 = arith.constant 0 : i32
    %dma_start3A_1362 = arith.constant 0 : i32
    %dma_start3A_1363 = tpu.memref_slice %arg5[%dma_start3A_1361, %dma_start3A_1362] : memref<200x128xf32, #tpu.memory_space<vmem>> -> memref<200x64xf32, #tpu.memory_space<vmem>>
    %dma_start3A_1364 = arith.constant 0 : i32
    %dma_start3A_1365 = arith.constant 0 : i32
    %dma_start3A_1366 = tpu.memref_slice %arg2[%add3A_1360, %dma_start3A_1364, %dma_start3A_1365] : memref<1024x200x64xf32, #tpu.memory_space<hbm>> -> memref<1x200x64xf32, #tpu.memory_space<hbm>>
    %dma_start3A_1367 = tpu.memref_squeeze %dma_start3A_1366 : memref<1x200x64xf32, #tpu.memory_space<hbm>> -> memref<200x64xf32, #tpu.memory_space<hbm>>
    %dma_start3A_1368 = arith.constant 0 : i32
    %dma_start3A_1369 = arith.constant 0 : i32
    %dma_start3A_1370 = tpu.memref_slice %arg5[%dma_start3A_1368, %dma_start3A_1369] : memref<200x128xf32, #tpu.memory_space<vmem>> -> memref<200x64xf32, #tpu.memory_space<vmem>>
    %dma_start3A_1371 = arith.constant 0 : i32
    %dma_start3A_1372 = arith.constant 0 : i32
    %dma_start3A_1373 = tpu.memref_slice %arg2[%add3A_1360, %dma_start3A_1371, %dma_start3A_1372] : memref<1024x200x64xf32, #tpu.memory_space<hbm>> -> memref<1x200x64xf32, #tpu.memory_space<hbm>>
    %dma_start3A_1374 = tpu.memref_squeeze %dma_start3A_1373 : memref<1x200x64xf32, #tpu.memory_space<hbm>> -> memref<200x64xf32, #tpu.memory_space<hbm>>
    tpu.enqueue_dma source(%dma_start3A_1374 : memref<200x64xf32, #tpu.memory_space<hbm>>) target(%dma_start3A_1370 : memref<200x64xf32, #tpu.memory_space<vmem>>) target_semaphore(%arg6 : memref<!tpu.dma_semaphore, #tpu.memory_space<semaphore_mem>>)
    %dma_wait3A_1375 = arith.constant 0 : i32
    %dma_wait3A_1376 = arith.constant 0 : i32
    %dma_wait3A_1377 = tpu.memref_slice %arg5[%dma_wait3A_1375, %dma_wait3A_1376] : memref<200x128xf32, #tpu.memory_space<vmem>> -> memref<200x64xf32, #tpu.memory_space<vmem>>
    %dma_wait3A_1378 = arith.constant 0 : i32
    %dma_wait3A_1379 = arith.constant 0 : i32
    %dma_wait3A_1380 = tpu.memref_slice %arg2[%add3A_1360, %dma_wait3A_1378, %dma_wait3A_1379] : memref<1024x200x64xf32, #tpu.memory_space<hbm>> -> memref<1x200x64xf32, #tpu.memory_space<hbm>>
    %dma_wait3A_1381 = tpu.memref_squeeze %dma_wait3A_1380 : memref<1x200x64xf32, #tpu.memory_space<hbm>> -> memref<200x64xf32, #tpu.memory_space<hbm>>
    %dma_wait3A_1382 = arith.constant 0 : i32
    %dma_wait3A_1383 = arith.constant 0 : i32
    %dma_wait3A_1384 = tpu.memref_slice %arg5[%dma_wait3A_1382, %dma_wait3A_1383] : memref<200x128xf32, #tpu.memory_space<vmem>> -> memref<200x64xf32, #tpu.memory_space<vmem>>
    %dma_wait3A_1385 = arith.constant 0 : i32
    %dma_wait3A_1386 = arith.constant 0 : i32
    %dma_wait3A_1387 = tpu.memref_slice %arg2[%add3A_1360, %dma_wait3A_1385, %dma_wait3A_1386] : memref<1024x200x64xf32, #tpu.memory_space<hbm>> -> memref<1x200x64xf32, #tpu.memory_space<hbm>>
    %dma_wait3A_1388 = tpu.memref_squeeze %dma_wait3A_1387 : memref<1x200x64xf32, #tpu.memory_space<hbm>> -> memref<200x64xf32, #tpu.memory_space<hbm>>
    tpu.wait_dma2 semaphore(%arg6 : memref<!tpu.dma_semaphore, #tpu.memory_space<semaphore_mem>>) src(%dma_wait3A_1388 : memref<200x64xf32, #tpu.memory_space<hbm>>) dst(%dma_wait3A_1384 : memref<200x64xf32, #tpu.memory_space<vmem>>)
    %dma_start3A_1389 = arith.constant 0 : i32
    %dma_start3A_1390 = arith.constant 0 : i32
    %dma_start3A_1391 = tpu.memref_slice %arg5[%dma_start3A_1389, %dma_start3A_1390] : memref<200x128xf32, #tpu.memory_space<vmem>> -> memref<200x96xf32, #tpu.memory_space<vmem>>
    %dma_start3A_1392 = arith.constant 0 : i32
    %dma_start3A_1393 = arith.constant 0 : i32
    %dma_start3A_1394 = tpu.memref_slice %arg4[%add3A_1360, %dma_start3A_1392, %dma_start3A_1393] : memref<1024x200x96xf32, #tpu.memory_space<hbm>> -> memref<1x200x96xf32, #tpu.memory_space<hbm>>
    %dma_start3A_1395 = tpu.memref_squeeze %dma_start3A_1394 : memref<1x200x96xf32, #tpu.memory_space<hbm>> -> memref<200x96xf32, #tpu.memory_space<hbm>>
    %dma_start3A_1396 = arith.constant 0 : i32
    %dma_start3A_1397 = arith.constant 0 : i32
    %dma_start3A_1398 = tpu.memref_slice %arg4[%add3A_1360, %dma_start3A_1396, %dma_start3A_1397] : memref<1024x200x96xf32, #tpu.memory_space<hbm>> -> memref<1x200x96xf32, #tpu.memory_space<hbm>>
    %dma_start3A_1399 = tpu.memref_squeeze %dma_start3A_1398 : memref<1x200x96xf32, #tpu.memory_space<hbm>> -> memref<200x96xf32, #tpu.memory_space<hbm>>
    %dma_start3A_1400 = arith.constant 0 : i32
    %dma_start3A_1401 = arith.constant 0 : i32
    %dma_start3A_1402 = tpu.memref_slice %arg5[%dma_start3A_1400, %dma_start3A_1401] : memref<200x128xf32, #tpu.memory_space<vmem>> -> memref<200x96xf32, #tpu.memory_space<vmem>>
    tpu.enqueue_dma source(%dma_start3A_1402 : memref<200x96xf32, #tpu.memory_space<vmem>>) target(%dma_start3A_1399 : memref<200x96xf32, #tpu.memory_space<hbm>>) target_semaphore(%arg6 : memref<!tpu.dma_semaphore, #tpu.memory_space<semaphore_mem>>)
    %dma_wait3A_1403 = arith.constant 0 : i32
    %dma_wait3A_1404 = arith.constant 0 : i32
    %dma_wait3A_1405 = tpu.memref_slice %arg5[%dma_wait3A_1403, %dma_wait3A_1404] : memref<200x128xf32, #tpu.memory_space<vmem>> -> memref<200x96xf32, #tpu.memory_space<vmem>>
    %dma_wait3A_1406 = arith.constant 0 : i32
    %dma_wait3A_1407 = arith.constant 0 : i32
    %dma_wait3A_1408 = tpu.memref_slice %arg4[%add3A_1360, %dma_wait3A_1406, %dma_wait3A_1407] : memref<1024x200x96xf32, #tpu.memory_space<hbm>> -> memref<1x200x96xf32, #tpu.memory_space<hbm>>
    %dma_wait3A_1409 = tpu.memref_squeeze %dma_wait3A_1408 : memref<1x200x96xf32, #tpu.memory_space<hbm>> -> memref<200x96xf32, #tpu.memory_space<hbm>>
    %dma_wait3A_1410 = arith.constant 0 : i32
    %dma_wait3A_1411 = arith.constant 0 : i32
    %dma_wait3A_1412 = tpu.memref_slice %arg4[%add3A_1360, %dma_wait3A_1410, %dma_wait3A_1411] : memref<1024x200x96xf32, #tpu.memory_space<hbm>> -> memref<1x200x96xf32, #tpu.memory_space<hbm>>
    %dma_wait3A_1413 = tpu.memref_squeeze %dma_wait3A_1412 : memref<1x200x96xf32, #tpu.memory_space<hbm>> -> memref<200x96xf32, #tpu.memory_space<hbm>>
    %dma_wait3A_1414 = arith.constant 0 : i32
    %dma_wait3A_1415 = arith.constant 0 : i32
    %dma_wait3A_1416 = tpu.memref_slice %arg5[%dma_wait3A_1414, %dma_wait3A_1415] : memref<200x128xf32, #tpu.memory_space<vmem>> -> memref<200x96xf32, #tpu.memory_space<vmem>>
    tpu.wait_dma2 semaphore(%arg6 : memref<!tpu.dma_semaphore, #tpu.memory_space<semaphore_mem>>) src(%dma_wait3A_1416 : memref<200x96xf32, #tpu.memory_space<vmem>>) dst(%dma_wait3A_1413 : memref<200x96xf32, #tpu.memory_space<hbm>>)
    %add3A_1417 = arith.constant 24 : i32
    %add3A_1418 = arith.addi %mul3A_2, %add3A_1417 : i32
    %dma_start3A_1419 = arith.constant 0 : i32
    %dma_start3A_1420 = arith.constant 0 : i32
    %dma_start3A_1421 = tpu.memref_slice %arg5[%dma_start3A_1419, %dma_start3A_1420] : memref<200x128xf32, #tpu.memory_space<vmem>> -> memref<200x64xf32, #tpu.memory_space<vmem>>
    %dma_start3A_1422 = arith.constant 0 : i32
    %dma_start3A_1423 = arith.constant 0 : i32
    %dma_start3A_1424 = tpu.memref_slice %arg2[%add3A_1418, %dma_start3A_1422, %dma_start3A_1423] : memref<1024x200x64xf32, #tpu.memory_space<hbm>> -> memref<1x200x64xf32, #tpu.memory_space<hbm>>
    %dma_start3A_1425 = tpu.memref_squeeze %dma_start3A_1424 : memref<1x200x64xf32, #tpu.memory_space<hbm>> -> memref<200x64xf32, #tpu.memory_space<hbm>>
    %dma_start3A_1426 = arith.constant 0 : i32
    %dma_start3A_1427 = arith.constant 0 : i32
    %dma_start3A_1428 = tpu.memref_slice %arg5[%dma_start3A_1426, %dma_start3A_1427] : memref<200x128xf32, #tpu.memory_space<vmem>> -> memref<200x64xf32, #tpu.memory_space<vmem>>
    %dma_start3A_1429 = arith.constant 0 : i32
    %dma_start3A_1430 = arith.constant 0 : i32
    %dma_start3A_1431 = tpu.memref_slice %arg2[%add3A_1418, %dma_start3A_1429, %dma_start3A_1430] : memref<1024x200x64xf32, #tpu.memory_space<hbm>> -> memref<1x200x64xf32, #tpu.memory_space<hbm>>
    %dma_start3A_1432 = tpu.memref_squeeze %dma_start3A_1431 : memref<1x200x64xf32, #tpu.memory_space<hbm>> -> memref<200x64xf32, #tpu.memory_space<hbm>>
    tpu.enqueue_dma source(%dma_start3A_1432 : memref<200x64xf32, #tpu.memory_space<hbm>>) target(%dma_start3A_1428 : memref<200x64xf32, #tpu.memory_space<vmem>>) target_semaphore(%arg6 : memref<!tpu.dma_semaphore, #tpu.memory_space<semaphore_mem>>)
    %dma_wait3A_1433 = arith.constant 0 : i32
    %dma_wait3A_1434 = arith.constant 0 : i32
    %dma_wait3A_1435 = tpu.memref_slice %arg5[%dma_wait3A_1433, %dma_wait3A_1434] : memref<200x128xf32, #tpu.memory_space<vmem>> -> memref<200x64xf32, #tpu.memory_space<vmem>>
    %dma_wait3A_1436 = arith.constant 0 : i32
    %dma_wait3A_1437 = arith.constant 0 : i32
    %dma_wait3A_1438 = tpu.memref_slice %arg2[%add3A_1418, %dma_wait3A_1436, %dma_wait3A_1437] : memref<1024x200x64xf32, #tpu.memory_space<hbm>> -> memref<1x200x64xf32, #tpu.memory_space<hbm>>
    %dma_wait3A_1439 = tpu.memref_squeeze %dma_wait3A_1438 : memref<1x200x64xf32, #tpu.memory_space<hbm>> -> memref<200x64xf32, #tpu.memory_space<hbm>>
    %dma_wait3A_1440 = arith.constant 0 : i32
    %dma_wait3A_1441 = arith.constant 0 : i32
    %dma_wait3A_1442 = tpu.memref_slice %arg5[%dma_wait3A_1440, %dma_wait3A_1441] : memref<200x128xf32, #tpu.memory_space<vmem>> -> memref<200x64xf32, #tpu.memory_space<vmem>>
    %dma_wait3A_1443 = arith.constant 0 : i32
    %dma_wait3A_1444 = arith.constant 0 : i32
    %dma_wait3A_1445 = tpu.memref_slice %arg2[%add3A_1418, %dma_wait3A_1443, %dma_wait3A_1444] : memref<1024x200x64xf32, #tpu.memory_space<hbm>> -> memref<1x200x64xf32, #tpu.memory_space<hbm>>
    %dma_wait3A_1446 = tpu.memref_squeeze %dma_wait3A_1445 : memref<1x200x64xf32, #tpu.memory_space<hbm>> -> memref<200x64xf32, #tpu.memory_space<hbm>>
    tpu.wait_dma2 semaphore(%arg6 : memref<!tpu.dma_semaphore, #tpu.memory_space<semaphore_mem>>) src(%dma_wait3A_1446 : memref<200x64xf32, #tpu.memory_space<hbm>>) dst(%dma_wait3A_1442 : memref<200x64xf32, #tpu.memory_space<vmem>>)
    %dma_start3A_1447 = arith.constant 0 : i32
    %dma_start3A_1448 = arith.constant 0 : i32
    %dma_start3A_1449 = tpu.memref_slice %arg5[%dma_start3A_1447, %dma_start3A_1448] : memref<200x128xf32, #tpu.memory_space<vmem>> -> memref<200x96xf32, #tpu.memory_space<vmem>>
    %dma_start3A_1450 = arith.constant 0 : i32
    %dma_start3A_1451 = arith.constant 0 : i32
    %dma_start3A_1452 = tpu.memref_slice %arg4[%add3A_1418, %dma_start3A_1450, %dma_start3A_1451] : memref<1024x200x96xf32, #tpu.memory_space<hbm>> -> memref<1x200x96xf32, #tpu.memory_space<hbm>>
    %dma_start3A_1453 = tpu.memref_squeeze %dma_start3A_1452 : memref<1x200x96xf32, #tpu.memory_space<hbm>> -> memref<200x96xf32, #tpu.memory_space<hbm>>
    %dma_start3A_1454 = arith.constant 0 : i32
    %dma_start3A_1455 = arith.constant 0 : i32
    %dma_start3A_1456 = tpu.memref_slice %arg4[%add3A_1418, %dma_start3A_1454, %dma_start3A_1455] : memref<1024x200x96xf32, #tpu.memory_space<hbm>> -> memref<1x200x96xf32, #tpu.memory_space<hbm>>
    %dma_start3A_1457 = tpu.memref_squeeze %dma_start3A_1456 : memref<1x200x96xf32, #tpu.memory_space<hbm>> -> memref<200x96xf32, #tpu.memory_space<hbm>>
    %dma_start3A_1458 = arith.constant 0 : i32
    %dma_start3A_1459 = arith.constant 0 : i32
    %dma_start3A_1460 = tpu.memref_slice %arg5[%dma_start3A_1458, %dma_start3A_1459] : memref<200x128xf32, #tpu.memory_space<vmem>> -> memref<200x96xf32, #tpu.memory_space<vmem>>
    tpu.enqueue_dma source(%dma_start3A_1460 : memref<200x96xf32, #tpu.memory_space<vmem>>) target(%dma_start3A_1457 : memref<200x96xf32, #tpu.memory_space<hbm>>) target_semaphore(%arg6 : memref<!tpu.dma_semaphore, #tpu.memory_space<semaphore_mem>>)
    %dma_wait3A_1461 = arith.constant 0 : i32
    %dma_wait3A_1462 = arith.constant 0 : i32
    %dma_wait3A_1463 = tpu.memref_slice %arg5[%dma_wait3A_1461, %dma_wait3A_1462] : memref<200x128xf32, #tpu.memory_space<vmem>> -> memref<200x96xf32, #tpu.memory_space<vmem>>
    %dma_wait3A_1464 = arith.constant 0 : i32
    %dma_wait3A_1465 = arith.constant 0 : i32
    %dma_wait3A_1466 = tpu.memref_slice %arg4[%add3A_1418, %dma_wait3A_1464, %dma_wait3A_1465] : memref<1024x200x96xf32, #tpu.memory_space<hbm>> -> memref<1x200x96xf32, #tpu.memory_space<hbm>>
    %dma_wait3A_1467 = tpu.memref_squeeze %dma_wait3A_1466 : memref<1x200x96xf32, #tpu.memory_space<hbm>> -> memref<200x96xf32, #tpu.memory_space<hbm>>
    %dma_wait3A_1468 = arith.constant 0 : i32
    %dma_wait3A_1469 = arith.constant 0 : i32
    %dma_wait3A_1470 = tpu.memref_slice %arg4[%add3A_1418, %dma_wait3A_1468, %dma_wait3A_1469] : memref<1024x200x96xf32, #tpu.memory_space<hbm>> -> memref<1x200x96xf32, #tpu.memory_space<hbm>>
    %dma_wait3A_1471 = tpu.memref_squeeze %dma_wait3A_1470 : memref<1x200x96xf32, #tpu.memory_space<hbm>> -> memref<200x96xf32, #tpu.memory_space<hbm>>
    %dma_wait3A_1472 = arith.constant 0 : i32
    %dma_wait3A_1473 = arith.constant 0 : i32
    %dma_wait3A_1474 = tpu.memref_slice %arg5[%dma_wait3A_1472, %dma_wait3A_1473] : memref<200x128xf32, #tpu.memory_space<vmem>> -> memref<200x96xf32, #tpu.memory_space<vmem>>
    tpu.wait_dma2 semaphore(%arg6 : memref<!tpu.dma_semaphore, #tpu.memory_space<semaphore_mem>>) src(%dma_wait3A_1474 : memref<200x96xf32, #tpu.memory_space<vmem>>) dst(%dma_wait3A_1471 : memref<200x96xf32, #tpu.memory_space<hbm>>)
    %add3A_1475 = arith.constant 25 : i32
    %add3A_1476 = arith.addi %mul3A_2, %add3A_1475 : i32
    %dma_start3A_1477 = arith.constant 0 : i32
    %dma_start3A_1478 = arith.constant 0 : i32
    %dma_start3A_1479 = tpu.memref_slice %arg5[%dma_start3A_1477, %dma_start3A_1478] : memref<200x128xf32, #tpu.memory_space<vmem>> -> memref<200x64xf32, #tpu.memory_space<vmem>>
    %dma_start3A_1480 = arith.constant 0 : i32
    %dma_start3A_1481 = arith.constant 0 : i32
    %dma_start3A_1482 = tpu.memref_slice %arg2[%add3A_1476, %dma_start3A_1480, %dma_start3A_1481] : memref<1024x200x64xf32, #tpu.memory_space<hbm>> -> memref<1x200x64xf32, #tpu.memory_space<hbm>>
    %dma_start3A_1483 = tpu.memref_squeeze %dma_start3A_1482 : memref<1x200x64xf32, #tpu.memory_space<hbm>> -> memref<200x64xf32, #tpu.memory_space<hbm>>
    %dma_start3A_1484 = arith.constant 0 : i32
    %dma_start3A_1485 = arith.constant 0 : i32
    %dma_start3A_1486 = tpu.memref_slice %arg5[%dma_start3A_1484, %dma_start3A_1485] : memref<200x128xf32, #tpu.memory_space<vmem>> -> memref<200x64xf32, #tpu.memory_space<vmem>>
    %dma_start3A_1487 = arith.constant 0 : i32
    %dma_start3A_1488 = arith.constant 0 : i32
    %dma_start3A_1489 = tpu.memref_slice %arg2[%add3A_1476, %dma_start3A_1487, %dma_start3A_1488] : memref<1024x200x64xf32, #tpu.memory_space<hbm>> -> memref<1x200x64xf32, #tpu.memory_space<hbm>>
    %dma_start3A_1490 = tpu.memref_squeeze %dma_start3A_1489 : memref<1x200x64xf32, #tpu.memory_space<hbm>> -> memref<200x64xf32, #tpu.memory_space<hbm>>
    tpu.enqueue_dma source(%dma_start3A_1490 : memref<200x64xf32, #tpu.memory_space<hbm>>) target(%dma_start3A_1486 : memref<200x64xf32, #tpu.memory_space<vmem>>) target_semaphore(%arg6 : memref<!tpu.dma_semaphore, #tpu.memory_space<semaphore_mem>>)
    %dma_wait3A_1491 = arith.constant 0 : i32
    %dma_wait3A_1492 = arith.constant 0 : i32
    %dma_wait3A_1493 = tpu.memref_slice %arg5[%dma_wait3A_1491, %dma_wait3A_1492] : memref<200x128xf32, #tpu.memory_space<vmem>> -> memref<200x64xf32, #tpu.memory_space<vmem>>
    %dma_wait3A_1494 = arith.constant 0 : i32
    %dma_wait3A_1495 = arith.constant 0 : i32
    %dma_wait3A_1496 = tpu.memref_slice %arg2[%add3A_1476, %dma_wait3A_1494, %dma_wait3A_1495] : memref<1024x200x64xf32, #tpu.memory_space<hbm>> -> memref<1x200x64xf32, #tpu.memory_space<hbm>>
    %dma_wait3A_1497 = tpu.memref_squeeze %dma_wait3A_1496 : memref<1x200x64xf32, #tpu.memory_space<hbm>> -> memref<200x64xf32, #tpu.memory_space<hbm>>
    %dma_wait3A_1498 = arith.constant 0 : i32
    %dma_wait3A_1499 = arith.constant 0 : i32
    %dma_wait3A_1500 = tpu.memref_slice %arg5[%dma_wait3A_1498, %dma_wait3A_1499] : memref<200x128xf32, #tpu.memory_space<vmem>> -> memref<200x64xf32, #tpu.memory_space<vmem>>
    %dma_wait3A_1501 = arith.constant 0 : i32
    %dma_wait3A_1502 = arith.constant 0 : i32
    %dma_wait3A_1503 = tpu.memref_slice %arg2[%add3A_1476, %dma_wait3A_1501, %dma_wait3A_1502] : memref<1024x200x64xf32, #tpu.memory_space<hbm>> -> memref<1x200x64xf32, #tpu.memory_space<hbm>>
    %dma_wait3A_1504 = tpu.memref_squeeze %dma_wait3A_1503 : memref<1x200x64xf32, #tpu.memory_space<hbm>> -> memref<200x64xf32, #tpu.memory_space<hbm>>
    tpu.wait_dma2 semaphore(%arg6 : memref<!tpu.dma_semaphore, #tpu.memory_space<semaphore_mem>>) src(%dma_wait3A_1504 : memref<200x64xf32, #tpu.memory_space<hbm>>) dst(%dma_wait3A_1500 : memref<200x64xf32, #tpu.memory_space<vmem>>)
    %dma_start3A_1505 = arith.constant 0 : i32
    %dma_start3A_1506 = arith.constant 0 : i32
    %dma_start3A_1507 = tpu.memref_slice %arg5[%dma_start3A_1505, %dma_start3A_1506] : memref<200x128xf32, #tpu.memory_space<vmem>> -> memref<200x96xf32, #tpu.memory_space<vmem>>
    %dma_start3A_1508 = arith.constant 0 : i32
    %dma_start3A_1509 = arith.constant 0 : i32
    %dma_start3A_1510 = tpu.memref_slice %arg4[%add3A_1476, %dma_start3A_1508, %dma_start3A_1509] : memref<1024x200x96xf32, #tpu.memory_space<hbm>> -> memref<1x200x96xf32, #tpu.memory_space<hbm>>
    %dma_start3A_1511 = tpu.memref_squeeze %dma_start3A_1510 : memref<1x200x96xf32, #tpu.memory_space<hbm>> -> memref<200x96xf32, #tpu.memory_space<hbm>>
    %dma_start3A_1512 = arith.constant 0 : i32
    %dma_start3A_1513 = arith.constant 0 : i32
    %dma_start3A_1514 = tpu.memref_slice %arg4[%add3A_1476, %dma_start3A_1512, %dma_start3A_1513] : memref<1024x200x96xf32, #tpu.memory_space<hbm>> -> memref<1x200x96xf32, #tpu.memory_space<hbm>>
    %dma_start3A_1515 = tpu.memref_squeeze %dma_start3A_1514 : memref<1x200x96xf32, #tpu.memory_space<hbm>> -> memref<200x96xf32, #tpu.memory_space<hbm>>
    %dma_start3A_1516 = arith.constant 0 : i32
    %dma_start3A_1517 = arith.constant 0 : i32
    %dma_start3A_1518 = tpu.memref_slice %arg5[%dma_start3A_1516, %dma_start3A_1517] : memref<200x128xf32, #tpu.memory_space<vmem>> -> memref<200x96xf32, #tpu.memory_space<vmem>>
    tpu.enqueue_dma source(%dma_start3A_1518 : memref<200x96xf32, #tpu.memory_space<vmem>>) target(%dma_start3A_1515 : memref<200x96xf32, #tpu.memory_space<hbm>>) target_semaphore(%arg6 : memref<!tpu.dma_semaphore, #tpu.memory_space<semaphore_mem>>)
    %dma_wait3A_1519 = arith.constant 0 : i32
    %dma_wait3A_1520 = arith.constant 0 : i32
    %dma_wait3A_1521 = tpu.memref_slice %arg5[%dma_wait3A_1519, %dma_wait3A_1520] : memref<200x128xf32, #tpu.memory_space<vmem>> -> memref<200x96xf32, #tpu.memory_space<vmem>>
    %dma_wait3A_1522 = arith.constant 0 : i32
    %dma_wait3A_1523 = arith.constant 0 : i32
    %dma_wait3A_1524 = tpu.memref_slice %arg4[%add3A_1476, %dma_wait3A_1522, %dma_wait3A_1523] : memref<1024x200x96xf32, #tpu.memory_space<hbm>> -> memref<1x200x96xf32, #tpu.memory_space<hbm>>
    %dma_wait3A_1525 = tpu.memref_squeeze %dma_wait3A_1524 : memref<1x200x96xf32, #tpu.memory_space<hbm>> -> memref<200x96xf32, #tpu.memory_space<hbm>>
    %dma_wait3A_1526 = arith.constant 0 : i32
    %dma_wait3A_1527 = arith.constant 0 : i32
    %dma_wait3A_1528 = tpu.memref_slice %arg4[%add3A_1476, %dma_wait3A_1526, %dma_wait3A_1527] : memref<1024x200x96xf32, #tpu.memory_space<hbm>> -> memref<1x200x96xf32, #tpu.memory_space<hbm>>
    %dma_wait3A_1529 = tpu.memref_squeeze %dma_wait3A_1528 : memref<1x200x96xf32, #tpu.memory_space<hbm>> -> memref<200x96xf32, #tpu.memory_space<hbm>>
    %dma_wait3A_1530 = arith.constant 0 : i32
    %dma_wait3A_1531 = arith.constant 0 : i32
    %dma_wait3A_1532 = tpu.memref_slice %arg5[%dma_wait3A_1530, %dma_wait3A_1531] : memref<200x128xf32, #tpu.memory_space<vmem>> -> memref<200x96xf32, #tpu.memory_space<vmem>>
    tpu.wait_dma2 semaphore(%arg6 : memref<!tpu.dma_semaphore, #tpu.memory_space<semaphore_mem>>) src(%dma_wait3A_1532 : memref<200x96xf32, #tpu.memory_space<vmem>>) dst(%dma_wait3A_1529 : memref<200x96xf32, #tpu.memory_space<hbm>>)
    %add3A_1533 = arith.constant 26 : i32
    %add3A_1534 = arith.addi %mul3A_2, %add3A_1533 : i32
    %dma_start3A_1535 = arith.constant 0 : i32
    %dma_start3A_1536 = arith.constant 0 : i32
    %dma_start3A_1537 = tpu.memref_slice %arg5[%dma_start3A_1535, %dma_start3A_1536] : memref<200x128xf32, #tpu.memory_space<vmem>> -> memref<200x64xf32, #tpu.memory_space<vmem>>
    %dma_start3A_1538 = arith.constant 0 : i32
    %dma_start3A_1539 = arith.constant 0 : i32
    %dma_start3A_1540 = tpu.memref_slice %arg2[%add3A_1534, %dma_start3A_1538, %dma_start3A_1539] : memref<1024x200x64xf32, #tpu.memory_space<hbm>> -> memref<1x200x64xf32, #tpu.memory_space<hbm>>
    %dma_start3A_1541 = tpu.memref_squeeze %dma_start3A_1540 : memref<1x200x64xf32, #tpu.memory_space<hbm>> -> memref<200x64xf32, #tpu.memory_space<hbm>>
    %dma_start3A_1542 = arith.constant 0 : i32
    %dma_start3A_1543 = arith.constant 0 : i32
    %dma_start3A_1544 = tpu.memref_slice %arg5[%dma_start3A_1542, %dma_start3A_1543] : memref<200x128xf32, #tpu.memory_space<vmem>> -> memref<200x64xf32, #tpu.memory_space<vmem>>
    %dma_start3A_1545 = arith.constant 0 : i32
    %dma_start3A_1546 = arith.constant 0 : i32
    %dma_start3A_1547 = tpu.memref_slice %arg2[%add3A_1534, %dma_start3A_1545, %dma_start3A_1546] : memref<1024x200x64xf32, #tpu.memory_space<hbm>> -> memref<1x200x64xf32, #tpu.memory_space<hbm>>
    %dma_start3A_1548 = tpu.memref_squeeze %dma_start3A_1547 : memref<1x200x64xf32, #tpu.memory_space<hbm>> -> memref<200x64xf32, #tpu.memory_space<hbm>>
    tpu.enqueue_dma source(%dma_start3A_1548 : memref<200x64xf32, #tpu.memory_space<hbm>>) target(%dma_start3A_1544 : memref<200x64xf32, #tpu.memory_space<vmem>>) target_semaphore(%arg6 : memref<!tpu.dma_semaphore, #tpu.memory_space<semaphore_mem>>)
    %dma_wait3A_1549 = arith.constant 0 : i32
    %dma_wait3A_1550 = arith.constant 0 : i32
    %dma_wait3A_1551 = tpu.memref_slice %arg5[%dma_wait3A_1549, %dma_wait3A_1550] : memref<200x128xf32, #tpu.memory_space<vmem>> -> memref<200x64xf32, #tpu.memory_space<vmem>>
    %dma_wait3A_1552 = arith.constant 0 : i32
    %dma_wait3A_1553 = arith.constant 0 : i32
    %dma_wait3A_1554 = tpu.memref_slice %arg2[%add3A_1534, %dma_wait3A_1552, %dma_wait3A_1553] : memref<1024x200x64xf32, #tpu.memory_space<hbm>> -> memref<1x200x64xf32, #tpu.memory_space<hbm>>
    %dma_wait3A_1555 = tpu.memref_squeeze %dma_wait3A_1554 : memref<1x200x64xf32, #tpu.memory_space<hbm>> -> memref<200x64xf32, #tpu.memory_space<hbm>>
    %dma_wait3A_1556 = arith.constant 0 : i32
    %dma_wait3A_1557 = arith.constant 0 : i32
    %dma_wait3A_1558 = tpu.memref_slice %arg5[%dma_wait3A_1556, %dma_wait3A_1557] : memref<200x128xf32, #tpu.memory_space<vmem>> -> memref<200x64xf32, #tpu.memory_space<vmem>>
    %dma_wait3A_1559 = arith.constant 0 : i32
    %dma_wait3A_1560 = arith.constant 0 : i32
    %dma_wait3A_1561 = tpu.memref_slice %arg2[%add3A_1534, %dma_wait3A_1559, %dma_wait3A_1560] : memref<1024x200x64xf32, #tpu.memory_space<hbm>> -> memref<1x200x64xf32, #tpu.memory_space<hbm>>
    %dma_wait3A_1562 = tpu.memref_squeeze %dma_wait3A_1561 : memref<1x200x64xf32, #tpu.memory_space<hbm>> -> memref<200x64xf32, #tpu.memory_space<hbm>>
    tpu.wait_dma2 semaphore(%arg6 : memref<!tpu.dma_semaphore, #tpu.memory_space<semaphore_mem>>) src(%dma_wait3A_1562 : memref<200x64xf32, #tpu.memory_space<hbm>>) dst(%dma_wait3A_1558 : memref<200x64xf32, #tpu.memory_space<vmem>>)
    %dma_start3A_1563 = arith.constant 0 : i32
    %dma_start3A_1564 = arith.constant 0 : i32
    %dma_start3A_1565 = tpu.memref_slice %arg5[%dma_start3A_1563, %dma_start3A_1564] : memref<200x128xf32, #tpu.memory_space<vmem>> -> memref<200x96xf32, #tpu.memory_space<vmem>>
    %dma_start3A_1566 = arith.constant 0 : i32
    %dma_start3A_1567 = arith.constant 0 : i32
    %dma_start3A_1568 = tpu.memref_slice %arg4[%add3A_1534, %dma_start3A_1566, %dma_start3A_1567] : memref<1024x200x96xf32, #tpu.memory_space<hbm>> -> memref<1x200x96xf32, #tpu.memory_space<hbm>>
    %dma_start3A_1569 = tpu.memref_squeeze %dma_start3A_1568 : memref<1x200x96xf32, #tpu.memory_space<hbm>> -> memref<200x96xf32, #tpu.memory_space<hbm>>
    %dma_start3A_1570 = arith.constant 0 : i32
    %dma_start3A_1571 = arith.constant 0 : i32
    %dma_start3A_1572 = tpu.memref_slice %arg4[%add3A_1534, %dma_start3A_1570, %dma_start3A_1571] : memref<1024x200x96xf32, #tpu.memory_space<hbm>> -> memref<1x200x96xf32, #tpu.memory_space<hbm>>
    %dma_start3A_1573 = tpu.memref_squeeze %dma_start3A_1572 : memref<1x200x96xf32, #tpu.memory_space<hbm>> -> memref<200x96xf32, #tpu.memory_space<hbm>>
    %dma_start3A_1574 = arith.constant 0 : i32
    %dma_start3A_1575 = arith.constant 0 : i32
    %dma_start3A_1576 = tpu.memref_slice %arg5[%dma_start3A_1574, %dma_start3A_1575] : memref<200x128xf32, #tpu.memory_space<vmem>> -> memref<200x96xf32, #tpu.memory_space<vmem>>
    tpu.enqueue_dma source(%dma_start3A_1576 : memref<200x96xf32, #tpu.memory_space<vmem>>) target(%dma_start3A_1573 : memref<200x96xf32, #tpu.memory_space<hbm>>) target_semaphore(%arg6 : memref<!tpu.dma_semaphore, #tpu.memory_space<semaphore_mem>>)
    %dma_wait3A_1577 = arith.constant 0 : i32
    %dma_wait3A_1578 = arith.constant 0 : i32
    %dma_wait3A_1579 = tpu.memref_slice %arg5[%dma_wait3A_1577, %dma_wait3A_1578] : memref<200x128xf32, #tpu.memory_space<vmem>> -> memref<200x96xf32, #tpu.memory_space<vmem>>
    %dma_wait3A_1580 = arith.constant 0 : i32
    %dma_wait3A_1581 = arith.constant 0 : i32
    %dma_wait3A_1582 = tpu.memref_slice %arg4[%add3A_1534, %dma_wait3A_1580, %dma_wait3A_1581] : memref<1024x200x96xf32, #tpu.memory_space<hbm>> -> memref<1x200x96xf32, #tpu.memory_space<hbm>>
    %dma_wait3A_1583 = tpu.memref_squeeze %dma_wait3A_1582 : memref<1x200x96xf32, #tpu.memory_space<hbm>> -> memref<200x96xf32, #tpu.memory_space<hbm>>
    %dma_wait3A_1584 = arith.constant 0 : i32
    %dma_wait3A_1585 = arith.constant 0 : i32
    %dma_wait3A_1586 = tpu.memref_slice %arg4[%add3A_1534, %dma_wait3A_1584, %dma_wait3A_1585] : memref<1024x200x96xf32, #tpu.memory_space<hbm>> -> memref<1x200x96xf32, #tpu.memory_space<hbm>>
    %dma_wait3A_1587 = tpu.memref_squeeze %dma_wait3A_1586 : memref<1x200x96xf32, #tpu.memory_space<hbm>> -> memref<200x96xf32, #tpu.memory_space<hbm>>
    %dma_wait3A_1588 = arith.constant 0 : i32
    %dma_wait3A_1589 = arith.constant 0 : i32
    %dma_wait3A_1590 = tpu.memref_slice %arg5[%dma_wait3A_1588, %dma_wait3A_1589] : memref<200x128xf32, #tpu.memory_space<vmem>> -> memref<200x96xf32, #tpu.memory_space<vmem>>
    tpu.wait_dma2 semaphore(%arg6 : memref<!tpu.dma_semaphore, #tpu.memory_space<semaphore_mem>>) src(%dma_wait3A_1590 : memref<200x96xf32, #tpu.memory_space<vmem>>) dst(%dma_wait3A_1587 : memref<200x96xf32, #tpu.memory_space<hbm>>)
    %add3A_1591 = arith.constant 27 : i32
    %add3A_1592 = arith.addi %mul3A_2, %add3A_1591 : i32
    %dma_start3A_1593 = arith.constant 0 : i32
    %dma_start3A_1594 = arith.constant 0 : i32
    %dma_start3A_1595 = tpu.memref_slice %arg5[%dma_start3A_1593, %dma_start3A_1594] : memref<200x128xf32, #tpu.memory_space<vmem>> -> memref<200x64xf32, #tpu.memory_space<vmem>>
    %dma_start3A_1596 = arith.constant 0 : i32
    %dma_start3A_1597 = arith.constant 0 : i32
    %dma_start3A_1598 = tpu.memref_slice %arg2[%add3A_1592, %dma_start3A_1596, %dma_start3A_1597] : memref<1024x200x64xf32, #tpu.memory_space<hbm>> -> memref<1x200x64xf32, #tpu.memory_space<hbm>>
    %dma_start3A_1599 = tpu.memref_squeeze %dma_start3A_1598 : memref<1x200x64xf32, #tpu.memory_space<hbm>> -> memref<200x64xf32, #tpu.memory_space<hbm>>
    %dma_start3A_1600 = arith.constant 0 : i32
    %dma_start3A_1601 = arith.constant 0 : i32
    %dma_start3A_1602 = tpu.memref_slice %arg5[%dma_start3A_1600, %dma_start3A_1601] : memref<200x128xf32, #tpu.memory_space<vmem>> -> memref<200x64xf32, #tpu.memory_space<vmem>>
    %dma_start3A_1603 = arith.constant 0 : i32
    %dma_start3A_1604 = arith.constant 0 : i32
    %dma_start3A_1605 = tpu.memref_slice %arg2[%add3A_1592, %dma_start3A_1603, %dma_start3A_1604] : memref<1024x200x64xf32, #tpu.memory_space<hbm>> -> memref<1x200x64xf32, #tpu.memory_space<hbm>>
    %dma_start3A_1606 = tpu.memref_squeeze %dma_start3A_1605 : memref<1x200x64xf32, #tpu.memory_space<hbm>> -> memref<200x64xf32, #tpu.memory_space<hbm>>
    tpu.enqueue_dma source(%dma_start3A_1606 : memref<200x64xf32, #tpu.memory_space<hbm>>) target(%dma_start3A_1602 : memref<200x64xf32, #tpu.memory_space<vmem>>) target_semaphore(%arg6 : memref<!tpu.dma_semaphore, #tpu.memory_space<semaphore_mem>>)
    %dma_wait3A_1607 = arith.constant 0 : i32
    %dma_wait3A_1608 = arith.constant 0 : i32
    %dma_wait3A_1609 = tpu.memref_slice %arg5[%dma_wait3A_1607, %dma_wait3A_1608] : memref<200x128xf32, #tpu.memory_space<vmem>> -> memref<200x64xf32, #tpu.memory_space<vmem>>
    %dma_wait3A_1610 = arith.constant 0 : i32
    %dma_wait3A_1611 = arith.constant 0 : i32
    %dma_wait3A_1612 = tpu.memref_slice %arg2[%add3A_1592, %dma_wait3A_1610, %dma_wait3A_1611] : memref<1024x200x64xf32, #tpu.memory_space<hbm>> -> memref<1x200x64xf32, #tpu.memory_space<hbm>>
    %dma_wait3A_1613 = tpu.memref_squeeze %dma_wait3A_1612 : memref<1x200x64xf32, #tpu.memory_space<hbm>> -> memref<200x64xf32, #tpu.memory_space<hbm>>
    %dma_wait3A_1614 = arith.constant 0 : i32
    %dma_wait3A_1615 = arith.constant 0 : i32
    %dma_wait3A_1616 = tpu.memref_slice %arg5[%dma_wait3A_1614, %dma_wait3A_1615] : memref<200x128xf32, #tpu.memory_space<vmem>> -> memref<200x64xf32, #tpu.memory_space<vmem>>
    %dma_wait3A_1617 = arith.constant 0 : i32
    %dma_wait3A_1618 = arith.constant 0 : i32
    %dma_wait3A_1619 = tpu.memref_slice %arg2[%add3A_1592, %dma_wait3A_1617, %dma_wait3A_1618] : memref<1024x200x64xf32, #tpu.memory_space<hbm>> -> memref<1x200x64xf32, #tpu.memory_space<hbm>>
    %dma_wait3A_1620 = tpu.memref_squeeze %dma_wait3A_1619 : memref<1x200x64xf32, #tpu.memory_space<hbm>> -> memref<200x64xf32, #tpu.memory_space<hbm>>
    tpu.wait_dma2 semaphore(%arg6 : memref<!tpu.dma_semaphore, #tpu.memory_space<semaphore_mem>>) src(%dma_wait3A_1620 : memref<200x64xf32, #tpu.memory_space<hbm>>) dst(%dma_wait3A_1616 : memref<200x64xf32, #tpu.memory_space<vmem>>)
    %dma_start3A_1621 = arith.constant 0 : i32
    %dma_start3A_1622 = arith.constant 0 : i32
    %dma_start3A_1623 = tpu.memref_slice %arg5[%dma_start3A_1621, %dma_start3A_1622] : memref<200x128xf32, #tpu.memory_space<vmem>> -> memref<200x96xf32, #tpu.memory_space<vmem>>
    %dma_start3A_1624 = arith.constant 0 : i32
    %dma_start3A_1625 = arith.constant 0 : i32
    %dma_start3A_1626 = tpu.memref_slice %arg4[%add3A_1592, %dma_start3A_1624, %dma_start3A_1625] : memref<1024x200x96xf32, #tpu.memory_space<hbm>> -> memref<1x200x96xf32, #tpu.memory_space<hbm>>
    %dma_start3A_1627 = tpu.memref_squeeze %dma_start3A_1626 : memref<1x200x96xf32, #tpu.memory_space<hbm>> -> memref<200x96xf32, #tpu.memory_space<hbm>>
    %dma_start3A_1628 = arith.constant 0 : i32
    %dma_start3A_1629 = arith.constant 0 : i32
    %dma_start3A_1630 = tpu.memref_slice %arg4[%add3A_1592, %dma_start3A_1628, %dma_start3A_1629] : memref<1024x200x96xf32, #tpu.memory_space<hbm>> -> memref<1x200x96xf32, #tpu.memory_space<hbm>>
    %dma_start3A_1631 = tpu.memref_squeeze %dma_start3A_1630 : memref<1x200x96xf32, #tpu.memory_space<hbm>> -> memref<200x96xf32, #tpu.memory_space<hbm>>
    %dma_start3A_1632 = arith.constant 0 : i32
    %dma_start3A_1633 = arith.constant 0 : i32
    %dma_start3A_1634 = tpu.memref_slice %arg5[%dma_start3A_1632, %dma_start3A_1633] : memref<200x128xf32, #tpu.memory_space<vmem>> -> memref<200x96xf32, #tpu.memory_space<vmem>>
    tpu.enqueue_dma source(%dma_start3A_1634 : memref<200x96xf32, #tpu.memory_space<vmem>>) target(%dma_start3A_1631 : memref<200x96xf32, #tpu.memory_space<hbm>>) target_semaphore(%arg6 : memref<!tpu.dma_semaphore, #tpu.memory_space<semaphore_mem>>)
    %dma_wait3A_1635 = arith.constant 0 : i32
    %dma_wait3A_1636 = arith.constant 0 : i32
    %dma_wait3A_1637 = tpu.memref_slice %arg5[%dma_wait3A_1635, %dma_wait3A_1636] : memref<200x128xf32, #tpu.memory_space<vmem>> -> memref<200x96xf32, #tpu.memory_space<vmem>>
    %dma_wait3A_1638 = arith.constant 0 : i32
    %dma_wait3A_1639 = arith.constant 0 : i32
    %dma_wait3A_1640 = tpu.memref_slice %arg4[%add3A_1592, %dma_wait3A_1638, %dma_wait3A_1639] : memref<1024x200x96xf32, #tpu.memory_space<hbm>> -> memref<1x200x96xf32, #tpu.memory_space<hbm>>
    %dma_wait3A_1641 = tpu.memref_squeeze %dma_wait3A_1640 : memref<1x200x96xf32, #tpu.memory_space<hbm>> -> memref<200x96xf32, #tpu.memory_space<hbm>>
    %dma_wait3A_1642 = arith.constant 0 : i32
    %dma_wait3A_1643 = arith.constant 0 : i32
    %dma_wait3A_1644 = tpu.memref_slice %arg4[%add3A_1592, %dma_wait3A_1642, %dma_wait3A_1643] : memref<1024x200x96xf32, #tpu.memory_space<hbm>> -> memref<1x200x96xf32, #tpu.memory_space<hbm>>
    %dma_wait3A_1645 = tpu.memref_squeeze %dma_wait3A_1644 : memref<1x200x96xf32, #tpu.memory_space<hbm>> -> memref<200x96xf32, #tpu.memory_space<hbm>>
    %dma_wait3A_1646 = arith.constant 0 : i32
    %dma_wait3A_1647 = arith.constant 0 : i32
    %dma_wait3A_1648 = tpu.memref_slice %arg5[%dma_wait3A_1646, %dma_wait3A_1647] : memref<200x128xf32, #tpu.memory_space<vmem>> -> memref<200x96xf32, #tpu.memory_space<vmem>>
    tpu.wait_dma2 semaphore(%arg6 : memref<!tpu.dma_semaphore, #tpu.memory_space<semaphore_mem>>) src(%dma_wait3A_1648 : memref<200x96xf32, #tpu.memory_space<vmem>>) dst(%dma_wait3A_1645 : memref<200x96xf32, #tpu.memory_space<hbm>>)
    %add3A_1649 = arith.constant 28 : i32
    %add3A_1650 = arith.addi %mul3A_2, %add3A_1649 : i32
    %dma_start3A_1651 = arith.constant 0 : i32
    %dma_start3A_1652 = arith.constant 0 : i32
    %dma_start3A_1653 = tpu.memref_slice %arg5[%dma_start3A_1651, %dma_start3A_1652] : memref<200x128xf32, #tpu.memory_space<vmem>> -> memref<200x64xf32, #tpu.memory_space<vmem>>
    %dma_start3A_1654 = arith.constant 0 : i32
    %dma_start3A_1655 = arith.constant 0 : i32
    %dma_start3A_1656 = tpu.memref_slice %arg2[%add3A_1650, %dma_start3A_1654, %dma_start3A_1655] : memref<1024x200x64xf32, #tpu.memory_space<hbm>> -> memref<1x200x64xf32, #tpu.memory_space<hbm>>
    %dma_start3A_1657 = tpu.memref_squeeze %dma_start3A_1656 : memref<1x200x64xf32, #tpu.memory_space<hbm>> -> memref<200x64xf32, #tpu.memory_space<hbm>>
    %dma_start3A_1658 = arith.constant 0 : i32
    %dma_start3A_1659 = arith.constant 0 : i32
    %dma_start3A_1660 = tpu.memref_slice %arg5[%dma_start3A_1658, %dma_start3A_1659] : memref<200x128xf32, #tpu.memory_space<vmem>> -> memref<200x64xf32, #tpu.memory_space<vmem>>
    %dma_start3A_1661 = arith.constant 0 : i32
    %dma_start3A_1662 = arith.constant 0 : i32
    %dma_start3A_1663 = tpu.memref_slice %arg2[%add3A_1650, %dma_start3A_1661, %dma_start3A_1662] : memref<1024x200x64xf32, #tpu.memory_space<hbm>> -> memref<1x200x64xf32, #tpu.memory_space<hbm>>
    %dma_start3A_1664 = tpu.memref_squeeze %dma_start3A_1663 : memref<1x200x64xf32, #tpu.memory_space<hbm>> -> memref<200x64xf32, #tpu.memory_space<hbm>>
    tpu.enqueue_dma source(%dma_start3A_1664 : memref<200x64xf32, #tpu.memory_space<hbm>>) target(%dma_start3A_1660 : memref<200x64xf32, #tpu.memory_space<vmem>>) target_semaphore(%arg6 : memref<!tpu.dma_semaphore, #tpu.memory_space<semaphore_mem>>)
    %dma_wait3A_1665 = arith.constant 0 : i32
    %dma_wait3A_1666 = arith.constant 0 : i32
    %dma_wait3A_1667 = tpu.memref_slice %arg5[%dma_wait3A_1665, %dma_wait3A_1666] : memref<200x128xf32, #tpu.memory_space<vmem>> -> memref<200x64xf32, #tpu.memory_space<vmem>>
    %dma_wait3A_1668 = arith.constant 0 : i32
    %dma_wait3A_1669 = arith.constant 0 : i32
    %dma_wait3A_1670 = tpu.memref_slice %arg2[%add3A_1650, %dma_wait3A_1668, %dma_wait3A_1669] : memref<1024x200x64xf32, #tpu.memory_space<hbm>> -> memref<1x200x64xf32, #tpu.memory_space<hbm>>
    %dma_wait3A_1671 = tpu.memref_squeeze %dma_wait3A_1670 : memref<1x200x64xf32, #tpu.memory_space<hbm>> -> memref<200x64xf32, #tpu.memory_space<hbm>>
    %dma_wait3A_1672 = arith.constant 0 : i32
    %dma_wait3A_1673 = arith.constant 0 : i32
    %dma_wait3A_1674 = tpu.memref_slice %arg5[%dma_wait3A_1672, %dma_wait3A_1673] : memref<200x128xf32, #tpu.memory_space<vmem>> -> memref<200x64xf32, #tpu.memory_space<vmem>>
    %dma_wait3A_1675 = arith.constant 0 : i32
    %dma_wait3A_1676 = arith.constant 0 : i32
    %dma_wait3A_1677 = tpu.memref_slice %arg2[%add3A_1650, %dma_wait3A_1675, %dma_wait3A_1676] : memref<1024x200x64xf32, #tpu.memory_space<hbm>> -> memref<1x200x64xf32, #tpu.memory_space<hbm>>
    %dma_wait3A_1678 = tpu.memref_squeeze %dma_wait3A_1677 : memref<1x200x64xf32, #tpu.memory_space<hbm>> -> memref<200x64xf32, #tpu.memory_space<hbm>>
    tpu.wait_dma2 semaphore(%arg6 : memref<!tpu.dma_semaphore, #tpu.memory_space<semaphore_mem>>) src(%dma_wait3A_1678 : memref<200x64xf32, #tpu.memory_space<hbm>>) dst(%dma_wait3A_1674 : memref<200x64xf32, #tpu.memory_space<vmem>>)
    %dma_start3A_1679 = arith.constant 0 : i32
    %dma_start3A_1680 = arith.constant 0 : i32
    %dma_start3A_1681 = tpu.memref_slice %arg5[%dma_start3A_1679, %dma_start3A_1680] : memref<200x128xf32, #tpu.memory_space<vmem>> -> memref<200x96xf32, #tpu.memory_space<vmem>>
    %dma_start3A_1682 = arith.constant 0 : i32
    %dma_start3A_1683 = arith.constant 0 : i32
    %dma_start3A_1684 = tpu.memref_slice %arg4[%add3A_1650, %dma_start3A_1682, %dma_start3A_1683] : memref<1024x200x96xf32, #tpu.memory_space<hbm>> -> memref<1x200x96xf32, #tpu.memory_space<hbm>>
    %dma_start3A_1685 = tpu.memref_squeeze %dma_start3A_1684 : memref<1x200x96xf32, #tpu.memory_space<hbm>> -> memref<200x96xf32, #tpu.memory_space<hbm>>
    %dma_start3A_1686 = arith.constant 0 : i32
    %dma_start3A_1687 = arith.constant 0 : i32
    %dma_start3A_1688 = tpu.memref_slice %arg4[%add3A_1650, %dma_start3A_1686, %dma_start3A_1687] : memref<1024x200x96xf32, #tpu.memory_space<hbm>> -> memref<1x200x96xf32, #tpu.memory_space<hbm>>
    %dma_start3A_1689 = tpu.memref_squeeze %dma_start3A_1688 : memref<1x200x96xf32, #tpu.memory_space<hbm>> -> memref<200x96xf32, #tpu.memory_space<hbm>>
    %dma_start3A_1690 = arith.constant 0 : i32
    %dma_start3A_1691 = arith.constant 0 : i32
    %dma_start3A_1692 = tpu.memref_slice %arg5[%dma_start3A_1690, %dma_start3A_1691] : memref<200x128xf32, #tpu.memory_space<vmem>> -> memref<200x96xf32, #tpu.memory_space<vmem>>
    tpu.enqueue_dma source(%dma_start3A_1692 : memref<200x96xf32, #tpu.memory_space<vmem>>) target(%dma_start3A_1689 : memref<200x96xf32, #tpu.memory_space<hbm>>) target_semaphore(%arg6 : memref<!tpu.dma_semaphore, #tpu.memory_space<semaphore_mem>>)
    %dma_wait3A_1693 = arith.constant 0 : i32
    %dma_wait3A_1694 = arith.constant 0 : i32
    %dma_wait3A_1695 = tpu.memref_slice %arg5[%dma_wait3A_1693, %dma_wait3A_1694] : memref<200x128xf32, #tpu.memory_space<vmem>> -> memref<200x96xf32, #tpu.memory_space<vmem>>
    %dma_wait3A_1696 = arith.constant 0 : i32
    %dma_wait3A_1697 = arith.constant 0 : i32
    %dma_wait3A_1698 = tpu.memref_slice %arg4[%add3A_1650, %dma_wait3A_1696, %dma_wait3A_1697] : memref<1024x200x96xf32, #tpu.memory_space<hbm>> -> memref<1x200x96xf32, #tpu.memory_space<hbm>>
    %dma_wait3A_1699 = tpu.memref_squeeze %dma_wait3A_1698 : memref<1x200x96xf32, #tpu.memory_space<hbm>> -> memref<200x96xf32, #tpu.memory_space<hbm>>
    %dma_wait3A_1700 = arith.constant 0 : i32
    %dma_wait3A_1701 = arith.constant 0 : i32
    %dma_wait3A_1702 = tpu.memref_slice %arg4[%add3A_1650, %dma_wait3A_1700, %dma_wait3A_1701] : memref<1024x200x96xf32, #tpu.memory_space<hbm>> -> memref<1x200x96xf32, #tpu.memory_space<hbm>>
    %dma_wait3A_1703 = tpu.memref_squeeze %dma_wait3A_1702 : memref<1x200x96xf32, #tpu.memory_space<hbm>> -> memref<200x96xf32, #tpu.memory_space<hbm>>
    %dma_wait3A_1704 = arith.constant 0 : i32
    %dma_wait3A_1705 = arith.constant 0 : i32
    %dma_wait3A_1706 = tpu.memref_slice %arg5[%dma_wait3A_1704, %dma_wait3A_1705] : memref<200x128xf32, #tpu.memory_space<vmem>> -> memref<200x96xf32, #tpu.memory_space<vmem>>
    tpu.wait_dma2 semaphore(%arg6 : memref<!tpu.dma_semaphore, #tpu.memory_space<semaphore_mem>>) src(%dma_wait3A_1706 : memref<200x96xf32, #tpu.memory_space<vmem>>) dst(%dma_wait3A_1703 : memref<200x96xf32, #tpu.memory_space<hbm>>)
    %add3A_1707 = arith.constant 29 : i32
    %add3A_1708 = arith.addi %mul3A_2, %add3A_1707 : i32
    %dma_start3A_1709 = arith.constant 0 : i32
    %dma_start3A_1710 = arith.constant 0 : i32
    %dma_start3A_1711 = tpu.memref_slice %arg5[%dma_start3A_1709, %dma_start3A_1710] : memref<200x128xf32, #tpu.memory_space<vmem>> -> memref<200x64xf32, #tpu.memory_space<vmem>>
    %dma_start3A_1712 = arith.constant 0 : i32
    %dma_start3A_1713 = arith.constant 0 : i32
    %dma_start3A_1714 = tpu.memref_slice %arg2[%add3A_1708, %dma_start3A_1712, %dma_start3A_1713] : memref<1024x200x64xf32, #tpu.memory_space<hbm>> -> memref<1x200x64xf32, #tpu.memory_space<hbm>>
    %dma_start3A_1715 = tpu.memref_squeeze %dma_start3A_1714 : memref<1x200x64xf32, #tpu.memory_space<hbm>> -> memref<200x64xf32, #tpu.memory_space<hbm>>
    %dma_start3A_1716 = arith.constant 0 : i32
    %dma_start3A_1717 = arith.constant 0 : i32
    %dma_start3A_1718 = tpu.memref_slice %arg5[%dma_start3A_1716, %dma_start3A_1717] : memref<200x128xf32, #tpu.memory_space<vmem>> -> memref<200x64xf32, #tpu.memory_space<vmem>>
    %dma_start3A_1719 = arith.constant 0 : i32
    %dma_start3A_1720 = arith.constant 0 : i32
    %dma_start3A_1721 = tpu.memref_slice %arg2[%add3A_1708, %dma_start3A_1719, %dma_start3A_1720] : memref<1024x200x64xf32, #tpu.memory_space<hbm>> -> memref<1x200x64xf32, #tpu.memory_space<hbm>>
    %dma_start3A_1722 = tpu.memref_squeeze %dma_start3A_1721 : memref<1x200x64xf32, #tpu.memory_space<hbm>> -> memref<200x64xf32, #tpu.memory_space<hbm>>
    tpu.enqueue_dma source(%dma_start3A_1722 : memref<200x64xf32, #tpu.memory_space<hbm>>) target(%dma_start3A_1718 : memref<200x64xf32, #tpu.memory_space<vmem>>) target_semaphore(%arg6 : memref<!tpu.dma_semaphore, #tpu.memory_space<semaphore_mem>>)
    %dma_wait3A_1723 = arith.constant 0 : i32
    %dma_wait3A_1724 = arith.constant 0 : i32
    %dma_wait3A_1725 = tpu.memref_slice %arg5[%dma_wait3A_1723, %dma_wait3A_1724] : memref<200x128xf32, #tpu.memory_space<vmem>> -> memref<200x64xf32, #tpu.memory_space<vmem>>
    %dma_wait3A_1726 = arith.constant 0 : i32
    %dma_wait3A_1727 = arith.constant 0 : i32
    %dma_wait3A_1728 = tpu.memref_slice %arg2[%add3A_1708, %dma_wait3A_1726, %dma_wait3A_1727] : memref<1024x200x64xf32, #tpu.memory_space<hbm>> -> memref<1x200x64xf32, #tpu.memory_space<hbm>>
    %dma_wait3A_1729 = tpu.memref_squeeze %dma_wait3A_1728 : memref<1x200x64xf32, #tpu.memory_space<hbm>> -> memref<200x64xf32, #tpu.memory_space<hbm>>
    %dma_wait3A_1730 = arith.constant 0 : i32
    %dma_wait3A_1731 = arith.constant 0 : i32
    %dma_wait3A_1732 = tpu.memref_slice %arg5[%dma_wait3A_1730, %dma_wait3A_1731] : memref<200x128xf32, #tpu.memory_space<vmem>> -> memref<200x64xf32, #tpu.memory_space<vmem>>
    %dma_wait3A_1733 = arith.constant 0 : i32
    %dma_wait3A_1734 = arith.constant 0 : i32
    %dma_wait3A_1735 = tpu.memref_slice %arg2[%add3A_1708, %dma_wait3A_1733, %dma_wait3A_1734] : memref<1024x200x64xf32, #tpu.memory_space<hbm>> -> memref<1x200x64xf32, #tpu.memory_space<hbm>>
    %dma_wait3A_1736 = tpu.memref_squeeze %dma_wait3A_1735 : memref<1x200x64xf32, #tpu.memory_space<hbm>> -> memref<200x64xf32, #tpu.memory_space<hbm>>
    tpu.wait_dma2 semaphore(%arg6 : memref<!tpu.dma_semaphore, #tpu.memory_space<semaphore_mem>>) src(%dma_wait3A_1736 : memref<200x64xf32, #tpu.memory_space<hbm>>) dst(%dma_wait3A_1732 : memref<200x64xf32, #tpu.memory_space<vmem>>)
    %dma_start3A_1737 = arith.constant 0 : i32
    %dma_start3A_1738 = arith.constant 0 : i32
    %dma_start3A_1739 = tpu.memref_slice %arg5[%dma_start3A_1737, %dma_start3A_1738] : memref<200x128xf32, #tpu.memory_space<vmem>> -> memref<200x96xf32, #tpu.memory_space<vmem>>
    %dma_start3A_1740 = arith.constant 0 : i32
    %dma_start3A_1741 = arith.constant 0 : i32
    %dma_start3A_1742 = tpu.memref_slice %arg4[%add3A_1708, %dma_start3A_1740, %dma_start3A_1741] : memref<1024x200x96xf32, #tpu.memory_space<hbm>> -> memref<1x200x96xf32, #tpu.memory_space<hbm>>
    %dma_start3A_1743 = tpu.memref_squeeze %dma_start3A_1742 : memref<1x200x96xf32, #tpu.memory_space<hbm>> -> memref<200x96xf32, #tpu.memory_space<hbm>>
    %dma_start3A_1744 = arith.constant 0 : i32
    %dma_start3A_1745 = arith.constant 0 : i32
    %dma_start3A_1746 = tpu.memref_slice %arg4[%add3A_1708, %dma_start3A_1744, %dma_start3A_1745] : memref<1024x200x96xf32, #tpu.memory_space<hbm>> -> memref<1x200x96xf32, #tpu.memory_space<hbm>>
    %dma_start3A_1747 = tpu.memref_squeeze %dma_start3A_1746 : memref<1x200x96xf32, #tpu.memory_space<hbm>> -> memref<200x96xf32, #tpu.memory_space<hbm>>
    %dma_start3A_1748 = arith.constant 0 : i32
    %dma_start3A_1749 = arith.constant 0 : i32
    %dma_start3A_1750 = tpu.memref_slice %arg5[%dma_start3A_1748, %dma_start3A_1749] : memref<200x128xf32, #tpu.memory_space<vmem>> -> memref<200x96xf32, #tpu.memory_space<vmem>>
    tpu.enqueue_dma source(%dma_start3A_1750 : memref<200x96xf32, #tpu.memory_space<vmem>>) target(%dma_start3A_1747 : memref<200x96xf32, #tpu.memory_space<hbm>>) target_semaphore(%arg6 : memref<!tpu.dma_semaphore, #tpu.memory_space<semaphore_mem>>)
    %dma_wait3A_1751 = arith.constant 0 : i32
    %dma_wait3A_1752 = arith.constant 0 : i32
    %dma_wait3A_1753 = tpu.memref_slice %arg5[%dma_wait3A_1751, %dma_wait3A_1752] : memref<200x128xf32, #tpu.memory_space<vmem>> -> memref<200x96xf32, #tpu.memory_space<vmem>>
    %dma_wait3A_1754 = arith.constant 0 : i32
    %dma_wait3A_1755 = arith.constant 0 : i32
    %dma_wait3A_1756 = tpu.memref_slice %arg4[%add3A_1708, %dma_wait3A_1754, %dma_wait3A_1755] : memref<1024x200x96xf32, #tpu.memory_space<hbm>> -> memref<1x200x96xf32, #tpu.memory_space<hbm>>
    %dma_wait3A_1757 = tpu.memref_squeeze %dma_wait3A_1756 : memref<1x200x96xf32, #tpu.memory_space<hbm>> -> memref<200x96xf32, #tpu.memory_space<hbm>>
    %dma_wait3A_1758 = arith.constant 0 : i32
    %dma_wait3A_1759 = arith.constant 0 : i32
    %dma_wait3A_1760 = tpu.memref_slice %arg4[%add3A_1708, %dma_wait3A_1758, %dma_wait3A_1759] : memref<1024x200x96xf32, #tpu.memory_space<hbm>> -> memref<1x200x96xf32, #tpu.memory_space<hbm>>
    %dma_wait3A_1761 = tpu.memref_squeeze %dma_wait3A_1760 : memref<1x200x96xf32, #tpu.memory_space<hbm>> -> memref<200x96xf32, #tpu.memory_space<hbm>>
    %dma_wait3A_1762 = arith.constant 0 : i32
    %dma_wait3A_1763 = arith.constant 0 : i32
    %dma_wait3A_1764 = tpu.memref_slice %arg5[%dma_wait3A_1762, %dma_wait3A_1763] : memref<200x128xf32, #tpu.memory_space<vmem>> -> memref<200x96xf32, #tpu.memory_space<vmem>>
    tpu.wait_dma2 semaphore(%arg6 : memref<!tpu.dma_semaphore, #tpu.memory_space<semaphore_mem>>) src(%dma_wait3A_1764 : memref<200x96xf32, #tpu.memory_space<vmem>>) dst(%dma_wait3A_1761 : memref<200x96xf32, #tpu.memory_space<hbm>>)
    %add3A_1765 = arith.constant 30 : i32
    %add3A_1766 = arith.addi %mul3A_2, %add3A_1765 : i32
    %dma_start3A_1767 = arith.constant 0 : i32
    %dma_start3A_1768 = arith.constant 0 : i32
    %dma_start3A_1769 = tpu.memref_slice %arg5[%dma_start3A_1767, %dma_start3A_1768] : memref<200x128xf32, #tpu.memory_space<vmem>> -> memref<200x64xf32, #tpu.memory_space<vmem>>
    %dma_start3A_1770 = arith.constant 0 : i32
    %dma_start3A_1771 = arith.constant 0 : i32
    %dma_start3A_1772 = tpu.memref_slice %arg2[%add3A_1766, %dma_start3A_1770, %dma_start3A_1771] : memref<1024x200x64xf32, #tpu.memory_space<hbm>> -> memref<1x200x64xf32, #tpu.memory_space<hbm>>
    %dma_start3A_1773 = tpu.memref_squeeze %dma_start3A_1772 : memref<1x200x64xf32, #tpu.memory_space<hbm>> -> memref<200x64xf32, #tpu.memory_space<hbm>>
    %dma_start3A_1774 = arith.constant 0 : i32
    %dma_start3A_1775 = arith.constant 0 : i32
    %dma_start3A_1776 = tpu.memref_slice %arg5[%dma_start3A_1774, %dma_start3A_1775] : memref<200x128xf32, #tpu.memory_space<vmem>> -> memref<200x64xf32, #tpu.memory_space<vmem>>
    %dma_start3A_1777 = arith.constant 0 : i32
    %dma_start3A_1778 = arith.constant 0 : i32
    %dma_start3A_1779 = tpu.memref_slice %arg2[%add3A_1766, %dma_start3A_1777, %dma_start3A_1778] : memref<1024x200x64xf32, #tpu.memory_space<hbm>> -> memref<1x200x64xf32, #tpu.memory_space<hbm>>
    %dma_start3A_1780 = tpu.memref_squeeze %dma_start3A_1779 : memref<1x200x64xf32, #tpu.memory_space<hbm>> -> memref<200x64xf32, #tpu.memory_space<hbm>>
    tpu.enqueue_dma source(%dma_start3A_1780 : memref<200x64xf32, #tpu.memory_space<hbm>>) target(%dma_start3A_1776 : memref<200x64xf32, #tpu.memory_space<vmem>>) target_semaphore(%arg6 : memref<!tpu.dma_semaphore, #tpu.memory_space<semaphore_mem>>)
    %dma_wait3A_1781 = arith.constant 0 : i32
    %dma_wait3A_1782 = arith.constant 0 : i32
    %dma_wait3A_1783 = tpu.memref_slice %arg5[%dma_wait3A_1781, %dma_wait3A_1782] : memref<200x128xf32, #tpu.memory_space<vmem>> -> memref<200x64xf32, #tpu.memory_space<vmem>>
    %dma_wait3A_1784 = arith.constant 0 : i32
    %dma_wait3A_1785 = arith.constant 0 : i32
    %dma_wait3A_1786 = tpu.memref_slice %arg2[%add3A_1766, %dma_wait3A_1784, %dma_wait3A_1785] : memref<1024x200x64xf32, #tpu.memory_space<hbm>> -> memref<1x200x64xf32, #tpu.memory_space<hbm>>
    %dma_wait3A_1787 = tpu.memref_squeeze %dma_wait3A_1786 : memref<1x200x64xf32, #tpu.memory_space<hbm>> -> memref<200x64xf32, #tpu.memory_space<hbm>>
    %dma_wait3A_1788 = arith.constant 0 : i32
    %dma_wait3A_1789 = arith.constant 0 : i32
    %dma_wait3A_1790 = tpu.memref_slice %arg5[%dma_wait3A_1788, %dma_wait3A_1789] : memref<200x128xf32, #tpu.memory_space<vmem>> -> memref<200x64xf32, #tpu.memory_space<vmem>>
    %dma_wait3A_1791 = arith.constant 0 : i32
    %dma_wait3A_1792 = arith.constant 0 : i32
    %dma_wait3A_1793 = tpu.memref_slice %arg2[%add3A_1766, %dma_wait3A_1791, %dma_wait3A_1792] : memref<1024x200x64xf32, #tpu.memory_space<hbm>> -> memref<1x200x64xf32, #tpu.memory_space<hbm>>
    %dma_wait3A_1794 = tpu.memref_squeeze %dma_wait3A_1793 : memref<1x200x64xf32, #tpu.memory_space<hbm>> -> memref<200x64xf32, #tpu.memory_space<hbm>>
    tpu.wait_dma2 semaphore(%arg6 : memref<!tpu.dma_semaphore, #tpu.memory_space<semaphore_mem>>) src(%dma_wait3A_1794 : memref<200x64xf32, #tpu.memory_space<hbm>>) dst(%dma_wait3A_1790 : memref<200x64xf32, #tpu.memory_space<vmem>>)
    %dma_start3A_1795 = arith.constant 0 : i32
    %dma_start3A_1796 = arith.constant 0 : i32
    %dma_start3A_1797 = tpu.memref_slice %arg5[%dma_start3A_1795, %dma_start3A_1796] : memref<200x128xf32, #tpu.memory_space<vmem>> -> memref<200x96xf32, #tpu.memory_space<vmem>>
    %dma_start3A_1798 = arith.constant 0 : i32
    %dma_start3A_1799 = arith.constant 0 : i32
    %dma_start3A_1800 = tpu.memref_slice %arg4[%add3A_1766, %dma_start3A_1798, %dma_start3A_1799] : memref<1024x200x96xf32, #tpu.memory_space<hbm>> -> memref<1x200x96xf32, #tpu.memory_space<hbm>>
    %dma_start3A_1801 = tpu.memref_squeeze %dma_start3A_1800 : memref<1x200x96xf32, #tpu.memory_space<hbm>> -> memref<200x96xf32, #tpu.memory_space<hbm>>
    %dma_start3A_1802 = arith.constant 0 : i32
    %dma_start3A_1803 = arith.constant 0 : i32
    %dma_start3A_1804 = tpu.memref_slice %arg4[%add3A_1766, %dma_start3A_1802, %dma_start3A_1803] : memref<1024x200x96xf32, #tpu.memory_space<hbm>> -> memref<1x200x96xf32, #tpu.memory_space<hbm>>
    %dma_start3A_1805 = tpu.memref_squeeze %dma_start3A_1804 : memref<1x200x96xf32, #tpu.memory_space<hbm>> -> memref<200x96xf32, #tpu.memory_space<hbm>>
    %dma_start3A_1806 = arith.constant 0 : i32
    %dma_start3A_1807 = arith.constant 0 : i32
    %dma_start3A_1808 = tpu.memref_slice %arg5[%dma_start3A_1806, %dma_start3A_1807] : memref<200x128xf32, #tpu.memory_space<vmem>> -> memref<200x96xf32, #tpu.memory_space<vmem>>
    tpu.enqueue_dma source(%dma_start3A_1808 : memref<200x96xf32, #tpu.memory_space<vmem>>) target(%dma_start3A_1805 : memref<200x96xf32, #tpu.memory_space<hbm>>) target_semaphore(%arg6 : memref<!tpu.dma_semaphore, #tpu.memory_space<semaphore_mem>>)
    %dma_wait3A_1809 = arith.constant 0 : i32
    %dma_wait3A_1810 = arith.constant 0 : i32
    %dma_wait3A_1811 = tpu.memref_slice %arg5[%dma_wait3A_1809, %dma_wait3A_1810] : memref<200x128xf32, #tpu.memory_space<vmem>> -> memref<200x96xf32, #tpu.memory_space<vmem>>
    %dma_wait3A_1812 = arith.constant 0 : i32
    %dma_wait3A_1813 = arith.constant 0 : i32
    %dma_wait3A_1814 = tpu.memref_slice %arg4[%add3A_1766, %dma_wait3A_1812, %dma_wait3A_1813] : memref<1024x200x96xf32, #tpu.memory_space<hbm>> -> memref<1x200x96xf32, #tpu.memory_space<hbm>>
    %dma_wait3A_1815 = tpu.memref_squeeze %dma_wait3A_1814 : memref<1x200x96xf32, #tpu.memory_space<hbm>> -> memref<200x96xf32, #tpu.memory_space<hbm>>
    %dma_wait3A_1816 = arith.constant 0 : i32
    %dma_wait3A_1817 = arith.constant 0 : i32
    %dma_wait3A_1818 = tpu.memref_slice %arg4[%add3A_1766, %dma_wait3A_1816, %dma_wait3A_1817] : memref<1024x200x96xf32, #tpu.memory_space<hbm>> -> memref<1x200x96xf32, #tpu.memory_space<hbm>>
    %dma_wait3A_1819 = tpu.memref_squeeze %dma_wait3A_1818 : memref<1x200x96xf32, #tpu.memory_space<hbm>> -> memref<200x96xf32, #tpu.memory_space<hbm>>
    %dma_wait3A_1820 = arith.constant 0 : i32
    %dma_wait3A_1821 = arith.constant 0 : i32
    %dma_wait3A_1822 = tpu.memref_slice %arg5[%dma_wait3A_1820, %dma_wait3A_1821] : memref<200x128xf32, #tpu.memory_space<vmem>> -> memref<200x96xf32, #tpu.memory_space<vmem>>
    tpu.wait_dma2 semaphore(%arg6 : memref<!tpu.dma_semaphore, #tpu.memory_space<semaphore_mem>>) src(%dma_wait3A_1822 : memref<200x96xf32, #tpu.memory_space<vmem>>) dst(%dma_wait3A_1819 : memref<200x96xf32, #tpu.memory_space<hbm>>)
    %add3A_1823 = arith.constant 31 : i32
    %add3A_1824 = arith.addi %mul3A_2, %add3A_1823 : i32
    %dma_start3A_1825 = arith.constant 0 : i32
    %dma_start3A_1826 = arith.constant 0 : i32
    %dma_start3A_1827 = tpu.memref_slice %arg5[%dma_start3A_1825, %dma_start3A_1826] : memref<200x128xf32, #tpu.memory_space<vmem>> -> memref<200x64xf32, #tpu.memory_space<vmem>>
    %dma_start3A_1828 = arith.constant 0 : i32
    %dma_start3A_1829 = arith.constant 0 : i32
    %dma_start3A_1830 = tpu.memref_slice %arg2[%add3A_1824, %dma_start3A_1828, %dma_start3A_1829] : memref<1024x200x64xf32, #tpu.memory_space<hbm>> -> memref<1x200x64xf32, #tpu.memory_space<hbm>>
    %dma_start3A_1831 = tpu.memref_squeeze %dma_start3A_1830 : memref<1x200x64xf32, #tpu.memory_space<hbm>> -> memref<200x64xf32, #tpu.memory_space<hbm>>
    %dma_start3A_1832 = arith.constant 0 : i32
    %dma_start3A_1833 = arith.constant 0 : i32
    %dma_start3A_1834 = tpu.memref_slice %arg5[%dma_start3A_1832, %dma_start3A_1833] : memref<200x128xf32, #tpu.memory_space<vmem>> -> memref<200x64xf32, #tpu.memory_space<vmem>>
    %dma_start3A_1835 = arith.constant 0 : i32
    %dma_start3A_1836 = arith.constant 0 : i32
    %dma_start3A_1837 = tpu.memref_slice %arg2[%add3A_1824, %dma_start3A_1835, %dma_start3A_1836] : memref<1024x200x64xf32, #tpu.memory_space<hbm>> -> memref<1x200x64xf32, #tpu.memory_space<hbm>>
    %dma_start3A_1838 = tpu.memref_squeeze %dma_start3A_1837 : memref<1x200x64xf32, #tpu.memory_space<hbm>> -> memref<200x64xf32, #tpu.memory_space<hbm>>
    tpu.enqueue_dma source(%dma_start3A_1838 : memref<200x64xf32, #tpu.memory_space<hbm>>) target(%dma_start3A_1834 : memref<200x64xf32, #tpu.memory_space<vmem>>) target_semaphore(%arg6 : memref<!tpu.dma_semaphore, #tpu.memory_space<semaphore_mem>>)
    %dma_wait3A_1839 = arith.constant 0 : i32
    %dma_wait3A_1840 = arith.constant 0 : i32
    %dma_wait3A_1841 = tpu.memref_slice %arg5[%dma_wait3A_1839, %dma_wait3A_1840] : memref<200x128xf32, #tpu.memory_space<vmem>> -> memref<200x64xf32, #tpu.memory_space<vmem>>
    %dma_wait3A_1842 = arith.constant 0 : i32
    %dma_wait3A_1843 = arith.constant 0 : i32
    %dma_wait3A_1844 = tpu.memref_slice %arg2[%add3A_1824, %dma_wait3A_1842, %dma_wait3A_1843] : memref<1024x200x64xf32, #tpu.memory_space<hbm>> -> memref<1x200x64xf32, #tpu.memory_space<hbm>>
    %dma_wait3A_1845 = tpu.memref_squeeze %dma_wait3A_1844 : memref<1x200x64xf32, #tpu.memory_space<hbm>> -> memref<200x64xf32, #tpu.memory_space<hbm>>
    %dma_wait3A_1846 = arith.constant 0 : i32
    %dma_wait3A_1847 = arith.constant 0 : i32
    %dma_wait3A_1848 = tpu.memref_slice %arg5[%dma_wait3A_1846, %dma_wait3A_1847] : memref<200x128xf32, #tpu.memory_space<vmem>> -> memref<200x64xf32, #tpu.memory_space<vmem>>
    %dma_wait3A_1849 = arith.constant 0 : i32
    %dma_wait3A_1850 = arith.constant 0 : i32
    %dma_wait3A_1851 = tpu.memref_slice %arg2[%add3A_1824, %dma_wait3A_1849, %dma_wait3A_1850] : memref<1024x200x64xf32, #tpu.memory_space<hbm>> -> memref<1x200x64xf32, #tpu.memory_space<hbm>>
    %dma_wait3A_1852 = tpu.memref_squeeze %dma_wait3A_1851 : memref<1x200x64xf32, #tpu.memory_space<hbm>> -> memref<200x64xf32, #tpu.memory_space<hbm>>
    tpu.wait_dma2 semaphore(%arg6 : memref<!tpu.dma_semaphore, #tpu.memory_space<semaphore_mem>>) src(%dma_wait3A_1852 : memref<200x64xf32, #tpu.memory_space<hbm>>) dst(%dma_wait3A_1848 : memref<200x64xf32, #tpu.memory_space<vmem>>)
    %dma_start3A_1853 = arith.constant 0 : i32
    %dma_start3A_1854 = arith.constant 0 : i32
    %dma_start3A_1855 = tpu.memref_slice %arg5[%dma_start3A_1853, %dma_start3A_1854] : memref<200x128xf32, #tpu.memory_space<vmem>> -> memref<200x96xf32, #tpu.memory_space<vmem>>
    %dma_start3A_1856 = arith.constant 0 : i32
    %dma_start3A_1857 = arith.constant 0 : i32
    %dma_start3A_1858 = tpu.memref_slice %arg4[%add3A_1824, %dma_start3A_1856, %dma_start3A_1857] : memref<1024x200x96xf32, #tpu.memory_space<hbm>> -> memref<1x200x96xf32, #tpu.memory_space<hbm>>
    %dma_start3A_1859 = tpu.memref_squeeze %dma_start3A_1858 : memref<1x200x96xf32, #tpu.memory_space<hbm>> -> memref<200x96xf32, #tpu.memory_space<hbm>>
    %dma_start3A_1860 = arith.constant 0 : i32
    %dma_start3A_1861 = arith.constant 0 : i32
    %dma_start3A_1862 = tpu.memref_slice %arg4[%add3A_1824, %dma_start3A_1860, %dma_start3A_1861] : memref<1024x200x96xf32, #tpu.memory_space<hbm>> -> memref<1x200x96xf32, #tpu.memory_space<hbm>>
    %dma_start3A_1863 = tpu.memref_squeeze %dma_start3A_1862 : memref<1x200x96xf32, #tpu.memory_space<hbm>> -> memref<200x96xf32, #tpu.memory_space<hbm>>
    %dma_start3A_1864 = arith.constant 0 : i32
    %dma_start3A_1865 = arith.constant 0 : i32
    %dma_start3A_1866 = tpu.memref_slice %arg5[%dma_start3A_1864, %dma_start3A_1865] : memref<200x128xf32, #tpu.memory_space<vmem>> -> memref<200x96xf32, #tpu.memory_space<vmem>>
    tpu.enqueue_dma source(%dma_start3A_1866 : memref<200x96xf32, #tpu.memory_space<vmem>>) target(%dma_start3A_1863 : memref<200x96xf32, #tpu.memory_space<hbm>>) target_semaphore(%arg6 : memref<!tpu.dma_semaphore, #tpu.memory_space<semaphore_mem>>)
    %dma_wait3A_1867 = arith.constant 0 : i32
    %dma_wait3A_1868 = arith.constant 0 : i32
    %dma_wait3A_1869 = tpu.memref_slice %arg5[%dma_wait3A_1867, %dma_wait3A_1868] : memref<200x128xf32, #tpu.memory_space<vmem>> -> memref<200x96xf32, #tpu.memory_space<vmem>>
    %dma_wait3A_1870 = arith.constant 0 : i32
    %dma_wait3A_1871 = arith.constant 0 : i32
    %dma_wait3A_1872 = tpu.memref_slice %arg4[%add3A_1824, %dma_wait3A_1870, %dma_wait3A_1871] : memref<1024x200x96xf32, #tpu.memory_space<hbm>> -> memref<1x200x96xf32, #tpu.memory_space<hbm>>
    %dma_wait3A_1873 = tpu.memref_squeeze %dma_wait3A_1872 : memref<1x200x96xf32, #tpu.memory_space<hbm>> -> memref<200x96xf32, #tpu.memory_space<hbm>>
    %dma_wait3A_1874 = arith.constant 0 : i32
    %dma_wait3A_1875 = arith.constant 0 : i32
    %dma_wait3A_1876 = tpu.memref_slice %arg4[%add3A_1824, %dma_wait3A_1874, %dma_wait3A_1875] : memref<1024x200x96xf32, #tpu.memory_space<hbm>> -> memref<1x200x96xf32, #tpu.memory_space<hbm>>
    %dma_wait3A_1877 = tpu.memref_squeeze %dma_wait3A_1876 : memref<1x200x96xf32, #tpu.memory_space<hbm>> -> memref<200x96xf32, #tpu.memory_space<hbm>>
    %dma_wait3A_1878 = arith.constant 0 : i32
    %dma_wait3A_1879 = arith.constant 0 : i32
    %dma_wait3A_1880 = tpu.memref_slice %arg5[%dma_wait3A_1878, %dma_wait3A_1879] : memref<200x128xf32, #tpu.memory_space<vmem>> -> memref<200x96xf32, #tpu.memory_space<vmem>>
    tpu.wait_dma2 semaphore(%arg6 : memref<!tpu.dma_semaphore, #tpu.memory_space<semaphore_mem>>) src(%dma_wait3A_1880 : memref<200x96xf32, #tpu.memory_space<vmem>>) dst(%dma_wait3A_1877 : memref<200x96xf32, #tpu.memory_space<hbm>>)
    return
  }
}

</mosaic_0001>

<sc_bundles>
// kernel: kernel.3.cloned.1.call-start
scs
__scs_entry_jumppad:
0x0: {  	(pc) =	sbr.rel $0x88, $3  }
0x1: {  	(tag) =	ssettag $0x0;
	lr =	simm.s32 $0x1  }
0x2: {  	[smem:$0x3F9F] =	sst lr;
	_ =	strace $0xD0000000  }
0x3: {  	_ = 	snop  }
0x4: {  	_ = 	snop  }
0x5: {  	_ = 	snop  }
0x6: {  	_ = 	snop  }
0x7: {  	_ = 	snop  }
__scs_overlays_trampoline_lowered:
0x8: {  	[smem:$0x3FAE] =	sst s0  }
0x9: {  	[smem:$0x3FAF] =	sst s1  }
0xa: {  	[smem:$0x3FB0] =	sst s2  }
0xb: {  	[smem:$0x3FB1] =	sst s3  }
0xc: {  	[smem:$0x3FB2] =	sst s4  }
0xd: {  	[smem:$0x3FB3] =	sst s5  }
0xe: {  	[smem:$0x3FB4] =	sst s6  }
0xf: {  	[smem:$0x3FB5] =	sst s7  }
0x10: {  	[smem:$0x3FB6] =	sst s8  }
0x11: {  	[smem:$0x3FB7] =	sst s9;
	s0 =	simm.s32 @!p0 $0x0  }
0x12: {  	s1 =	sld [smem:$0x3F9D];
	s0 =	simm.s32 @p0 $0x1  }
0x13: {  	[smem:$0x3FB8] =	sst s0;
	s0 =	simm.s32 @!p1 $0x0  }
0x14: {  	s2 =	sld [smem:$0x3F9C];
	s0 =	simm.s32 @p1 $0x1  }
0x15: {  	[smem:$0x3FB9] =	sst s0;
	s0 =	simm.s32 @!p2 $0x0  }
0x16: {  	s3 =	sld [smem:$0x3FDB];
	s0 =	simm.s32 @p2 $0x1  }
0x17: {  	s4 =	simm.s32 $0x1BF5;
	[smem:$0x3FBB] =	sst s0  }
0x18: {  	s0 =	sld [smem:$0x3F9E];
	_ =	swait.ge [sflag:s4], $0x0  }
0x19: {  	s7 =	sld [smem:$0x3F9F]  }
0x1a: {  	s8 =	sadd.s32 $0xFFFFE003, lr  }
0x1b: {  	s9 =	sadd.s32 $0xFFFFFEF7, lr;
	s5 =	simm.s32 $0xFFFFFFFF;
	p2 =	slt.u32 s8, $0xFFFFF086  }
0x1c: {  	p1 =	slt.u32 s9, $0xF7A;
	s5 =	simm.s32 @!p2 $0x0  }
0x1d: {  	s5 =	simm.s32 @p1 $0x1;
	p0 =	seq.s32 s7, s2  }
0x1e: {  	s7 =	smul.u32 @!p0 $0xF7A, s2;
	p2 =	seq.s32 @!p0 s5, $0x0  }
0x1f: {  	s9 =	smul.u32 $0xF7A, s1;
	s8 =	simm.s32 @!p0 $0x1BF5;
	p2 =	por !p2, p0  }
0x20: {  	[sflag:s8] =	ssyncset.s32 @!p0 $0xFFFFF086;
	s6 =	sadd.s32 @!p0 s3, s7;
	s7 =	simm.s32 @!p0 $0x108  }
0x21: {  	s3 =	sadd.s32 s3, s9;
	s6 =	sadd.s32 @!p0 $0x88, s6;
	s7 =	simm.s32 @p2 $0x1082  }
0x22: {  	[simem:s7], [sflag:s8] =	dma.local @!p0 [hbm:s6], $0xF7A  }
0x23: {  	s9 =	sor.u32 $0xD0000000, s2;
	s6 =	simm.s32 $0x108;
	_ =	swait.ge @!p0 [sflag:s8], $0x0  }
0x24: {  	s3 =	sadd.s32 $0x88, s3;
	s6 =	simm.s32 @!p1 $0x1082;
	[sflag:s4] =	ssyncset.s32 $0xFFFFF086  }
0x25: {  	[simem:s6], [sflag:s4] =	dma.local [hbm:s3], $0xF7A  }
0x26: {  	[smem:$0x3F9F] =	sst s1;
	(tag) =	ssettag s2;
	_ =	strace s9  }
0x27: {  	s1 =	sld [smem:$0x3FAF]  }
0x28: {  	s2 =	sld [smem:$0x3FB0]  }
0x29: {  	s4 =	sld [smem:$0x3FB2]  }
0x2a: {  	p0 =	seq.s32 s5, $0x0;
	s5 =	sld [smem:$0x3FB3]  }
0x2b: {  	s6 =	sld [smem:$0x3FB4]  }
0x2c: {  	s7 =	sld [smem:$0x3FB5]  }
0x2d: {  	s3 =	simm.s32 $0x108;
	s8 =	sld [smem:$0x3FB6]  }
0x2e: {  	s3 =	simm.s32 @!p0 $0x1082;
	s9 =	sld [smem:$0x3FB7]  }
0x2f: {  	lr =	sadd.s32 s0, s3;
	s0 =	sld [smem:$0x3FAE]  }
0x30: {  	s3 =	sld [smem:$0x3FB1]  }
0x31: {  	[smem:$0x3FBA] =	sst s10  }
0x32: {  	s10 =	sld [smem:$0x3FB8];
	_ =	sdelay $0x3  }
0x33: {  	p0 =	seq.s32 s10, $0x1;
	s10 =	sld [smem:$0x3FBA];
	_ =	sdelay $0x3  }
0x34: {  	[smem:$0x3FBA] =	sst s10  }
0x35: {  	s10 =	sld [smem:$0x3FB9];
	_ =	sdelay $0x3  }
0x36: {  	p1 =	seq.s32 s10, $0x1;
	s10 =	sld [smem:$0x3FBA];
	_ =	sdelay $0x3  }
0x37: {  	[smem:$0x3FBA] =	sst s10  }
0x38: {  	s10 =	sld [smem:$0x3FBB]  }
0x39: {  	_ = 	snop;
	(pc) =	sbr.ind lr, $3  }
0x3a: {  	_ = 	snop  }
0x3b: {  	_ = 	snop  }
0x3c: {  	p2 =	seq.s32 s10, $0x1;
	s10 =	sld [smem:$0x3FBA]  }
0x3d: {  	_ =	shalt  }
0x3e: {  	_ =	shalt  }
0x3f: {  	_ =	shalt  }
0x40: {  	_ =	shalt  }
0x41: {  	_ =	shalt  }
0x42: {  	_ =	shalt  }
0x43: {  	_ =	shalt  }
0x44: {  	_ =	shalt  }
0x45: {  	_ =	shalt  }
0x46: {  	_ =	shalt  }
0x47: {  	_ =	shalt  }
0x48: {  	_ =	shalt  }
0x49: {  	_ =	shalt  }
0x4a: {  	_ =	shalt  }
0x4b: {  	_ =	shalt  }
0x4c: {  	_ =	shalt  }
0x4d: {  	_ =	shalt  }
0x4e: {  	_ =	shalt  }
0x4f: {  	_ =	shalt  }
0x50: {  	_ =	shalt  }
0x51: {  	_ =	shalt  }
0x52: {  	_ =	shalt  }
0x53: {  	_ =	shalt  }
0x54: {  	_ =	shalt  }
0x55: {  	_ =	shalt  }
0x56: {  	_ =	shalt  }
0x57: {  	_ =	shalt  }
0x58: {  	_ =	shalt  }
0x59: {  	_ =	shalt  }
0x5a: {  	_ =	shalt  }
0x5b: {  	_ =	shalt  }
0x5c: {  	_ =	shalt  }
0x5d: {  	_ =	shalt  }
0x5e: {  	_ =	shalt  }
0x5f: {  	_ =	shalt  }
0x60: {  	_ =	shalt  }
0x61: {  	_ =	shalt  }
0x62: {  	_ =	shalt  }
0x63: {  	_ =	shalt  }
0x64: {  	_ =	shalt  }
0x65: {  	_ =	shalt  }
0x66: {  	_ =	shalt  }
0x67: {  	_ =	shalt  }
0x68: {  	_ =	shalt  }
0x69: {  	_ =	shalt  }
0x6a: {  	_ =	shalt  }
0x6b: {  	_ =	shalt  }
0x6c: {  	_ =	shalt  }
0x6d: {  	_ =	shalt  }
0x6e: {  	_ =	shalt  }
0x6f: {  	_ =	shalt  }
0x70: {  	_ =	shalt  }
0x71: {  	_ =	shalt  }
0x72: {  	_ =	shalt  }
0x73: {  	_ =	shalt  }
0x74: {  	_ =	shalt  }
0x75: {  	_ =	shalt  }
0x76: {  	_ =	shalt  }
0x77: {  	_ =	shalt  }
0x78: {  	_ =	shalt  }
0x79: {  	_ =	shalt  }
0x7a: {  	_ =	shalt  }
0x7b: {  	_ =	shalt  }
0x7c: {  	_ =	shalt  }
0x7d: {  	_ =	shalt  }
0x7e: {  	_ =	shalt  }
0x7f: {  	_ =	shalt  }
0x80: {  	_ =	shalt  }
0x81: {  	_ =	shalt  }
0x82: {  	_ =	shalt  }
0x83: {  	_ =	shalt  }
0x84: {  	_ =	shalt  }
0x85: {  	_ =	shalt  }
0x86: {  	_ =	shalt  }
0x87: {  	_ =	shalt  }
.Lfunc_end0:
.L_simem_size_0:
called_computation.1_lowered:
.L_overlay_start_0:
0x88: {  	s2 =	sld [smem:$0x3FD9]  }
0x89: {  	s3 =	sld [smem:$0x3FFE];
	_ =	sdelay $0x1  }
0x8a: {  	s1 =	srdreg.scid  }
0x8b: {  	s0 =	sand.u32 $0x1, s1  }
0x8c: {  	s17 =	sshll.u32 s0, $0xA;
	s2 =	sadd.s32 s3, s2  }
0x8d: {  	s2 =	sadd.s32 s2, s17  }
0x8e: {  	[smem:$0x3FC6] =	sst s2  }
0x8f: {  	_ = 	snop  }
0x90: {  	s2 =	sld [smem:$0x3FD0];
	(tm) =	ssettm $0x1  }
0x91: {  	s18 =	sld [smem:$0x3FFB];
	_ =	sdelay $0x3  }
0x92: {  	_ =	strace s18  }
0x93: {  	s3 =	sld [smem:$0x3FFC];
	_ =	sdelay $0x3  }
0x94: {  	_ =	strace s3  }
0x95: {  	s3 =	sld [smem:$0x3FFD];
	_ =	sdelay $0x3  }
0x96: {  	_ =	strace s3  }
0x97: {  	_ =	strace $0x8FFFFFFF  }
0x98: {  	s19 =	sld [smem:$0x3FDB];
	_ =	sdelay $0x1  }
0x99: {  	s4 =	simm.s32 $_scs_section_size  }
0x9a: {  	s5 =	simm.s32 $_size__tile_overlayer_lowered;
	s6 =	simm.s32 $_tile_overlayer_lowered  }
0x9b: {  	s22 =	simm.s32 $0x1BFF;
	s21 =	sshll.u32 s6, $0x1;
	s3 =	sadd.s32 s4, s19  }
0x9c: {  	s7 =	simm.s32 $0x0;
	s20 =	sshll.u32 s5, $0x1;
	s5 =	sadd.s32 s21, s3  }
0x9d: {  	[timem:s7], [sflag:s22] =	dma.local [hbm:s5], s20  }
0x9e: {  	_ =	swait.ge [sflag:s22], s20  }
0x9f: {  	s4 =	ssub.s32 $0x0, s20;
	[sflag:s22] =	ssyncset.done $0x0  }
0xa0: {  	[sflag:s22] =	ssyncadd.s32 s4;
	_ =	sdelay $0x1  }
0xa1: {  	s23 =	simm.s32 $0x1B8B  }
0xa2: {  	_ =	swait.ge [sflag:s23], $0x1  }
0xa3: {  	[sflag:s23] =	ssyncset.done $0x0  }
0xa4: {  	s25 =	simm.s32 $0x1B8E;
	s24 =	sld [smem:$0x3FFE];
	[sflag:s23] =	ssyncadd.s32 $0xFFFFFFFF  }
0xa5: {  	s26 =	simm.s32 $execute0_lowered;
	[smem:$0x3FD2] =	sst s25  }
0xa6: {  	s5 =	sshll.u32 s26, $0x1;
	_ =	strace $0x80000046;
	[dreg:$0x1] =	wrdreg $0xFFFFFFFF  }
0xa7: {  	s28 =	simm.s32 $_size_execute0_lowered;
	s3 =	sadd.s32 s3, s5;
	[dreg:$0x0] =	wrdreg $0x0  }
0xa8: {  	s5 =	sshll.u32 s28, $0x1;
	[dreg:$0x2] =	wrdreg s3  }
0xa9: {  	[dreg:$0x3] =	wrdreg s5  }
0xaa: {  	[dreg:$0x4] =	wrdreg $0xC0  }
0xab: {  	_ =	task [dreg:s7], $0x5FFFF  }
0xac: {  	[dreg:$0x1] =	wrdreg $0xFFFFFFFF  }
0xad: {  	[dreg:$0x0] =	wrdreg $0x60  }
0xae: {  	[dreg:$0x2] =	wrdreg s24  }
0xaf: {  	[dreg:$0x3] =	wrdreg s2  }
0xb0: {  	[dreg:$0x4] =	wrdreg $0x9  }
0xb1: {  	_ =	task.clear_ibuf [dreg:s7], $0x5FFFF;
	_ =	strace $0x90000046  }
0xb2: {  	s29 =	simm.s32 $0x9;
	_ =	strace $0x80000048  }
0xb3: {  	_ =	swait.ge [sflag:s29], $0x1  }
0xb4: {  	[sflag:s29] =	ssyncadd.s32 $0xFFFFFFFF  }
0xb5: {  	_ =	strace $0x90000048  }
0xb6: {  	_ =	sfence  }
0xb7: {  	s30 =	sld [smem:$0x0];
	_ =	sdelay $0x2  }
0xb8: {  	s31 =	sshll.u32 s1, $0xD;
	s1 =	sshrl.u32 s1, $0x2  }
0xb9: {  	s3 =	sand.u32 $0x4000, s31;
	s1 =	sadd.s32 s1, s30  }
0xba: {  	s0 =	sor.u32 s3, s0;
	s1 =	sshll.u32 s1, $0x11  }
0xbb: {  	s0 =	sor.u32 s1, s0  }
0xbc: {  	s0 =	sadd.s32 $0x8F2B, s0  }
0xbd: {  	[sflag:s0] =	ssyncadd.remote.s32 $0x1  }
0xbe: {  	_ =	sfence.sel $0xFFFF  }
0xbf: {  	[dreg:$0x0] =	wrdreg $0xFFFFFFFF;
	(pc) =	sbr.abs _section_cstart, $3  }
0xc0: {  	[dreg:$0x1] =	wrdreg $0xFFFFFFFF  }
0xc1: {  	_ =	task.clear_ibuf [dreg:s7], $0x2FFFF;
	_ =	strace $0x9FFFFFFF  }
0xc2: {  	(tm) =	ssettm $0x7FFFFFFF  }
0xc3: {  	_ =	shalt  }
tec
execute0_lowered:
.L_overlay_start_1:
0x0: {  	(tag) =	ssettag $0x1  }
0x1: {  	s0 =	srdreg.scid  }
0x2: {  	s1 =	stileid.u32;
	s6 =	sand.u32 $0x1, s0  }
0x3: {  	s7 =	sshll.u32 s1, $0x6;
	s8 =	sshll.u32 s6, $0x5  }
0x4: {  	s2 =	sor.u32 s8, s7  }
0x5: {  	s0 =	sor.u32 $0x1, s2  }
0x6: {  	s7 =	smul.u32 $0x640, s0  }
0x7: {  	s1 =	sor.u32 $0x2, s2;
	s0 =	smul.u32 $0x960, s0  }
0x8: {  	s16 =	smul.u32 $0x640, s1  }
0x9: {  	s3 =	sor.u32 $0x3, s2;
	s9 =	smul.u32 $0x960, s1  }
0xa: {  	s17 =	smul.u32 $0x640, s3  }
0xb: {  	s4 =	sor.u32 $0x4, s2;
	s10 =	smul.u32 $0x960, s3  }
0xc: {  	s18 =	smul.u32 $0x640, s4  }
0xd: {  	s5 =	sor.u32 $0x5, s2;
	s11 =	smul.u32 $0x960, s4  }
0xe: {  	s19 =	smul.u32 $0x640, s5  }
0xf: {  	s13 =	sor.u32 $0x6, s2;
	s12 =	smul.u32 $0x960, s5  }
0x10: {  	s6 =	ssub.s32 $0x2, s6;
	s20 =	smul.u32 $0x640, s13  }
0x11: {  	s15 =	sor.u32 $0x7, s2;
	s23 =	sor.u32 $0x8, s2;
	s14 =	smul.u32 $0x960, s13  }
0x12: {  	s25 =	sor.u32 $0x9, s2;
	s21 =	smul.u32 $0x640, s15;
	s4 =	rddreg [dreg:$0x0]  }
0x13: {  	s28 =	sor.u32 $0xC, s2;
	s22 =	smul.u32 $0x960, s15;
	[smem:$0x7D3] =	sst s0  }
0x14: {  	s30 =	sor.u32 $0x14, s2;
	s24 =	smul.u32 $0x960, s23;
	[smem:$0x7D5] =	sst s9  }
0x15: {  	s31 =	sor.u32 $0x15, s2;
	s26 =	smul.u32 $0x960, s25;
	[smem:$0x7D7] =	sst s10  }
0x16: {  	s1 =	sor.u32 $0xA, s2;
	s29 =	smul.u32 $0x640, s28;
	[smem:$0x7D9] =	sst s11  }
0x17: {  	s15 =	sshrl.u32 s6, $0x1;
	s3 =	smul.u32 $0x960, s1;
	[smem:$0x7DB] =	sst s12  }
0x18: {  	s8 =	ssub.s32 s6, s15;
	[smem:$0x7DF] =	sst s22;
	s22 =	smul.u32 $0x640, s23  }
0x19: {  	s6 =	sadd.s32 $0x322800, s4;
	[smem:$0x7DD] =	sst s14;
	s23 =	smul.u32 $0x640, s25  }
0x1a: {  	s15 =	sor.u32 $0xE, s2;
	[smem:$0x7E1] =	sst s24;
	s24 =	smul.u32 $0x640, s1  }
0x1b: {  	[smem:$0x7E3] =	sst s26;
	s14 =	sor.u32 $0xB, s2;
	s26 =	smul.u32 $0x640, s2  }
0x1c: {  	[smem:$0x7FA] =	sst s8;
	s9 =	smul.u32 $0x960, s28;
	s12 =	sadd.s32 s6, s7  }
0x1d: {  	s13 =	sadd.s32 s6, s16;
	s11 =	sadd.s32 s6, s17;
	s17 =	smul.u32 $0x640, s15  }
0x1e: {  	s16 =	sadd.s32 s6, s18;
	s18 =	smul.u32 $0x640, s30;
	[smem:$0x7E5] =	sst s3  }
0x1f: {  	s10 =	sor.u32 $0xD, s2;
	s25 =	smul.u32 $0x640, s14;
	[dreg:$0x4] =	wrdreg s12  }
0x20: {  	s20 =	sadd.s32 s6, s20;
	s5 =	smul.u32 $0x960, s14;
	[dreg:$0x5] =	wrdreg s13  }
0x21: {  	s8 =	sadd.s32 s6, s29;
	s28 =	smul.u32 $0x640, s10;
	[dreg:$0x7] =	wrdreg s16  }
0x22: {  	s29 =	sor.u32 $0x13, s2;
	s14 =	smul.u32 $0x960, s10;
	[dreg:$0x9] =	wrdreg s20  }
0x23: {  	s12 =	sadd.s32 s6, s19;
	s13 =	sadd.s32 s6, s21;
	[dreg:$0xf] =	wrdreg s8  }
0x24: {  	s21 =	smul.u32 $0x960, s15;
	s8 =	sor.u32 $0x19, s2;
	[smem:$0x7E9] =	sst s9  }
0x25: {  	s10 =	smul.u32 $0x960, s2;
	s19 =	sor.u32 $0xF, s2;
	[smem:$0x7F1] =	sst s8  }
0x26: {  	s20 =	smul.u32 $0x640, s31;
	s0 =	sadd.s32 s6, s26;
	[smem:$0x7E7] =	sst s5  }
0x27: {  	s16 =	sor.u32 $0x16, s2;
	s26 =	sadd.s32 s6, s22;
	[dreg:$0x3] =	wrdreg s0  }
0x28: {  	s1 =	smul.u32 $0x640, s19;
	s4 =	sadd.s32 s6, s24;
	[smem:$0x7EB] =	sst s14  }
0x29: {  	s22 =	smul.u32 $0x640, s16;
	s18 =	sadd.s32 s6, s18;
	[smem:$0x7ED] =	sst s21  }
0x2a: {  	[dreg:$0xb] =	wrdreg s26;
	s14 =	sadd.s32 s6, s23;
	s21 =	sor.u32 $0x10, s2  }
0x2b: {  	[dreg:$0xd] =	wrdreg s4;
	s23 =	sor.u32 $0x11, s2;
	s15 =	sadd.s32 s6, s25  }
0x2c: {  	s25 =	sor.u32 $0x12, s2;
	s3 =	sadd.s32 s6, s28;
	s28 =	smul.u32 $0x640, s29  }
0x2d: {  	s4 =	sadd.s32 s6, s17;
	[dreg:$0x17] =	wrdreg s18;
	s5 =	smul.u32 $0x640, s21  }
0x2e: {  	s20 =	sadd.s32 s6, s20;
	s7 =	smul.u32 $0x640, s23;
	[dreg:$0x10] =	wrdreg s3  }
0x2f: {  	s0 =	sor.u32 $0x1E, s2;
	s9 =	smul.u32 $0x640, s25;
	[dreg:$0x11] =	wrdreg s4  }
0x30: {  	s17 =	sadd.s32 s6, s1;
	s1 =	sor.u32 $0x17, s2;
	[dreg:$0x18] =	wrdreg s20  }
0x31: {  	s3 =	sor.u32 $0x18, s2;
	[smem:$0x7F8] =	sst s0;
	s24 =	smul.u32 $0x640, s1  }
0x32: {  	s26 =	smul.u32 $0x640, s3;
	s5 =	sadd.s32 s6, s5;
	s4 =	sadd.s32 s6, s7  }
0x33: {  	s7 =	sadd.s32 s6, s9;
	s9 =	sadd.s32 s6, s28;
	[dreg:$0x13] =	wrdreg s5  }
0x34: {  	s28 =	smul.u32 $0x640, s8;
	s8 =	sor.u32 $0x1C, s2;
	[dreg:$0x15] =	wrdreg s7  }
0x35: {  	[dreg:$0x16] =	wrdreg s9;
	s5 =	sor.u32 $0x1A, s2;
	s9 =	sadd.s32 s6, s22  }
0x36: {  	s7 =	sor.u32 $0x1B, s2;
	s24 =	sadd.s32 s6, s24;
	[dreg:$0x19] =	wrdreg s9  }
0x37: {  	s26 =	sadd.s32 s6, s26;
	s18 =	smul.u32 $0x640, s5;
	[dreg:$0x1a] =	wrdreg s24  }
0x38: {  	s9 =	sor.u32 $0x1D, s2;
	[dreg:$0x1b] =	wrdreg s26;
	s26 =	sor.u32 $0x1F, s2  }
0x39: {  	s2 =	smul.u32 $0x640, s0;
	s0 =	sadd.s32 s6, s28;
	[smem:$0x7F9] =	sst s26  }
0x3a: {  	s22 =	smul.u32 $0x640, s8;
	[dreg:$0x1c] =	wrdreg s0;
	s18 =	sadd.s32 s6, s18  }
0x3b: {  	s0 =	smul.u32 $0x640, s26;
	[dreg:$0x1d] =	wrdreg s18  }
0x3c: {  	s26 =	sadd.s32 s6, s22;
	s18 =	smov.u32 s4;
	s4 =	rddreg [dreg:$0x1]  }
0x3d: {  	s20 =	smul.u32 $0x640, s7;
	[dreg:$0x1f] =	wrdreg s26;
	s10 =	sadd.s32 s4, s10  }
0x3e: {  	s24 =	smul.u32 $0x640, s9;
	[smem:$0x7D2] =	sst s10  }
0x3f: {  	s28 =	sadd.s32 s6, s20;
	s2 =	sadd.s32 s6, s2;
	s10 =	sld [smem:$0x7D3]  }
0x40: {  	s20 =	smul.u32 $0x960, s23;
	s23 =	sld [smem:$0x7D5];
	s26 =	sadd.s32 s6, s24  }
0x41: {  	[smem:$0x7D1] =	sst s2;
	s0 =	sadd.s32 s6, s0;
	s6 =	smul.u32 $0x960, s19  }
0x42: {  	s19 =	smul.u32 $0x960, s21;
	s24 =	sld [smem:$0x7D7];
	s21 =	sadd.s32 s4, s10  }
0x43: {  	[smem:$0x7D4] =	sst s21;
	s21 =	sadd.s32 s4, s23  }
0x44: {  	s2 =	simm.s32 $0x0;
	[smem:$0x7D6] =	sst s21  }
0x45: {  	s21 =	smul.u32 $0x960, s25;
	s25 =	smov.u32 s0;
	s0 =	sld [smem:$0x7D9]  }
0x46: {  	[smem:$0x7FF] =	sst s2;
	s20 =	sadd.s32 s4, s20  }
0x47: {  	[smem:$0x7F2] =	sst s20;
	s22 =	sadd.s32 s4, s24  }
0x48: {  	[smem:$0x7D8] =	sst s22;
	s22 =	sadd.s32 s4, s0  }
0x49: {  	[smem:$0x7DA] =	sst s22  }
0x4a: {  	s22 =	smul.u32 $0x960, s29;
	s29 =	sld [smem:$0x7E3]  }
0x4b: {  	s20 =	sld [smem:$0x7F9]  }
0x4c: {  	s24 =	sld [smem:$0x7DD]  }
0x4d: {  	s10 =	sld [smem:$0x7DB];
	s29 =	sadd.s32 s4, s29  }
0x4e: {  	[smem:$0x7E4] =	sst s29  }
0x4f: {  	s6 =	sadd.s32 s4, s6;
	s29 =	sld [smem:$0x7E5]  }
0x50: {  	[smem:$0x7EF] =	sst s6  }
0x51: {  	s23 =	sadd.s32 s4, s10;
	s10 =	sld [smem:$0x7E1]  }
0x52: {  	[smem:$0x7DC] =	sst s23;
	s29 =	sadd.s32 s4, s29  }
0x53: {  	[smem:$0x7E6] =	sst s29  }
0x54: {  	s23 =	sadd.s32 s4, s24;
	s29 =	sld [smem:$0x7E7]  }
0x55: {  	[smem:$0x7DE] =	sst s23  }
0x56: {  	s21 =	sadd.s32 s4, s21;
	s0 =	sld [smem:$0x7DF]  }
0x57: {  	s23 =	smul.u32 $0x960, s30;
	[smem:$0x7F3] =	sst s21;
	s29 =	sadd.s32 s4, s29  }
0x58: {  	[smem:$0x7E8] =	sst s29  }
0x59: {  	s23 =	sadd.s32 s4, s23;
	s29 =	sld [smem:$0x7E9]  }
0x5a: {  	s24 =	sadd.s32 s4, s0;
	[smem:$0x7F5] =	sst s23  }
0x5b: {  	[smem:$0x7E0] =	sst s24;
	s24 =	sadd.s32 s4, s10;
	s10 =	smul.u32 $0x960, s16  }
0x5c: {  	s16 =	sadd.s32 s4, s19;
	s19 =	sld [smem:$0x7F1];
	s29 =	sadd.s32 s4, s29  }
0x5d: {  	[smem:$0x7EA] =	sst s29  }
0x5e: {  	s22 =	sadd.s32 s4, s22;
	s29 =	sld [smem:$0x7EB]  }
0x5f: {  	[smem:$0x7F4] =	sst s22  }
0x60: {  	[smem:$0x7E2] =	sst s24  }
0x61: {  	s0 =	smul.u32 $0x960, s31;
	[smem:$0x7F0] =	sst s16;
	s29 =	sadd.s32 s4, s29  }
0x62: {  	[smem:$0x7EC] =	sst s29  }
0x63: {  	s24 =	sadd.s32 s4, s0;
	s29 =	sld [smem:$0x7ED]  }
0x64: {  	[smem:$0x7F6] =	sst s24;
	s0 =	sadd.s32 s4, s10  }
0x65: {  	[smem:$0x7F7] =	sst s0  }
0x66: {  	s6 =	smul.u32 $0x960, s19;
	s19 =	sld [smem:$0x7F8];
	s29 =	sadd.s32 s4, s29  }
0x67: {  	[smem:$0x7EE] =	sst s29  }
0x68: {  	s1 =	smul.u32 $0x960, s1;
	_ =	strace $0x80000047;
	[dreg:$0x6] =	wrdreg s11  }
0x69: {  	s3 =	smul.u32 $0x960, s3;
	[dreg:$0x8] =	wrdreg s12  }
0x6a: {  	s5 =	smul.u32 $0x960, s5;
	[dreg:$0xa] =	wrdreg s13  }
0x6b: {  	s7 =	smul.u32 $0x960, s7;
	[dreg:$0xc] =	wrdreg s14  }
0x6c: {  	s30 =	sadd.s32 s4, s5;
	s5 =	smul.u32 $0x960, s20;
	[dreg:$0xe] =	wrdreg s15  }
0x6d: {  	s23 =	smov.u32 s28;
	s28 =	sadd.s32 s4, s3;
	[dreg:$0x12] =	wrdreg s17  }
0x6e: {  	s31 =	sadd.s32 s4, s7;
	s16 =	smul.u32 $0x960, s9;
	[dreg:$0x14] =	wrdreg s18  }
0x6f: {  	s24 =	smov.u32 s26;
	s10 =	smul.u32 $0x960, s8;
	[dreg:$0x1e] =	wrdreg s23  }
0x70: {  	s26 =	sadd.s32 s4, s1;
	s3 =	smul.u32 $0x960, s19;
	s22 =	sld [smem:$0x7FA]  }
0x71: {  	s8 =	simm.s32 $0x0;
	s1 =	sadd.s32 s4, s16;
	[smem:$0x7FC] =	sst s24  }
0x72: {  	s0 =	sadd.s32 s4, s10;
	s3 =	sadd.s32 s4, s3;
	[smem:$0x7FD] =	sst s25  }
0x73: {  	s29 =	sadd.s32 s4, s6;
	s21 =	rddreg [dreg:$0x0];
	s6 =	smax.u32 s22, $0x1  }
0x74: {  	s4 =	sadd.s32 s4, s5;
	s5 =	sadd.s32 $0x800, s21;
	[smem:$0x7FB] =	sst s6  }
.LBB2_1:
0x75: {  	[smem:$0x7D0] =	sst s8;
	s6 =	simm.s32 $0x40  }
0x76: {  	s7 =	simm.s32 $0x4;
	s9 =	sadd.s32 $0x0, s5;
	s8 =	simm.s32 $0xC0  }
.LBB2_2:
0x77: {  	[tilespmem:s6], [sflag:$0x1] =	stream.linear.gather [hbm4b:s9+s2], $0x20, $0x38;
	[tilespmem:$0x6400] =	vst v63  }
0x78: {  	s9 =	smov.u32 s7;
	s6 =	smov.u32 s8;
	p0 =	sne.s32 s7, $0x31C  }
.Ltmp0:
0x79: {  	s7 =	sadd.s32 $0x4, s7;
	(pc) =	sbr.rel @p0 .LBB2_2-.Ltmp0, $2  }
0x7a: {  	_ =	sdelay $0x2  }
0x7b: {  	s8 =	sadd.s32 $0x80, s8;
	s9 =	sadd.s32 s9, s5  }
0x7c: {  	[tilespmem:s6], [sflag:$0x1] =	stream.linear.gather [hbm4b:s9+s2], $0x20, $0x38;
	[tilespmem:$0x6400] =	vst v63  }
0x7d: {  	s25 =	simm.s32 $0x1  }
0x7e: {  	s6 =	simm.s32 $0x0;
	_ =	swait.ge [sflag:s25], $0x1900  }
0x7f: {  	s7 =	simm.s32 $0x8;
	[sflag:s25] =	ssyncset.done $0x0;
	s10 =	rddreg [dreg:$0x3]  }
0x80: {  	s8 =	simm.s32 $0x80;
	[sflag:s25] =	ssyncadd.s32 $0xFFFFE700;
	s9 =	sadd.s32 $0x0, s10  }
.LBB2_4:
0x81: {  	[tilespmem:s6], [sflag:$0x1] =	stream.linear.gather [hbm4b:s9+s2], $0x40, $0x38;
	[tilespmem:$0x6400] =	vst v63  }
0x82: {  	s9 =	smov.u32 s7;
	s6 =	smov.u32 s8;
	p0 =	sne.s32 s7, $0x638  }
.Ltmp1:
0x83: {  	s7 =	sadd.s32 $0x8, s7;
	(pc) =	sbr.rel @p0 .LBB2_4-.Ltmp1, $2  }
0x84: {  	_ =	sdelay $0x2  }
0x85: {  	s8 =	sadd.s32 $0x80, s8;
	s9 =	sadd.s32 s9, s10  }
0x86: {  	[tilespmem:s6], [sflag:$0x1] =	stream.linear.gather [hbm4b:s9+s2], $0x40, $0x38;
	[tilespmem:$0x6400] =	vst v63  }
0x87: {  	s25 =	simm.s32 $0x1  }
0x88: {  	_ =	swait.ge [sflag:s25], $0x3200  }
0x89: {  	s10 =	sld [smem:$0x7D2];
	_ =	sdelay $0x1  }
0x8a: {  	s6 =	simm.s32 $0x0;
	s7 =	simm.s32 $0xC;
	[sflag:s25] =	ssyncset.done $0x0  }
0x8b: {  	s8 =	simm.s32 $0x80;
	[sflag:s25] =	ssyncadd.s32 $0xFFFFCE00;
	s9 =	sadd.s32 $0x0, s10  }
.LBB2_6:
0x8c: {  	[hbm4b:s9+s2] =	stream.linear.scatter [tilespmem:s6], [sflag:$0x1], $0x60, $0x38;
	[tilespmem:$0x6400] =	vst v63  }
0x8d: {  	s9 =	smov.u32 s7;
	s6 =	smov.u32 s8;
	p0 =	sne.s32 s7, $0x954  }
.Ltmp2:
0x8e: {  	s7 =	sadd.s32 $0xC, s7;
	(pc) =	sbr.rel @p0 .LBB2_6-.Ltmp2, $2  }
0x8f: {  	_ =	sdelay $0x2  }
0x90: {  	s8 =	sadd.s32 $0x80, s8;
	s9 =	sadd.s32 s9, s10  }
0x91: {  	[hbm4b:s9+s2] =	stream.linear.scatter [tilespmem:s6], [sflag:$0x1], $0x60, $0x38;
	[tilespmem:$0x6400] =	vst v63  }
0x92: {  	s25 =	simm.s32 $0x1  }
0x93: {  	s6 =	simm.s32 $0x0;
	_ =	swait.ge [sflag:s25], $0x4B00  }
0x94: {  	s7 =	simm.s32 $0x8;
	[sflag:s25] =	ssyncset.done $0x0;
	s10 =	rddreg [dreg:$0x4]  }
0x95: {  	s8 =	simm.s32 $0x80;
	[sflag:s25] =	ssyncadd.s32 $0xFFFFB500;
	s9 =	sadd.s32 $0x0, s10  }
.LBB2_8:
0x96: {  	[tilespmem:s6], [sflag:$0x1] =	stream.linear.gather [hbm4b:s9+s2], $0x40, $0x38;
	[tilespmem:$0x6400] =	vst v63  }
0x97: {  	s9 =	smov.u32 s7;
	s6 =	smov.u32 s8;
	p0 =	sne.s32 s7, $0x638  }
.Ltmp3:
0x98: {  	s7 =	sadd.s32 $0x8, s7;
	(pc) =	sbr.rel @p0 .LBB2_8-.Ltmp3, $2  }
0x99: {  	_ =	sdelay $0x2  }
0x9a: {  	s8 =	sadd.s32 $0x80, s8;
	s9 =	sadd.s32 s9, s10  }
0x9b: {  	[tilespmem:s6], [sflag:$0x1] =	stream.linear.gather [hbm4b:s9+s2], $0x40, $0x38;
	[tilespmem:$0x6400] =	vst v63  }
0x9c: {  	s25 =	simm.s32 $0x1  }
0x9d: {  	_ =	swait.ge [sflag:s25], $0x3200  }
0x9e: {  	s11 =	sld [smem:$0x7D4];
	_ =	sdelay $0x1  }
0x9f: {  	s6 =	simm.s32 $0x0;
	s7 =	simm.s32 $0xC;
	[sflag:s25] =	ssyncset.done $0x0  }
0xa0: {  	s8 =	simm.s32 $0x80;
	[sflag:s25] =	ssyncadd.s32 $0xFFFFCE00;
	s9 =	sadd.s32 $0x0, s11  }
.LBB2_10:
0xa1: {  	[hbm4b:s9+s2] =	stream.linear.scatter [tilespmem:s6], [sflag:$0x1], $0x60, $0x38;
	[tilespmem:$0x6400] =	vst v63  }
0xa2: {  	s9 =	smov.u32 s7;
	s6 =	smov.u32 s8;
	p0 =	sne.s32 s7, $0x954  }
.Ltmp4:
0xa3: {  	s7 =	sadd.s32 $0xC, s7;
	(pc) =	sbr.rel @p0 .LBB2_10-.Ltmp4, $2  }
0xa4: {  	_ =	sdelay $0x2  }
0xa5: {  	s8 =	sadd.s32 $0x80, s8;
	s9 =	sadd.s32 s9, s11  }
0xa6: {  	[hbm4b:s9+s2] =	stream.linear.scatter [tilespmem:s6], [sflag:$0x1], $0x60, $0x38;
	[tilespmem:$0x6400] =	vst v63  }
0xa7: {  	s25 =	simm.s32 $0x1  }
0xa8: {  	s6 =	simm.s32 $0x0;
	_ =	swait.ge [sflag:s25], $0x4B00  }
0xa9: {  	s7 =	simm.s32 $0x8;
	[sflag:s25] =	ssyncset.done $0x0;
	s11 =	rddreg [dreg:$0x5]  }
0xaa: {  	s8 =	simm.s32 $0x80;
	[sflag:s25] =	ssyncadd.s32 $0xFFFFB500;
	s9 =	sadd.s32 $0x0, s11  }
.LBB2_12:
0xab: {  	[tilespmem:s6], [sflag:$0x1] =	stream.linear.gather [hbm4b:s9+s2], $0x40, $0x38;
	[tilespmem:$0x6400] =	vst v63  }
0xac: {  	s9 =	smov.u32 s7;
	s6 =	smov.u32 s8;
	p0 =	sne.s32 s7, $0x638  }
.Ltmp5:
0xad: {  	s7 =	sadd.s32 $0x8, s7;
	(pc) =	sbr.rel @p0 .LBB2_12-.Ltmp5, $2  }
0xae: {  	_ =	sdelay $0x2  }
0xaf: {  	s8 =	sadd.s32 $0x80, s8;
	s9 =	sadd.s32 s9, s11  }
0xb0: {  	[tilespmem:s6], [sflag:$0x1] =	stream.linear.gather [hbm4b:s9+s2], $0x40, $0x38;
	[tilespmem:$0x6400] =	vst v63  }
0xb1: {  	s25 =	simm.s32 $0x1  }
0xb2: {  	_ =	swait.ge [sflag:s25], $0x3200  }
0xb3: {  	s11 =	sld [smem:$0x7D6];
	_ =	sdelay $0x1  }
0xb4: {  	s6 =	simm.s32 $0x0;
	s7 =	simm.s32 $0xC;
	[sflag:s25] =	ssyncset.done $0x0  }
0xb5: {  	s8 =	simm.s32 $0x80;
	[sflag:s25] =	ssyncadd.s32 $0xFFFFCE00;
	s9 =	sadd.s32 $0x0, s11  }
.LBB2_14:
0xb6: {  	[hbm4b:s9+s2] =	stream.linear.scatter [tilespmem:s6], [sflag:$0x1], $0x60, $0x38;
	[tilespmem:$0x6400] =	vst v63  }
0xb7: {  	s9 =	smov.u32 s7;
	s6 =	smov.u32 s8;
	p0 =	sne.s32 s7, $0x954  }
.Ltmp6:
0xb8: {  	s7 =	sadd.s32 $0xC, s7;
	(pc) =	sbr.rel @p0 .LBB2_14-.Ltmp6, $2  }
0xb9: {  	_ =	sdelay $0x2  }
0xba: {  	s8 =	sadd.s32 $0x80, s8;
	s9 =	sadd.s32 s9, s11  }
0xbb: {  	[hbm4b:s9+s2] =	stream.linear.scatter [tilespmem:s6], [sflag:$0x1], $0x60, $0x38;
	[tilespmem:$0x6400] =	vst v63  }
0xbc: {  	s25 =	simm.s32 $0x1  }
0xbd: {  	s6 =	simm.s32 $0x0;
	_ =	swait.ge [sflag:s25], $0x4B00  }
0xbe: {  	s7 =	simm.s32 $0x8;
	[sflag:s25] =	ssyncset.done $0x0;
	s11 =	rddreg [dreg:$0x6]  }
0xbf: {  	s8 =	simm.s32 $0x80;
	[sflag:s25] =	ssyncadd.s32 $0xFFFFB500;
	s9 =	sadd.s32 $0x0, s11  }
.LBB2_16:
0xc0: {  	[tilespmem:s6], [sflag:$0x1] =	stream.linear.gather [hbm4b:s9+s2], $0x40, $0x38;
	[tilespmem:$0x6400] =	vst v63  }
0xc1: {  	s9 =	smov.u32 s7;
	s6 =	smov.u32 s8;
	p0 =	sne.s32 s7, $0x638  }
.Ltmp7:
0xc2: {  	s7 =	sadd.s32 $0x8, s7;
	(pc) =	sbr.rel @p0 .LBB2_16-.Ltmp7, $2  }
0xc3: {  	_ =	sdelay $0x2  }
0xc4: {  	s8 =	sadd.s32 $0x80, s8;
	s9 =	sadd.s32 s9, s11  }
0xc5: {  	[tilespmem:s6], [sflag:$0x1] =	stream.linear.gather [hbm4b:s9+s2], $0x40, $0x38;
	[tilespmem:$0x6400] =	vst v63  }
0xc6: {  	s25 =	simm.s32 $0x1  }
0xc7: {  	_ =	swait.ge [sflag:s25], $0x3200  }
0xc8: {  	s12 =	sld [smem:$0x7D8];
	_ =	sdelay $0x1  }
0xc9: {  	s6 =	simm.s32 $0x0;
	s7 =	simm.s32 $0xC;
	[sflag:s25] =	ssyncset.done $0x0  }
0xca: {  	s8 =	simm.s32 $0x80;
	[sflag:s25] =	ssyncadd.s32 $0xFFFFCE00;
	s9 =	sadd.s32 $0x0, s12  }
.LBB2_18:
0xcb: {  	[hbm4b:s9+s2] =	stream.linear.scatter [tilespmem:s6], [sflag:$0x1], $0x60, $0x38;
	[tilespmem:$0x6400] =	vst v63  }
0xcc: {  	s9 =	smov.u32 s7;
	s6 =	smov.u32 s8;
	p0 =	sne.s32 s7, $0x954  }
.Ltmp8:
0xcd: {  	s7 =	sadd.s32 $0xC, s7;
	(pc) =	sbr.rel @p0 .LBB2_18-.Ltmp8, $2  }
0xce: {  	_ =	sdelay $0x2  }
0xcf: {  	s8 =	sadd.s32 $0x80, s8;
	s9 =	sadd.s32 s9, s12  }
0xd0: {  	[hbm4b:s9+s2] =	stream.linear.scatter [tilespmem:s6], [sflag:$0x1], $0x60, $0x38;
	[tilespmem:$0x6400] =	vst v63  }
0xd1: {  	s25 =	simm.s32 $0x1  }
0xd2: {  	s6 =	simm.s32 $0x0;
	_ =	swait.ge [sflag:s25], $0x4B00  }
0xd3: {  	s7 =	simm.s32 $0x8;
	[sflag:s25] =	ssyncset.done $0x0;
	s12 =	rddreg [dreg:$0x7]  }
0xd4: {  	s8 =	simm.s32 $0x80;
	[sflag:s25] =	ssyncadd.s32 $0xFFFFB500;
	s9 =	sadd.s32 $0x0, s12  }
.LBB2_20:
0xd5: {  	[tilespmem:s6], [sflag:$0x1] =	stream.linear.gather [hbm4b:s9+s2], $0x40, $0x38;
	[tilespmem:$0x6400] =	vst v63  }
0xd6: {  	s9 =	smov.u32 s7;
	s6 =	smov.u32 s8;
	p0 =	sne.s32 s7, $0x638  }
.Ltmp9:
0xd7: {  	s7 =	sadd.s32 $0x8, s7;
	(pc) =	sbr.rel @p0 .LBB2_20-.Ltmp9, $2  }
0xd8: {  	_ =	sdelay $0x2  }
0xd9: {  	s8 =	sadd.s32 $0x80, s8;
	s9 =	sadd.s32 s9, s12  }
0xda: {  	[tilespmem:s6], [sflag:$0x1] =	stream.linear.gather [hbm4b:s9+s2], $0x40, $0x38;
	[tilespmem:$0x6400] =	vst v63  }
0xdb: {  	s25 =	simm.s32 $0x1  }
0xdc: {  	_ =	swait.ge [sflag:s25], $0x3200  }
0xdd: {  	s12 =	sld [smem:$0x7DA];
	_ =	sdelay $0x1  }
0xde: {  	s6 =	simm.s32 $0x0;
	s7 =	simm.s32 $0xC;
	[sflag:s25] =	ssyncset.done $0x0  }
0xdf: {  	s8 =	simm.s32 $0x80;
	[sflag:s25] =	ssyncadd.s32 $0xFFFFCE00;
	s9 =	sadd.s32 $0x0, s12  }
.LBB2_22:
0xe0: {  	[hbm4b:s9+s2] =	stream.linear.scatter [tilespmem:s6], [sflag:$0x1], $0x60, $0x38;
	[tilespmem:$0x6400] =	vst v63  }
0xe1: {  	s9 =	smov.u32 s7;
	s6 =	smov.u32 s8;
	p0 =	sne.s32 s7, $0x954  }
.Ltmp10:
0xe2: {  	s7 =	sadd.s32 $0xC, s7;
	(pc) =	sbr.rel @p0 .LBB2_22-.Ltmp10, $2  }
0xe3: {  	_ =	sdelay $0x2  }
0xe4: {  	s8 =	sadd.s32 $0x80, s8;
	s9 =	sadd.s32 s9, s12  }
0xe5: {  	[hbm4b:s9+s2] =	stream.linear.scatter [tilespmem:s6], [sflag:$0x1], $0x60, $0x38;
	[tilespmem:$0x6400] =	vst v63  }
0xe6: {  	s25 =	simm.s32 $0x1  }
0xe7: {  	s6 =	simm.s32 $0x0;
	_ =	swait.ge [sflag:s25], $0x4B00  }
0xe8: {  	s7 =	simm.s32 $0x8;
	[sflag:s25] =	ssyncset.done $0x0;
	s12 =	rddreg [dreg:$0x8]  }
0xe9: {  	s8 =	simm.s32 $0x80;
	[sflag:s25] =	ssyncadd.s32 $0xFFFFB500;
	s9 =	sadd.s32 $0x0, s12  }
.LBB2_24:
0xea: {  	[tilespmem:s6], [sflag:$0x1] =	stream.linear.gather [hbm4b:s9+s2], $0x40, $0x38;
	[tilespmem:$0x6400] =	vst v63  }
0xeb: {  	s9 =	smov.u32 s7;
	s6 =	smov.u32 s8;
	p0 =	sne.s32 s7, $0x638  }
.Ltmp11:
0xec: {  	s7 =	sadd.s32 $0x8, s7;
	(pc) =	sbr.rel @p0 .LBB2_24-.Ltmp11, $2  }
0xed: {  	_ =	sdelay $0x2  }
0xee: {  	s8 =	sadd.s32 $0x80, s8;
	s9 =	sadd.s32 s9, s12  }
0xef: {  	[tilespmem:s6], [sflag:$0x1] =	stream.linear.gather [hbm4b:s9+s2], $0x40, $0x38;
	[tilespmem:$0x6400] =	vst v63  }
0xf0: {  	s25 =	simm.s32 $0x1  }
0xf1: {  	_ =	swait.ge [sflag:s25], $0x3200  }
0xf2: {  	s13 =	sld [smem:$0x7DC];
	_ =	sdelay $0x1  }
0xf3: {  	s6 =	simm.s32 $0x0;
	s7 =	simm.s32 $0xC;
	[sflag:s25] =	ssyncset.done $0x0  }
0xf4: {  	s8 =	simm.s32 $0x80;
	[sflag:s25] =	ssyncadd.s32 $0xFFFFCE00;
	s9 =	sadd.s32 $0x0, s13  }
.LBB2_26:
0xf5: {  	[hbm4b:s9+s2] =	stream.linear.scatter [tilespmem:s6], [sflag:$0x1], $0x60, $0x38;
	[tilespmem:$0x6400] =	vst v63  }
0xf6: {  	s9 =	smov.u32 s7;
	s6 =	smov.u32 s8;
	p0 =	sne.s32 s7, $0x954  }
.Ltmp12:
0xf7: {  	s7 =	sadd.s32 $0xC, s7;
	(pc) =	sbr.rel @p0 .LBB2_26-.Ltmp12, $2  }
0xf8: {  	_ =	sdelay $0x2  }
0xf9: {  	s8 =	sadd.s32 $0x80, s8;
	s9 =	sadd.s32 s9, s13  }
0xfa: {  	[hbm4b:s9+s2] =	stream.linear.scatter [tilespmem:s6], [sflag:$0x1], $0x60, $0x38;
	[tilespmem:$0x6400] =	vst v63  }
0xfb: {  	s25 =	simm.s32 $0x1  }
0xfc: {  	s6 =	simm.s32 $0x0;
	_ =	swait.ge [sflag:s25], $0x4B00  }
0xfd: {  	s7 =	simm.s32 $0x8;
	[sflag:s25] =	ssyncset.done $0x0;
	s13 =	rddreg [dreg:$0x9]  }
0xfe: {  	s8 =	simm.s32 $0x80;
	[sflag:s25] =	ssyncadd.s32 $0xFFFFB500;
	s9 =	sadd.s32 $0x0, s13  }
.LBB2_28:
0xff: {  	[tilespmem:s6], [sflag:$0x1] =	stream.linear.gather [hbm4b:s9+s2], $0x40, $0x38;
	[tilespmem:$0x6400] =	vst v63  }
0x100: {  	s9 =	smov.u32 s7;
	s6 =	smov.u32 s8;
	p0 =	sne.s32 s7, $0x638  }
.Ltmp13:
0x101: {  	s7 =	sadd.s32 $0x8, s7;
	(pc) =	sbr.rel @p0 .LBB2_28-.Ltmp13, $2  }
0x102: {  	_ =	sdelay $0x2  }
0x103: {  	s8 =	sadd.s32 $0x80, s8;
	s9 =	sadd.s32 s9, s13  }
0x104: {  	[tilespmem:s6], [sflag:$0x1] =	stream.linear.gather [hbm4b:s9+s2], $0x40, $0x38;
	[tilespmem:$0x6400] =	vst v63  }
0x105: {  	s25 =	simm.s32 $0x1  }
0x106: {  	_ =	swait.ge [sflag:s25], $0x3200  }
0x107: {  	s13 =	sld [smem:$0x7DE];
	_ =	sdelay $0x1  }
0x108: {  	s6 =	simm.s32 $0x0;
	s7 =	simm.s32 $0xC;
	[sflag:s25] =	ssyncset.done $0x0  }
0x109: {  	s8 =	simm.s32 $0x80;
	[sflag:s25] =	ssyncadd.s32 $0xFFFFCE00;
	s9 =	sadd.s32 $0x0, s13  }
.LBB2_30:
0x10a: {  	[hbm4b:s9+s2] =	stream.linear.scatter [tilespmem:s6], [sflag:$0x1], $0x60, $0x38;
	[tilespmem:$0x6400] =	vst v63  }
0x10b: {  	s9 =	smov.u32 s7;
	s6 =	smov.u32 s8;
	p0 =	sne.s32 s7, $0x954  }
.Ltmp14:
0x10c: {  	s7 =	sadd.s32 $0xC, s7;
	(pc) =	sbr.rel @p0 .LBB2_30-.Ltmp14, $2  }
0x10d: {  	_ =	sdelay $0x2  }
0x10e: {  	s8 =	sadd.s32 $0x80, s8;
	s9 =	sadd.s32 s9, s13  }
0x10f: {  	[hbm4b:s9+s2] =	stream.linear.scatter [tilespmem:s6], [sflag:$0x1], $0x60, $0x38;
	[tilespmem:$0x6400] =	vst v63  }
0x110: {  	s25 =	simm.s32 $0x1  }
0x111: {  	s6 =	simm.s32 $0x0;
	_ =	swait.ge [sflag:s25], $0x4B00  }
0x112: {  	s7 =	simm.s32 $0x8;
	[sflag:s25] =	ssyncset.done $0x0;
	s13 =	rddreg [dreg:$0xa]  }
0x113: {  	s8 =	simm.s32 $0x80;
	[sflag:s25] =	ssyncadd.s32 $0xFFFFB500;
	s9 =	sadd.s32 $0x0, s13  }
.LBB2_32:
0x114: {  	[tilespmem:s6], [sflag:$0x1] =	stream.linear.gather [hbm4b:s9+s2], $0x40, $0x38;
	[tilespmem:$0x6400] =	vst v63  }
0x115: {  	s9 =	smov.u32 s7;
	s6 =	smov.u32 s8;
	p0 =	sne.s32 s7, $0x638  }
.Ltmp15:
0x116: {  	s7 =	sadd.s32 $0x8, s7;
	(pc) =	sbr.rel @p0 .LBB2_32-.Ltmp15, $2  }
0x117: {  	_ =	sdelay $0x2  }
0x118: {  	s8 =	sadd.s32 $0x80, s8;
	s9 =	sadd.s32 s9, s13  }
0x119: {  	[tilespmem:s6], [sflag:$0x1] =	stream.linear.gather [hbm4b:s9+s2], $0x40, $0x38;
	[tilespmem:$0x6400] =	vst v63  }
0x11a: {  	s25 =	simm.s32 $0x1  }
0x11b: {  	_ =	swait.ge [sflag:s25], $0x3200  }
0x11c: {  	s14 =	sld [smem:$0x7E0];
	_ =	sdelay $0x1  }
0x11d: {  	s6 =	simm.s32 $0x0;
	s7 =	simm.s32 $0xC;
	[sflag:s25] =	ssyncset.done $0x0  }
0x11e: {  	s8 =	simm.s32 $0x80;
	[sflag:s25] =	ssyncadd.s32 $0xFFFFCE00;
	s9 =	sadd.s32 $0x0, s14  }
.LBB2_34:
0x11f: {  	[hbm4b:s9+s2] =	stream.linear.scatter [tilespmem:s6], [sflag:$0x1], $0x60, $0x38;
	[tilespmem:$0x6400] =	vst v63  }
0x120: {  	s9 =	smov.u32 s7;
	s6 =	smov.u32 s8;
	p0 =	sne.s32 s7, $0x954  }
.Ltmp16:
0x121: {  	s7 =	sadd.s32 $0xC, s7;
	(pc) =	sbr.rel @p0 .LBB2_34-.Ltmp16, $2  }
0x122: {  	_ =	sdelay $0x2  }
0x123: {  	s8 =	sadd.s32 $0x80, s8;
	s9 =	sadd.s32 s9, s14  }
0x124: {  	[hbm4b:s9+s2] =	stream.linear.scatter [tilespmem:s6], [sflag:$0x1], $0x60, $0x38;
	[tilespmem:$0x6400] =	vst v63  }
0x125: {  	s25 =	simm.s32 $0x1  }
0x126: {  	s6 =	simm.s32 $0x0;
	_ =	swait.ge [sflag:s25], $0x4B00  }
0x127: {  	s7 =	simm.s32 $0x8;
	[sflag:s25] =	ssyncset.done $0x0;
	s14 =	rddreg [dreg:$0xb]  }
0x128: {  	s8 =	simm.s32 $0x80;
	[sflag:s25] =	ssyncadd.s32 $0xFFFFB500;
	s9 =	sadd.s32 $0x0, s14  }
.LBB2_36:
0x129: {  	[tilespmem:s6], [sflag:$0x1] =	stream.linear.gather [hbm4b:s9+s2], $0x40, $0x38;
	[tilespmem:$0x6400] =	vst v63  }
0x12a: {  	s9 =	smov.u32 s7;
	s6 =	smov.u32 s8;
	p0 =	sne.s32 s7, $0x638  }
.Ltmp17:
0x12b: {  	s7 =	sadd.s32 $0x8, s7;
	(pc) =	sbr.rel @p0 .LBB2_36-.Ltmp17, $2  }
0x12c: {  	_ =	sdelay $0x2  }
0x12d: {  	s8 =	sadd.s32 $0x80, s8;
	s9 =	sadd.s32 s9, s14  }
0x12e: {  	[tilespmem:s6], [sflag:$0x1] =	stream.linear.gather [hbm4b:s9+s2], $0x40, $0x38;
	[tilespmem:$0x6400] =	vst v63  }
0x12f: {  	s25 =	simm.s32 $0x1  }
0x130: {  	_ =	swait.ge [sflag:s25], $0x3200  }
0x131: {  	s14 =	sld [smem:$0x7E2];
	_ =	sdelay $0x1  }
0x132: {  	s6 =	simm.s32 $0x0;
	s7 =	simm.s32 $0xC;
	[sflag:s25] =	ssyncset.done $0x0  }
0x133: {  	s8 =	simm.s32 $0x80;
	[sflag:s25] =	ssyncadd.s32 $0xFFFFCE00;
	s9 =	sadd.s32 $0x0, s14  }
.LBB2_38:
0x134: {  	[hbm4b:s9+s2] =	stream.linear.scatter [tilespmem:s6], [sflag:$0x1], $0x60, $0x38;
	[tilespmem:$0x6400] =	vst v63  }
0x135: {  	s9 =	smov.u32 s7;
	s6 =	smov.u32 s8;
	p0 =	sne.s32 s7, $0x954  }
.Ltmp18:
0x136: {  	s7 =	sadd.s32 $0xC, s7;
	(pc) =	sbr.rel @p0 .LBB2_38-.Ltmp18, $2  }
0x137: {  	_ =	sdelay $0x2  }
0x138: {  	s8 =	sadd.s32 $0x80, s8;
	s9 =	sadd.s32 s9, s14  }
0x139: {  	[hbm4b:s9+s2] =	stream.linear.scatter [tilespmem:s6], [sflag:$0x1], $0x60, $0x38;
	[tilespmem:$0x6400] =	vst v63  }
0x13a: {  	s25 =	simm.s32 $0x1  }
0x13b: {  	s6 =	simm.s32 $0x0;
	_ =	swait.ge [sflag:s25], $0x4B00  }
0x13c: {  	s7 =	simm.s32 $0x8;
	[sflag:s25] =	ssyncset.done $0x0;
	s14 =	rddreg [dreg:$0xc]  }
0x13d: {  	s8 =	simm.s32 $0x80;
	[sflag:s25] =	ssyncadd.s32 $0xFFFFB500;
	s9 =	sadd.s32 $0x0, s14  }
.LBB2_40:
0x13e: {  	[tilespmem:s6], [sflag:$0x1] =	stream.linear.gather [hbm4b:s9+s2], $0x40, $0x38;
	[tilespmem:$0x6400] =	vst v63  }
0x13f: {  	s9 =	smov.u32 s7;
	s6 =	smov.u32 s8;
	p0 =	sne.s32 s7, $0x638  }
.Ltmp19:
0x140: {  	s7 =	sadd.s32 $0x8, s7;
	(pc) =	sbr.rel @p0 .LBB2_40-.Ltmp19, $2  }
0x141: {  	_ =	sdelay $0x2  }
0x142: {  	s8 =	sadd.s32 $0x80, s8;
	s9 =	sadd.s32 s9, s14  }
0x143: {  	[tilespmem:s6], [sflag:$0x1] =	stream.linear.gather [hbm4b:s9+s2], $0x40, $0x38;
	[tilespmem:$0x6400] =	vst v63  }
0x144: {  	s25 =	simm.s32 $0x1  }
0x145: {  	_ =	swait.ge [sflag:s25], $0x3200  }
0x146: {  	s15 =	sld [smem:$0x7E4];
	_ =	sdelay $0x1  }
0x147: {  	s6 =	simm.s32 $0x0;
	s7 =	simm.s32 $0xC;
	[sflag:s25] =	ssyncset.done $0x0  }
0x148: {  	s8 =	simm.s32 $0x80;
	[sflag:s25] =	ssyncadd.s32 $0xFFFFCE00;
	s9 =	sadd.s32 $0x0, s15  }
.LBB2_42:
0x149: {  	[hbm4b:s9+s2] =	stream.linear.scatter [tilespmem:s6], [sflag:$0x1], $0x60, $0x38;
	[tilespmem:$0x6400] =	vst v63  }
0x14a: {  	s9 =	smov.u32 s7;
	s6 =	smov.u32 s8;
	p0 =	sne.s32 s7, $0x954  }
.Ltmp20:
0x14b: {  	s7 =	sadd.s32 $0xC, s7;
	(pc) =	sbr.rel @p0 .LBB2_42-.Ltmp20, $2  }
0x14c: {  	_ =	sdelay $0x2  }
0x14d: {  	s8 =	sadd.s32 $0x80, s8;
	s9 =	sadd.s32 s9, s15  }
0x14e: {  	[hbm4b:s9+s2] =	stream.linear.scatter [tilespmem:s6], [sflag:$0x1], $0x60, $0x38;
	[tilespmem:$0x6400] =	vst v63  }
0x14f: {  	s25 =	simm.s32 $0x1  }
0x150: {  	s6 =	simm.s32 $0x0;
	_ =	swait.ge [sflag:s25], $0x4B00  }
0x151: {  	s7 =	simm.s32 $0x8;
	[sflag:s25] =	ssyncset.done $0x0;
	s15 =	rddreg [dreg:$0xd]  }
0x152: {  	s8 =	simm.s32 $0x80;
	[sflag:s25] =	ssyncadd.s32 $0xFFFFB500;
	s9 =	sadd.s32 $0x0, s15  }
.LBB2_44:
0x153: {  	[tilespmem:s6], [sflag:$0x1] =	stream.linear.gather [hbm4b:s9+s2], $0x40, $0x38;
	[tilespmem:$0x6400] =	vst v63  }
0x154: {  	s9 =	smov.u32 s7;
	s6 =	smov.u32 s8;
	p0 =	sne.s32 s7, $0x638  }
.Ltmp21:
0x155: {  	s7 =	sadd.s32 $0x8, s7;
	(pc) =	sbr.rel @p0 .LBB2_44-.Ltmp21, $2  }
0x156: {  	_ =	sdelay $0x2  }
0x157: {  	s8 =	sadd.s32 $0x80, s8;
	s9 =	sadd.s32 s9, s15  }
0x158: {  	[tilespmem:s6], [sflag:$0x1] =	stream.linear.gather [hbm4b:s9+s2], $0x40, $0x38;
	[tilespmem:$0x6400] =	vst v63  }
0x159: {  	s25 =	simm.s32 $0x1  }
0x15a: {  	_ =	swait.ge [sflag:s25], $0x3200  }
0x15b: {  	s15 =	sld [smem:$0x7E6];
	_ =	sdelay $0x1  }
0x15c: {  	s6 =	simm.s32 $0x0;
	s7 =	simm.s32 $0xC;
	[sflag:s25] =	ssyncset.done $0x0  }
0x15d: {  	s8 =	simm.s32 $0x80;
	[sflag:s25] =	ssyncadd.s32 $0xFFFFCE00;
	s9 =	sadd.s32 $0x0, s15  }
.LBB2_46:
0x15e: {  	[hbm4b:s9+s2] =	stream.linear.scatter [tilespmem:s6], [sflag:$0x1], $0x60, $0x38;
	[tilespmem:$0x6400] =	vst v63  }
0x15f: {  	s9 =	smov.u32 s7;
	s6 =	smov.u32 s8;
	p0 =	sne.s32 s7, $0x954  }
.Ltmp22:
0x160: {  	s7 =	sadd.s32 $0xC, s7;
	(pc) =	sbr.rel @p0 .LBB2_46-.Ltmp22, $2  }
0x161: {  	_ =	sdelay $0x2  }
0x162: {  	s8 =	sadd.s32 $0x80, s8;
	s9 =	sadd.s32 s9, s15  }
0x163: {  	[hbm4b:s9+s2] =	stream.linear.scatter [tilespmem:s6], [sflag:$0x1], $0x60, $0x38;
	[tilespmem:$0x6400] =	vst v63  }
0x164: {  	s25 =	simm.s32 $0x1  }
0x165: {  	s6 =	simm.s32 $0x0;
	_ =	swait.ge [sflag:s25], $0x4B00  }
0x166: {  	s7 =	simm.s32 $0x8;
	[sflag:s25] =	ssyncset.done $0x0;
	s15 =	rddreg [dreg:$0xe]  }
0x167: {  	s8 =	simm.s32 $0x80;
	[sflag:s25] =	ssyncadd.s32 $0xFFFFB500;
	s9 =	sadd.s32 $0x0, s15  }
.LBB2_48:
0x168: {  	[tilespmem:s6], [sflag:$0x1] =	stream.linear.gather [hbm4b:s9+s2], $0x40, $0x38;
	[tilespmem:$0x6400] =	vst v63  }
0x169: {  	s9 =	smov.u32 s7;
	s6 =	smov.u32 s8;
	p0 =	sne.s32 s7, $0x638  }
.Ltmp23:
0x16a: {  	s7 =	sadd.s32 $0x8, s7;
	(pc) =	sbr.rel @p0 .LBB2_48-.Ltmp23, $2  }
0x16b: {  	_ =	sdelay $0x2  }
0x16c: {  	s8 =	sadd.s32 $0x80, s8;
	s9 =	sadd.s32 s9, s15  }
0x16d: {  	[tilespmem:s6], [sflag:$0x1] =	stream.linear.gather [hbm4b:s9+s2], $0x40, $0x38;
	[tilespmem:$0x6400] =	vst v63  }
0x16e: {  	s25 =	simm.s32 $0x1  }
0x16f: {  	_ =	swait.ge [sflag:s25], $0x3200  }
0x170: {  	s16 =	sld [smem:$0x7E8];
	_ =	sdelay $0x1  }
0x171: {  	s6 =	simm.s32 $0x0;
	s7 =	simm.s32 $0xC;
	[sflag:s25] =	ssyncset.done $0x0  }
0x172: {  	s8 =	simm.s32 $0x80;
	[sflag:s25] =	ssyncadd.s32 $0xFFFFCE00;
	s9 =	sadd.s32 $0x0, s16  }
.LBB2_50:
0x173: {  	[hbm4b:s9+s2] =	stream.linear.scatter [tilespmem:s6], [sflag:$0x1], $0x60, $0x38;
	[tilespmem:$0x6400] =	vst v63  }
0x174: {  	s9 =	smov.u32 s7;
	s6 =	smov.u32 s8;
	p0 =	sne.s32 s7, $0x954  }
.Ltmp24:
0x175: {  	s7 =	sadd.s32 $0xC, s7;
	(pc) =	sbr.rel @p0 .LBB2_50-.Ltmp24, $2  }
0x176: {  	_ =	sdelay $0x2  }
0x177: {  	s8 =	sadd.s32 $0x80, s8;
	s9 =	sadd.s32 s9, s16  }
0x178: {  	[hbm4b:s9+s2] =	stream.linear.scatter [tilespmem:s6], [sflag:$0x1], $0x60, $0x38;
	[tilespmem:$0x6400] =	vst v63  }
0x179: {  	s25 =	simm.s32 $0x1  }
0x17a: {  	s6 =	simm.s32 $0x0;
	_ =	swait.ge [sflag:s25], $0x4B00  }
0x17b: {  	s7 =	simm.s32 $0x8;
	[sflag:s25] =	ssyncset.done $0x0;
	s16 =	rddreg [dreg:$0xf]  }
0x17c: {  	s8 =	simm.s32 $0x80;
	[sflag:s25] =	ssyncadd.s32 $0xFFFFB500;
	s9 =	sadd.s32 $0x0, s16  }
.LBB2_52:
0x17d: {  	[tilespmem:s6], [sflag:$0x1] =	stream.linear.gather [hbm4b:s9+s2], $0x40, $0x38;
	[tilespmem:$0x6400] =	vst v63  }
0x17e: {  	s9 =	smov.u32 s7;
	s6 =	smov.u32 s8;
	p0 =	sne.s32 s7, $0x638  }
.Ltmp25:
0x17f: {  	s7 =	sadd.s32 $0x8, s7;
	(pc) =	sbr.rel @p0 .LBB2_52-.Ltmp25, $2  }
0x180: {  	_ =	sdelay $0x2  }
0x181: {  	s8 =	sadd.s32 $0x80, s8;
	s9 =	sadd.s32 s9, s16  }
0x182: {  	[tilespmem:s6], [sflag:$0x1] =	stream.linear.gather [hbm4b:s9+s2], $0x40, $0x38;
	[tilespmem:$0x6400] =	vst v63  }
0x183: {  	s25 =	simm.s32 $0x1  }
0x184: {  	_ =	swait.ge [sflag:s25], $0x3200  }
0x185: {  	s16 =	sld [smem:$0x7EA];
	_ =	sdelay $0x1  }
0x186: {  	s6 =	simm.s32 $0x0;
	s7 =	simm.s32 $0xC;
	[sflag:s25] =	ssyncset.done $0x0  }
0x187: {  	s8 =	simm.s32 $0x80;
	[sflag:s25] =	ssyncadd.s32 $0xFFFFCE00;
	s9 =	sadd.s32 $0x0, s16  }
.LBB2_54:
0x188: {  	[hbm4b:s9+s2] =	stream.linear.scatter [tilespmem:s6], [sflag:$0x1], $0x60, $0x38;
	[tilespmem:$0x6400] =	vst v63  }
0x189: {  	s9 =	smov.u32 s7;
	s6 =	smov.u32 s8;
	p0 =	sne.s32 s7, $0x954  }
.Ltmp26:
0x18a: {  	s7 =	sadd.s32 $0xC, s7;
	(pc) =	sbr.rel @p0 .LBB2_54-.Ltmp26, $2  }
0x18b: {  	_ =	sdelay $0x2  }
0x18c: {  	s8 =	sadd.s32 $0x80, s8;
	s9 =	sadd.s32 s9, s16  }
0x18d: {  	[hbm4b:s9+s2] =	stream.linear.scatter [tilespmem:s6], [sflag:$0x1], $0x60, $0x38;
	[tilespmem:$0x6400] =	vst v63  }
0x18e: {  	s25 =	simm.s32 $0x1  }
0x18f: {  	s6 =	simm.s32 $0x0;
	_ =	swait.ge [sflag:s25], $0x4B00  }
0x190: {  	s7 =	simm.s32 $0x8;
	[sflag:s25] =	ssyncset.done $0x0;
	s16 =	rddreg [dreg:$0x10]  }
0x191: {  	s8 =	simm.s32 $0x80;
	[sflag:s25] =	ssyncadd.s32 $0xFFFFB500;
	s9 =	sadd.s32 $0x0, s16  }
.LBB2_56:
0x192: {  	[tilespmem:s6], [sflag:$0x1] =	stream.linear.gather [hbm4b:s9+s2], $0x40, $0x38;
	[tilespmem:$0x6400] =	vst v63  }
0x193: {  	s9 =	smov.u32 s7;
	s6 =	smov.u32 s8;
	p0 =	sne.s32 s7, $0x638  }
.Ltmp27:
0x194: {  	s7 =	sadd.s32 $0x8, s7;
	(pc) =	sbr.rel @p0 .LBB2_56-.Ltmp27, $2  }
0x195: {  	_ =	sdelay $0x2  }
0x196: {  	s8 =	sadd.s32 $0x80, s8;
	s9 =	sadd.s32 s9, s16  }
0x197: {  	[tilespmem:s6], [sflag:$0x1] =	stream.linear.gather [hbm4b:s9+s2], $0x40, $0x38;
	[tilespmem:$0x6400] =	vst v63  }
0x198: {  	s25 =	simm.s32 $0x1  }
0x199: {  	_ =	swait.ge [sflag:s25], $0x3200  }
0x19a: {  	s17 =	sld [smem:$0x7EC];
	_ =	sdelay $0x1  }
0x19b: {  	s6 =	simm.s32 $0x0;
	s7 =	simm.s32 $0xC;
	[sflag:s25] =	ssyncset.done $0x0  }
0x19c: {  	s8 =	simm.s32 $0x80;
	[sflag:s25] =	ssyncadd.s32 $0xFFFFCE00;
	s9 =	sadd.s32 $0x0, s17  }
.LBB2_58:
0x19d: {  	[hbm4b:s9+s2] =	stream.linear.scatter [tilespmem:s6], [sflag:$0x1], $0x60, $0x38;
	[tilespmem:$0x6400] =	vst v63  }
0x19e: {  	s9 =	smov.u32 s7;
	s6 =	smov.u32 s8;
	p0 =	sne.s32 s7, $0x954  }
.Ltmp28:
0x19f: {  	s7 =	sadd.s32 $0xC, s7;
	(pc) =	sbr.rel @p0 .LBB2_58-.Ltmp28, $2  }
0x1a0: {  	_ =	sdelay $0x2  }
0x1a1: {  	s8 =	sadd.s32 $0x80, s8;
	s9 =	sadd.s32 s9, s17  }
0x1a2: {  	[hbm4b:s9+s2] =	stream.linear.scatter [tilespmem:s6], [sflag:$0x1], $0x60, $0x38;
	[tilespmem:$0x6400] =	vst v63  }
0x1a3: {  	s25 =	simm.s32 $0x1  }
0x1a4: {  	s6 =	simm.s32 $0x0;
	_ =	swait.ge [sflag:s25], $0x4B00  }
0x1a5: {  	s7 =	simm.s32 $0x8;
	[sflag:s25] =	ssyncset.done $0x0;
	s17 =	rddreg [dreg:$0x11]  }
0x1a6: {  	s8 =	simm.s32 $0x80;
	[sflag:s25] =	ssyncadd.s32 $0xFFFFB500;
	s9 =	sadd.s32 $0x0, s17  }
.LBB2_60:
0x1a7: {  	[tilespmem:s6], [sflag:$0x1] =	stream.linear.gather [hbm4b:s9+s2], $0x40, $0x38;
	[tilespmem:$0x6400] =	vst v63  }
0x1a8: {  	s9 =	smov.u32 s7;
	s6 =	smov.u32 s8;
	p0 =	sne.s32 s7, $0x638  }
.Ltmp29:
0x1a9: {  	s7 =	sadd.s32 $0x8, s7;
	(pc) =	sbr.rel @p0 .LBB2_60-.Ltmp29, $2  }
0x1aa: {  	_ =	sdelay $0x2  }
0x1ab: {  	s8 =	sadd.s32 $0x80, s8;
	s9 =	sadd.s32 s9, s17  }
0x1ac: {  	[tilespmem:s6], [sflag:$0x1] =	stream.linear.gather [hbm4b:s9+s2], $0x40, $0x38;
	[tilespmem:$0x6400] =	vst v63  }
0x1ad: {  	s25 =	simm.s32 $0x1  }
0x1ae: {  	_ =	swait.ge [sflag:s25], $0x3200  }
0x1af: {  	s17 =	sld [smem:$0x7EE];
	_ =	sdelay $0x1  }
0x1b0: {  	s6 =	simm.s32 $0x0;
	s7 =	simm.s32 $0xC;
	[sflag:s25] =	ssyncset.done $0x0  }
0x1b1: {  	s8 =	simm.s32 $0x80;
	[sflag:s25] =	ssyncadd.s32 $0xFFFFCE00;
	s9 =	sadd.s32 $0x0, s17  }
.LBB2_62:
0x1b2: {  	[hbm4b:s9+s2] =	stream.linear.scatter [tilespmem:s6], [sflag:$0x1], $0x60, $0x38;
	[tilespmem:$0x6400] =	vst v63  }
0x1b3: {  	s9 =	smov.u32 s7;
	s6 =	smov.u32 s8;
	p0 =	sne.s32 s7, $0x954  }
.Ltmp30:
0x1b4: {  	s7 =	sadd.s32 $0xC, s7;
	(pc) =	sbr.rel @p0 .LBB2_62-.Ltmp30, $2  }
0x1b5: {  	_ =	sdelay $0x2  }
0x1b6: {  	s8 =	sadd.s32 $0x80, s8;
	s9 =	sadd.s32 s9, s17  }
0x1b7: {  	[hbm4b:s9+s2] =	stream.linear.scatter [tilespmem:s6], [sflag:$0x1], $0x60, $0x38;
	[tilespmem:$0x6400] =	vst v63  }
0x1b8: {  	s25 =	simm.s32 $0x1  }
0x1b9: {  	s6 =	simm.s32 $0x0;
	_ =	swait.ge [sflag:s25], $0x4B00  }
0x1ba: {  	s7 =	simm.s32 $0x8;
	[sflag:s25] =	ssyncset.done $0x0;
	s17 =	rddreg [dreg:$0x12]  }
0x1bb: {  	s8 =	simm.s32 $0x80;
	[sflag:s25] =	ssyncadd.s32 $0xFFFFB500;
	s9 =	sadd.s32 $0x0, s17  }
.LBB2_64:
0x1bc: {  	[tilespmem:s6], [sflag:$0x1] =	stream.linear.gather [hbm4b:s9+s2], $0x40, $0x38;
	[tilespmem:$0x6400] =	vst v63  }
0x1bd: {  	s9 =	smov.u32 s7;
	s6 =	smov.u32 s8;
	p0 =	sne.s32 s7, $0x638  }
.Ltmp31:
0x1be: {  	s7 =	sadd.s32 $0x8, s7;
	(pc) =	sbr.rel @p0 .LBB2_64-.Ltmp31, $2  }
0x1bf: {  	_ =	sdelay $0x2  }
0x1c0: {  	s8 =	sadd.s32 $0x80, s8;
	s9 =	sadd.s32 s9, s17  }
0x1c1: {  	[tilespmem:s6], [sflag:$0x1] =	stream.linear.gather [hbm4b:s9+s2], $0x40, $0x38;
	[tilespmem:$0x6400] =	vst v63  }
0x1c2: {  	s25 =	simm.s32 $0x1  }
0x1c3: {  	_ =	swait.ge [sflag:s25], $0x3200  }
0x1c4: {  	s18 =	sld [smem:$0x7EF];
	_ =	sdelay $0x1  }
0x1c5: {  	s6 =	simm.s32 $0x0;
	s7 =	simm.s32 $0xC;
	[sflag:s25] =	ssyncset.done $0x0  }
0x1c6: {  	s8 =	simm.s32 $0x80;
	[sflag:s25] =	ssyncadd.s32 $0xFFFFCE00;
	s9 =	sadd.s32 $0x0, s18  }
.LBB2_66:
0x1c7: {  	[hbm4b:s9+s2] =	stream.linear.scatter [tilespmem:s6], [sflag:$0x1], $0x60, $0x38;
	[tilespmem:$0x6400] =	vst v63  }
0x1c8: {  	s9 =	smov.u32 s7;
	s6 =	smov.u32 s8;
	p0 =	sne.s32 s7, $0x954  }
.Ltmp32:
0x1c9: {  	s7 =	sadd.s32 $0xC, s7;
	(pc) =	sbr.rel @p0 .LBB2_66-.Ltmp32, $2  }
0x1ca: {  	_ =	sdelay $0x2  }
0x1cb: {  	s8 =	sadd.s32 $0x80, s8;
	s9 =	sadd.s32 s9, s18  }
0x1cc: {  	[hbm4b:s9+s2] =	stream.linear.scatter [tilespmem:s6], [sflag:$0x1], $0x60, $0x38;
	[tilespmem:$0x6400] =	vst v63  }
0x1cd: {  	s25 =	simm.s32 $0x1  }
0x1ce: {  	s6 =	simm.s32 $0x0;
	_ =	swait.ge [sflag:s25], $0x4B00  }
0x1cf: {  	s7 =	simm.s32 $0x8;
	[sflag:s25] =	ssyncset.done $0x0;
	s18 =	rddreg [dreg:$0x13]  }
0x1d0: {  	s8 =	simm.s32 $0x80;
	[sflag:s25] =	ssyncadd.s32 $0xFFFFB500;
	s9 =	sadd.s32 $0x0, s18  }
.LBB2_68:
0x1d1: {  	[tilespmem:s6], [sflag:$0x1] =	stream.linear.gather [hbm4b:s9+s2], $0x40, $0x38;
	[tilespmem:$0x6400] =	vst v63  }
0x1d2: {  	s9 =	smov.u32 s7;
	s6 =	smov.u32 s8;
	p0 =	sne.s32 s7, $0x638  }
.Ltmp33:
0x1d3: {  	s7 =	sadd.s32 $0x8, s7;
	(pc) =	sbr.rel @p0 .LBB2_68-.Ltmp33, $2  }
0x1d4: {  	_ =	sdelay $0x2  }
0x1d5: {  	s8 =	sadd.s32 $0x80, s8;
	s9 =	sadd.s32 s9, s18  }
0x1d6: {  	[tilespmem:s6], [sflag:$0x1] =	stream.linear.gather [hbm4b:s9+s2], $0x40, $0x38;
	[tilespmem:$0x6400] =	vst v63  }
0x1d7: {  	s25 =	simm.s32 $0x1  }
0x1d8: {  	_ =	swait.ge [sflag:s25], $0x3200  }
0x1d9: {  	s18 =	sld [smem:$0x7F0];
	_ =	sdelay $0x1  }
0x1da: {  	s6 =	simm.s32 $0x0;
	s7 =	simm.s32 $0xC;
	[sflag:s25] =	ssyncset.done $0x0  }
0x1db: {  	s8 =	simm.s32 $0x80;
	[sflag:s25] =	ssyncadd.s32 $0xFFFFCE00;
	s9 =	sadd.s32 $0x0, s18  }
.LBB2_70:
0x1dc: {  	[hbm4b:s9+s2] =	stream.linear.scatter [tilespmem:s6], [sflag:$0x1], $0x60, $0x38;
	[tilespmem:$0x6400] =	vst v63  }
0x1dd: {  	s9 =	smov.u32 s7;
	s6 =	smov.u32 s8;
	p0 =	sne.s32 s7, $0x954  }
.Ltmp34:
0x1de: {  	s7 =	sadd.s32 $0xC, s7;
	(pc) =	sbr.rel @p0 .LBB2_70-.Ltmp34, $2  }
0x1df: {  	_ =	sdelay $0x2  }
0x1e0: {  	s8 =	sadd.s32 $0x80, s8;
	s9 =	sadd.s32 s9, s18  }
0x1e1: {  	[hbm4b:s9+s2] =	stream.linear.scatter [tilespmem:s6], [sflag:$0x1], $0x60, $0x38;
	[tilespmem:$0x6400] =	vst v63  }
0x1e2: {  	s25 =	simm.s32 $0x1  }
0x1e3: {  	s6 =	simm.s32 $0x0;
	_ =	swait.ge [sflag:s25], $0x4B00  }
0x1e4: {  	s7 =	simm.s32 $0x8;
	[sflag:s25] =	ssyncset.done $0x0;
	s18 =	rddreg [dreg:$0x14]  }
0x1e5: {  	s8 =	simm.s32 $0x80;
	[sflag:s25] =	ssyncadd.s32 $0xFFFFB500;
	s9 =	sadd.s32 $0x0, s18  }
.LBB2_72:
0x1e6: {  	[tilespmem:s6], [sflag:$0x1] =	stream.linear.gather [hbm4b:s9+s2], $0x40, $0x38;
	[tilespmem:$0x6400] =	vst v63  }
0x1e7: {  	s9 =	smov.u32 s7;
	s6 =	smov.u32 s8;
	p0 =	sne.s32 s7, $0x638  }
.Ltmp35:
0x1e8: {  	s7 =	sadd.s32 $0x8, s7;
	(pc) =	sbr.rel @p0 .LBB2_72-.Ltmp35, $2  }
0x1e9: {  	_ =	sdelay $0x2  }
0x1ea: {  	s8 =	sadd.s32 $0x80, s8;
	s9 =	sadd.s32 s9, s18  }
0x1eb: {  	[tilespmem:s6], [sflag:$0x1] =	stream.linear.gather [hbm4b:s9+s2], $0x40, $0x38;
	[tilespmem:$0x6400] =	vst v63  }
0x1ec: {  	s25 =	simm.s32 $0x1  }
0x1ed: {  	_ =	swait.ge [sflag:s25], $0x3200  }
0x1ee: {  	s19 =	sld [smem:$0x7F2];
	_ =	sdelay $0x1  }
0x1ef: {  	s6 =	simm.s32 $0x0;
	s7 =	simm.s32 $0xC;
	[sflag:s25] =	ssyncset.done $0x0  }
0x1f0: {  	s8 =	simm.s32 $0x80;
	[sflag:s25] =	ssyncadd.s32 $0xFFFFCE00;
	s9 =	sadd.s32 $0x0, s19  }
.LBB2_74:
0x1f1: {  	[hbm4b:s9+s2] =	stream.linear.scatter [tilespmem:s6], [sflag:$0x1], $0x60, $0x38;
	[tilespmem:$0x6400] =	vst v63  }
0x1f2: {  	s9 =	smov.u32 s7;
	s6 =	smov.u32 s8;
	p0 =	sne.s32 s7, $0x954  }
.Ltmp36:
0x1f3: {  	s7 =	sadd.s32 $0xC, s7;
	(pc) =	sbr.rel @p0 .LBB2_74-.Ltmp36, $2  }
0x1f4: {  	_ =	sdelay $0x2  }
0x1f5: {  	s8 =	sadd.s32 $0x80, s8;
	s9 =	sadd.s32 s9, s19  }
0x1f6: {  	[hbm4b:s9+s2] =	stream.linear.scatter [tilespmem:s6], [sflag:$0x1], $0x60, $0x38;
	[tilespmem:$0x6400] =	vst v63  }
0x1f7: {  	s25 =	simm.s32 $0x1  }
0x1f8: {  	s6 =	simm.s32 $0x0;
	_ =	swait.ge [sflag:s25], $0x4B00  }
0x1f9: {  	s7 =	simm.s32 $0x8;
	[sflag:s25] =	ssyncset.done $0x0;
	s19 =	rddreg [dreg:$0x15]  }
0x1fa: {  	s8 =	simm.s32 $0x80;
	[sflag:s25] =	ssyncadd.s32 $0xFFFFB500;
	s9 =	sadd.s32 $0x0, s19  }
.LBB2_76:
0x1fb: {  	[tilespmem:s6], [sflag:$0x1] =	stream.linear.gather [hbm4b:s9+s2], $0x40, $0x38;
	[tilespmem:$0x6400] =	vst v63  }
0x1fc: {  	s9 =	smov.u32 s7;
	s6 =	smov.u32 s8;
	p0 =	sne.s32 s7, $0x638  }
.Ltmp37:
0x1fd: {  	s7 =	sadd.s32 $0x8, s7;
	(pc) =	sbr.rel @p0 .LBB2_76-.Ltmp37, $2  }
0x1fe: {  	_ =	sdelay $0x2  }
0x1ff: {  	s8 =	sadd.s32 $0x80, s8;
	s9 =	sadd.s32 s9, s19  }
0x200: {  	[tilespmem:s6], [sflag:$0x1] =	stream.linear.gather [hbm4b:s9+s2], $0x40, $0x38;
	[tilespmem:$0x6400] =	vst v63  }
0x201: {  	s25 =	simm.s32 $0x1  }
0x202: {  	_ =	swait.ge [sflag:s25], $0x3200  }
0x203: {  	s19 =	sld [smem:$0x7F3];
	_ =	sdelay $0x1  }
0x204: {  	s6 =	simm.s32 $0x0;
	s7 =	simm.s32 $0xC;
	[sflag:s25] =	ssyncset.done $0x0  }
0x205: {  	s8 =	simm.s32 $0x80;
	[sflag:s25] =	ssyncadd.s32 $0xFFFFCE00;
	s9 =	sadd.s32 $0x0, s19  }
.LBB2_78:
0x206: {  	[hbm4b:s9+s2] =	stream.linear.scatter [tilespmem:s6], [sflag:$0x1], $0x60, $0x38;
	[tilespmem:$0x6400] =	vst v63  }
0x207: {  	s9 =	smov.u32 s7;
	s6 =	smov.u32 s8;
	p0 =	sne.s32 s7, $0x954  }
.Ltmp38:
0x208: {  	s7 =	sadd.s32 $0xC, s7;
	(pc) =	sbr.rel @p0 .LBB2_78-.Ltmp38, $2  }
0x209: {  	_ =	sdelay $0x2  }
0x20a: {  	s8 =	sadd.s32 $0x80, s8;
	s9 =	sadd.s32 s9, s19  }
0x20b: {  	[hbm4b:s9+s2] =	stream.linear.scatter [tilespmem:s6], [sflag:$0x1], $0x60, $0x38;
	[tilespmem:$0x6400] =	vst v63  }
0x20c: {  	s25 =	simm.s32 $0x1  }
0x20d: {  	s6 =	simm.s32 $0x0;
	_ =	swait.ge [sflag:s25], $0x4B00  }
0x20e: {  	s7 =	simm.s32 $0x8;
	[sflag:s25] =	ssyncset.done $0x0;
	s19 =	rddreg [dreg:$0x16]  }
0x20f: {  	s8 =	simm.s32 $0x80;
	[sflag:s25] =	ssyncadd.s32 $0xFFFFB500;
	s9 =	sadd.s32 $0x0, s19  }
.LBB2_80:
0x210: {  	[tilespmem:s6], [sflag:$0x1] =	stream.linear.gather [hbm4b:s9+s2], $0x40, $0x38;
	[tilespmem:$0x6400] =	vst v63  }
0x211: {  	s9 =	smov.u32 s7;
	s6 =	smov.u32 s8;
	p0 =	sne.s32 s7, $0x638  }
.Ltmp39:
0x212: {  	s7 =	sadd.s32 $0x8, s7;
	(pc) =	sbr.rel @p0 .LBB2_80-.Ltmp39, $2  }
0x213: {  	_ =	sdelay $0x2  }
0x214: {  	s8 =	sadd.s32 $0x80, s8;
	s9 =	sadd.s32 s9, s19  }
0x215: {  	[tilespmem:s6], [sflag:$0x1] =	stream.linear.gather [hbm4b:s9+s2], $0x40, $0x38;
	[tilespmem:$0x6400] =	vst v63  }
0x216: {  	s25 =	simm.s32 $0x1  }
0x217: {  	_ =	swait.ge [sflag:s25], $0x3200  }
0x218: {  	s20 =	sld [smem:$0x7F4];
	_ =	sdelay $0x1  }
0x219: {  	s6 =	simm.s32 $0x0;
	s7 =	simm.s32 $0xC;
	[sflag:s25] =	ssyncset.done $0x0  }
0x21a: {  	s8 =	simm.s32 $0x80;
	[sflag:s25] =	ssyncadd.s32 $0xFFFFCE00;
	s9 =	sadd.s32 $0x0, s20  }
.LBB2_82:
0x21b: {  	[hbm4b:s9+s2] =	stream.linear.scatter [tilespmem:s6], [sflag:$0x1], $0x60, $0x38;
	[tilespmem:$0x6400] =	vst v63  }
0x21c: {  	s9 =	smov.u32 s7;
	s6 =	smov.u32 s8;
	p0 =	sne.s32 s7, $0x954  }
.Ltmp40:
0x21d: {  	s7 =	sadd.s32 $0xC, s7;
	(pc) =	sbr.rel @p0 .LBB2_82-.Ltmp40, $2  }
0x21e: {  	_ =	sdelay $0x2  }
0x21f: {  	s8 =	sadd.s32 $0x80, s8;
	s9 =	sadd.s32 s9, s20  }
0x220: {  	[hbm4b:s9+s2] =	stream.linear.scatter [tilespmem:s6], [sflag:$0x1], $0x60, $0x38;
	[tilespmem:$0x6400] =	vst v63  }
0x221: {  	s25 =	simm.s32 $0x1  }
0x222: {  	s6 =	simm.s32 $0x0;
	_ =	swait.ge [sflag:s25], $0x4B00  }
0x223: {  	s7 =	simm.s32 $0x8;
	[sflag:s25] =	ssyncset.done $0x0;
	s20 =	rddreg [dreg:$0x17]  }
0x224: {  	s8 =	simm.s32 $0x80;
	[sflag:s25] =	ssyncadd.s32 $0xFFFFB500;
	s9 =	sadd.s32 $0x0, s20  }
.LBB2_84:
0x225: {  	[tilespmem:s6], [sflag:$0x1] =	stream.linear.gather [hbm4b:s9+s2], $0x40, $0x38;
	[tilespmem:$0x6400] =	vst v63  }
0x226: {  	s9 =	smov.u32 s7;
	s6 =	smov.u32 s8;
	p0 =	sne.s32 s7, $0x638  }
.Ltmp41:
0x227: {  	s7 =	sadd.s32 $0x8, s7;
	(pc) =	sbr.rel @p0 .LBB2_84-.Ltmp41, $2  }
0x228: {  	_ =	sdelay $0x2  }
0x229: {  	s8 =	sadd.s32 $0x80, s8;
	s9 =	sadd.s32 s9, s20  }
0x22a: {  	[tilespmem:s6], [sflag:$0x1] =	stream.linear.gather [hbm4b:s9+s2], $0x40, $0x38;
	[tilespmem:$0x6400] =	vst v63  }
0x22b: {  	s25 =	simm.s32 $0x1  }
0x22c: {  	_ =	swait.ge [sflag:s25], $0x3200  }
0x22d: {  	s20 =	sld [smem:$0x7F5];
	_ =	sdelay $0x1  }
0x22e: {  	s6 =	simm.s32 $0x0;
	s7 =	simm.s32 $0xC;
	[sflag:s25] =	ssyncset.done $0x0  }
0x22f: {  	s8 =	simm.s32 $0x80;
	[sflag:s25] =	ssyncadd.s32 $0xFFFFCE00;
	s9 =	sadd.s32 $0x0, s20  }
.LBB2_86:
0x230: {  	[hbm4b:s9+s2] =	stream.linear.scatter [tilespmem:s6], [sflag:$0x1], $0x60, $0x38;
	[tilespmem:$0x6400] =	vst v63  }
0x231: {  	s9 =	smov.u32 s7;
	s6 =	smov.u32 s8;
	p0 =	sne.s32 s7, $0x954  }
.Ltmp42:
0x232: {  	s7 =	sadd.s32 $0xC, s7;
	(pc) =	sbr.rel @p0 .LBB2_86-.Ltmp42, $2  }
0x233: {  	_ =	sdelay $0x2  }
0x234: {  	s8 =	sadd.s32 $0x80, s8;
	s9 =	sadd.s32 s9, s20  }
0x235: {  	[hbm4b:s9+s2] =	stream.linear.scatter [tilespmem:s6], [sflag:$0x1], $0x60, $0x38;
	[tilespmem:$0x6400] =	vst v63  }
0x236: {  	s25 =	simm.s32 $0x1  }
0x237: {  	s6 =	simm.s32 $0x0;
	_ =	swait.ge [sflag:s25], $0x4B00  }
0x238: {  	s7 =	simm.s32 $0x8;
	[sflag:s25] =	ssyncset.done $0x0;
	s20 =	rddreg [dreg:$0x18]  }
0x239: {  	s8 =	simm.s32 $0x80;
	[sflag:s25] =	ssyncadd.s32 $0xFFFFB500;
	s9 =	sadd.s32 $0x0, s20  }
.LBB2_88:
0x23a: {  	[tilespmem:s6], [sflag:$0x1] =	stream.linear.gather [hbm4b:s9+s2], $0x40, $0x38;
	[tilespmem:$0x6400] =	vst v63  }
0x23b: {  	s9 =	smov.u32 s7;
	s6 =	smov.u32 s8;
	p0 =	sne.s32 s7, $0x638  }
.Ltmp43:
0x23c: {  	s7 =	sadd.s32 $0x8, s7;
	(pc) =	sbr.rel @p0 .LBB2_88-.Ltmp43, $2  }
0x23d: {  	_ =	sdelay $0x2  }
0x23e: {  	s8 =	sadd.s32 $0x80, s8;
	s9 =	sadd.s32 s9, s20  }
0x23f: {  	[tilespmem:s6], [sflag:$0x1] =	stream.linear.gather [hbm4b:s9+s2], $0x40, $0x38;
	[tilespmem:$0x6400] =	vst v63  }
0x240: {  	s25 =	simm.s32 $0x1  }
0x241: {  	_ =	swait.ge [sflag:s25], $0x3200  }
0x242: {  	s21 =	sld [smem:$0x7F6];
	_ =	sdelay $0x1  }
0x243: {  	s6 =	simm.s32 $0x0;
	s7 =	simm.s32 $0xC;
	[sflag:s25] =	ssyncset.done $0x0  }
0x244: {  	s8 =	simm.s32 $0x80;
	[sflag:s25] =	ssyncadd.s32 $0xFFFFCE00;
	s9 =	sadd.s32 $0x0, s21  }
.LBB2_90:
0x245: {  	[hbm4b:s9+s2] =	stream.linear.scatter [tilespmem:s6], [sflag:$0x1], $0x60, $0x38;
	[tilespmem:$0x6400] =	vst v63  }
0x246: {  	s9 =	smov.u32 s7;
	s6 =	smov.u32 s8;
	p0 =	sne.s32 s7, $0x954  }
.Ltmp44:
0x247: {  	s7 =	sadd.s32 $0xC, s7;
	(pc) =	sbr.rel @p0 .LBB2_90-.Ltmp44, $2  }
0x248: {  	_ =	sdelay $0x2  }
0x249: {  	s8 =	sadd.s32 $0x80, s8;
	s9 =	sadd.s32 s9, s21  }
0x24a: {  	[hbm4b:s9+s2] =	stream.linear.scatter [tilespmem:s6], [sflag:$0x1], $0x60, $0x38;
	[tilespmem:$0x6400] =	vst v63  }
0x24b: {  	s25 =	simm.s32 $0x1  }
0x24c: {  	s6 =	simm.s32 $0x0;
	_ =	swait.ge [sflag:s25], $0x4B00  }
0x24d: {  	s7 =	simm.s32 $0x8;
	[sflag:s25] =	ssyncset.done $0x0;
	s21 =	rddreg [dreg:$0x19]  }
0x24e: {  	s8 =	simm.s32 $0x80;
	[sflag:s25] =	ssyncadd.s32 $0xFFFFB500;
	s9 =	sadd.s32 $0x0, s21  }
.LBB2_92:
0x24f: {  	[tilespmem:s6], [sflag:$0x1] =	stream.linear.gather [hbm4b:s9+s2], $0x40, $0x38;
	[tilespmem:$0x6400] =	vst v63  }
0x250: {  	s9 =	smov.u32 s7;
	s6 =	smov.u32 s8;
	p0 =	sne.s32 s7, $0x638  }
.Ltmp45:
0x251: {  	s7 =	sadd.s32 $0x8, s7;
	(pc) =	sbr.rel @p0 .LBB2_92-.Ltmp45, $2  }
0x252: {  	_ =	sdelay $0x2  }
0x253: {  	s8 =	sadd.s32 $0x80, s8;
	s9 =	sadd.s32 s9, s21  }
0x254: {  	[tilespmem:s6], [sflag:$0x1] =	stream.linear.gather [hbm4b:s9+s2], $0x40, $0x38;
	[tilespmem:$0x6400] =	vst v63  }
0x255: {  	s25 =	simm.s32 $0x1  }
0x256: {  	_ =	swait.ge [sflag:s25], $0x3200  }
0x257: {  	s21 =	sld [smem:$0x7F7];
	_ =	sdelay $0x1  }
0x258: {  	s6 =	simm.s32 $0x0;
	s7 =	simm.s32 $0xC;
	[sflag:s25] =	ssyncset.done $0x0  }
0x259: {  	s8 =	simm.s32 $0x80;
	[sflag:s25] =	ssyncadd.s32 $0xFFFFCE00;
	s9 =	sadd.s32 $0x0, s21  }
.LBB2_94:
0x25a: {  	[hbm4b:s9+s2] =	stream.linear.scatter [tilespmem:s6], [sflag:$0x1], $0x60, $0x38;
	[tilespmem:$0x6400] =	vst v63  }
0x25b: {  	s9 =	smov.u32 s7;
	s6 =	smov.u32 s8;
	p0 =	sne.s32 s7, $0x954  }
.Ltmp46:
0x25c: {  	s7 =	sadd.s32 $0xC, s7;
	(pc) =	sbr.rel @p0 .LBB2_94-.Ltmp46, $2  }
0x25d: {  	_ =	sdelay $0x2  }
0x25e: {  	s8 =	sadd.s32 $0x80, s8;
	s9 =	sadd.s32 s9, s21  }
0x25f: {  	[hbm4b:s9+s2] =	stream.linear.scatter [tilespmem:s6], [sflag:$0x1], $0x60, $0x38;
	[tilespmem:$0x6400] =	vst v63  }
0x260: {  	s25 =	simm.s32 $0x1  }
0x261: {  	s6 =	simm.s32 $0x0;
	_ =	swait.ge [sflag:s25], $0x4B00  }
0x262: {  	s7 =	simm.s32 $0x8;
	[sflag:s25] =	ssyncset.done $0x0;
	s21 =	rddreg [dreg:$0x1a]  }
0x263: {  	s8 =	simm.s32 $0x80;
	[sflag:s25] =	ssyncadd.s32 $0xFFFFB500;
	s9 =	sadd.s32 $0x0, s21  }
.LBB2_96:
0x264: {  	[tilespmem:s6], [sflag:$0x1] =	stream.linear.gather [hbm4b:s9+s2], $0x40, $0x38;
	[tilespmem:$0x6400] =	vst v63  }
0x265: {  	s9 =	smov.u32 s7;
	s6 =	smov.u32 s8;
	p0 =	sne.s32 s7, $0x638  }
.Ltmp47:
0x266: {  	s7 =	sadd.s32 $0x8, s7;
	(pc) =	sbr.rel @p0 .LBB2_96-.Ltmp47, $2  }
0x267: {  	_ =	sdelay $0x2  }
0x268: {  	s8 =	sadd.s32 $0x80, s8;
	s9 =	sadd.s32 s9, s21  }
0x269: {  	[tilespmem:s6], [sflag:$0x1] =	stream.linear.gather [hbm4b:s9+s2], $0x40, $0x38;
	[tilespmem:$0x6400] =	vst v63  }
0x26a: {  	s25 =	simm.s32 $0x1  }
0x26b: {  	_ =	swait.ge [sflag:s25], $0x3200  }
0x26c: {  	s6 =	simm.s32 $0x0;
	s7 =	simm.s32 $0xC;
	[sflag:s25] =	ssyncset.done $0x0  }
0x26d: {  	s9 =	sadd.s32 $0x0, s26;
	s8 =	simm.s32 $0x80;
	[sflag:s25] =	ssyncadd.s32 $0xFFFFCE00  }
.LBB2_98:
0x26e: {  	[hbm4b:s9+s2] =	stream.linear.scatter [tilespmem:s6], [sflag:$0x1], $0x60, $0x38;
	[tilespmem:$0x6400] =	vst v63  }
0x26f: {  	s9 =	smov.u32 s7;
	s6 =	smov.u32 s8;
	p0 =	sne.s32 s7, $0x954  }
.Ltmp48:
0x270: {  	s7 =	sadd.s32 $0xC, s7;
	(pc) =	sbr.rel @p0 .LBB2_98-.Ltmp48, $2  }
0x271: {  	_ =	sdelay $0x2  }
0x272: {  	s8 =	sadd.s32 $0x80, s8;
	s9 =	sadd.s32 s9, s26  }
0x273: {  	[hbm4b:s9+s2] =	stream.linear.scatter [tilespmem:s6], [sflag:$0x1], $0x60, $0x38;
	[tilespmem:$0x6400] =	vst v63  }
0x274: {  	s25 =	simm.s32 $0x1  }
0x275: {  	s6 =	simm.s32 $0x0;
	_ =	swait.ge [sflag:s25], $0x4B00  }
0x276: {  	s7 =	simm.s32 $0x8;
	[sflag:s25] =	ssyncset.done $0x0;
	s22 =	rddreg [dreg:$0x1b]  }
0x277: {  	s8 =	simm.s32 $0x80;
	[sflag:s25] =	ssyncadd.s32 $0xFFFFB500;
	s9 =	sadd.s32 $0x0, s22  }
.LBB2_100:
0x278: {  	[tilespmem:s6], [sflag:$0x1] =	stream.linear.gather [hbm4b:s9+s2], $0x40, $0x38;
	[tilespmem:$0x6400] =	vst v63  }
0x279: {  	s9 =	smov.u32 s7;
	s6 =	smov.u32 s8;
	p0 =	sne.s32 s7, $0x638  }
.Ltmp49:
0x27a: {  	s7 =	sadd.s32 $0x8, s7;
	(pc) =	sbr.rel @p0 .LBB2_100-.Ltmp49, $2  }
0x27b: {  	_ =	sdelay $0x2  }
0x27c: {  	s8 =	sadd.s32 $0x80, s8;
	s9 =	sadd.s32 s9, s22  }
0x27d: {  	[tilespmem:s6], [sflag:$0x1] =	stream.linear.gather [hbm4b:s9+s2], $0x40, $0x38;
	[tilespmem:$0x6400] =	vst v63  }
0x27e: {  	s25 =	simm.s32 $0x1  }
0x27f: {  	_ =	swait.ge [sflag:s25], $0x3200  }
0x280: {  	s6 =	simm.s32 $0x0;
	s7 =	simm.s32 $0xC;
	[sflag:s25] =	ssyncset.done $0x0  }
0x281: {  	s9 =	sadd.s32 $0x0, s28;
	s8 =	simm.s32 $0x80;
	[sflag:s25] =	ssyncadd.s32 $0xFFFFCE00  }
.LBB2_102:
0x282: {  	[hbm4b:s9+s2] =	stream.linear.scatter [tilespmem:s6], [sflag:$0x1], $0x60, $0x38;
	[tilespmem:$0x6400] =	vst v63  }
0x283: {  	s9 =	smov.u32 s7;
	s6 =	smov.u32 s8;
	p0 =	sne.s32 s7, $0x954  }
.Ltmp50:
0x284: {  	s7 =	sadd.s32 $0xC, s7;
	(pc) =	sbr.rel @p0 .LBB2_102-.Ltmp50, $2  }
0x285: {  	_ =	sdelay $0x2  }
0x286: {  	s8 =	sadd.s32 $0x80, s8;
	s9 =	sadd.s32 s9, s28  }
0x287: {  	[hbm4b:s9+s2] =	stream.linear.scatter [tilespmem:s6], [sflag:$0x1], $0x60, $0x38;
	[tilespmem:$0x6400] =	vst v63  }
0x288: {  	s25 =	simm.s32 $0x1  }
0x289: {  	s6 =	simm.s32 $0x0;
	_ =	swait.ge [sflag:s25], $0x4B00  }
0x28a: {  	s7 =	simm.s32 $0x8;
	[sflag:s25] =	ssyncset.done $0x0;
	s22 =	rddreg [dreg:$0x1c]  }
0x28b: {  	s8 =	simm.s32 $0x80;
	[sflag:s25] =	ssyncadd.s32 $0xFFFFB500;
	s9 =	sadd.s32 $0x0, s22  }
.LBB2_104:
0x28c: {  	[tilespmem:s6], [sflag:$0x1] =	stream.linear.gather [hbm4b:s9+s2], $0x40, $0x38;
	[tilespmem:$0x6400] =	vst v63  }
0x28d: {  	s9 =	smov.u32 s7;
	s6 =	smov.u32 s8;
	p0 =	sne.s32 s7, $0x638  }
.Ltmp51:
0x28e: {  	s7 =	sadd.s32 $0x8, s7;
	(pc) =	sbr.rel @p0 .LBB2_104-.Ltmp51, $2  }
0x28f: {  	_ =	sdelay $0x2  }
0x290: {  	s8 =	sadd.s32 $0x80, s8;
	s9 =	sadd.s32 s9, s22  }
0x291: {  	[tilespmem:s6], [sflag:$0x1] =	stream.linear.gather [hbm4b:s9+s2], $0x40, $0x38;
	[tilespmem:$0x6400] =	vst v63  }
0x292: {  	s25 =	simm.s32 $0x1  }
0x293: {  	_ =	swait.ge [sflag:s25], $0x3200  }
0x294: {  	s6 =	simm.s32 $0x0;
	s7 =	simm.s32 $0xC;
	[sflag:s25] =	ssyncset.done $0x0  }
0x295: {  	s9 =	sadd.s32 $0x0, s29;
	s8 =	simm.s32 $0x80;
	[sflag:s25] =	ssyncadd.s32 $0xFFFFCE00  }
.LBB2_106:
0x296: {  	[hbm4b:s9+s2] =	stream.linear.scatter [tilespmem:s6], [sflag:$0x1], $0x60, $0x38;
	[tilespmem:$0x6400] =	vst v63  }
0x297: {  	s9 =	smov.u32 s7;
	s6 =	smov.u32 s8;
	p0 =	sne.s32 s7, $0x954  }
.Ltmp52:
0x298: {  	s7 =	sadd.s32 $0xC, s7;
	(pc) =	sbr.rel @p0 .LBB2_106-.Ltmp52, $2  }
0x299: {  	_ =	sdelay $0x2  }
0x29a: {  	s8 =	sadd.s32 $0x80, s8;
	s9 =	sadd.s32 s9, s29  }
0x29b: {  	[hbm4b:s9+s2] =	stream.linear.scatter [tilespmem:s6], [sflag:$0x1], $0x60, $0x38;
	[tilespmem:$0x6400] =	vst v63  }
0x29c: {  	s25 =	simm.s32 $0x1  }
0x29d: {  	s6 =	simm.s32 $0x0;
	_ =	swait.ge [sflag:s25], $0x4B00  }
0x29e: {  	s7 =	simm.s32 $0x8;
	[sflag:s25] =	ssyncset.done $0x0;
	s23 =	rddreg [dreg:$0x1d]  }
0x29f: {  	s8 =	simm.s32 $0x80;
	[sflag:s25] =	ssyncadd.s32 $0xFFFFB500;
	s9 =	sadd.s32 $0x0, s23  }
.LBB2_108:
0x2a0: {  	[tilespmem:s6], [sflag:$0x1] =	stream.linear.gather [hbm4b:s9+s2], $0x40, $0x38;
	[tilespmem:$0x6400] =	vst v63  }
0x2a1: {  	s9 =	smov.u32 s7;
	s6 =	smov.u32 s8;
	p0 =	sne.s32 s7, $0x638  }
.Ltmp53:
0x2a2: {  	s7 =	sadd.s32 $0x8, s7;
	(pc) =	sbr.rel @p0 .LBB2_108-.Ltmp53, $2  }
0x2a3: {  	_ =	sdelay $0x2  }
0x2a4: {  	s8 =	sadd.s32 $0x80, s8;
	s9 =	sadd.s32 s9, s23  }
0x2a5: {  	[tilespmem:s6], [sflag:$0x1] =	stream.linear.gather [hbm4b:s9+s2], $0x40, $0x38;
	[tilespmem:$0x6400] =	vst v63  }
0x2a6: {  	s25 =	simm.s32 $0x1  }
0x2a7: {  	_ =	swait.ge [sflag:s25], $0x3200  }
0x2a8: {  	s6 =	simm.s32 $0x0;
	s7 =	simm.s32 $0xC;
	[sflag:s25] =	ssyncset.done $0x0  }
0x2a9: {  	s9 =	sadd.s32 $0x0, s30;
	s8 =	simm.s32 $0x80;
	[sflag:s25] =	ssyncadd.s32 $0xFFFFCE00  }
.LBB2_110:
0x2aa: {  	[hbm4b:s9+s2] =	stream.linear.scatter [tilespmem:s6], [sflag:$0x1], $0x60, $0x38;
	[tilespmem:$0x6400] =	vst v63  }
0x2ab: {  	s9 =	smov.u32 s7;
	s6 =	smov.u32 s8;
	p0 =	sne.s32 s7, $0x954  }
.Ltmp54:
0x2ac: {  	s7 =	sadd.s32 $0xC, s7;
	(pc) =	sbr.rel @p0 .LBB2_110-.Ltmp54, $2  }
0x2ad: {  	_ =	sdelay $0x2  }
0x2ae: {  	s8 =	sadd.s32 $0x80, s8;
	s9 =	sadd.s32 s9, s30  }
0x2af: {  	[hbm4b:s9+s2] =	stream.linear.scatter [tilespmem:s6], [sflag:$0x1], $0x60, $0x38;
	[tilespmem:$0x6400] =	vst v63  }
0x2b0: {  	s25 =	simm.s32 $0x1  }
0x2b1: {  	s6 =	simm.s32 $0x0;
	_ =	swait.ge [sflag:s25], $0x4B00  }
0x2b2: {  	s7 =	simm.s32 $0x8;
	[sflag:s25] =	ssyncset.done $0x0;
	s23 =	rddreg [dreg:$0x1e]  }
0x2b3: {  	s8 =	simm.s32 $0x80;
	[sflag:s25] =	ssyncadd.s32 $0xFFFFB500;
	s9 =	sadd.s32 $0x0, s23  }
.LBB2_112:
0x2b4: {  	[tilespmem:s6], [sflag:$0x1] =	stream.linear.gather [hbm4b:s9+s2], $0x40, $0x38;
	[tilespmem:$0x6400] =	vst v63  }
0x2b5: {  	s9 =	smov.u32 s7;
	s6 =	smov.u32 s8;
	p0 =	sne.s32 s7, $0x638  }
.Ltmp55:
0x2b6: {  	s7 =	sadd.s32 $0x8, s7;
	(pc) =	sbr.rel @p0 .LBB2_112-.Ltmp55, $2  }
0x2b7: {  	_ =	sdelay $0x2  }
0x2b8: {  	s8 =	sadd.s32 $0x80, s8;
	s9 =	sadd.s32 s9, s23  }
0x2b9: {  	[tilespmem:s6], [sflag:$0x1] =	stream.linear.gather [hbm4b:s9+s2], $0x40, $0x38;
	[tilespmem:$0x6400] =	vst v63  }
0x2ba: {  	s25 =	simm.s32 $0x1  }
0x2bb: {  	_ =	swait.ge [sflag:s25], $0x3200  }
0x2bc: {  	s6 =	simm.s32 $0x0;
	s7 =	simm.s32 $0xC;
	[sflag:s25] =	ssyncset.done $0x0  }
0x2bd: {  	s9 =	sadd.s32 $0x0, s31;
	s8 =	simm.s32 $0x80;
	[sflag:s25] =	ssyncadd.s32 $0xFFFFCE00  }
.LBB2_114:
0x2be: {  	[hbm4b:s9+s2] =	stream.linear.scatter [tilespmem:s6], [sflag:$0x1], $0x60, $0x38;
	[tilespmem:$0x6400] =	vst v63  }
0x2bf: {  	s9 =	smov.u32 s7;
	s6 =	smov.u32 s8;
	p0 =	sne.s32 s7, $0x954  }
.Ltmp56:
0x2c0: {  	s7 =	sadd.s32 $0xC, s7;
	(pc) =	sbr.rel @p0 .LBB2_114-.Ltmp56, $2  }
0x2c1: {  	_ =	sdelay $0x2  }
0x2c2: {  	s8 =	sadd.s32 $0x80, s8;
	s9 =	sadd.s32 s9, s31  }
0x2c3: {  	[hbm4b:s9+s2] =	stream.linear.scatter [tilespmem:s6], [sflag:$0x1], $0x60, $0x38;
	[tilespmem:$0x6400] =	vst v63  }
0x2c4: {  	s25 =	simm.s32 $0x1  }
0x2c5: {  	s6 =	simm.s32 $0x0;
	_ =	swait.ge [sflag:s25], $0x4B00  }
0x2c6: {  	s7 =	simm.s32 $0x8;
	[sflag:s25] =	ssyncset.done $0x0;
	s24 =	rddreg [dreg:$0x1f]  }
0x2c7: {  	s8 =	simm.s32 $0x80;
	[sflag:s25] =	ssyncadd.s32 $0xFFFFB500;
	s9 =	sadd.s32 $0x0, s24  }
.LBB2_116:
0x2c8: {  	[tilespmem:s6], [sflag:$0x1] =	stream.linear.gather [hbm4b:s9+s2], $0x40, $0x38;
	[tilespmem:$0x6400] =	vst v63  }
0x2c9: {  	s9 =	smov.u32 s7;
	s6 =	smov.u32 s8;
	p0 =	sne.s32 s7, $0x638  }
.Ltmp57:
0x2ca: {  	s7 =	sadd.s32 $0x8, s7;
	(pc) =	sbr.rel @p0 .LBB2_116-.Ltmp57, $2  }
0x2cb: {  	_ =	sdelay $0x2  }
0x2cc: {  	s8 =	sadd.s32 $0x80, s8;
	s9 =	sadd.s32 s9, s24  }
0x2cd: {  	[tilespmem:s6], [sflag:$0x1] =	stream.linear.gather [hbm4b:s9+s2], $0x40, $0x38;
	[tilespmem:$0x6400] =	vst v63  }
0x2ce: {  	s25 =	simm.s32 $0x1  }
0x2cf: {  	_ =	swait.ge [sflag:s25], $0x3200  }
0x2d0: {  	s6 =	simm.s32 $0x0;
	s7 =	simm.s32 $0xC;
	[sflag:s25] =	ssyncset.done $0x0  }
0x2d1: {  	s9 =	sadd.s32 $0x0, s0;
	s8 =	simm.s32 $0x80;
	[sflag:s25] =	ssyncadd.s32 $0xFFFFCE00  }
.LBB2_118:
0x2d2: {  	[hbm4b:s9+s2] =	stream.linear.scatter [tilespmem:s6], [sflag:$0x1], $0x60, $0x38;
	[tilespmem:$0x6400] =	vst v63  }
0x2d3: {  	s9 =	smov.u32 s7;
	s6 =	smov.u32 s8;
	p0 =	sne.s32 s7, $0x954  }
.Ltmp58:
0x2d4: {  	s7 =	sadd.s32 $0xC, s7;
	(pc) =	sbr.rel @p0 .LBB2_118-.Ltmp58, $2  }
0x2d5: {  	_ =	sdelay $0x2  }
0x2d6: {  	s8 =	sadd.s32 $0x80, s8;
	s9 =	sadd.s32 s9, s0  }
0x2d7: {  	[hbm4b:s9+s2] =	stream.linear.scatter [tilespmem:s6], [sflag:$0x1], $0x60, $0x38;
	[tilespmem:$0x6400] =	vst v63  }
0x2d8: {  	s25 =	simm.s32 $0x1  }
0x2d9: {  	_ =	swait.ge [sflag:s25], $0x4B00  }
0x2da: {  	s24 =	sld [smem:$0x7FC];
	_ =	sdelay $0x1  }
0x2db: {  	s6 =	simm.s32 $0x0;
	s7 =	simm.s32 $0x8;
	[sflag:s25] =	ssyncset.done $0x0  }
0x2dc: {  	s8 =	simm.s32 $0x80;
	[sflag:s25] =	ssyncadd.s32 $0xFFFFB500;
	s9 =	sadd.s32 $0x0, s24  }
.LBB2_120:
0x2dd: {  	[tilespmem:s6], [sflag:$0x1] =	stream.linear.gather [hbm4b:s9+s2], $0x40, $0x38;
	[tilespmem:$0x6400] =	vst v63  }
0x2de: {  	s9 =	smov.u32 s7;
	s6 =	smov.u32 s8;
	p0 =	sne.s32 s7, $0x638  }
.Ltmp59:
0x2df: {  	s7 =	sadd.s32 $0x8, s7;
	(pc) =	sbr.rel @p0 .LBB2_120-.Ltmp59, $2  }
0x2e0: {  	_ =	sdelay $0x2  }
0x2e1: {  	s8 =	sadd.s32 $0x80, s8;
	s9 =	sadd.s32 s9, s24  }
0x2e2: {  	[tilespmem:s6], [sflag:$0x1] =	stream.linear.gather [hbm4b:s9+s2], $0x40, $0x38;
	[tilespmem:$0x6400] =	vst v63  }
0x2e3: {  	s25 =	simm.s32 $0x1  }
0x2e4: {  	_ =	swait.ge [sflag:s25], $0x3200  }
0x2e5: {  	s6 =	simm.s32 $0x0;
	s7 =	simm.s32 $0xC;
	[sflag:s25] =	ssyncset.done $0x0  }
0x2e6: {  	s9 =	sadd.s32 $0x0, s1;
	s8 =	simm.s32 $0x80;
	[sflag:s25] =	ssyncadd.s32 $0xFFFFCE00  }
.LBB2_122:
0x2e7: {  	[hbm4b:s9+s2] =	stream.linear.scatter [tilespmem:s6], [sflag:$0x1], $0x60, $0x38;
	[tilespmem:$0x6400] =	vst v63  }
0x2e8: {  	s9 =	smov.u32 s7;
	s6 =	smov.u32 s8;
	p0 =	sne.s32 s7, $0x954  }
.Ltmp60:
0x2e9: {  	s7 =	sadd.s32 $0xC, s7;
	(pc) =	sbr.rel @p0 .LBB2_122-.Ltmp60, $2  }
0x2ea: {  	_ =	sdelay $0x2  }
0x2eb: {  	s8 =	sadd.s32 $0x80, s8;
	s9 =	sadd.s32 s9, s1  }
0x2ec: {  	[hbm4b:s9+s2] =	stream.linear.scatter [tilespmem:s6], [sflag:$0x1], $0x60, $0x38;
	[tilespmem:$0x6400] =	vst v63  }
0x2ed: {  	s25 =	simm.s32 $0x1  }
0x2ee: {  	_ =	swait.ge [sflag:s25], $0x4B00  }
0x2ef: {  	[sflag:s25] =	ssyncset.done $0x0  }
0x2f0: {  	[sflag:s25] =	ssyncadd.s32 $0xFFFFB500;
	s25 =	sld [smem:$0x7D1];
	_ =	sdelay $0x1  }
0x2f1: {  	s6 =	simm.s32 $0x0  }
0x2f2: {  	s7 =	simm.s32 $0x8;
	s8 =	simm.s32 $0x80;
	s9 =	sadd.s32 $0x0, s25  }
.LBB2_124:
0x2f3: {  	[tilespmem:s6], [sflag:$0x1] =	stream.linear.gather [hbm4b:s9+s2], $0x40, $0x38;
	[tilespmem:$0x6400] =	vst v63  }
0x2f4: {  	s9 =	smov.u32 s7;
	s6 =	smov.u32 s8;
	p0 =	sne.s32 s7, $0x638  }
.Ltmp61:
0x2f5: {  	s7 =	sadd.s32 $0x8, s7;
	(pc) =	sbr.rel @p0 .LBB2_124-.Ltmp61, $2  }
0x2f6: {  	_ =	sdelay $0x2  }
0x2f7: {  	s8 =	sadd.s32 $0x80, s8;
	s9 =	sadd.s32 s9, s25  }
0x2f8: {  	[tilespmem:s6], [sflag:$0x1] =	stream.linear.gather [hbm4b:s9+s2], $0x40, $0x38;
	[tilespmem:$0x6400] =	vst v63  }
0x2f9: {  	s25 =	simm.s32 $0x1  }
0x2fa: {  	_ =	swait.ge [sflag:s25], $0x3200  }
0x2fb: {  	s6 =	simm.s32 $0x0;
	s7 =	simm.s32 $0xC;
	[sflag:s25] =	ssyncset.done $0x0  }
0x2fc: {  	s9 =	sadd.s32 $0x0, s3;
	s8 =	simm.s32 $0x80;
	[sflag:s25] =	ssyncadd.s32 $0xFFFFCE00  }
.LBB2_126:
0x2fd: {  	[hbm4b:s9+s2] =	stream.linear.scatter [tilespmem:s6], [sflag:$0x1], $0x60, $0x38;
	[tilespmem:$0x6400] =	vst v63  }
0x2fe: {  	s9 =	smov.u32 s7;
	s6 =	smov.u32 s8;
	p0 =	sne.s32 s7, $0x954  }
.Ltmp62:
0x2ff: {  	s7 =	sadd.s32 $0xC, s7;
	(pc) =	sbr.rel @p0 .LBB2_126-.Ltmp62, $2  }
0x300: {  	_ =	sdelay $0x2  }
0x301: {  	s8 =	sadd.s32 $0x80, s8;
	s9 =	sadd.s32 s9, s3  }
0x302: {  	[hbm4b:s9+s2] =	stream.linear.scatter [tilespmem:s6], [sflag:$0x1], $0x60, $0x38;
	[tilespmem:$0x6400] =	vst v63  }
0x303: {  	s25 =	simm.s32 $0x1  }
0x304: {  	_ =	swait.ge [sflag:s25], $0x4B00  }
0x305: {  	[sflag:s25] =	ssyncset.done $0x0  }
0x306: {  	[sflag:s25] =	ssyncadd.s32 $0xFFFFB500;
	s25 =	sld [smem:$0x7FD];
	_ =	sdelay $0x1  }
0x307: {  	s6 =	simm.s32 $0x0  }
0x308: {  	s7 =	simm.s32 $0x8;
	s8 =	simm.s32 $0x80;
	s9 =	sadd.s32 $0x0, s25  }
.LBB2_128:
0x309: {  	[tilespmem:s6], [sflag:$0x1] =	stream.linear.gather [hbm4b:s9+s2], $0x40, $0x38;
	[tilespmem:$0x6400] =	vst v63  }
0x30a: {  	s9 =	smov.u32 s7;
	s6 =	smov.u32 s8;
	p0 =	sne.s32 s7, $0x638  }
.Ltmp63:
0x30b: {  	s7 =	sadd.s32 $0x8, s7;
	(pc) =	sbr.rel @p0 .LBB2_128-.Ltmp63, $2  }
0x30c: {  	_ =	sdelay $0x2  }
0x30d: {  	s8 =	sadd.s32 $0x80, s8;
	s9 =	sadd.s32 s9, s25  }
0x30e: {  	[tilespmem:s6], [sflag:$0x1] =	stream.linear.gather [hbm4b:s9+s2], $0x40, $0x38;
	[tilespmem:$0x6400] =	vst v63  }
0x30f: {  	s25 =	simm.s32 $0x1  }
0x310: {  	_ =	swait.ge [sflag:s25], $0x3200  }
0x311: {  	s6 =	simm.s32 $0x0;
	s7 =	simm.s32 $0xC;
	[sflag:s25] =	ssyncset.done $0x0  }
0x312: {  	s9 =	sadd.s32 $0x0, s4;
	s8 =	simm.s32 $0x80;
	[sflag:s25] =	ssyncadd.s32 $0xFFFFCE00  }
.LBB2_130:
0x313: {  	[hbm4b:s9+s2] =	stream.linear.scatter [tilespmem:s6], [sflag:$0x1], $0x60, $0x38;
	[tilespmem:$0x6400] =	vst v63  }
0x314: {  	s9 =	smov.u32 s7;
	s6 =	smov.u32 s8;
	p0 =	sne.s32 s7, $0x954  }
.Ltmp64:
0x315: {  	s7 =	sadd.s32 $0xC, s7;
	(pc) =	sbr.rel @p0 .LBB2_130-.Ltmp64, $2  }
0x316: {  	_ =	sdelay $0x2  }
0x317: {  	s8 =	sadd.s32 $0x80, s8;
	s9 =	sadd.s32 s9, s4  }
0x318: {  	[hbm4b:s9+s2] =	stream.linear.scatter [tilespmem:s6], [sflag:$0x1], $0x60, $0x38;
	[tilespmem:$0x6400] =	vst v63  }
0x319: {  	s7 =	simm.s32 $0x1  }
0x31a: {  	_ =	swait.ge [sflag:s7], $0x4B00  }
0x31b: {  	s8 =	sld [smem:$0x7D0]  }
0x31c: {  	s25 =	sld [smem:$0x7FB];
	_ =	sdelay $0x1  }
0x31d: {  	s8 =	sadd.s32 $0x1, s8  }
0x31e: {  	p0 =	sne.s32 s8, s25  }
.Ltmp65:
0x31f: {  	_ = 	snop;
	(pc) =	sbr.rel @p0 .LBB2_1-.Ltmp65, $3  }
0x320: {  	_ =	sdelay $0x1  }
0x321: {  	[sflag:s7] =	ssyncset.done $0x0  }
0x322: {  	[sflag:s7] =	ssyncadd.s32 $0xFFFFB500  }
0x323: {  	_ =	sfence.sel $0x180000  }
0x324: {  	[bflag:$0x0] =	sbarrier.arrive $0xFFFF  }
0x325: {  	_ =	strace $0x90000047  }
0x326: {  	s0 =	stileid.u32;
	[bflag:$0x2] =	sbarrier.arrive $0xFFFF  }
0x327: {  	p0 =	sne.s32 s0, $0x0;
	s0 =	rddreg [dreg:$0x2]  }
0x328: {  	s0 =	sadd.s32 @!p0 $0x100000, s0  }
0x329: {  	[sflag:s0] =	ssyncadd.tile.s32 @!p0 $0x1;
	_ =	shalt  }
.Lfunc_end2:
_tile_overlayer_lowered:
.L_overlay_start_2:
0x32a: {  	(tag) =	ssettag $0x2  }
0x32b: {  	s0 =	rddreg [dreg:$0x0];
	s2 =	stileid.u32  }
0x32c: {  	s1 =	rddreg [dreg:$0x1];
	p0 =	sne.s32 s2, $0x0  }
0x32d: {  	s3 =	rddreg [dreg:$0x2];
	[bflag:$0x3] =	sbarrier.arrive $0xFFFF;
	s2 =	simm.s32 @!p0 $0x1C02  }
0x32e: {  	[timem:s3], [sflag:s2] =	dma.local @!p0 [hbm:s0], s1  }
0x32f: {  	s0 =	simm.s32 @!p0 $0x2  }
0x330: {  	_ =	swait.ge @!p0 [sflag:s0], s1  }
0x331: {  	s1 =	ssub.s32 @!p0 $0x0, s1;
	[sflag:s0] =	ssyncset.done @!p0 $0x0  }
0x332: {  	[sflag:s0] =	ssyncadd.s32 @!p0 s1  }
0x333: {  	[bflag:$0x3] =	sbarrier.arrive $0xFFFF  }
0x334: {  	_ =	shalt  }

// kernel: sparse-core-data-format-call.cloned.1.call-start
scs
called_computation_lowered:
.L_overlay_start_0:
0x0: {  	s2 =	sld [smem:$0x3FD9]  }
0x1: {  	s3 =	sld [smem:$0x3FFE];
	_ =	sdelay $0x1  }
0x2: {  	s1 =	srdreg.scid  }
0x3: {  	s0 =	sand.u32 $0x1, s1  }
0x4: {  	s18 =	sshll.u32 s0, $0xA;
	s2 =	sadd.s32 s3, s2  }
0x5: {  	s2 =	sadd.s32 s2, s18  }
0x6: {  	[smem:$0x3FC6] =	sst s2  }
0x7: {  	_ = 	snop  }
0x8: {  	s2 =	sld [smem:$0x3FD0];
	(tm) =	ssettm $0x1  }
0x9: {  	s19 =	sld [smem:$0x3FFB];
	_ =	sdelay $0x3  }
0xa: {  	_ =	strace s19  }
0xb: {  	s3 =	sld [smem:$0x3FFC];
	_ =	sdelay $0x3  }
0xc: {  	_ =	strace s3  }
0xd: {  	s3 =	sld [smem:$0x3FFD];
	_ =	sdelay $0x3  }
0xe: {  	_ =	strace s3  }
0xf: {  	_ =	strace $0x8FFFFFFF  }
0x10: {  	s20 =	sld [smem:$0x3FDB];
	_ =	sdelay $0x1  }
0x11: {  	s4 =	simm.s32 $_scs_section_size  }
0x12: {  	s5 =	simm.s32 $_size__tile_overlayer_lowered;
	s6 =	simm.s32 $_tile_overlayer_lowered  }
0x13: {  	s23 =	simm.s32 $0x1BFF;
	s22 =	sshll.u32 s6, $0x1;
	s3 =	sadd.s32 s4, s20  }
0x14: {  	s7 =	simm.s32 $0x0;
	s21 =	sshll.u32 s5, $0x1;
	s5 =	sadd.s32 s22, s3  }
0x15: {  	[timem:s7], [sflag:s23] =	dma.local [hbm:s5], s21  }
0x16: {  	_ =	swait.ge [sflag:s23], s21  }
0x17: {  	s4 =	ssub.s32 $0x0, s21;
	[sflag:s23] =	ssyncset.done $0x0  }
0x18: {  	[sflag:s23] =	ssyncadd.s32 s4;
	_ =	sdelay $0x1  }
0x19: {  	s24 =	simm.s32 $0x1B8B  }
0x1a: {  	_ =	swait.ge [sflag:s24], $0x1  }
0x1b: {  	[sflag:s24] =	ssyncset.done $0x0  }
0x1c: {  	s26 =	simm.s32 $0x1B8E;
	s25 =	sld [smem:$0x3FFE];
	[sflag:s24] =	ssyncadd.s32 $0xFFFFFFFF  }
0x1d: {  	s27 =	simm.s32 $execute0_lowered;
	[smem:$0x3FD2] =	sst s26  }
0x1e: {  	s5 =	sshll.u32 s27, $0x1;
	_ =	strace $0x80000049;
	[dreg:$0x1] =	wrdreg $0xFFFFFFFF  }
0x1f: {  	s28 =	simm.s32 $_size_execute0_lowered;
	s3 =	sadd.s32 s3, s5;
	[dreg:$0x0] =	wrdreg $0x0  }
0x20: {  	s5 =	sshll.u32 s28, $0x1;
	[dreg:$0x2] =	wrdreg s3  }
0x21: {  	[dreg:$0x3] =	wrdreg s5  }
0x22: {  	[dreg:$0x4] =	wrdreg $0xC0  }
0x23: {  	_ =	task [dreg:s7], $0x5FFFF  }
0x24: {  	[dreg:$0x1] =	wrdreg $0xFFFFFFFF  }
0x25: {  	[dreg:$0x0] =	wrdreg $0x60  }
0x26: {  	[dreg:$0x2] =	wrdreg s25  }
0x27: {  	[dreg:$0x3] =	wrdreg s2  }
0x28: {  	[dreg:$0x4] =	wrdreg $0x9  }
0x29: {  	_ =	task.clear_ibuf [dreg:s7], $0x5FFFF;
	_ =	strace $0x90000049  }
0x2a: {  	s29 =	simm.s32 $0x9;
	_ =	strace $0x8000004B  }
0x2b: {  	_ =	swait.ge [sflag:s29], $0x1  }
0x2c: {  	[sflag:s29] =	ssyncadd.s32 $0xFFFFFFFF  }
0x2d: {  	_ =	strace $0x9000004B  }
0x2e: {  	_ =	sfence  }
0x2f: {  	s30 =	sld [smem:$0x0];
	_ =	sdelay $0x2  }
0x30: {  	s31 =	sshll.u32 s1, $0xD;
	s1 =	sshrl.u32 s1, $0x2  }
0x31: {  	s3 =	sand.u32 $0x4000, s31;
	s1 =	sadd.s32 s1, s30  }
0x32: {  	s0 =	sor.u32 s3, s0;
	s1 =	sshll.u32 s1, $0x11  }
0x33: {  	s0 =	sor.u32 s1, s0  }
0x34: {  	s0 =	sadd.s32 $0x8F2B, s0  }
0x35: {  	[sflag:s0] =	ssyncadd.remote.s32 $0x1  }
0x36: {  	_ =	sfence.sel $0xFFFF  }
0x37: {  	[dreg:$0x0] =	wrdreg $0xFFFFFFFF;
	(pc) =	sbr.abs _section_cstart, $3  }
0x38: {  	[dreg:$0x1] =	wrdreg $0xFFFFFFFF  }
0x39: {  	_ =	task.clear_ibuf [dreg:s7], $0x2FFFF;
	_ =	strace $0x9FFFFFFF  }
0x3a: {  	(tm) =	ssettm $0x7FFFFFFF  }
0x3b: {  	_ =	shalt  }
tec
execute0_lowered:
.L_overlay_start_1:
0x0: {  	(tag) =	ssettag $0x1  }
0x1: {  	s4 =	rddreg [dreg:$0x0]  }
0x2: {  	s0 =	stileid.u32;
	s2 =	rddreg [dreg:$0x1]  }
0x3: {  	s7 =	srdreg.scid;
	s8 =	simm.s32 $0x2;
	s16 =	simm.s32 $0x0  }
0x4: {  	s9 =	simm.s32 $0x2000;
	s15 =	simm.s32 $0x0;
	s1 =	sshll.u32 s0, $0x7  }
0x5: {  	s10 =	simm.s32 $0x0;
	s11 =	simm.s32 $0x0;
	s3 =	sand.u32 $0x380, s1  }
0x6: {  	s14 =	simm.s32 $0x0;
	s7 =	sshll.u32 s7, $0x4;
	s5 =	ssub.s32 $0x400, s3  }
0x7: {  	s4 =	sadd.s32 $0x800, s4;
	s1 =	rddreg [dreg:$0x2];
	s6 =	sand.u32 $0x380, s5  }
0x8: {  	s7 =	sand.u32 $0x10, s7;
	p0 =	sne.s32 s6, $0x0;
	s6 =	simm.s32 $0x1  }
.Ltmp0:
0x9: {  	s5 =	sshrl.u32 s5, $0xA;
	s6 =	simm.s32 @!p0 $0x0;
	(pc) =	sbr.rel .LBB1_1-.Ltmp0, $4  }
0xa: {  	_ =	strace $0x8000004A;
	s7 =	sor.u32 s0, s7;
	s6 =	sadd.s32 s6, s5  }
0xb: {  	s7 =	sshrl.u32 s7, $0x3;
	s5 =	simm.s32 $0x1;
	s6 =	smul.u32 $0x32, s6  }
0xc: {  	s13 =	smov.u32 s3;
	s12 =	smov.u32 s7;
	[sflag:s5] =	ssyncpa.u1 $0x0  }
0xd: {  	p0 =	por $0x0, $0x0;
	[sflag:s8] =	ssyncpa.u1 $0x0;
	s8 =	sor.u32 $0x1, s6  }
.LBB1_4:
0xe: {  	s21 =	sshra.s32 s21, $0x2  }
0xf: {  	v5 =	vld [tilespmem:s18+$0xFFFFFFD0];
	s30 =	sshrl.u32 s11, $0x7;
	p1 =	sgt.s32 s10, $0xC7;
	s22 =	smov.u32 s10  }
0x10: {  	[tilespmem:s19+$0x2040 ss:$0x81] =	vst.msk $0xffff, v4;
	s23 =	sshra.s32 s10, $0x1F;
	v58 =	vld [tilespmem:s18+$0xFFFFFFE0];
	s25 =	sshra.s32 s11, $0x1F;
	s27 =	smul.u32 $0x3000, s10  }
0x11: {  	[tilespmem:s19+$0x2850 ss:$0x81] =	vst.msk $0xffff, v3;
	v59 =	vld [tilespmem:s18+$0xFFFFFFF0];
	s28 =	sshrl.u32 s11, $0x3;
	s20 =	sadd.s32 s21, s20;
	s21 =	sand.u32 $0x3FFFFF, s30  }
0x12: {  	[tilespmem:s19+$0x3060 ss:$0x81] =	vst.msk $0xffff, v2;
	v60 =	vld [tilespmem:s18+$0x0];
	s22 =	simm.s32 @!p1 $0xC7;
	s23 =	sand.u32 s23, s10;
	p1 =	sgt.s32 s11, $0x380  }
0x13: {  	[tilespmem:s19+$0x0 ss:$0x81] =	vst.msk $0xffff, v1;
	v61 =	vld [tilespmem:s18+$0x10];
	s25 =	sand.u32 s25, s11;
	s22 =	ssub.s32 s22, s23;
	s23 =	smov.u32 s11  }
0x14: {  	s24 =	smulhi.u32 $0x2AAAAAB, s21;
	[tilespmem:s20+$0x3870 ss:$0x81] =	vst.msk $0xffff, v0;
	s31 =	ssub.s32 $0xC8, s22;
	s23 =	simm.s32 @!p1 $0x380  }
0x15: {  	v62 =	vld [tilespmem:s18+$0x20];
	s22 =	sadd.s32 $0xFFFFFF39, s22;
	s23 =	ssub.s32 s23, s25;
	s19 =	smul.u32 $0x60, s31;
	[tilespmem:s20+$0x810 ss:$0x81] =	vst.msk $0xffff, v5  }
0x16: {  	v63 =	vld [tilespmem:s18+$0xFFFFFFC0];
	s24 =	smul.u32 $0x60, s24;
	p1 =	sgt.s32 s22, $0x0;
	s26 =	sadd.s32 $0xFFFFFC80, s23;
	[tilespmem:s20+$0x1020 ss:$0x81] =	vst.msk $0xffff, v58  }
0x17: {  	s18 =	ssub.s32 $0x400, s23;
	[tilespmem:s20+$0x1830 ss:$0x81] =	vst.msk $0xffff, v59;
	s19 =	simm.s32 @p1 $0x0;
	p1 =	sgt.s32 s26, $0x7F  }
0x18: {  	s29 =	sand.u32 $0x7, s11;
	s22 =	sadd.s32 s2, s27;
	[tilespmem:s20+$0x2040 ss:$0x81] =	vst.msk $0xffff, v60;
	s18 =	simm.s32 @p1 $0x0  }
0x19: {  	[tilespmem:s20+$0x2850 ss:$0x81] =	vst.msk $0xffff, v61;
	s21 =	ssub.s32 s21, s24;
	s18 =	smul.u32 s18, s19;
	s19 =	sand.u32 $0xF, s28  }
0x1a: {  	s30 =	sshll.u32 s29, $0x12;
	[tilespmem:s20+$0x3060 ss:$0x81] =	vst.msk $0xffff, v62;
	s21 =	sshll.u32 s21, $0x7;
	s19 =	sadd.s32 s19, s22  }
0x1b: {  	s31 =	sor.u32 $0x400, s30;
	[tilespmem:s20+$0x0 ss:$0x81] =	vst.msk $0xffff, v63;
	s18 =	sand.u32 $0x3FFFFFE0, s18;
	s19 =	sadd.s32 s21, s19  }
0x1c: {  	[hbm4b:s19+s31] =	stream.strided.scatter [tilespmem:s17], [sflag:$0x2], s18, s9, s31, $0x20;
	[tilespmem:$0x10100] =	vst v63  }
.LBB1_5:
0x1d: {  	p1 =	slt.u32 s14, $0x2  }
0x1e: {  	s18 =	smov.u32 s16;
	p2 =	sgt.s32 @!p1 s16, $0xC7;
	s17 =	sshra.s32 @!p1 s16, $0x1F  }
0x1f: {  	p3 =	sgt.s32 @!p1 s15, $0x380;
	s19 =	sshra.s32 @!p1 s15, $0x1F;
	p2 =	por !p2, p1  }
0x20: {  	s16 =	sand.u32 @!p1 s17, s16;
	p3 =	por !p3, p1;
	s17 =	smov.u32 s15  }
0x21: {  	s15 =	sand.u32 @!p1 s19, s15;
	s18 =	simm.s32 @p2 $0xC7;
	s17 =	simm.s32 @p3 $0x380  }
0x22: {  	s19 =	smov.u32 s13;
	s16 =	ssub.s32 @!p1 s18, s16;
	s15 =	ssub.s32 @!p1 s17, s15  }
0x23: {  	s17 =	sadd.s32 @!p1 $0xFFFFFF39, s16;
	s16 =	ssub.s32 @!p1 $0xC8, s16;
	s18 =	sadd.s32 @!p1 $0xFFFFFC80, s15  }
0x24: {  	p2 =	sgt.s32 @!p1 s17, $0x0;
	s16 =	smul.u32 @!p1 $0x60, s16;
	p3 =	sgt.s32 @!p1 s18, $0x7F  }
0x25: {  	s15 =	ssub.s32 @!p1 $0x400, s15;
	p2 =	por !p2, p1;
	p3 =	por !p3, p1  }
0x26: {  	s17 =	sadd.s32 $0x4, s12;
	s16 =	simm.s32 @!p2 $0x0;
	s15 =	simm.s32 @!p3 $0x0  }
0x27: {  	p2 =	sgt.s32 s17, $0xC7;
	s15 =	smul.u32 @!p1 s15, s16;
	s16 =	sadd.s32 $0x400, s13  }
0x28: {  	s19 =	smov.u32 @p2 s16  }
0x29: {  	s17 =	smov.u32 @p2 s7;
	p2 =	sgt.s32 s19, $0x3FF  }
0x2a: {  	s19 =	smov.u32 @p2 s3;
	p2 =	sne.s32 s14, s8  }
.Ltmp1:
0x2b: {  	p0 =	por !p0, !p0;
	s18 =	simm.s32 @!p1 $0x2;
	(pc) =	sbr.rel @!p2 .LBB1_6-.Ltmp1, $4  }
0x2c: {  	s16 =	smov.u32 s10;
	s10 =	smov.u32 s12;
	s15 =	sand.u32 @!p1 $0x3FFFFFE0, s15  }
0x2d: {  	s12 =	smov.u32 s17;
	_ =	swait.ge @!p1 [sflag:s18], s15;
	s20 =	ssub.s32 @!p1 $0x0, s15  }
0x2e: {  	s15 =	smov.u32 s11;
	s14 =	sadd.s32 $0x1, s14;
	[sflag:s18] =	ssyncset.done @!p1 $0x0  }
0x2f: {  	s11 =	smov.u32 s13;
	s13 =	smov.u32 s19;
	[sflag:s18] =	ssyncadd.s32 @!p1 s20  }
.LBB1_1:
0x30: {  	p1 =	sge.u32 s14, s6  }
0x31: {  	s17 =	sand.u32 @!p1 $0x1FFFFFF, s12  }
0x32: {  	s18 =	smulhi.u32 @!p1 $0x147AE15, s17;
	_ =	sdelay $0x1  }
0x33: {  	s18 =	smul.u32 @!p1 $0xC8, s18  }
0x34: {  	s19 =	sxor.u32 @!p1 $0xFFFFFFFF, s14;
	s20 =	smul.u32 @!p1 $0xC80, s13  }
0x35: {  	s31 =	sadd.s32 $0xFFFFFFFF, s14;
	s19 =	sshll.u32 @!p1 s19, $0xE;
	s17 =	ssub.s32 @!p1 s17, s18  }
0x36: {  	s18 =	sand.u32 @!p1 $0x4000, s19;
	s19 =	sadd.s32 @!p1 s4, s20;
	s17 =	sshll.u32 @!p1 s17, $0x4  }
0x37: {  	s20 =	simm.s32 @!p1 $0x6400;
	s17 =	sadd.s32 @!p1 s17, s19;
	s19 =	simm.s32 @!p1 $0x80  }
0x38: {  	[tilespmem:s18], [sflag:$0x1] =	stream.strided.gather @!p1 [hbm4b:s17+s19], $0x4000, s20, s19, $0x38;
	[tilespmem:$0x10100] =	vst v63  }
0x39: {  	p1 =	sge.u32 s31, s6  }
.Ltmp2:
0x3a: {  	_ = 	snop;
	(pc) =	sbr.rel @p1 .LBB1_5-.Ltmp2, $1  }
0x3b: {  	_ =	sdelay $0x3  }
0x3c: {  	s17 =	simm.s32 $0x1  }
0x3d: {  	_ =	swait.ge [sflag:s5], $0x4000;
	s17 =	simm.s32 @!p0 $0x0  }
0x3e: {  	[sflag:s5] =	ssyncset.done $0x0;
	s18 =	sshll.u32 s17, $0xE  }
0x3f: {  	[sflag:s5] =	ssyncadd.s32 $0xFFFFC000;
	s18 =	sor.u32 $0x40, s18  }
0x40: {  	s17 =	smul.u32 $0x10200, s17;
	v0 =	vld [tilespmem:s18+$0x30]  }
0x41: {  	v1 =	vld [tilespmem:s18+$0xFFFFFFD0]  }
0x42: {  	s17 =	sshrl.u32 s17, $0x2;
	v5 =	vld [tilespmem:s18+$0xFFFFFFE0]  }
0x43: {  	v6 =	vld [tilespmem:s18+$0xFFFFFFF0];
	s20 =	sor.u32 $0x8000, s17  }
0x44: {  	s31 =	sand.u32 $0x1, s14;
	v4 =	vld [tilespmem:s18+$0x0];
	s19 =	sadd.s32 $0x0, s20  }
0x45: {  	v3 =	vld [tilespmem:s18+$0x10];
	s17 =	smul.u32 $0x10200, s31;
	[tilespmem:s19+$0x3870 ss:$0x81] =	vst.msk $0xffff, v0  }
0x46: {  	v2 =	vld [tilespmem:s18+$0x20];
	[tilespmem:s19+$0x810 ss:$0x81] =	vst.msk $0xffff, v1  }
0x47: {  	s17 =	sshrl.u32 s17, $0x2;
	v1 =	vld [tilespmem:s18+$0xFFFFFFC0];
	[tilespmem:s19+$0x1020 ss:$0x81] =	vst.msk $0xffff, v5;
	s18 =	sadd.s32 $0x80, s18  }
0x48: {  	s21 =	simm.s32 $0x4;
	s22 =	simm.s32 $0x8;
	s17 =	sor.u32 $0x8000, s17;
	[tilespmem:s19+$0x1830 ss:$0x81] =	vst.msk $0xffff, v6;
	v0 =	vld [tilespmem:s18+$0x30]  }
.LBB1_3:
0x49: {  	p1 =	sne.s32 s22, $0x1FC;
	v5 =	vld [tilespmem:s18+$0xFFFFFFD0];
	[tilespmem:s19+$0x2040 ss:$0x81] =	vst.msk $0xffff, v4  }
0x4a: {  	v6 =	vld [tilespmem:s18+$0xFFFFFFE0];
	[tilespmem:s19+$0x2850 ss:$0x81] =	vst.msk $0xffff, v3  }
0x4b: {  	s23 =	sshra.s32 s21, $0x2;
	s21 =	smov.u32 s22;
	v7 =	vld [tilespmem:s18+$0xFFFFFFF0];
	[tilespmem:s19+$0x3060 ss:$0x81] =	vst.msk $0xffff, v2  }
.Ltmp3:
0x4c: {  	v4 =	vld [tilespmem:s18+$0x0];
	[tilespmem:s19+$0x0 ss:$0x81] =	vst.msk $0xffff, v1;
	s19 =	sadd.s32 s23, s20;
	(pc) =	sbr.rel @p1 .LBB1_3-.Ltmp3, $4  }
0x4d: {  	v3 =	vld [tilespmem:s18+$0x10];
	[tilespmem:s19+$0x3870 ss:$0x81] =	vst.msk $0xffff, v0  }
0x4e: {  	[tilespmem:s19+$0x810 ss:$0x81] =	vst.msk $0xffff, v5;
	v2 =	vld [tilespmem:s18+$0x20]  }
0x4f: {  	v1 =	vld [tilespmem:s18+$0xFFFFFFC0];
	[tilespmem:s19+$0x1020 ss:$0x81] =	vst.msk $0xffff, v6;
	s18 =	sadd.s32 $0x80, s18  }
0x50: {  	s22 =	sadd.s32 $0x4, s22;
	v0 =	vld [tilespmem:s18+$0x30];
	[tilespmem:s19+$0x1830 ss:$0x81] =	vst.msk $0xffff, v7  }
.Ltmp4:
0x51: {  	_ = 	snop;
	(pc) =	sbr.rel .LBB1_4-.Ltmp4, $1  }
0x52: {  	_ =	sdelay $0x3  }
.LBB1_6:
0x53: {  	_ =	sfence.sel $0x180000  }
0x54: {  	s2 =	simm.s32 $0x1;
	[bflag:$0x0] =	sbarrier.arrive $0xFFFF  }
0x55: {  	s31 =	simm.s32 $0x2;
	[sflag:s2] =	ssyncpa.u1 $0x1  }
0x56: {  	[sflag:s31] =	ssyncpa.u1 $0x1  }
0x57: {  	p0 =	sne.s32 s0, $0x0;
	_ =	strace $0x9000004A  }
0x58: {  	s0 =	sadd.s32 @!p0 $0x100000, s1;
	[bflag:$0x2] =	sbarrier.arrive $0xFFFF  }
0x59: {  	[sflag:s0] =	ssyncadd.tile.s32 @!p0 $0x1;
	_ =	shalt  }
.Lfunc_end1:
_tile_overlayer_lowered:
.L_overlay_start_2:
0x5a: {  	(tag) =	ssettag $0x2  }
0x5b: {  	s0 =	rddreg [dreg:$0x0];
	s2 =	stileid.u32  }
0x5c: {  	s1 =	rddreg [dreg:$0x1];
	p0 =	sne.s32 s2, $0x0  }
0x5d: {  	s3 =	rddreg [dreg:$0x2];
	[bflag:$0x3] =	sbarrier.arrive $0xFFFF;
	s2 =	simm.s32 @!p0 $0x1C01  }
0x5e: {  	[timem:s3], [sflag:s2] =	dma.local @!p0 [hbm:s0], s1  }
0x5f: {  	s0 =	simm.s32 @!p0 $0x1  }
0x60: {  	_ =	swait.ge @!p0 [sflag:s0], s1  }
0x61: {  	s1 =	ssub.s32 @!p0 $0x0, s1;
	[sflag:s0] =	ssyncset.done @!p0 $0x0  }
0x62: {  	[sflag:s0] =	ssyncadd.s32 @!p0 s1  }
0x63: {  	[bflag:$0x3] =	sbarrier.arrive $0xFFFF  }
0x64: {  	_ =	shalt  }

</sc_bundles>
